<compile_context>
chip_gen: v7x
topology: tpu7x:2x2x1
jax: 0.10.2.dev20260603
libtpu: 0.0.44.dev20260713+nightly
codegen_flags: <defaults>
</compile_context>

<pallas_src>
import functools

import jax
import jax.numpy as jnp
from jax import lax
from jax.experimental import pallas as pl
from jax.experimental.pallas import tpu as pltpu
from jax.experimental.pallas import tpu_sc as plsc

N = 10000
D = 128
E = 320000
NC = 2
NS = 16
NW = NC * NS
EPW = E // NW
CHUNK = 80
NCH = EPW // CHUNK
RSTRIDE = 624
RSPAN = 640
NPAD = 10240
PPT = NPAD // NS
EPS = 1e-5

@functools.cache
def _sc_kernels():
    mesh = plsc.VectorSubcoreMesh(core_axis_name="c", subcore_axis_name="s")

    @functools.partial(
        pl.kernel,
        mesh=mesh,
        out_type=jax.ShapeDtypeStruct((NC * NPAD,), jnp.float32),
        scratch_types=[
            pltpu.VMEM((NCH, CHUNK), jnp.int32),
            pltpu.VMEM((PPT,), jnp.float32),
            pltpu.VMEM_SHARED((NPAD,), jnp.float32),
            pltpu.SemaphoreType.DMA,
        ],
    )
    def deg_kernel(dst_hbm, out_hbm, dst_v, zv, deg_sh, dsem):
        c = lax.axis_index("c")
        s = lax.axis_index("s")
        wid = s * NC + c

        def zero_body(i, _):
            zv[pl.ds(i * 16, 16)] = jnp.zeros((16,), jnp.float32)
            return ()

        lax.fori_loop(0, PPT // 16, zero_body, ())
        pltpu.sync_copy(zv, deg_sh.at[pl.ds(s * PPT, PPT)])
        pltpu.sync_copy(dst_hbm.at[wid], dst_v)

        def ones_body(i, _):
            zv[pl.ds(i * 16, 16)] = jnp.ones((16,), jnp.float32)
            return ()

        lax.fori_loop(0, CHUNK // 16, ones_body, ())
        plsc.subcore_barrier()

        ones_ref = zv.at[pl.ds(0, CHUNK)]

        def body(gidx, _):
            for t in range(5):
                pltpu.async_copy(ones_ref, deg_sh.at[dst_v.at[5 * gidx + t]],
                                 dsem, add=True)
            for t in range(5):
                pltpu.make_async_copy(
                    ones_ref, deg_sh.at[dst_v.at[5 * gidx + t]], dsem).wait()
            return ()

        lax.fori_loop(0, NCH // 5, body, ())
        plsc.subcore_barrier()
        pltpu.sync_copy(deg_sh.at[pl.ds(s * PPT, PPT)],
                        out_hbm.at[pl.ds(c * NPAD + s * PPT, PPT)])

    NBUF = 3
    DSTG = 64
    NGA = 21
    NGB = 20
    DOFF_B = 64

    @functools.partial(
        pl.kernel,
        mesh=mesh,
        out_type=jax.ShapeDtypeStruct((NC * N, D), jnp.float32),
        scratch_types=[
            pltpu.VMEM((EPW,), jnp.int32),
            pltpu.VMEM((DSTG, CHUNK), jnp.int32),
            pltpu.VMEM((NBUF, CHUNK, D), jnp.float32),
            pltpu.VMEM_SHARED((N, D), jnp.float32),
            pltpu.SemaphoreType.DMA((NBUF,)),
            pltpu.SemaphoreType.DMA((NBUF,)),
            pltpu.SemaphoreType.DMA,
        ],
    )
    def edge_kernel(g_hbm, src_hbm, dst_hbm, out_hbm, src_v, dst_v, rows_b,
                    acc_sh, gsem, ssem, isem):
        rows_v = [rows_b.at[b] for b in range(NBUF)]
        c = lax.axis_index("c")
        s = lax.axis_index("s")
        wid = s * NC + c
        init_cp = pltpu.async_copy(
            g_hbm.at[pl.ds(s * RSTRIDE, RSPAN)],
            acc_sh.at[pl.ds(s * RSTRIDE, RSPAN)], isem)
        src_cp = pltpu.async_copy(src_hbm.at[wid], src_v, gsem.at[0])
        dst_cp = pltpu.async_copy(dst_hbm.at[wid, pl.ds(0, DSTG)], dst_v,
                                  isem)
        src_cp.wait()

        def sidx(j):
            return src_v.at[pl.ds(j * CHUNK, CHUNK)]

        for b in range(NBUF):
            pltpu.async_copy(g_hbm.at[sidx(b)], rows_v[b], gsem.at[b])
        dst_cp.wait()
        init_cp.wait()
        plsc.subcore_barrier()

        def wait_gather(j, b):
            pltpu.make_async_copy(g_hbm.at[sidx(j)], rows_v[b],
                                  gsem.at[b]).wait()

        def start_scatter(j, b, doff):
            pltpu.async_copy(rows_v[b], acc_sh.at[dst_v.at[j - doff]],
                             ssem.at[b], add=True)

        def wait_scatter(j, b, doff):
            pltpu.make_async_copy(rows_v[b], acc_sh.at[dst_v.at[j - doff]],
                                  ssem.at[b]).wait()

        def make_group(start, doff, guard):
            def body(m, _):
                js = [start + 3 * m + t for t in range(3)]
                bs = [(start + t) % 3 for t in range(3)]
                for j, b in zip(js, bs):
                    wait_gather(j, b)
                    start_scatter(j, b, doff)
                for t, (j, b) in enumerate(zip(js, bs)):
                    wait_scatter(j, b, doff)
                    if guard is None or t == 0:
                        pltpu.async_copy(g_hbm.at[sidx(j + 3)], rows_v[b],
                                         gsem.at[b])
                    else:
                        @pl.when(m < guard)
                        def _():
                            pltpu.async_copy(g_hbm.at[sidx(j + 3)],
                                             rows_v[b], gsem.at[b])
                return ()

            return body

        lax.fori_loop(0, NGA, make_group(0, 0, None), ())
        wait_gather(63, 0)
        start_scatter(63, 0, 0)
        wait_scatter(63, 0, 0)
        ref_cp = pltpu.async_copy(dst_hbm.at[wid, pl.ds(DOFF_B, DSTG)],
                                  dst_v, isem)
        pltpu.async_copy(g_hbm.at[sidx(66)], rows_v[0], gsem.at[0])
        ref_cp.wait()
        lax.fori_loop(0, NGB, make_group(64, DOFF_B, NGB - 1), ())
        wait_gather(124, 1)
        start_scatter(124, 1, DOFF_B)
        wait_scatter(124, 1, DOFF_B)
        plsc.subcore_barrier()
        pltpu.sync_copy(acc_sh.at[pl.ds(s * RSTRIDE, RSPAN)],
                        out_hbm.at[pl.ds(c * N + s * RSTRIDE, RSPAN)])

    return deg_kernel, edge_kernel


def _prep_body(pT_ref, x_ref, w_ref, dis_ref, g_ref):
    ones = jnp.ones((NC, D), jnp.float32)
    deg = jnp.dot(pT_ref[...], ones, preferred_element_type=jnp.float32) + 1.0
    dis = lax.rsqrt(deg)
    h = jnp.dot(x_ref[...], w_ref[...], preferred_element_type=jnp.float32)
    dis_ref[...] = dis
    g_ref[...] = h * dis


_prep_call = pl.pallas_call(
    _prep_body,
    out_shape=[
        jax.ShapeDtypeStruct((N, D), jnp.float32),
        jax.ShapeDtypeStruct((N, D), jnp.float32),
    ],
)


def _combine_body(acc_ref, g_ref, dis_ref, b_ref, gam_ref, bet_ref, w_ref,
                  x_ref, g_out_ref):
    acc = acc_ref[0:N, :] + acc_ref[N:2 * N, :]
    dis = dis_ref[...]
    pre = dis * (acc - g_ref[...]) + b_ref[...]
    y = jnp.maximum(pre, 0.0)
    m = jnp.mean(y, axis=0, keepdims=True)
    d = y - m
    v = jnp.mean(d * d, axis=0, keepdims=True)
    xn = gam_ref[...] * d * lax.rsqrt(v + EPS) + bet_ref[...]
    x_ref[...] = xn
    g_out_ref[...] = jnp.dot(xn, w_ref[...],
                             preferred_element_type=jnp.float32) * dis


_combine_call = pl.pallas_call(
    _combine_body,
    out_shape=[
        jax.ShapeDtypeStruct((N, D), jnp.float32),
        jax.ShapeDtypeStruct((N, D), jnp.float32),
    ],
)


def _combine_final_body(acc_ref, g_ref, dis_ref, b_ref, gam_ref, bet_ref,
                        x_ref):
    acc = acc_ref[0:N, :] + acc_ref[N:2 * N, :]
    pre = dis_ref[...] * (acc - g_ref[...]) + b_ref[...]
    y = jnp.maximum(pre, 0.0)
    m = jnp.mean(y, axis=0, keepdims=True)
    d = y - m
    v = jnp.mean(d * d, axis=0, keepdims=True)
    x_ref[...] = gam_ref[...] * d * lax.rsqrt(v + EPS) + bet_ref[...]


_combine_final_call = pl.pallas_call(
    _combine_final_body,
    out_shape=jax.ShapeDtypeStruct((N, D), jnp.float32),
)


def kernel(edge_index, node_attr, edge_attr,
           W1, b1, g1, be1, W2, b2, g2, be2, W3, b3, g3, be3):
    del edge_attr
    src = edge_index[0].astype(jnp.int32).reshape(NW, EPW)
    dst = edge_index[1].astype(jnp.int32).reshape(NW, NCH, CHUNK)
    dst_pad = jnp.pad(dst, ((0, 0), (0, 128 - NCH), (0, 0)))
    b1r = b1.reshape(1, D); b2r = b2.reshape(1, D); b3r = b3.reshape(1, D)
    g1r = g1.reshape(1, D); g2r = g2.reshape(1, D); g3r = g3.reshape(1, D)
    be1r = be1.reshape(1, D); be2r = be2.reshape(1, D); be3r = be3.reshape(1, D)

    deg_kernel, edge_kernel = _sc_kernels()
    partials = deg_kernel(dst)
    pT = partials.reshape(NC, NPAD)[:, :N].T
    dis, gg = _prep_call(pT, node_attr, W1)

    acc = edge_kernel(gg, src, dst_pad)
    x2, gg2 = _combine_call(acc, gg, dis, b1r, g1r, be1r, W2)
    del x2
    acc2 = edge_kernel(gg2, src, dst_pad)
    x3, gg3 = _combine_call(acc2, gg2, dis, b2r, g2r, be2r, W3)
    del x3
    acc3 = edge_kernel(gg3, src, dst_pad)
    return _combine_final_call(acc3, gg3, dis, b3r, g3r, be3r)

# --- scband reference (transcript-rebuilt; emitter-appended) ---
"""Pipeline reference for scband-gcnencoder-17463337025613 (READ-ONLY COPY).

The authoritative reference and input builder live on the scoring server;
editing this copy changes nothing except your own understanding.
"""

import jax, jax.numpy as jnp
import numpy as np

DIM = 128
N_NODES = 10000
N_EDGES = 320000
D_EDGE = 16


def gcn_conv(x, edge_index, W, b):
    N = x.shape[0]
    src = edge_index[0]
    dst = edge_index[1]
    loop = jnp.arange(N, dtype=edge_index.dtype)
    src = jnp.concatenate([src, loop])
    dst = jnp.concatenate([dst, loop])
    deg = jnp.zeros((N,), dtype=x.dtype).at[dst].add(1.0)
    deg_inv_sqrt = jnp.where(deg > 0, 1.0 / jnp.sqrt(deg), 0.0)
    norm = deg_inv_sqrt[src] * deg_inv_sqrt[dst]
    h = x @ W
    msg = h[src] * norm[:, None]
    out = jax.ops.segment_sum(msg, dst, num_segments=N)
    return out + b


def batch_norm(x, gamma, beta, eps=1e-5):
    m = jnp.mean(x, axis=0)
    v = jnp.mean((x - m) ** 2, axis=0)
    return gamma * (x - m) / jnp.sqrt(v + eps) + beta


def setup_inputs(seed: int = 0) -> dict:
    key = jax.random.key(seed)
    ks = jax.random.split(key, 12)
    edge_index = jax.random.randint(ks[0], (2, N_EDGES), 0, N_NODES, dtype=jnp.int64)
    node_attr = jax.random.normal(ks[1], (N_NODES, DIM), dtype=jnp.float32)
    edge_attr = jax.random.normal(ks[2], (N_EDGES, D_EDGE), dtype=jnp.float32)
    s = 1.0 / np.sqrt(DIM)
    W1 = jax.random.uniform(ks[3], (DIM, DIM), jnp.float32, -s, s)
    b1 = jnp.zeros((DIM,), jnp.float32)
    W2 = jax.random.uniform(ks[4], (DIM, DIM), jnp.float32, -s, s)
    b2 = jnp.zeros((DIM,), jnp.float32)
    W3 = jax.random.uniform(ks[5], (DIM, DIM), jnp.float32, -s, s)
    b3 = jnp.zeros((DIM,), jnp.float32)
    g1 = jnp.ones((DIM,), jnp.float32); be1 = jnp.zeros((DIM,), jnp.float32)
    g2 = jnp.ones((DIM,), jnp.float32); be2 = jnp.zeros((DIM,), jnp.float32)
    g3 = jnp.ones((DIM,), jnp.float32); be3 = jnp.zeros((DIM,), jnp.float32)
    return {"edge_index": edge_index, "node_attr": node_attr, "edge_attr": edge_attr,
            "W1": W1, "b1": b1, "g1": g1, "be1": be1,
            "W2": W2, "b2": b2, "g2": g2, "be2": be2,
            "W3": W3, "b3": b3, "g3": g3, "be3": be3}


def reference(edge_index, node_attr, edge_attr,
              W1, b1, g1, be1, W2, b2, g2, be2, W3, b3, g3, be3):
    # edge_attr is accepted by the original forward but unused
    x = jax.nn.relu(gcn_conv(node_attr, edge_index, W1, b1))
    x = batch_norm(x, g1, be1)
    x = jax.nn.relu(gcn_conv(x, edge_index, W2, b2))
    x = batch_norm(x, g2, be2)
    x = jax.nn.relu(gcn_conv(x, edge_index, W3, b3))
    x = batch_norm(x, g3, be3)
    return x

if __name__ == "__main__":
    import jax
    _d = setup_inputs()
    print(jax.jit(kernel)(*tuple(_d.values())))

</pallas_src>

<mosaic_0001>
#map = affine_map<(d0, d1) -> (0, 0, 0)>
#map1 = affine_map<(d0, d1) -> (0)>
module attributes {stable_mosaic.version = 14 : i64} {
  func.func @deg_kernel(%arg0: i32, %arg1: i32, %arg2: memref<32x125x80xi32, #tpu.memory_space<hbm>>, %arg3: memref<20480xf32, #tpu.memory_space<hbm>>, %arg4: memref<125x80xi32, #tpu.memory_space<vmem>>, %arg5: memref<640xf32, #tpu.memory_space<vmem>>, %arg6: memref<10240xf32, #tpu.memory_space<vmem_shared>>, %arg7: memref<!tpu.dma_semaphore, #tpu.memory_space<semaphore_mem>>) attributes {dimension_semantics = [#tpu.dimension_semantics<core_parallel>, #tpu.dimension_semantics<subcore_parallel>], iteration_bounds = array<i64: 2, 16>, scalar_prefetch = 0 : i64, scratch_operands = 4 : i64, tpu.core_type = #tpu.core_type<sc_vector_subcore>, window_params = [{transform_indices = #map}, {transform_indices = #map1}]} {
    %mul3A = arith.constant 2 : i32
    %mul3A_0 = arith.muli %arg1, %mul3A : i32
    %add3A = arith.addi %mul3A_0, %arg0 : i32
    %scan3A = arith.constant 0 : i32
    %scan3A_1 = arith.constant 40 : i32
    %scan3A_2 = arith.addi %scan3A, %scan3A_1 : i32
    %scan3A_3 = arith.constant 1 : i32
    scf.for %scan3A_25 = %scan3A to %scan3A_2 step %scan3A_3  : i32 {
      %broadcast_in_dim3A = arith.constant 0.000000e+00 : f32
      %broadcast_in_dim3A_26 = vector.broadcast %broadcast_in_dim3A : f32 to vector<16xf32>
      %mul3A_27 = arith.constant 16 : i32
      %mul3A_28 = arith.muli %scan3A_25, %mul3A_27 : i32
      %swap3A = arith.index_cast %mul3A_28 : i32 to index
      %swap3A_29 = tpu.vector_load %arg5[%swap3A] {strides = array<i32>} : memref<640xf32, #tpu.memory_space<vmem>>, vector<16xf32>,
      %swap3A_30 = vector.shape_cast %swap3A_29 : vector<16xf32> to vector<16xf32>
      %swap3A_31 = vector.shape_cast %broadcast_in_dim3A_26 : vector<16xf32> to vector<16xf32>
      tpu.vector_store %arg5[%swap3A], %swap3A_31 {strides = array<i32>} : memref<640xf32, #tpu.memory_space<vmem>>, vector<16xf32>,
    }
    %scan3A_4 = arith.constant 40 : i32
    %mul3A_5 = arith.constant 640 : i32
    %mul3A_6 = arith.muli %arg1, %mul3A_5 : i32
    "tpu.region"() ({
      %run_scoped3A = tpu.sem_alloc : memref<!tpu.dma_semaphore, #tpu.memory_space<semaphore_mem>>
      %dma_start3A = tpu.memref_slice %arg6[%mul3A_6] : memref<10240xf32, #tpu.memory_space<vmem_shared>> -> memref<640xf32, #tpu.memory_space<vmem_shared>>
      %dma_start3A_25 = tpu.memref_slice %arg6[%mul3A_6] : memref<10240xf32, #tpu.memory_space<vmem_shared>> -> memref<640xf32, #tpu.memory_space<vmem_shared>>
      tpu.enqueue_dma source(%arg5 : memref<640xf32, #tpu.memory_space<vmem>>) target(%dma_start3A_25 : memref<640xf32, #tpu.memory_space<vmem_shared>>) target_semaphore(%run_scoped3A : memref<!tpu.dma_semaphore, #tpu.memory_space<semaphore_mem>>)
      %dma_wait3A = tpu.memref_slice %arg6[%mul3A_6] : memref<10240xf32, #tpu.memory_space<vmem_shared>> -> memref<640xf32, #tpu.memory_space<vmem_shared>>
      %dma_wait3A_26 = tpu.memref_slice %arg6[%mul3A_6] : memref<10240xf32, #tpu.memory_space<vmem_shared>> -> memref<640xf32, #tpu.memory_space<vmem_shared>>
      tpu.wait_dma2 semaphore(%run_scoped3A : memref<!tpu.dma_semaphore, #tpu.memory_space<semaphore_mem>>) src(%arg5 : memref<640xf32, #tpu.memory_space<vmem>>) dst(%dma_wait3A_26 : memref<640xf32, #tpu.memory_space<vmem_shared>>)
      tpu.yield
    }) : () -> ()
    "tpu.region"() ({
      %run_scoped3A = tpu.sem_alloc : memref<!tpu.dma_semaphore, #tpu.memory_space<semaphore_mem>>
      %dma_start3A = arith.constant 0 : i32
      %dma_start3A_25 = arith.constant 0 : i32
      %dma_start3A_26 = tpu.memref_slice %arg2[%add3A, %dma_start3A, %dma_start3A_25] : memref<32x125x80xi32, #tpu.memory_space<hbm>> -> memref<1x125x80xi32, #tpu.memory_space<hbm>>
      %dma_start3A_27 = tpu.memref_squeeze %dma_start3A_26 : memref<1x125x80xi32, #tpu.memory_space<hbm>> -> memref<125x80xi32, #tpu.memory_space<hbm>>
      %dma_start3A_28 = arith.constant 0 : i32
      %dma_start3A_29 = arith.constant 0 : i32
      %dma_start3A_30 = tpu.memref_slice %arg2[%add3A, %dma_start3A_28, %dma_start3A_29] : memref<32x125x80xi32, #tpu.memory_space<hbm>> -> memref<1x125x80xi32, #tpu.memory_space<hbm>>
      %dma_start3A_31 = tpu.memref_squeeze %dma_start3A_30 : memref<1x125x80xi32, #tpu.memory_space<hbm>> -> memref<125x80xi32, #tpu.memory_space<hbm>>
      tpu.enqueue_dma source(%dma_start3A_31 : memref<125x80xi32, #tpu.memory_space<hbm>>) target(%arg4 : memref<125x80xi32, #tpu.memory_space<vmem>>) target_semaphore(%run_scoped3A : memref<!tpu.dma_semaphore, #tpu.memory_space<semaphore_mem>>)
      %dma_wait3A = arith.constant 0 : i32
      %dma_wait3A_32 = arith.constant 0 : i32
      %dma_wait3A_33 = tpu.memref_slice %arg2[%add3A, %dma_wait3A, %dma_wait3A_32] : memref<32x125x80xi32, #tpu.memory_space<hbm>> -> memref<1x125x80xi32, #tpu.memory_space<hbm>>
      %dma_wait3A_34 = tpu.memref_squeeze %dma_wait3A_33 : memref<1x125x80xi32, #tpu.memory_space<hbm>> -> memref<125x80xi32, #tpu.memory_space<hbm>>
      %dma_wait3A_35 = arith.constant 0 : i32
      %dma_wait3A_36 = arith.constant 0 : i32
      %dma_wait3A_37 = tpu.memref_slice %arg2[%add3A, %dma_wait3A_35, %dma_wait3A_36] : memref<32x125x80xi32, #tpu.memory_space<hbm>> -> memref<1x125x80xi32, #tpu.memory_space<hbm>>
      %dma_wait3A_38 = tpu.memref_squeeze %dma_wait3A_37 : memref<1x125x80xi32, #tpu.memory_space<hbm>> -> memref<125x80xi32, #tpu.memory_space<hbm>>
      tpu.wait_dma2 semaphore(%run_scoped3A : memref<!tpu.dma_semaphore, #tpu.memory_space<semaphore_mem>>) src(%dma_wait3A_38 : memref<125x80xi32, #tpu.memory_space<hbm>>) dst(%arg4 : memref<125x80xi32, #tpu.memory_space<vmem>>)
      tpu.yield
    }) : () -> ()
    %scan3A_7 = arith.constant 0 : i32
    %scan3A_8 = arith.constant 5 : i32
    %scan3A_9 = arith.addi %scan3A_7, %scan3A_8 : i32
    %scan3A_10 = arith.constant 1 : i32
    scf.for %scan3A_25 = %scan3A_7 to %scan3A_9 step %scan3A_10  : i32 {
      %broadcast_in_dim3A = arith.constant 1.000000e+00 : f32
      %broadcast_in_dim3A_26 = vector.broadcast %broadcast_in_dim3A : f32 to vector<16xf32>
      %mul3A_27 = arith.constant 16 : i32
      %mul3A_28 = arith.muli %scan3A_25, %mul3A_27 : i32
      %swap3A = arith.index_cast %mul3A_28 : i32 to index
      %swap3A_29 = tpu.vector_load %arg5[%swap3A] {strides = array<i32>} : memref<640xf32, #tpu.memory_space<vmem>>, vector<16xf32>,
      %swap3A_30 = vector.shape_cast %swap3A_29 : vector<16xf32> to vector<16xf32>
      %swap3A_31 = vector.shape_cast %broadcast_in_dim3A_26 : vector<16xf32> to vector<16xf32>
      tpu.vector_store %arg5[%swap3A], %swap3A_31 {strides = array<i32>} : memref<640xf32, #tpu.memory_space<vmem>>, vector<16xf32>,
    }
    %scan3A_11 = arith.constant 5 : i32
    %barrier3A = arith.constant 0 : index
    tpu.barrier barrier_id(%barrier3A)
    %scan3A_12 = arith.constant 0 : i32
    %scan3A_13 = arith.constant 25 : i32
    %scan3A_14 = arith.addi %scan3A_12, %scan3A_13 : i32
    %scan3A_15 = arith.constant 1 : i32
    scf.for %scan3A_25 = %scan3A_12 to %scan3A_14 step %scan3A_15  : i32 {
      %mul3A_26 = arith.constant 5 : i32
      %mul3A_27 = arith.muli %mul3A_26, %scan3A_25 : i32
      %add3A_28 = arith.constant 0 : i32
      %add3A_29 = arith.addi %mul3A_27, %add3A_28 : i32
      %dma_start3A = arith.constant 0 : i32
      %dma_start3A_30 = tpu.memref_slice %arg5[%dma_start3A] : memref<640xf32, #tpu.memory_space<vmem>> -> memref<80xf32, #tpu.memory_space<vmem>>
      %dma_start3A_31 = arith.constant 0 : i32
      %dma_start3A_32 = tpu.memref_slice %arg4[%add3A_29, %dma_start3A_31] : memref<125x80xi32, #tpu.memory_space<vmem>> -> memref<1x80xi32, #tpu.memory_space<vmem>>
      %dma_start3A_33 = tpu.memref_squeeze %dma_start3A_32 : memref<1x80xi32, #tpu.memory_space<vmem>> -> memref<80xi32, #tpu.memory_space<vmem>>
      %dma_start3A_34 = arith.constant 0 : i32
      %dma_start3A_35 = tpu.memref_slice %arg6[%dma_start3A_34] : memref<10240xf32, #tpu.memory_space<vmem_shared>> -> memref<10240xf32, #tpu.memory_space<vmem_shared>>
      tpu.enqueue_indirect_dma source(%dma_start3A_30 : memref<80xf32, #tpu.memory_space<vmem>>) target(%dma_start3A_35 : memref<10240xf32, #tpu.memory_space<vmem_shared>>) offsets(%dma_start3A_33 : memref<80xi32, #tpu.memory_space<vmem>>) semaphore(%arg7 : memref<!tpu.dma_semaphore, #tpu.memory_space<semaphore_mem>>) {add = true}
      %mul3A_36 = arith.constant 5 : i32
      %mul3A_37 = arith.muli %mul3A_36, %scan3A_25 : i32
      %add3A_38 = arith.constant 1 : i32
      %add3A_39 = arith.addi %mul3A_37, %add3A_38 : i32
      %dma_start3A_40 = arith.constant 0 : i32
      %dma_start3A_41 = tpu.memref_slice %arg5[%dma_start3A_40] : memref<640xf32, #tpu.memory_space<vmem>> -> memref<80xf32, #tpu.memory_space<vmem>>
      %dma_start3A_42 = arith.constant 0 : i32
      %dma_start3A_43 = tpu.memref_slice %arg4[%add3A_39, %dma_start3A_42] : memref<125x80xi32, #tpu.memory_space<vmem>> -> memref<1x80xi32, #tpu.memory_space<vmem>>
      %dma_start3A_44 = tpu.memref_squeeze %dma_start3A_43 : memref<1x80xi32, #tpu.memory_space<vmem>> -> memref<80xi32, #tpu.memory_space<vmem>>
      %dma_start3A_45 = arith.constant 0 : i32
      %dma_start3A_46 = tpu.memref_slice %arg6[%dma_start3A_45] : memref<10240xf32, #tpu.memory_space<vmem_shared>> -> memref<10240xf32, #tpu.memory_space<vmem_shared>>
      tpu.enqueue_indirect_dma source(%dma_start3A_41 : memref<80xf32, #tpu.memory_space<vmem>>) target(%dma_start3A_46 : memref<10240xf32, #tpu.memory_space<vmem_shared>>) offsets(%dma_start3A_44 : memref<80xi32, #tpu.memory_space<vmem>>) semaphore(%arg7 : memref<!tpu.dma_semaphore, #tpu.memory_space<semaphore_mem>>) {add = true}
      %mul3A_47 = arith.constant 5 : i32
      %mul3A_48 = arith.muli %mul3A_47, %scan3A_25 : i32
      %add3A_49 = arith.constant 2 : i32
      %add3A_50 = arith.addi %mul3A_48, %add3A_49 : i32
      %dma_start3A_51 = arith.constant 0 : i32
      %dma_start3A_52 = tpu.memref_slice %arg5[%dma_start3A_51] : memref<640xf32, #tpu.memory_space<vmem>> -> memref<80xf32, #tpu.memory_space<vmem>>
      %dma_start3A_53 = arith.constant 0 : i32
      %dma_start3A_54 = tpu.memref_slice %arg4[%add3A_50, %dma_start3A_53] : memref<125x80xi32, #tpu.memory_space<vmem>> -> memref<1x80xi32, #tpu.memory_space<vmem>>
      %dma_start3A_55 = tpu.memref_squeeze %dma_start3A_54 : memref<1x80xi32, #tpu.memory_space<vmem>> -> memref<80xi32, #tpu.memory_space<vmem>>
      %dma_start3A_56 = arith.constant 0 : i32
      %dma_start3A_57 = tpu.memref_slice %arg6[%dma_start3A_56] : memref<10240xf32, #tpu.memory_space<vmem_shared>> -> memref<10240xf32, #tpu.memory_space<vmem_shared>>
      tpu.enqueue_indirect_dma source(%dma_start3A_52 : memref<80xf32, #tpu.memory_space<vmem>>) target(%dma_start3A_57 : memref<10240xf32, #tpu.memory_space<vmem_shared>>) offsets(%dma_start3A_55 : memref<80xi32, #tpu.memory_space<vmem>>) semaphore(%arg7 : memref<!tpu.dma_semaphore, #tpu.memory_space<semaphore_mem>>) {add = true}
      %mul3A_58 = arith.constant 5 : i32
      %mul3A_59 = arith.muli %mul3A_58, %scan3A_25 : i32
      %add3A_60 = arith.constant 3 : i32
      %add3A_61 = arith.addi %mul3A_59, %add3A_60 : i32
      %dma_start3A_62 = arith.constant 0 : i32
      %dma_start3A_63 = tpu.memref_slice %arg5[%dma_start3A_62] : memref<640xf32, #tpu.memory_space<vmem>> -> memref<80xf32, #tpu.memory_space<vmem>>
      %dma_start3A_64 = arith.constant 0 : i32
      %dma_start3A_65 = tpu.memref_slice %arg4[%add3A_61, %dma_start3A_64] : memref<125x80xi32, #tpu.memory_space<vmem>> -> memref<1x80xi32, #tpu.memory_space<vmem>>
      %dma_start3A_66 = tpu.memref_squeeze %dma_start3A_65 : memref<1x80xi32, #tpu.memory_space<vmem>> -> memref<80xi32, #tpu.memory_space<vmem>>
      %dma_start3A_67 = arith.constant 0 : i32
      %dma_start3A_68 = tpu.memref_slice %arg6[%dma_start3A_67] : memref<10240xf32, #tpu.memory_space<vmem_shared>> -> memref<10240xf32, #tpu.memory_space<vmem_shared>>
      tpu.enqueue_indirect_dma source(%dma_start3A_63 : memref<80xf32, #tpu.memory_space<vmem>>) target(%dma_start3A_68 : memref<10240xf32, #tpu.memory_space<vmem_shared>>) offsets(%dma_start3A_66 : memref<80xi32, #tpu.memory_space<vmem>>) semaphore(%arg7 : memref<!tpu.dma_semaphore, #tpu.memory_space<semaphore_mem>>) {add = true}
      %mul3A_69 = arith.constant 5 : i32
      %mul3A_70 = arith.muli %mul3A_69, %scan3A_25 : i32
      %add3A_71 = arith.constant 4 : i32
      %add3A_72 = arith.addi %mul3A_70, %add3A_71 : i32
      %dma_start3A_73 = arith.constant 0 : i32
      %dma_start3A_74 = tpu.memref_slice %arg5[%dma_start3A_73] : memref<640xf32, #tpu.memory_space<vmem>> -> memref<80xf32, #tpu.memory_space<vmem>>
      %dma_start3A_75 = arith.constant 0 : i32
      %dma_start3A_76 = tpu.memref_slice %arg4[%add3A_72, %dma_start3A_75] : memref<125x80xi32, #tpu.memory_space<vmem>> -> memref<1x80xi32, #tpu.memory_space<vmem>>
      %dma_start3A_77 = tpu.memref_squeeze %dma_start3A_76 : memref<1x80xi32, #tpu.memory_space<vmem>> -> memref<80xi32, #tpu.memory_space<vmem>>
      %dma_start3A_78 = arith.constant 0 : i32
      %dma_start3A_79 = tpu.memref_slice %arg6[%dma_start3A_78] : memref<10240xf32, #tpu.memory_space<vmem_shared>> -> memref<10240xf32, #tpu.memory_space<vmem_shared>>
      tpu.enqueue_indirect_dma source(%dma_start3A_74 : memref<80xf32, #tpu.memory_space<vmem>>) target(%dma_start3A_79 : memref<10240xf32, #tpu.memory_space<vmem_shared>>) offsets(%dma_start3A_77 : memref<80xi32, #tpu.memory_space<vmem>>) semaphore(%arg7 : memref<!tpu.dma_semaphore, #tpu.memory_space<semaphore_mem>>) {add = true}
      %mul3A_80 = arith.constant 5 : i32
      %mul3A_81 = arith.muli %mul3A_80, %scan3A_25 : i32
      %add3A_82 = arith.constant 0 : i32
      %add3A_83 = arith.addi %mul3A_81, %add3A_82 : i32
      %dma_wait3A = arith.constant 0 : i32
      %dma_wait3A_84 = tpu.memref_slice %arg5[%dma_wait3A] : memref<640xf32, #tpu.memory_space<vmem>> -> memref<80xf32, #tpu.memory_space<vmem>>
      %dma_wait3A_85 = arith.constant 0 : i32
      %dma_wait3A_86 = tpu.memref_slice %arg4[%add3A_83, %dma_wait3A_85] : memref<125x80xi32, #tpu.memory_space<vmem>> -> memref<1x80xi32, #tpu.memory_space<vmem>>
      %dma_wait3A_87 = tpu.memref_squeeze %dma_wait3A_86 : memref<1x80xi32, #tpu.memory_space<vmem>> -> memref<80xi32, #tpu.memory_space<vmem>>
      %dma_wait3A_88 = arith.constant 0 : i32
      %dma_wait3A_89 = tpu.memref_slice %arg6[%dma_wait3A_88] : memref<10240xf32, #tpu.memory_space<vmem_shared>> -> memref<10240xf32, #tpu.memory_space<vmem_shared>>
      tpu.wait_indirect_dma semaphore(%arg7 : memref<!tpu.dma_semaphore, #tpu.memory_space<semaphore_mem>>) src(%dma_wait3A_84 : memref<80xf32, #tpu.memory_space<vmem>>) dst(%dma_wait3A_89 : memref<10240xf32, #tpu.memory_space<vmem_shared>>)
      %mul3A_90 = arith.constant 5 : i32
      %mul3A_91 = arith.muli %mul3A_90, %scan3A_25 : i32
      %add3A_92 = arith.constant 1 : i32
      %add3A_93 = arith.addi %mul3A_91, %add3A_92 : i32
      %dma_wait3A_94 = arith.constant 0 : i32
      %dma_wait3A_95 = tpu.memref_slice %arg5[%dma_wait3A_94] : memref<640xf32, #tpu.memory_space<vmem>> -> memref<80xf32, #tpu.memory_space<vmem>>
      %dma_wait3A_96 = arith.constant 0 : i32
      %dma_wait3A_97 = tpu.memref_slice %arg4[%add3A_93, %dma_wait3A_96] : memref<125x80xi32, #tpu.memory_space<vmem>> -> memref<1x80xi32, #tpu.memory_space<vmem>>
      %dma_wait3A_98 = tpu.memref_squeeze %dma_wait3A_97 : memref<1x80xi32, #tpu.memory_space<vmem>> -> memref<80xi32, #tpu.memory_space<vmem>>
      %dma_wait3A_99 = arith.constant 0 : i32
      %dma_wait3A_100 = tpu.memref_slice %arg6[%dma_wait3A_99] : memref<10240xf32, #tpu.memory_space<vmem_shared>> -> memref<10240xf32, #tpu.memory_space<vmem_shared>>
      tpu.wait_indirect_dma semaphore(%arg7 : memref<!tpu.dma_semaphore, #tpu.memory_space<semaphore_mem>>) src(%dma_wait3A_95 : memref<80xf32, #tpu.memory_space<vmem>>) dst(%dma_wait3A_100 : memref<10240xf32, #tpu.memory_space<vmem_shared>>)
      %mul3A_101 = arith.constant 5 : i32
      %mul3A_102 = arith.muli %mul3A_101, %scan3A_25 : i32
      %add3A_103 = arith.constant 2 : i32
      %add3A_104 = arith.addi %mul3A_102, %add3A_103 : i32
      %dma_wait3A_105 = arith.constant 0 : i32
      %dma_wait3A_106 = tpu.memref_slice %arg5[%dma_wait3A_105] : memref<640xf32, #tpu.memory_space<vmem>> -> memref<80xf32, #tpu.memory_space<vmem>>
      %dma_wait3A_107 = arith.constant 0 : i32
      %dma_wait3A_108 = tpu.memref_slice %arg4[%add3A_104, %dma_wait3A_107] : memref<125x80xi32, #tpu.memory_space<vmem>> -> memref<1x80xi32, #tpu.memory_space<vmem>>
      %dma_wait3A_109 = tpu.memref_squeeze %dma_wait3A_108 : memref<1x80xi32, #tpu.memory_space<vmem>> -> memref<80xi32, #tpu.memory_space<vmem>>
      %dma_wait3A_110 = arith.constant 0 : i32
      %dma_wait3A_111 = tpu.memref_slice %arg6[%dma_wait3A_110] : memref<10240xf32, #tpu.memory_space<vmem_shared>> -> memref<10240xf32, #tpu.memory_space<vmem_shared>>
      tpu.wait_indirect_dma semaphore(%arg7 : memref<!tpu.dma_semaphore, #tpu.memory_space<semaphore_mem>>) src(%dma_wait3A_106 : memref<80xf32, #tpu.memory_space<vmem>>) dst(%dma_wait3A_111 : memref<10240xf32, #tpu.memory_space<vmem_shared>>)
      %mul3A_112 = arith.constant 5 : i32
      %mul3A_113 = arith.muli %mul3A_112, %scan3A_25 : i32
      %add3A_114 = arith.constant 3 : i32
      %add3A_115 = arith.addi %mul3A_113, %add3A_114 : i32
      %dma_wait3A_116 = arith.constant 0 : i32
      %dma_wait3A_117 = tpu.memref_slice %arg5[%dma_wait3A_116] : memref<640xf32, #tpu.memory_space<vmem>> -> memref<80xf32, #tpu.memory_space<vmem>>
      %dma_wait3A_118 = arith.constant 0 : i32
      %dma_wait3A_119 = tpu.memref_slice %arg4[%add3A_115, %dma_wait3A_118] : memref<125x80xi32, #tpu.memory_space<vmem>> -> memref<1x80xi32, #tpu.memory_space<vmem>>
      %dma_wait3A_120 = tpu.memref_squeeze %dma_wait3A_119 : memref<1x80xi32, #tpu.memory_space<vmem>> -> memref<80xi32, #tpu.memory_space<vmem>>
      %dma_wait3A_121 = arith.constant 0 : i32
      %dma_wait3A_122 = tpu.memref_slice %arg6[%dma_wait3A_121] : memref<10240xf32, #tpu.memory_space<vmem_shared>> -> memref<10240xf32, #tpu.memory_space<vmem_shared>>
      tpu.wait_indirect_dma semaphore(%arg7 : memref<!tpu.dma_semaphore, #tpu.memory_space<semaphore_mem>>) src(%dma_wait3A_117 : memref<80xf32, #tpu.memory_space<vmem>>) dst(%dma_wait3A_122 : memref<10240xf32, #tpu.memory_space<vmem_shared>>)
      %mul3A_123 = arith.constant 5 : i32
      %mul3A_124 = arith.muli %mul3A_123, %scan3A_25 : i32
      %add3A_125 = arith.constant 4 : i32
      %add3A_126 = arith.addi %mul3A_124, %add3A_125 : i32
      %dma_wait3A_127 = arith.constant 0 : i32
      %dma_wait3A_128 = tpu.memref_slice %arg5[%dma_wait3A_127] : memref<640xf32, #tpu.memory_space<vmem>> -> memref<80xf32, #tpu.memory_space<vmem>>
      %dma_wait3A_129 = arith.constant 0 : i32
      %dma_wait3A_130 = tpu.memref_slice %arg4[%add3A_126, %dma_wait3A_129] : memref<125x80xi32, #tpu.memory_space<vmem>> -> memref<1x80xi32, #tpu.memory_space<vmem>>
      %dma_wait3A_131 = tpu.memref_squeeze %dma_wait3A_130 : memref<1x80xi32, #tpu.memory_space<vmem>> -> memref<80xi32, #tpu.memory_space<vmem>>
      %dma_wait3A_132 = arith.constant 0 : i32
      %dma_wait3A_133 = tpu.memref_slice %arg6[%dma_wait3A_132] : memref<10240xf32, #tpu.memory_space<vmem_shared>> -> memref<10240xf32, #tpu.memory_space<vmem_shared>>
      tpu.wait_indirect_dma semaphore(%arg7 : memref<!tpu.dma_semaphore, #tpu.memory_space<semaphore_mem>>) src(%dma_wait3A_128 : memref<80xf32, #tpu.memory_space<vmem>>) dst(%dma_wait3A_133 : memref<10240xf32, #tpu.memory_space<vmem_shared>>)
    }
    %scan3A_16 = arith.constant 25 : i32
    %barrier3A_17 = arith.constant 0 : index
    tpu.barrier barrier_id(%barrier3A_17)
    %mul3A_18 = arith.constant 640 : i32
    %mul3A_19 = arith.muli %arg1, %mul3A_18 : i32
    %mul3A_20 = arith.constant 10240 : i32
    %mul3A_21 = arith.muli %arg0, %mul3A_20 : i32
    %mul3A_22 = arith.constant 640 : i32
    %mul3A_23 = arith.muli %arg1, %mul3A_22 : i32
    %add3A_24 = arith.addi %mul3A_21, %mul3A_23 : i32
    "tpu.region"() ({
      %run_scoped3A = tpu.sem_alloc : memref<!tpu.dma_semaphore, #tpu.memory_space<semaphore_mem>>
      %dma_start3A = tpu.memref_slice %arg3[%add3A_24] : memref<20480xf32, #tpu.memory_space<hbm>> -> memref<640xf32, #tpu.memory_space<hbm>>
      %dma_start3A_25 = tpu.memref_slice %arg6[%mul3A_19] : memref<10240xf32, #tpu.memory_space<vmem_shared>> -> memref<640xf32, #tpu.memory_space<vmem_shared>>
      tpu.enqueue_dma source(%dma_start3A_25 : memref<640xf32, #tpu.memory_space<vmem_shared>>) target(%dma_start3A : memref<640xf32, #tpu.memory_space<hbm>>) target_semaphore(%run_scoped3A : memref<!tpu.dma_semaphore, #tpu.memory_space<semaphore_mem>>)
      %dma_wait3A = tpu.memref_slice %arg3[%add3A_24] : memref<20480xf32, #tpu.memory_space<hbm>> -> memref<640xf32, #tpu.memory_space<hbm>>
      %dma_wait3A_26 = tpu.memref_slice %arg6[%mul3A_19] : memref<10240xf32, #tpu.memory_space<vmem_shared>> -> memref<640xf32, #tpu.memory_space<vmem_shared>>
      tpu.wait_dma2 semaphore(%run_scoped3A : memref<!tpu.dma_semaphore, #tpu.memory_space<semaphore_mem>>) src(%dma_wait3A_26 : memref<640xf32, #tpu.memory_space<vmem_shared>>) dst(%dma_wait3A : memref<640xf32, #tpu.memory_space<hbm>>)
      tpu.yield
    }) : () -> ()
    return
  }
}

#map = affine_map<(d0, d1) -> (0, 0)>
#map1 = affine_map<(d0, d1) -> (0, 0, 0)>
module attributes {stable_mosaic.version = 14 : i64} {
  func.func @edge_kernel(%arg0: i32, %arg1: i32, %arg2: memref<10000x128xf32, #tpu.memory_space<hbm>>, %arg3: memref<32x10000xi32, #tpu.memory_space<hbm>>, %arg4: memref<32x128x80xi32, #tpu.memory_space<hbm>>, %arg5: memref<20000x128xf32, #tpu.memory_space<hbm>>, %arg6: memref<10000xi32, #tpu.memory_space<vmem>>, %arg7: memref<64x80xi32, #tpu.memory_space<vmem>>, %arg8: memref<3x80x128xf32, #tpu.memory_space<vmem>>, %arg9: memref<10000x128xf32, #tpu.memory_space<vmem_shared>>, %arg10: memref<3x!tpu.dma_semaphore, #tpu.memory_space<semaphore_mem>>, %arg11: memref<3x!tpu.dma_semaphore, #tpu.memory_space<semaphore_mem>>, %arg12: memref<!tpu.dma_semaphore, #tpu.memory_space<semaphore_mem>>) attributes {dimension_semantics = [#tpu.dimension_semantics<core_parallel>, #tpu.dimension_semantics<subcore_parallel>], iteration_bounds = array<i64: 2, 16>, scalar_prefetch = 0 : i64, scratch_operands = 7 : i64, tpu.core_type = #tpu.core_type<sc_vector_subcore>, window_params = [{transform_indices = #map}, {transform_indices = #map}, {transform_indices = #map1}, {transform_indices = #map}]} {
    %mul3A = arith.constant 2 : i32
    %mul3A_0 = arith.muli %arg1, %mul3A : i32
    %add3A = arith.addi %mul3A_0, %arg0 : i32
    %mul3A_1 = arith.constant 624 : i32
    %mul3A_2 = arith.muli %arg1, %mul3A_1 : i32
    %mul3A_3 = arith.constant 624 : i32
    %mul3A_4 = arith.muli %arg1, %mul3A_3 : i32
    %dma_start3A = arith.constant 0 : i32
    %dma_start3A_5 = tpu.memref_slice %arg9[%mul3A_4, %dma_start3A] : memref<10000x128xf32, #tpu.memory_space<vmem_shared>> -> memref<640x128xf32, #tpu.memory_space<vmem_shared>>
    %dma_start3A_6 = arith.constant 0 : i32
    %dma_start3A_7 = tpu.memref_slice %arg2[%mul3A_2, %dma_start3A_6] : memref<10000x128xf32, #tpu.memory_space<hbm>> -> memref<640x128xf32, #tpu.memory_space<hbm>>
    tpu.enqueue_dma source(%dma_start3A_7 : memref<640x128xf32, #tpu.memory_space<hbm>>) target(%dma_start3A_5 : memref<640x128xf32, #tpu.memory_space<vmem_shared>>) target_semaphore(%arg12 : memref<!tpu.dma_semaphore, #tpu.memory_space<semaphore_mem>>)
    %dma_start3A_8 = arith.constant 0 : i32
    %dma_start3A_9 = arith.constant 0 : i32
    %dma_start3A_10 = tpu.memref_slice %arg3[%add3A, %dma_start3A_9] : memref<32x10000xi32, #tpu.memory_space<hbm>> -> memref<1x10000xi32, #tpu.memory_space<hbm>>
    %dma_start3A_11 = tpu.memref_squeeze %dma_start3A_10 : memref<1x10000xi32, #tpu.memory_space<hbm>> -> memref<10000xi32, #tpu.memory_space<hbm>>
    %dma_start3A_12 = tpu.memref_slice %arg10[%dma_start3A_8] : memref<3x!tpu.dma_semaphore, #tpu.memory_space<semaphore_mem>> -> memref<1x!tpu.dma_semaphore, #tpu.memory_space<semaphore_mem>>
    %dma_start3A_13 = tpu.memref_squeeze %dma_start3A_12 : memref<1x!tpu.dma_semaphore, #tpu.memory_space<semaphore_mem>> -> memref<!tpu.dma_semaphore, #tpu.memory_space<semaphore_mem>>
    %dma_start3A_14 = arith.constant 0 : i32
    %dma_start3A_15 = tpu.memref_slice %arg3[%add3A, %dma_start3A_14] : memref<32x10000xi32, #tpu.memory_space<hbm>> -> memref<1x10000xi32, #tpu.memory_space<hbm>>
    %dma_start3A_16 = tpu.memref_squeeze %dma_start3A_15 : memref<1x10000xi32, #tpu.memory_space<hbm>> -> memref<10000xi32, #tpu.memory_space<hbm>>
    tpu.enqueue_dma source(%dma_start3A_16 : memref<10000xi32, #tpu.memory_space<hbm>>) target(%arg6 : memref<10000xi32, #tpu.memory_space<vmem>>) target_semaphore(%dma_start3A_13 : memref<!tpu.dma_semaphore, #tpu.memory_space<semaphore_mem>>)
    %dma_start3A_17 = arith.constant 0 : i32
    %dma_start3A_18 = arith.constant 0 : i32
    %dma_start3A_19 = tpu.memref_slice %arg4[%add3A, %dma_start3A_17, %dma_start3A_18] : memref<32x128x80xi32, #tpu.memory_space<hbm>> -> memref<1x64x80xi32, #tpu.memory_space<hbm>>
    %dma_start3A_20 = tpu.memref_squeeze %dma_start3A_19 : memref<1x64x80xi32, #tpu.memory_space<hbm>> -> memref<64x80xi32, #tpu.memory_space<hbm>>
    %dma_start3A_21 = arith.constant 0 : i32
    %dma_start3A_22 = arith.constant 0 : i32
    %dma_start3A_23 = tpu.memref_slice %arg4[%add3A, %dma_start3A_21, %dma_start3A_22] : memref<32x128x80xi32, #tpu.memory_space<hbm>> -> memref<1x64x80xi32, #tpu.memory_space<hbm>>
    %dma_start3A_24 = tpu.memref_squeeze %dma_start3A_23 : memref<1x64x80xi32, #tpu.memory_space<hbm>> -> memref<64x80xi32, #tpu.memory_space<hbm>>
    tpu.enqueue_dma source(%dma_start3A_24 : memref<64x80xi32, #tpu.memory_space<hbm>>) target(%arg7 : memref<64x80xi32, #tpu.memory_space<vmem>>) target_semaphore(%arg12 : memref<!tpu.dma_semaphore, #tpu.memory_space<semaphore_mem>>)
    %dma_wait3A = arith.constant 0 : i32
    %dma_wait3A_25 = arith.constant 0 : i32
    %dma_wait3A_26 = tpu.memref_slice %arg3[%add3A, %dma_wait3A_25] : memref<32x10000xi32, #tpu.memory_space<hbm>> -> memref<1x10000xi32, #tpu.memory_space<hbm>>
    %dma_wait3A_27 = tpu.memref_squeeze %dma_wait3A_26 : memref<1x10000xi32, #tpu.memory_space<hbm>> -> memref<10000xi32, #tpu.memory_space<hbm>>
    %dma_wait3A_28 = tpu.memref_slice %arg10[%dma_wait3A] : memref<3x!tpu.dma_semaphore, #tpu.memory_space<semaphore_mem>> -> memref<1x!tpu.dma_semaphore, #tpu.memory_space<semaphore_mem>>
    %dma_wait3A_29 = tpu.memref_squeeze %dma_wait3A_28 : memref<1x!tpu.dma_semaphore, #tpu.memory_space<semaphore_mem>> -> memref<!tpu.dma_semaphore, #tpu.memory_space<semaphore_mem>>
    %dma_wait3A_30 = arith.constant 0 : i32
    %dma_wait3A_31 = tpu.memref_slice %arg3[%add3A, %dma_wait3A_30] : memref<32x10000xi32, #tpu.memory_space<hbm>> -> memref<1x10000xi32, #tpu.memory_space<hbm>>
    %dma_wait3A_32 = tpu.memref_squeeze %dma_wait3A_31 : memref<1x10000xi32, #tpu.memory_space<hbm>> -> memref<10000xi32, #tpu.memory_space<hbm>>
    tpu.wait_dma2 semaphore(%dma_wait3A_29 : memref<!tpu.dma_semaphore, #tpu.memory_space<semaphore_mem>>) src(%dma_wait3A_32 : memref<10000xi32, #tpu.memory_space<hbm>>) dst(%arg6 : memref<10000xi32, #tpu.memory_space<vmem>>)
    %dma_start3A_33 = arith.constant 0 : i32
    %dma_start3A_34 = arith.constant 0 : i32
    %dma_start3A_35 = arith.constant 0 : i32
    %dma_start3A_36 = arith.constant 0 : i32
    %dma_start3A_37 = tpu.memref_slice %arg8[%dma_start3A_33, %dma_start3A_35, %dma_start3A_36] : memref<3x80x128xf32, #tpu.memory_space<vmem>> -> memref<1x80x128xf32, #tpu.memory_space<vmem>>
    %dma_start3A_38 = tpu.memref_squeeze %dma_start3A_37 : memref<1x80x128xf32, #tpu.memory_space<vmem>> -> memref<80x128xf32, #tpu.memory_space<vmem>>
    %dma_start3A_39 = arith.constant 0 : i32
    %dma_start3A_40 = tpu.memref_slice %arg6[%dma_start3A_39] : memref<10000xi32, #tpu.memory_space<vmem>> -> memref<80xi32, #tpu.memory_space<vmem>>
    %dma_start3A_41 = arith.constant 0 : i32
    %dma_start3A_42 = arith.constant 0 : i32
    %dma_start3A_43 = tpu.memref_slice %arg2[%dma_start3A_41, %dma_start3A_42] : memref<10000x128xf32, #tpu.memory_space<hbm>> -> memref<10000x128xf32, #tpu.memory_space<hbm>>
    %dma_start3A_44 = tpu.memref_slice %arg10[%dma_start3A_34] : memref<3x!tpu.dma_semaphore, #tpu.memory_space<semaphore_mem>> -> memref<1x!tpu.dma_semaphore, #tpu.memory_space<semaphore_mem>>
    %dma_start3A_45 = tpu.memref_squeeze %dma_start3A_44 : memref<1x!tpu.dma_semaphore, #tpu.memory_space<semaphore_mem>> -> memref<!tpu.dma_semaphore, #tpu.memory_space<semaphore_mem>>
    tpu.enqueue_indirect_dma source(%dma_start3A_43 : memref<10000x128xf32, #tpu.memory_space<hbm>>) target(%dma_start3A_38 : memref<80x128xf32, #tpu.memory_space<vmem>>) offsets(%dma_start3A_40 : memref<80xi32, #tpu.memory_space<vmem>>) semaphore(%dma_start3A_45 : memref<!tpu.dma_semaphore, #tpu.memory_space<semaphore_mem>>)
    %dma_start3A_46 = arith.constant 1 : i32
    %dma_start3A_47 = arith.constant 1 : i32
    %dma_start3A_48 = arith.constant 0 : i32
    %dma_start3A_49 = arith.constant 0 : i32
    %dma_start3A_50 = tpu.memref_slice %arg8[%dma_start3A_46, %dma_start3A_48, %dma_start3A_49] : memref<3x80x128xf32, #tpu.memory_space<vmem>> -> memref<1x80x128xf32, #tpu.memory_space<vmem>>
    %dma_start3A_51 = tpu.memref_squeeze %dma_start3A_50 : memref<1x80x128xf32, #tpu.memory_space<vmem>> -> memref<80x128xf32, #tpu.memory_space<vmem>>
    %dma_start3A_52 = arith.constant 80 : i32
    %dma_start3A_53 = tpu.memref_slice %arg6[%dma_start3A_52] : memref<10000xi32, #tpu.memory_space<vmem>> -> memref<80xi32, #tpu.memory_space<vmem>>
    %dma_start3A_54 = arith.constant 0 : i32
    %dma_start3A_55 = arith.constant 0 : i32
    %dma_start3A_56 = tpu.memref_slice %arg2[%dma_start3A_54, %dma_start3A_55] : memref<10000x128xf32, #tpu.memory_space<hbm>> -> memref<10000x128xf32, #tpu.memory_space<hbm>>
    %dma_start3A_57 = tpu.memref_slice %arg10[%dma_start3A_47] : memref<3x!tpu.dma_semaphore, #tpu.memory_space<semaphore_mem>> -> memref<1x!tpu.dma_semaphore, #tpu.memory_space<semaphore_mem>>
    %dma_start3A_58 = tpu.memref_squeeze %dma_start3A_57 : memref<1x!tpu.dma_semaphore, #tpu.memory_space<semaphore_mem>> -> memref<!tpu.dma_semaphore, #tpu.memory_space<semaphore_mem>>
    tpu.enqueue_indirect_dma source(%dma_start3A_56 : memref<10000x128xf32, #tpu.memory_space<hbm>>) target(%dma_start3A_51 : memref<80x128xf32, #tpu.memory_space<vmem>>) offsets(%dma_start3A_53 : memref<80xi32, #tpu.memory_space<vmem>>) semaphore(%dma_start3A_58 : memref<!tpu.dma_semaphore, #tpu.memory_space<semaphore_mem>>)
    %dma_start3A_59 = arith.constant 2 : i32
    %dma_start3A_60 = arith.constant 2 : i32
    %dma_start3A_61 = arith.constant 0 : i32
    %dma_start3A_62 = arith.constant 0 : i32
    %dma_start3A_63 = tpu.memref_slice %arg8[%dma_start3A_59, %dma_start3A_61, %dma_start3A_62] : memref<3x80x128xf32, #tpu.memory_space<vmem>> -> memref<1x80x128xf32, #tpu.memory_space<vmem>>
    %dma_start3A_64 = tpu.memref_squeeze %dma_start3A_63 : memref<1x80x128xf32, #tpu.memory_space<vmem>> -> memref<80x128xf32, #tpu.memory_space<vmem>>
    %dma_start3A_65 = arith.constant 160 : i32
    %dma_start3A_66 = tpu.memref_slice %arg6[%dma_start3A_65] : memref<10000xi32, #tpu.memory_space<vmem>> -> memref<80xi32, #tpu.memory_space<vmem>>
    %dma_start3A_67 = arith.constant 0 : i32
    %dma_start3A_68 = arith.constant 0 : i32
    %dma_start3A_69 = tpu.memref_slice %arg2[%dma_start3A_67, %dma_start3A_68] : memref<10000x128xf32, #tpu.memory_space<hbm>> -> memref<10000x128xf32, #tpu.memory_space<hbm>>
    %dma_start3A_70 = tpu.memref_slice %arg10[%dma_start3A_60] : memref<3x!tpu.dma_semaphore, #tpu.memory_space<semaphore_mem>> -> memref<1x!tpu.dma_semaphore, #tpu.memory_space<semaphore_mem>>
    %dma_start3A_71 = tpu.memref_squeeze %dma_start3A_70 : memref<1x!tpu.dma_semaphore, #tpu.memory_space<semaphore_mem>> -> memref<!tpu.dma_semaphore, #tpu.memory_space<semaphore_mem>>
    tpu.enqueue_indirect_dma source(%dma_start3A_69 : memref<10000x128xf32, #tpu.memory_space<hbm>>) target(%dma_start3A_64 : memref<80x128xf32, #tpu.memory_space<vmem>>) offsets(%dma_start3A_66 : memref<80xi32, #tpu.memory_space<vmem>>) semaphore(%dma_start3A_71 : memref<!tpu.dma_semaphore, #tpu.memory_space<semaphore_mem>>)
    %dma_wait3A_72 = arith.constant 0 : i32
    %dma_wait3A_73 = arith.constant 0 : i32
    %dma_wait3A_74 = tpu.memref_slice %arg4[%add3A, %dma_wait3A_72, %dma_wait3A_73] : memref<32x128x80xi32, #tpu.memory_space<hbm>> -> memref<1x64x80xi32, #tpu.memory_space<hbm>>
    %dma_wait3A_75 = tpu.memref_squeeze %dma_wait3A_74 : memref<1x64x80xi32, #tpu.memory_space<hbm>> -> memref<64x80xi32, #tpu.memory_space<hbm>>
    %dma_wait3A_76 = arith.constant 0 : i32
    %dma_wait3A_77 = arith.constant 0 : i32
    %dma_wait3A_78 = tpu.memref_slice %arg4[%add3A, %dma_wait3A_76, %dma_wait3A_77] : memref<32x128x80xi32, #tpu.memory_space<hbm>> -> memref<1x64x80xi32, #tpu.memory_space<hbm>>
    %dma_wait3A_79 = tpu.memref_squeeze %dma_wait3A_78 : memref<1x64x80xi32, #tpu.memory_space<hbm>> -> memref<64x80xi32, #tpu.memory_space<hbm>>
    tpu.wait_dma2 semaphore(%arg12 : memref<!tpu.dma_semaphore, #tpu.memory_space<semaphore_mem>>) src(%dma_wait3A_79 : memref<64x80xi32, #tpu.memory_space<hbm>>) dst(%arg7 : memref<64x80xi32, #tpu.memory_space<vmem>>)
    %dma_wait3A_80 = arith.constant 0 : i32
    %dma_wait3A_81 = tpu.memref_slice %arg9[%mul3A_4, %dma_wait3A_80] : memref<10000x128xf32, #tpu.memory_space<vmem_shared>> -> memref<640x128xf32, #tpu.memory_space<vmem_shared>>
    %dma_wait3A_82 = arith.constant 0 : i32
    %dma_wait3A_83 = tpu.memref_slice %arg2[%mul3A_2, %dma_wait3A_82] : memref<10000x128xf32, #tpu.memory_space<hbm>> -> memref<640x128xf32, #tpu.memory_space<hbm>>
    tpu.wait_dma2 semaphore(%arg12 : memref<!tpu.dma_semaphore, #tpu.memory_space<semaphore_mem>>) src(%dma_wait3A_83 : memref<640x128xf32, #tpu.memory_space<hbm>>) dst(%dma_wait3A_81 : memref<640x128xf32, #tpu.memory_space<vmem_shared>>)
    %barrier3A = arith.constant 0 : index
    tpu.barrier barrier_id(%barrier3A)
    %scan3A = arith.constant 0 : i32
    %scan3A_84 = arith.constant 1 : i32
    %scan3A_85 = arith.constant 2 : i32
    %scan3A_86 = arith.constant 0 : i32
    %scan3A_87 = arith.constant 21 : i32
    %scan3A_88 = arith.addi %scan3A_86, %scan3A_87 : i32
    %scan3A_89 = arith.constant 1 : i32
    scf.for %scan3A_222 = %scan3A_86 to %scan3A_88 step %scan3A_89  : i32 {
      %mul3A_223 = arith.constant 3 : i32
      %mul3A_224 = arith.muli %mul3A_223, %scan3A_222 : i32
      %add3A_225 = arith.constant 0 : i32
      %add3A_226 = arith.addi %add3A_225, %mul3A_224 : i32
      %add3A_227 = arith.constant 0 : i32
      %add3A_228 = arith.addi %add3A_226, %add3A_227 : i32
      %mul3A_229 = arith.constant 3 : i32
      %mul3A_230 = arith.muli %mul3A_229, %scan3A_222 : i32
      %add3A_231 = arith.constant 0 : i32
      %add3A_232 = arith.addi %add3A_231, %mul3A_230 : i32
      %add3A_233 = arith.constant 1 : i32
      %add3A_234 = arith.addi %add3A_232, %add3A_233 : i32
      %mul3A_235 = arith.constant 3 : i32
      %mul3A_236 = arith.muli %mul3A_235, %scan3A_222 : i32
      %add3A_237 = arith.constant 0 : i32
      %add3A_238 = arith.addi %add3A_237, %mul3A_236 : i32
      %add3A_239 = arith.constant 2 : i32
      %add3A_240 = arith.addi %add3A_238, %add3A_239 : i32
      %mul3A_241 = arith.constant 80 : i32
      %mul3A_242 = arith.muli %add3A_228, %mul3A_241 : i32
      %dma_wait3A_243 = arith.constant 0 : i32
      %dma_wait3A_244 = arith.constant 0 : i32
      %dma_wait3A_245 = arith.constant 0 : i32
      %dma_wait3A_246 = tpu.memref_slice %arg8[%scan3A, %dma_wait3A_244, %dma_wait3A_245] : memref<3x80x128xf32, #tpu.memory_space<vmem>> -> memref<1x80x128xf32, #tpu.memory_space<vmem>>
      %dma_wait3A_247 = tpu.memref_squeeze %dma_wait3A_246 : memref<1x80x128xf32, #tpu.memory_space<vmem>> -> memref<80x128xf32, #tpu.memory_space<vmem>>
      %dma_wait3A_248 = tpu.memref_slice %arg6[%mul3A_242] : memref<10000xi32, #tpu.memory_space<vmem>> -> memref<80xi32, #tpu.memory_space<vmem>>
      %dma_wait3A_249 = arith.constant 0 : i32
      %dma_wait3A_250 = arith.constant 0 : i32
      %dma_wait3A_251 = tpu.memref_slice %arg2[%dma_wait3A_249, %dma_wait3A_250] : memref<10000x128xf32, #tpu.memory_space<hbm>> -> memref<10000x128xf32, #tpu.memory_space<hbm>>
      %dma_wait3A_252 = tpu.memref_slice %arg10[%dma_wait3A_243] : memref<3x!tpu.dma_semaphore, #tpu.memory_space<semaphore_mem>> -> memref<1x!tpu.dma_semaphore, #tpu.memory_space<semaphore_mem>>
      %dma_wait3A_253 = tpu.memref_squeeze %dma_wait3A_252 : memref<1x!tpu.dma_semaphore, #tpu.memory_space<semaphore_mem>> -> memref<!tpu.dma_semaphore, #tpu.memory_space<semaphore_mem>>
      tpu.wait_indirect_dma semaphore(%dma_wait3A_253 : memref<!tpu.dma_semaphore, #tpu.memory_space<semaphore_mem>>) src(%dma_wait3A_251 : memref<10000x128xf32, #tpu.memory_space<hbm>>) dst(%dma_wait3A_247 : memref<80x128xf32, #tpu.memory_space<vmem>>)
      %sub3A = arith.constant 0 : i32
      %sub3A_254 = arith.subi %add3A_228, %sub3A : i32
      %dma_start3A_255 = arith.constant 0 : i32
      %dma_start3A_256 = arith.constant 0 : i32
      %dma_start3A_257 = arith.constant 0 : i32
      %dma_start3A_258 = tpu.memref_slice %arg8[%scan3A, %dma_start3A_256, %dma_start3A_257] : memref<3x80x128xf32, #tpu.memory_space<vmem>> -> memref<1x80x128xf32, #tpu.memory_space<vmem>>
      %dma_start3A_259 = tpu.memref_squeeze %dma_start3A_258 : memref<1x80x128xf32, #tpu.memory_space<vmem>> -> memref<80x128xf32, #tpu.memory_space<vmem>>
      %dma_start3A_260 = arith.constant 0 : i32
      %dma_start3A_261 = tpu.memref_slice %arg7[%sub3A_254, %dma_start3A_260] : memref<64x80xi32, #tpu.memory_space<vmem>> -> memref<1x80xi32, #tpu.memory_space<vmem>>
      %dma_start3A_262 = tpu.memref_squeeze %dma_start3A_261 : memref<1x80xi32, #tpu.memory_space<vmem>> -> memref<80xi32, #tpu.memory_space<vmem>>
      %dma_start3A_263 = arith.constant 0 : i32
      %dma_start3A_264 = arith.constant 0 : i32
      %dma_start3A_265 = tpu.memref_slice %arg9[%dma_start3A_263, %dma_start3A_264] : memref<10000x128xf32, #tpu.memory_space<vmem_shared>> -> memref<10000x128xf32, #tpu.memory_space<vmem_shared>>
      %dma_start3A_266 = tpu.memref_slice %arg11[%dma_start3A_255] : memref<3x!tpu.dma_semaphore, #tpu.memory_space<semaphore_mem>> -> memref<1x!tpu.dma_semaphore, #tpu.memory_space<semaphore_mem>>
      %dma_start3A_267 = tpu.memref_squeeze %dma_start3A_266 : memref<1x!tpu.dma_semaphore, #tpu.memory_space<semaphore_mem>> -> memref<!tpu.dma_semaphore, #tpu.memory_space<semaphore_mem>>
      tpu.enqueue_indirect_dma source(%dma_start3A_259 : memref<80x128xf32, #tpu.memory_space<vmem>>) target(%dma_start3A_265 : memref<10000x128xf32, #tpu.memory_space<vmem_shared>>) offsets(%dma_start3A_262 : memref<80xi32, #tpu.memory_space<vmem>>) semaphore(%dma_start3A_267 : memref<!tpu.dma_semaphore, #tpu.memory_space<semaphore_mem>>) {add = true}
      %mul3A_268 = arith.constant 80 : i32
      %mul3A_269 = arith.muli %add3A_234, %mul3A_268 : i32
      %dma_wait3A_270 = arith.constant 1 : i32
      %dma_wait3A_271 = arith.constant 0 : i32
      %dma_wait3A_272 = arith.constant 0 : i32
      %dma_wait3A_273 = tpu.memref_slice %arg8[%scan3A_84, %dma_wait3A_271, %dma_wait3A_272] : memref<3x80x128xf32, #tpu.memory_space<vmem>> -> memref<1x80x128xf32, #tpu.memory_space<vmem>>
      %dma_wait3A_274 = tpu.memref_squeeze %dma_wait3A_273 : memref<1x80x128xf32, #tpu.memory_space<vmem>> -> memref<80x128xf32, #tpu.memory_space<vmem>>
      %dma_wait3A_275 = tpu.memref_slice %arg6[%mul3A_269] : memref<10000xi32, #tpu.memory_space<vmem>> -> memref<80xi32, #tpu.memory_space<vmem>>
      %dma_wait3A_276 = arith.constant 0 : i32
      %dma_wait3A_277 = arith.constant 0 : i32
      %dma_wait3A_278 = tpu.memref_slice %arg2[%dma_wait3A_276, %dma_wait3A_277] : memref<10000x128xf32, #tpu.memory_space<hbm>> -> memref<10000x128xf32, #tpu.memory_space<hbm>>
      %dma_wait3A_279 = tpu.memref_slice %arg10[%dma_wait3A_270] : memref<3x!tpu.dma_semaphore, #tpu.memory_space<semaphore_mem>> -> memref<1x!tpu.dma_semaphore, #tpu.memory_space<semaphore_mem>>
      %dma_wait3A_280 = tpu.memref_squeeze %dma_wait3A_279 : memref<1x!tpu.dma_semaphore, #tpu.memory_space<semaphore_mem>> -> memref<!tpu.dma_semaphore, #tpu.memory_space<semaphore_mem>>
      tpu.wait_indirect_dma semaphore(%dma_wait3A_280 : memref<!tpu.dma_semaphore, #tpu.memory_space<semaphore_mem>>) src(%dma_wait3A_278 : memref<10000x128xf32, #tpu.memory_space<hbm>>) dst(%dma_wait3A_274 : memref<80x128xf32, #tpu.memory_space<vmem>>)
      %sub3A_281 = arith.constant 0 : i32
      %sub3A_282 = arith.subi %add3A_234, %sub3A_281 : i32
      %dma_start3A_283 = arith.constant 1 : i32
      %dma_start3A_284 = arith.constant 0 : i32
      %dma_start3A_285 = arith.constant 0 : i32
      %dma_start3A_286 = tpu.memref_slice %arg8[%scan3A_84, %dma_start3A_284, %dma_start3A_285] : memref<3x80x128xf32, #tpu.memory_space<vmem>> -> memref<1x80x128xf32, #tpu.memory_space<vmem>>
      %dma_start3A_287 = tpu.memref_squeeze %dma_start3A_286 : memref<1x80x128xf32, #tpu.memory_space<vmem>> -> memref<80x128xf32, #tpu.memory_space<vmem>>
      %dma_start3A_288 = arith.constant 0 : i32
      %dma_start3A_289 = tpu.memref_slice %arg7[%sub3A_282, %dma_start3A_288] : memref<64x80xi32, #tpu.memory_space<vmem>> -> memref<1x80xi32, #tpu.memory_space<vmem>>
      %dma_start3A_290 = tpu.memref_squeeze %dma_start3A_289 : memref<1x80xi32, #tpu.memory_space<vmem>> -> memref<80xi32, #tpu.memory_space<vmem>>
      %dma_start3A_291 = arith.constant 0 : i32
      %dma_start3A_292 = arith.constant 0 : i32
      %dma_start3A_293 = tpu.memref_slice %arg9[%dma_start3A_291, %dma_start3A_292] : memref<10000x128xf32, #tpu.memory_space<vmem_shared>> -> memref<10000x128xf32, #tpu.memory_space<vmem_shared>>
      %dma_start3A_294 = tpu.memref_slice %arg11[%dma_start3A_283] : memref<3x!tpu.dma_semaphore, #tpu.memory_space<semaphore_mem>> -> memref<1x!tpu.dma_semaphore, #tpu.memory_space<semaphore_mem>>
      %dma_start3A_295 = tpu.memref_squeeze %dma_start3A_294 : memref<1x!tpu.dma_semaphore, #tpu.memory_space<semaphore_mem>> -> memref<!tpu.dma_semaphore, #tpu.memory_space<semaphore_mem>>
      tpu.enqueue_indirect_dma source(%dma_start3A_287 : memref<80x128xf32, #tpu.memory_space<vmem>>) target(%dma_start3A_293 : memref<10000x128xf32, #tpu.memory_space<vmem_shared>>) offsets(%dma_start3A_290 : memref<80xi32, #tpu.memory_space<vmem>>) semaphore(%dma_start3A_295 : memref<!tpu.dma_semaphore, #tpu.memory_space<semaphore_mem>>) {add = true}
      %mul3A_296 = arith.constant 80 : i32
      %mul3A_297 = arith.muli %add3A_240, %mul3A_296 : i32
      %dma_wait3A_298 = arith.constant 2 : i32
      %dma_wait3A_299 = arith.constant 0 : i32
      %dma_wait3A_300 = arith.constant 0 : i32
      %dma_wait3A_301 = tpu.memref_slice %arg8[%scan3A_85, %dma_wait3A_299, %dma_wait3A_300] : memref<3x80x128xf32, #tpu.memory_space<vmem>> -> memref<1x80x128xf32, #tpu.memory_space<vmem>>
      %dma_wait3A_302 = tpu.memref_squeeze %dma_wait3A_301 : memref<1x80x128xf32, #tpu.memory_space<vmem>> -> memref<80x128xf32, #tpu.memory_space<vmem>>
      %dma_wait3A_303 = tpu.memref_slice %arg6[%mul3A_297] : memref<10000xi32, #tpu.memory_space<vmem>> -> memref<80xi32, #tpu.memory_space<vmem>>
      %dma_wait3A_304 = arith.constant 0 : i32
      %dma_wait3A_305 = arith.constant 0 : i32
      %dma_wait3A_306 = tpu.memref_slice %arg2[%dma_wait3A_304, %dma_wait3A_305] : memref<10000x128xf32, #tpu.memory_space<hbm>> -> memref<10000x128xf32, #tpu.memory_space<hbm>>
      %dma_wait3A_307 = tpu.memref_slice %arg10[%dma_wait3A_298] : memref<3x!tpu.dma_semaphore, #tpu.memory_space<semaphore_mem>> -> memref<1x!tpu.dma_semaphore, #tpu.memory_space<semaphore_mem>>
      %dma_wait3A_308 = tpu.memref_squeeze %dma_wait3A_307 : memref<1x!tpu.dma_semaphore, #tpu.memory_space<semaphore_mem>> -> memref<!tpu.dma_semaphore, #tpu.memory_space<semaphore_mem>>
      tpu.wait_indirect_dma semaphore(%dma_wait3A_308 : memref<!tpu.dma_semaphore, #tpu.memory_space<semaphore_mem>>) src(%dma_wait3A_306 : memref<10000x128xf32, #tpu.memory_space<hbm>>) dst(%dma_wait3A_302 : memref<80x128xf32, #tpu.memory_space<vmem>>)
      %sub3A_309 = arith.constant 0 : i32
      %sub3A_310 = arith.subi %add3A_240, %sub3A_309 : i32
      %dma_start3A_311 = arith.constant 2 : i32
      %dma_start3A_312 = arith.constant 0 : i32
      %dma_start3A_313 = arith.constant 0 : i32
      %dma_start3A_314 = tpu.memref_slice %arg8[%scan3A_85, %dma_start3A_312, %dma_start3A_313] : memref<3x80x128xf32, #tpu.memory_space<vmem>> -> memref<1x80x128xf32, #tpu.memory_space<vmem>>
      %dma_start3A_315 = tpu.memref_squeeze %dma_start3A_314 : memref<1x80x128xf32, #tpu.memory_space<vmem>> -> memref<80x128xf32, #tpu.memory_space<vmem>>
      %dma_start3A_316 = arith.constant 0 : i32
      %dma_start3A_317 = tpu.memref_slice %arg7[%sub3A_310, %dma_start3A_316] : memref<64x80xi32, #tpu.memory_space<vmem>> -> memref<1x80xi32, #tpu.memory_space<vmem>>
      %dma_start3A_318 = tpu.memref_squeeze %dma_start3A_317 : memref<1x80xi32, #tpu.memory_space<vmem>> -> memref<80xi32, #tpu.memory_space<vmem>>
      %dma_start3A_319 = arith.constant 0 : i32
      %dma_start3A_320 = arith.constant 0 : i32
      %dma_start3A_321 = tpu.memref_slice %arg9[%dma_start3A_319, %dma_start3A_320] : memref<10000x128xf32, #tpu.memory_space<vmem_shared>> -> memref<10000x128xf32, #tpu.memory_space<vmem_shared>>
      %dma_start3A_322 = tpu.memref_slice %arg11[%dma_start3A_311] : memref<3x!tpu.dma_semaphore, #tpu.memory_space<semaphore_mem>> -> memref<1x!tpu.dma_semaphore, #tpu.memory_space<semaphore_mem>>
      %dma_start3A_323 = tpu.memref_squeeze %dma_start3A_322 : memref<1x!tpu.dma_semaphore, #tpu.memory_space<semaphore_mem>> -> memref<!tpu.dma_semaphore, #tpu.memory_space<semaphore_mem>>
      tpu.enqueue_indirect_dma source(%dma_start3A_315 : memref<80x128xf32, #tpu.memory_space<vmem>>) target(%dma_start3A_321 : memref<10000x128xf32, #tpu.memory_space<vmem_shared>>) offsets(%dma_start3A_318 : memref<80xi32, #tpu.memory_space<vmem>>) semaphore(%dma_start3A_323 : memref<!tpu.dma_semaphore, #tpu.memory_space<semaphore_mem>>) {add = true}
      %sub3A_324 = arith.constant 0 : i32
      %sub3A_325 = arith.subi %add3A_228, %sub3A_324 : i32
      %dma_wait3A_326 = arith.constant 0 : i32
      %dma_wait3A_327 = arith.constant 0 : i32
      %dma_wait3A_328 = arith.constant 0 : i32
      %dma_wait3A_329 = tpu.memref_slice %arg8[%scan3A, %dma_wait3A_327, %dma_wait3A_328] : memref<3x80x128xf32, #tpu.memory_space<vmem>> -> memref<1x80x128xf32, #tpu.memory_space<vmem>>
      %dma_wait3A_330 = tpu.memref_squeeze %dma_wait3A_329 : memref<1x80x128xf32, #tpu.memory_space<vmem>> -> memref<80x128xf32, #tpu.memory_space<vmem>>
      %dma_wait3A_331 = arith.constant 0 : i32
      %dma_wait3A_332 = tpu.memref_slice %arg7[%sub3A_325, %dma_wait3A_331] : memref<64x80xi32, #tpu.memory_space<vmem>> -> memref<1x80xi32, #tpu.memory_space<vmem>>
      %dma_wait3A_333 = tpu.memref_squeeze %dma_wait3A_332 : memref<1x80xi32, #tpu.memory_space<vmem>> -> memref<80xi32, #tpu.memory_space<vmem>>
      %dma_wait3A_334 = arith.constant 0 : i32
      %dma_wait3A_335 = arith.constant 0 : i32
      %dma_wait3A_336 = tpu.memref_slice %arg9[%dma_wait3A_334, %dma_wait3A_335] : memref<10000x128xf32, #tpu.memory_space<vmem_shared>> -> memref<10000x128xf32, #tpu.memory_space<vmem_shared>>
      %dma_wait3A_337 = tpu.memref_slice %arg11[%dma_wait3A_326] : memref<3x!tpu.dma_semaphore, #tpu.memory_space<semaphore_mem>> -> memref<1x!tpu.dma_semaphore, #tpu.memory_space<semaphore_mem>>
      %dma_wait3A_338 = tpu.memref_squeeze %dma_wait3A_337 : memref<1x!tpu.dma_semaphore, #tpu.memory_space<semaphore_mem>> -> memref<!tpu.dma_semaphore, #tpu.memory_space<semaphore_mem>>
      tpu.wait_indirect_dma semaphore(%dma_wait3A_338 : memref<!tpu.dma_semaphore, #tpu.memory_space<semaphore_mem>>) src(%dma_wait3A_330 : memref<80x128xf32, #tpu.memory_space<vmem>>) dst(%dma_wait3A_336 : memref<10000x128xf32, #tpu.memory_space<vmem_shared>>)
      %add3A_339 = arith.constant 3 : i32
      %add3A_340 = arith.addi %add3A_228, %add3A_339 : i32
      %mul3A_341 = arith.constant 80 : i32
      %mul3A_342 = arith.muli %add3A_340, %mul3A_341 : i32
      %dma_start3A_343 = arith.constant 0 : i32
      %dma_start3A_344 = arith.constant 0 : i32
      %dma_start3A_345 = arith.constant 0 : i32
      %dma_start3A_346 = tpu.memref_slice %arg8[%scan3A, %dma_start3A_344, %dma_start3A_345] : memref<3x80x128xf32, #tpu.memory_space<vmem>> -> memref<1x80x128xf32, #tpu.memory_space<vmem>>
      %dma_start3A_347 = tpu.memref_squeeze %dma_start3A_346 : memref<1x80x128xf32, #tpu.memory_space<vmem>> -> memref<80x128xf32, #tpu.memory_space<vmem>>
      %dma_start3A_348 = tpu.memref_slice %arg6[%mul3A_342] : memref<10000xi32, #tpu.memory_space<vmem>> -> memref<80xi32, #tpu.memory_space<vmem>>
      %dma_start3A_349 = arith.constant 0 : i32
      %dma_start3A_350 = arith.constant 0 : i32
      %dma_start3A_351 = tpu.memref_slice %arg2[%dma_start3A_349, %dma_start3A_350] : memref<10000x128xf32, #tpu.memory_space<hbm>> -> memref<10000x128xf32, #tpu.memory_space<hbm>>
      %dma_start3A_352 = tpu.memref_slice %arg10[%dma_start3A_343] : memref<3x!tpu.dma_semaphore, #tpu.memory_space<semaphore_mem>> -> memref<1x!tpu.dma_semaphore, #tpu.memory_space<semaphore_mem>>
      %dma_start3A_353 = tpu.memref_squeeze %dma_start3A_352 : memref<1x!tpu.dma_semaphore, #tpu.memory_space<semaphore_mem>> -> memref<!tpu.dma_semaphore, #tpu.memory_space<semaphore_mem>>
      tpu.enqueue_indirect_dma source(%dma_start3A_351 : memref<10000x128xf32, #tpu.memory_space<hbm>>) target(%dma_start3A_347 : memref<80x128xf32, #tpu.memory_space<vmem>>) offsets(%dma_start3A_348 : memref<80xi32, #tpu.memory_space<vmem>>) semaphore(%dma_start3A_353 : memref<!tpu.dma_semaphore, #tpu.memory_space<semaphore_mem>>)
      %sub3A_354 = arith.constant 0 : i32
      %sub3A_355 = arith.subi %add3A_234, %sub3A_354 : i32
      %dma_wait3A_356 = arith.constant 1 : i32
      %dma_wait3A_357 = arith.constant 0 : i32
      %dma_wait3A_358 = arith.constant 0 : i32
      %dma_wait3A_359 = tpu.memref_slice %arg8[%scan3A_84, %dma_wait3A_357, %dma_wait3A_358] : memref<3x80x128xf32, #tpu.memory_space<vmem>> -> memref<1x80x128xf32, #tpu.memory_space<vmem>>
      %dma_wait3A_360 = tpu.memref_squeeze %dma_wait3A_359 : memref<1x80x128xf32, #tpu.memory_space<vmem>> -> memref<80x128xf32, #tpu.memory_space<vmem>>
      %dma_wait3A_361 = arith.constant 0 : i32
      %dma_wait3A_362 = tpu.memref_slice %arg7[%sub3A_355, %dma_wait3A_361] : memref<64x80xi32, #tpu.memory_space<vmem>> -> memref<1x80xi32, #tpu.memory_space<vmem>>
      %dma_wait3A_363 = tpu.memref_squeeze %dma_wait3A_362 : memref<1x80xi32, #tpu.memory_space<vmem>> -> memref<80xi32, #tpu.memory_space<vmem>>
      %dma_wait3A_364 = arith.constant 0 : i32
      %dma_wait3A_365 = arith.constant 0 : i32
      %dma_wait3A_366 = tpu.memref_slice %arg9[%dma_wait3A_364, %dma_wait3A_365] : memref<10000x128xf32, #tpu.memory_space<vmem_shared>> -> memref<10000x128xf32, #tpu.memory_space<vmem_shared>>
      %dma_wait3A_367 = tpu.memref_slice %arg11[%dma_wait3A_356] : memref<3x!tpu.dma_semaphore, #tpu.memory_space<semaphore_mem>> -> memref<1x!tpu.dma_semaphore, #tpu.memory_space<semaphore_mem>>
      %dma_wait3A_368 = tpu.memref_squeeze %dma_wait3A_367 : memref<1x!tpu.dma_semaphore, #tpu.memory_space<semaphore_mem>> -> memref<!tpu.dma_semaphore, #tpu.memory_space<semaphore_mem>>
      tpu.wait_indirect_dma semaphore(%dma_wait3A_368 : memref<!tpu.dma_semaphore, #tpu.memory_space<semaphore_mem>>) src(%dma_wait3A_360 : memref<80x128xf32, #tpu.memory_space<vmem>>) dst(%dma_wait3A_366 : memref<10000x128xf32, #tpu.memory_space<vmem_shared>>)
      %add3A_369 = arith.constant 3 : i32
      %add3A_370 = arith.addi %add3A_234, %add3A_369 : i32
      %mul3A_371 = arith.constant 80 : i32
      %mul3A_372 = arith.muli %add3A_370, %mul3A_371 : i32
      %dma_start3A_373 = arith.constant 1 : i32
      %dma_start3A_374 = arith.constant 0 : i32
      %dma_start3A_375 = arith.constant 0 : i32
      %dma_start3A_376 = tpu.memref_slice %arg8[%scan3A_84, %dma_start3A_374, %dma_start3A_375] : memref<3x80x128xf32, #tpu.memory_space<vmem>> -> memref<1x80x128xf32, #tpu.memory_space<vmem>>
      %dma_start3A_377 = tpu.memref_squeeze %dma_start3A_376 : memref<1x80x128xf32, #tpu.memory_space<vmem>> -> memref<80x128xf32, #tpu.memory_space<vmem>>
      %dma_start3A_378 = tpu.memref_slice %arg6[%mul3A_372] : memref<10000xi32, #tpu.memory_space<vmem>> -> memref<80xi32, #tpu.memory_space<vmem>>
      %dma_start3A_379 = arith.constant 0 : i32
      %dma_start3A_380 = arith.constant 0 : i32
      %dma_start3A_381 = tpu.memref_slice %arg2[%dma_start3A_379, %dma_start3A_380] : memref<10000x128xf32, #tpu.memory_space<hbm>> -> memref<10000x128xf32, #tpu.memory_space<hbm>>
      %dma_start3A_382 = tpu.memref_slice %arg10[%dma_start3A_373] : memref<3x!tpu.dma_semaphore, #tpu.memory_space<semaphore_mem>> -> memref<1x!tpu.dma_semaphore, #tpu.memory_space<semaphore_mem>>
      %dma_start3A_383 = tpu.memref_squeeze %dma_start3A_382 : memref<1x!tpu.dma_semaphore, #tpu.memory_space<semaphore_mem>> -> memref<!tpu.dma_semaphore, #tpu.memory_space<semaphore_mem>>
      tpu.enqueue_indirect_dma source(%dma_start3A_381 : memref<10000x128xf32, #tpu.memory_space<hbm>>) target(%dma_start3A_377 : memref<80x128xf32, #tpu.memory_space<vmem>>) offsets(%dma_start3A_378 : memref<80xi32, #tpu.memory_space<vmem>>) semaphore(%dma_start3A_383 : memref<!tpu.dma_semaphore, #tpu.memory_space<semaphore_mem>>)
      %sub3A_384 = arith.constant 0 : i32
      %sub3A_385 = arith.subi %add3A_240, %sub3A_384 : i32
      %dma_wait3A_386 = arith.constant 2 : i32
      %dma_wait3A_387 = arith.constant 0 : i32
      %dma_wait3A_388 = arith.constant 0 : i32
      %dma_wait3A_389 = tpu.memref_slice %arg8[%scan3A_85, %dma_wait3A_387, %dma_wait3A_388] : memref<3x80x128xf32, #tpu.memory_space<vmem>> -> memref<1x80x128xf32, #tpu.memory_space<vmem>>
      %dma_wait3A_390 = tpu.memref_squeeze %dma_wait3A_389 : memref<1x80x128xf32, #tpu.memory_space<vmem>> -> memref<80x128xf32, #tpu.memory_space<vmem>>
      %dma_wait3A_391 = arith.constant 0 : i32
      %dma_wait3A_392 = tpu.memref_slice %arg7[%sub3A_385, %dma_wait3A_391] : memref<64x80xi32, #tpu.memory_space<vmem>> -> memref<1x80xi32, #tpu.memory_space<vmem>>
      %dma_wait3A_393 = tpu.memref_squeeze %dma_wait3A_392 : memref<1x80xi32, #tpu.memory_space<vmem>> -> memref<80xi32, #tpu.memory_space<vmem>>
      %dma_wait3A_394 = arith.constant 0 : i32
      %dma_wait3A_395 = arith.constant 0 : i32
      %dma_wait3A_396 = tpu.memref_slice %arg9[%dma_wait3A_394, %dma_wait3A_395] : memref<10000x128xf32, #tpu.memory_space<vmem_shared>> -> memref<10000x128xf32, #tpu.memory_space<vmem_shared>>
      %dma_wait3A_397 = tpu.memref_slice %arg11[%dma_wait3A_386] : memref<3x!tpu.dma_semaphore, #tpu.memory_space<semaphore_mem>> -> memref<1x!tpu.dma_semaphore, #tpu.memory_space<semaphore_mem>>
      %dma_wait3A_398 = tpu.memref_squeeze %dma_wait3A_397 : memref<1x!tpu.dma_semaphore, #tpu.memory_space<semaphore_mem>> -> memref<!tpu.dma_semaphore, #tpu.memory_space<semaphore_mem>>
      tpu.wait_indirect_dma semaphore(%dma_wait3A_398 : memref<!tpu.dma_semaphore, #tpu.memory_space<semaphore_mem>>) src(%dma_wait3A_390 : memref<80x128xf32, #tpu.memory_space<vmem>>) dst(%dma_wait3A_396 : memref<10000x128xf32, #tpu.memory_space<vmem_shared>>)
      %add3A_399 = arith.constant 3 : i32
      %add3A_400 = arith.addi %add3A_240, %add3A_399 : i32
      %mul3A_401 = arith.constant 80 : i32
      %mul3A_402 = arith.muli %add3A_400, %mul3A_401 : i32
      %dma_start3A_403 = arith.constant 2 : i32
      %dma_start3A_404 = arith.constant 0 : i32
      %dma_start3A_405 = arith.constant 0 : i32
      %dma_start3A_406 = tpu.memref_slice %arg8[%scan3A_85, %dma_start3A_404, %dma_start3A_405] : memref<3x80x128xf32, #tpu.memory_space<vmem>> -> memref<1x80x128xf32, #tpu.memory_space<vmem>>
      %dma_start3A_407 = tpu.memref_squeeze %dma_start3A_406 : memref<1x80x128xf32, #tpu.memory_space<vmem>> -> memref<80x128xf32, #tpu.memory_space<vmem>>
      %dma_start3A_408 = tpu.memref_slice %arg6[%mul3A_402] : memref<10000xi32, #tpu.memory_space<vmem>> -> memref<80xi32, #tpu.memory_space<vmem>>
      %dma_start3A_409 = arith.constant 0 : i32
      %dma_start3A_410 = arith.constant 0 : i32
      %dma_start3A_411 = tpu.memref_slice %arg2[%dma_start3A_409, %dma_start3A_410] : memref<10000x128xf32, #tpu.memory_space<hbm>> -> memref<10000x128xf32, #tpu.memory_space<hbm>>
      %dma_start3A_412 = tpu.memref_slice %arg10[%dma_start3A_403] : memref<3x!tpu.dma_semaphore, #tpu.memory_space<semaphore_mem>> -> memref<1x!tpu.dma_semaphore, #tpu.memory_space<semaphore_mem>>
      %dma_start3A_413 = tpu.memref_squeeze %dma_start3A_412 : memref<1x!tpu.dma_semaphore, #tpu.memory_space<semaphore_mem>> -> memref<!tpu.dma_semaphore, #tpu.memory_space<semaphore_mem>>
      tpu.enqueue_indirect_dma source(%dma_start3A_411 : memref<10000x128xf32, #tpu.memory_space<hbm>>) target(%dma_start3A_407 : memref<80x128xf32, #tpu.memory_space<vmem>>) offsets(%dma_start3A_408 : memref<80xi32, #tpu.memory_space<vmem>>) semaphore(%dma_start3A_413 : memref<!tpu.dma_semaphore, #tpu.memory_space<semaphore_mem>>)
    }
    %scan3A_90 = arith.constant 21 : i32
    %dma_wait3A_91 = arith.constant 0 : i32
    %dma_wait3A_92 = arith.constant 0 : i32
    %dma_wait3A_93 = arith.constant 0 : i32
    %dma_wait3A_94 = arith.constant 0 : i32
    %dma_wait3A_95 = tpu.memref_slice %arg8[%dma_wait3A_91, %dma_wait3A_93, %dma_wait3A_94] : memref<3x80x128xf32, #tpu.memory_space<vmem>> -> memref<1x80x128xf32, #tpu.memory_space<vmem>>
    %dma_wait3A_96 = tpu.memref_squeeze %dma_wait3A_95 : memref<1x80x128xf32, #tpu.memory_space<vmem>> -> memref<80x128xf32, #tpu.memory_space<vmem>>
    %dma_wait3A_97 = arith.constant 5040 : i32
    %dma_wait3A_98 = tpu.memref_slice %arg6[%dma_wait3A_97] : memref<10000xi32, #tpu.memory_space<vmem>> -> memref<80xi32, #tpu.memory_space<vmem>>
    %dma_wait3A_99 = arith.constant 0 : i32
    %dma_wait3A_100 = arith.constant 0 : i32
    %dma_wait3A_101 = tpu.memref_slice %arg2[%dma_wait3A_99, %dma_wait3A_100] : memref<10000x128xf32, #tpu.memory_space<hbm>> -> memref<10000x128xf32, #tpu.memory_space<hbm>>
    %dma_wait3A_102 = tpu.memref_slice %arg10[%dma_wait3A_92] : memref<3x!tpu.dma_semaphore, #tpu.memory_space<semaphore_mem>> -> memref<1x!tpu.dma_semaphore, #tpu.memory_space<semaphore_mem>>
    %dma_wait3A_103 = tpu.memref_squeeze %dma_wait3A_102 : memref<1x!tpu.dma_semaphore, #tpu.memory_space<semaphore_mem>> -> memref<!tpu.dma_semaphore, #tpu.memory_space<semaphore_mem>>
    tpu.wait_indirect_dma semaphore(%dma_wait3A_103 : memref<!tpu.dma_semaphore, #tpu.memory_space<semaphore_mem>>) src(%dma_wait3A_101 : memref<10000x128xf32, #tpu.memory_space<hbm>>) dst(%dma_wait3A_96 : memref<80x128xf32, #tpu.memory_space<vmem>>)
    %dma_start3A_104 = arith.constant 0 : i32
    %dma_start3A_105 = arith.constant 63 : i32
    %dma_start3A_106 = arith.constant 0 : i32
    %dma_start3A_107 = arith.constant 0 : i32
    %dma_start3A_108 = arith.constant 0 : i32
    %dma_start3A_109 = tpu.memref_slice %arg8[%dma_start3A_104, %dma_start3A_107, %dma_start3A_108] : memref<3x80x128xf32, #tpu.memory_space<vmem>> -> memref<1x80x128xf32, #tpu.memory_space<vmem>>
    %dma_start3A_110 = tpu.memref_squeeze %dma_start3A_109 : memref<1x80x128xf32, #tpu.memory_space<vmem>> -> memref<80x128xf32, #tpu.memory_space<vmem>>
    %dma_start3A_111 = arith.constant 0 : i32
    %dma_start3A_112 = tpu.memref_slice %arg7[%dma_start3A_105, %dma_start3A_111] : memref<64x80xi32, #tpu.memory_space<vmem>> -> memref<1x80xi32, #tpu.memory_space<vmem>>
    %dma_start3A_113 = tpu.memref_squeeze %dma_start3A_112 : memref<1x80xi32, #tpu.memory_space<vmem>> -> memref<80xi32, #tpu.memory_space<vmem>>
    %dma_start3A_114 = arith.constant 0 : i32
    %dma_start3A_115 = arith.constant 0 : i32
    %dma_start3A_116 = tpu.memref_slice %arg9[%dma_start3A_114, %dma_start3A_115] : memref<10000x128xf32, #tpu.memory_space<vmem_shared>> -> memref<10000x128xf32, #tpu.memory_space<vmem_shared>>
    %dma_start3A_117 = tpu.memref_slice %arg11[%dma_start3A_106] : memref<3x!tpu.dma_semaphore, #tpu.memory_space<semaphore_mem>> -> memref<1x!tpu.dma_semaphore, #tpu.memory_space<semaphore_mem>>
    %dma_start3A_118 = tpu.memref_squeeze %dma_start3A_117 : memref<1x!tpu.dma_semaphore, #tpu.memory_space<semaphore_mem>> -> memref<!tpu.dma_semaphore, #tpu.memory_space<semaphore_mem>>
    tpu.enqueue_indirect_dma source(%dma_start3A_110 : memref<80x128xf32, #tpu.memory_space<vmem>>) target(%dma_start3A_116 : memref<10000x128xf32, #tpu.memory_space<vmem_shared>>) offsets(%dma_start3A_113 : memref<80xi32, #tpu.memory_space<vmem>>) semaphore(%dma_start3A_118 : memref<!tpu.dma_semaphore, #tpu.memory_space<semaphore_mem>>) {add = true}
    %dma_wait3A_119 = arith.constant 0 : i32
    %dma_wait3A_120 = arith.constant 63 : i32
    %dma_wait3A_121 = arith.constant 0 : i32
    %dma_wait3A_122 = arith.constant 0 : i32
    %dma_wait3A_123 = arith.constant 0 : i32
    %dma_wait3A_124 = tpu.memref_slice %arg8[%dma_wait3A_119, %dma_wait3A_122, %dma_wait3A_123] : memref<3x80x128xf32, #tpu.memory_space<vmem>> -> memref<1x80x128xf32, #tpu.memory_space<vmem>>
    %dma_wait3A_125 = tpu.memref_squeeze %dma_wait3A_124 : memref<1x80x128xf32, #tpu.memory_space<vmem>> -> memref<80x128xf32, #tpu.memory_space<vmem>>
    %dma_wait3A_126 = arith.constant 0 : i32
    %dma_wait3A_127 = tpu.memref_slice %arg7[%dma_wait3A_120, %dma_wait3A_126] : memref<64x80xi32, #tpu.memory_space<vmem>> -> memref<1x80xi32, #tpu.memory_space<vmem>>
    %dma_wait3A_128 = tpu.memref_squeeze %dma_wait3A_127 : memref<1x80xi32, #tpu.memory_space<vmem>> -> memref<80xi32, #tpu.memory_space<vmem>>
    %dma_wait3A_129 = arith.constant 0 : i32
    %dma_wait3A_130 = arith.constant 0 : i32
    %dma_wait3A_131 = tpu.memref_slice %arg9[%dma_wait3A_129, %dma_wait3A_130] : memref<10000x128xf32, #tpu.memory_space<vmem_shared>> -> memref<10000x128xf32, #tpu.memory_space<vmem_shared>>
    %dma_wait3A_132 = tpu.memref_slice %arg11[%dma_wait3A_121] : memref<3x!tpu.dma_semaphore, #tpu.memory_space<semaphore_mem>> -> memref<1x!tpu.dma_semaphore, #tpu.memory_space<semaphore_mem>>
    %dma_wait3A_133 = tpu.memref_squeeze %dma_wait3A_132 : memref<1x!tpu.dma_semaphore, #tpu.memory_space<semaphore_mem>> -> memref<!tpu.dma_semaphore, #tpu.memory_space<semaphore_mem>>
    tpu.wait_indirect_dma semaphore(%dma_wait3A_133 : memref<!tpu.dma_semaphore, #tpu.memory_space<semaphore_mem>>) src(%dma_wait3A_125 : memref<80x128xf32, #tpu.memory_space<vmem>>) dst(%dma_wait3A_131 : memref<10000x128xf32, #tpu.memory_space<vmem_shared>>)
    %dma_start3A_134 = arith.constant 64 : i32
    %dma_start3A_135 = arith.constant 0 : i32
    %dma_start3A_136 = tpu.memref_slice %arg4[%add3A, %dma_start3A_134, %dma_start3A_135] : memref<32x128x80xi32, #tpu.memory_space<hbm>> -> memref<1x64x80xi32, #tpu.memory_space<hbm>>
    %dma_start3A_137 = tpu.memref_squeeze %dma_start3A_136 : memref<1x64x80xi32, #tpu.memory_space<hbm>> -> memref<64x80xi32, #tpu.memory_space<hbm>>
    %dma_start3A_138 = arith.constant 64 : i32
    %dma_start3A_139 = arith.constant 0 : i32
    %dma_start3A_140 = tpu.memref_slice %arg4[%add3A, %dma_start3A_138, %dma_start3A_139] : memref<32x128x80xi32, #tpu.memory_space<hbm>> -> memref<1x64x80xi32, #tpu.memory_space<hbm>>
    %dma_start3A_141 = tpu.memref_squeeze %dma_start3A_140 : memref<1x64x80xi32, #tpu.memory_space<hbm>> -> memref<64x80xi32, #tpu.memory_space<hbm>>
    tpu.enqueue_dma source(%dma_start3A_141 : memref<64x80xi32, #tpu.memory_space<hbm>>) target(%arg7 : memref<64x80xi32, #tpu.memory_space<vmem>>) target_semaphore(%arg12 : memref<!tpu.dma_semaphore, #tpu.memory_space<semaphore_mem>>)
    %dma_start3A_142 = arith.constant 0 : i32
    %dma_start3A_143 = arith.constant 0 : i32
    %dma_start3A_144 = arith.constant 0 : i32
    %dma_start3A_145 = arith.constant 0 : i32
    %dma_start3A_146 = tpu.memref_slice %arg8[%dma_start3A_142, %dma_start3A_144, %dma_start3A_145] : memref<3x80x128xf32, #tpu.memory_space<vmem>> -> memref<1x80x128xf32, #tpu.memory_space<vmem>>
    %dma_start3A_147 = tpu.memref_squeeze %dma_start3A_146 : memref<1x80x128xf32, #tpu.memory_space<vmem>> -> memref<80x128xf32, #tpu.memory_space<vmem>>
    %dma_start3A_148 = arith.constant 5280 : i32
    %dma_start3A_149 = tpu.memref_slice %arg6[%dma_start3A_148] : memref<10000xi32, #tpu.memory_space<vmem>> -> memref<80xi32, #tpu.memory_space<vmem>>
    %dma_start3A_150 = arith.constant 0 : i32
    %dma_start3A_151 = arith.constant 0 : i32
    %dma_start3A_152 = tpu.memref_slice %arg2[%dma_start3A_150, %dma_start3A_151] : memref<10000x128xf32, #tpu.memory_space<hbm>> -> memref<10000x128xf32, #tpu.memory_space<hbm>>
    %dma_start3A_153 = tpu.memref_slice %arg10[%dma_start3A_143] : memref<3x!tpu.dma_semaphore, #tpu.memory_space<semaphore_mem>> -> memref<1x!tpu.dma_semaphore, #tpu.memory_space<semaphore_mem>>
    %dma_start3A_154 = tpu.memref_squeeze %dma_start3A_153 : memref<1x!tpu.dma_semaphore, #tpu.memory_space<semaphore_mem>> -> memref<!tpu.dma_semaphore, #tpu.memory_space<semaphore_mem>>
    tpu.enqueue_indirect_dma source(%dma_start3A_152 : memref<10000x128xf32, #tpu.memory_space<hbm>>) target(%dma_start3A_147 : memref<80x128xf32, #tpu.memory_space<vmem>>) offsets(%dma_start3A_149 : memref<80xi32, #tpu.memory_space<vmem>>) semaphore(%dma_start3A_154 : memref<!tpu.dma_semaphore, #tpu.memory_space<semaphore_mem>>)
    %dma_wait3A_155 = arith.constant 64 : i32
    %dma_wait3A_156 = arith.constant 0 : i32
    %dma_wait3A_157 = tpu.memref_slice %arg4[%add3A, %dma_wait3A_155, %dma_wait3A_156] : memref<32x128x80xi32, #tpu.memory_space<hbm>> -> memref<1x64x80xi32, #tpu.memory_space<hbm>>
    %dma_wait3A_158 = tpu.memref_squeeze %dma_wait3A_157 : memref<1x64x80xi32, #tpu.memory_space<hbm>> -> memref<64x80xi32, #tpu.memory_space<hbm>>
    %dma_wait3A_159 = arith.constant 64 : i32
    %dma_wait3A_160 = arith.constant 0 : i32
    %dma_wait3A_161 = tpu.memref_slice %arg4[%add3A, %dma_wait3A_159, %dma_wait3A_160] : memref<32x128x80xi32, #tpu.memory_space<hbm>> -> memref<1x64x80xi32, #tpu.memory_space<hbm>>
    %dma_wait3A_162 = tpu.memref_squeeze %dma_wait3A_161 : memref<1x64x80xi32, #tpu.memory_space<hbm>> -> memref<64x80xi32, #tpu.memory_space<hbm>>
    tpu.wait_dma2 semaphore(%arg12 : memref<!tpu.dma_semaphore, #tpu.memory_space<semaphore_mem>>) src(%dma_wait3A_162 : memref<64x80xi32, #tpu.memory_space<hbm>>) dst(%arg7 : memref<64x80xi32, #tpu.memory_space<vmem>>)
    %scan3A_163 = arith.constant 1 : i32
    %scan3A_164 = arith.constant 2 : i32
    %scan3A_165 = arith.constant 0 : i32
    %scan3A_166 = arith.constant 0 : i32
    %scan3A_167 = arith.constant 20 : i32
    %scan3A_168 = arith.addi %scan3A_166, %scan3A_167 : i32
    %scan3A_169 = arith.constant 1 : i32
    scf.for %scan3A_222 = %scan3A_166 to %scan3A_168 step %scan3A_169  : i32 {
      %mul3A_223 = arith.constant 3 : i32
      %mul3A_224 = arith.muli %mul3A_223, %scan3A_222 : i32
      %add3A_225 = arith.constant 64 : i32
      %add3A_226 = arith.addi %add3A_225, %mul3A_224 : i32
      %add3A_227 = arith.constant 0 : i32
      %add3A_228 = arith.addi %add3A_226, %add3A_227 : i32
      %mul3A_229 = arith.constant 3 : i32
      %mul3A_230 = arith.muli %mul3A_229, %scan3A_222 : i32
      %add3A_231 = arith.constant 64 : i32
      %add3A_232 = arith.addi %add3A_231, %mul3A_230 : i32
      %add3A_233 = arith.constant 1 : i32
      %add3A_234 = arith.addi %add3A_232, %add3A_233 : i32
      %mul3A_235 = arith.constant 3 : i32
      %mul3A_236 = arith.muli %mul3A_235, %scan3A_222 : i32
      %add3A_237 = arith.constant 64 : i32
      %add3A_238 = arith.addi %add3A_237, %mul3A_236 : i32
      %add3A_239 = arith.constant 2 : i32
      %add3A_240 = arith.addi %add3A_238, %add3A_239 : i32
      %mul3A_241 = arith.constant 80 : i32
      %mul3A_242 = arith.muli %add3A_228, %mul3A_241 : i32
      %dma_wait3A_243 = arith.constant 1 : i32
      %dma_wait3A_244 = arith.constant 0 : i32
      %dma_wait3A_245 = arith.constant 0 : i32
      %dma_wait3A_246 = tpu.memref_slice %arg8[%scan3A_163, %dma_wait3A_244, %dma_wait3A_245] : memref<3x80x128xf32, #tpu.memory_space<vmem>> -> memref<1x80x128xf32, #tpu.memory_space<vmem>>
      %dma_wait3A_247 = tpu.memref_squeeze %dma_wait3A_246 : memref<1x80x128xf32, #tpu.memory_space<vmem>> -> memref<80x128xf32, #tpu.memory_space<vmem>>
      %dma_wait3A_248 = tpu.memref_slice %arg6[%mul3A_242] : memref<10000xi32, #tpu.memory_space<vmem>> -> memref<80xi32, #tpu.memory_space<vmem>>
      %dma_wait3A_249 = arith.constant 0 : i32
      %dma_wait3A_250 = arith.constant 0 : i32
      %dma_wait3A_251 = tpu.memref_slice %arg2[%dma_wait3A_249, %dma_wait3A_250] : memref<10000x128xf32, #tpu.memory_space<hbm>> -> memref<10000x128xf32, #tpu.memory_space<hbm>>
      %dma_wait3A_252 = tpu.memref_slice %arg10[%dma_wait3A_243] : memref<3x!tpu.dma_semaphore, #tpu.memory_space<semaphore_mem>> -> memref<1x!tpu.dma_semaphore, #tpu.memory_space<semaphore_mem>>
      %dma_wait3A_253 = tpu.memref_squeeze %dma_wait3A_252 : memref<1x!tpu.dma_semaphore, #tpu.memory_space<semaphore_mem>> -> memref<!tpu.dma_semaphore, #tpu.memory_space<semaphore_mem>>
      tpu.wait_indirect_dma semaphore(%dma_wait3A_253 : memref<!tpu.dma_semaphore, #tpu.memory_space<semaphore_mem>>) src(%dma_wait3A_251 : memref<10000x128xf32, #tpu.memory_space<hbm>>) dst(%dma_wait3A_247 : memref<80x128xf32, #tpu.memory_space<vmem>>)
      %sub3A = arith.constant 64 : i32
      %sub3A_254 = arith.subi %add3A_228, %sub3A : i32
      %dma_start3A_255 = arith.constant 1 : i32
      %dma_start3A_256 = arith.constant 0 : i32
      %dma_start3A_257 = arith.constant 0 : i32
      %dma_start3A_258 = tpu.memref_slice %arg8[%scan3A_163, %dma_start3A_256, %dma_start3A_257] : memref<3x80x128xf32, #tpu.memory_space<vmem>> -> memref<1x80x128xf32, #tpu.memory_space<vmem>>
      %dma_start3A_259 = tpu.memref_squeeze %dma_start3A_258 : memref<1x80x128xf32, #tpu.memory_space<vmem>> -> memref<80x128xf32, #tpu.memory_space<vmem>>
      %dma_start3A_260 = arith.constant 0 : i32
      %dma_start3A_261 = tpu.memref_slice %arg7[%sub3A_254, %dma_start3A_260] : memref<64x80xi32, #tpu.memory_space<vmem>> -> memref<1x80xi32, #tpu.memory_space<vmem>>
      %dma_start3A_262 = tpu.memref_squeeze %dma_start3A_261 : memref<1x80xi32, #tpu.memory_space<vmem>> -> memref<80xi32, #tpu.memory_space<vmem>>
      %dma_start3A_263 = arith.constant 0 : i32
      %dma_start3A_264 = arith.constant 0 : i32
      %dma_start3A_265 = tpu.memref_slice %arg9[%dma_start3A_263, %dma_start3A_264] : memref<10000x128xf32, #tpu.memory_space<vmem_shared>> -> memref<10000x128xf32, #tpu.memory_space<vmem_shared>>
      %dma_start3A_266 = tpu.memref_slice %arg11[%dma_start3A_255] : memref<3x!tpu.dma_semaphore, #tpu.memory_space<semaphore_mem>> -> memref<1x!tpu.dma_semaphore, #tpu.memory_space<semaphore_mem>>
      %dma_start3A_267 = tpu.memref_squeeze %dma_start3A_266 : memref<1x!tpu.dma_semaphore, #tpu.memory_space<semaphore_mem>> -> memref<!tpu.dma_semaphore, #tpu.memory_space<semaphore_mem>>
      tpu.enqueue_indirect_dma source(%dma_start3A_259 : memref<80x128xf32, #tpu.memory_space<vmem>>) target(%dma_start3A_265 : memref<10000x128xf32, #tpu.memory_space<vmem_shared>>) offsets(%dma_start3A_262 : memref<80xi32, #tpu.memory_space<vmem>>) semaphore(%dma_start3A_267 : memref<!tpu.dma_semaphore, #tpu.memory_space<semaphore_mem>>) {add = true}
      %mul3A_268 = arith.constant 80 : i32
      %mul3A_269 = arith.muli %add3A_234, %mul3A_268 : i32
      %dma_wait3A_270 = arith.constant 2 : i32
      %dma_wait3A_271 = arith.constant 0 : i32
      %dma_wait3A_272 = arith.constant 0 : i32
      %dma_wait3A_273 = tpu.memref_slice %arg8[%scan3A_164, %dma_wait3A_271, %dma_wait3A_272] : memref<3x80x128xf32, #tpu.memory_space<vmem>> -> memref<1x80x128xf32, #tpu.memory_space<vmem>>
      %dma_wait3A_274 = tpu.memref_squeeze %dma_wait3A_273 : memref<1x80x128xf32, #tpu.memory_space<vmem>> -> memref<80x128xf32, #tpu.memory_space<vmem>>
      %dma_wait3A_275 = tpu.memref_slice %arg6[%mul3A_269] : memref<10000xi32, #tpu.memory_space<vmem>> -> memref<80xi32, #tpu.memory_space<vmem>>
      %dma_wait3A_276 = arith.constant 0 : i32
      %dma_wait3A_277 = arith.constant 0 : i32
      %dma_wait3A_278 = tpu.memref_slice %arg2[%dma_wait3A_276, %dma_wait3A_277] : memref<10000x128xf32, #tpu.memory_space<hbm>> -> memref<10000x128xf32, #tpu.memory_space<hbm>>
      %dma_wait3A_279 = tpu.memref_slice %arg10[%dma_wait3A_270] : memref<3x!tpu.dma_semaphore, #tpu.memory_space<semaphore_mem>> -> memref<1x!tpu.dma_semaphore, #tpu.memory_space<semaphore_mem>>
      %dma_wait3A_280 = tpu.memref_squeeze %dma_wait3A_279 : memref<1x!tpu.dma_semaphore, #tpu.memory_space<semaphore_mem>> -> memref<!tpu.dma_semaphore, #tpu.memory_space<semaphore_mem>>
      tpu.wait_indirect_dma semaphore(%dma_wait3A_280 : memref<!tpu.dma_semaphore, #tpu.memory_space<semaphore_mem>>) src(%dma_wait3A_278 : memref<10000x128xf32, #tpu.memory_space<hbm>>) dst(%dma_wait3A_274 : memref<80x128xf32, #tpu.memory_space<vmem>>)
      %sub3A_281 = arith.constant 64 : i32
      %sub3A_282 = arith.subi %add3A_234, %sub3A_281 : i32
      %dma_start3A_283 = arith.constant 2 : i32
      %dma_start3A_284 = arith.constant 0 : i32
      %dma_start3A_285 = arith.constant 0 : i32
      %dma_start3A_286 = tpu.memref_slice %arg8[%scan3A_164, %dma_start3A_284, %dma_start3A_285] : memref<3x80x128xf32, #tpu.memory_space<vmem>> -> memref<1x80x128xf32, #tpu.memory_space<vmem>>
      %dma_start3A_287 = tpu.memref_squeeze %dma_start3A_286 : memref<1x80x128xf32, #tpu.memory_space<vmem>> -> memref<80x128xf32, #tpu.memory_space<vmem>>
      %dma_start3A_288 = arith.constant 0 : i32
      %dma_start3A_289 = tpu.memref_slice %arg7[%sub3A_282, %dma_start3A_288] : memref<64x80xi32, #tpu.memory_space<vmem>> -> memref<1x80xi32, #tpu.memory_space<vmem>>
      %dma_start3A_290 = tpu.memref_squeeze %dma_start3A_289 : memref<1x80xi32, #tpu.memory_space<vmem>> -> memref<80xi32, #tpu.memory_space<vmem>>
      %dma_start3A_291 = arith.constant 0 : i32
      %dma_start3A_292 = arith.constant 0 : i32
      %dma_start3A_293 = tpu.memref_slice %arg9[%dma_start3A_291, %dma_start3A_292] : memref<10000x128xf32, #tpu.memory_space<vmem_shared>> -> memref<10000x128xf32, #tpu.memory_space<vmem_shared>>
      %dma_start3A_294 = tpu.memref_slice %arg11[%dma_start3A_283] : memref<3x!tpu.dma_semaphore, #tpu.memory_space<semaphore_mem>> -> memref<1x!tpu.dma_semaphore, #tpu.memory_space<semaphore_mem>>
      %dma_start3A_295 = tpu.memref_squeeze %dma_start3A_294 : memref<1x!tpu.dma_semaphore, #tpu.memory_space<semaphore_mem>> -> memref<!tpu.dma_semaphore, #tpu.memory_space<semaphore_mem>>
      tpu.enqueue_indirect_dma source(%dma_start3A_287 : memref<80x128xf32, #tpu.memory_space<vmem>>) target(%dma_start3A_293 : memref<10000x128xf32, #tpu.memory_space<vmem_shared>>) offsets(%dma_start3A_290 : memref<80xi32, #tpu.memory_space<vmem>>) semaphore(%dma_start3A_295 : memref<!tpu.dma_semaphore, #tpu.memory_space<semaphore_mem>>) {add = true}
      %mul3A_296 = arith.constant 80 : i32
      %mul3A_297 = arith.muli %add3A_240, %mul3A_296 : i32
      %dma_wait3A_298 = arith.constant 0 : i32
      %dma_wait3A_299 = arith.constant 0 : i32
      %dma_wait3A_300 = arith.constant 0 : i32
      %dma_wait3A_301 = tpu.memref_slice %arg8[%scan3A_165, %dma_wait3A_299, %dma_wait3A_300] : memref<3x80x128xf32, #tpu.memory_space<vmem>> -> memref<1x80x128xf32, #tpu.memory_space<vmem>>
      %dma_wait3A_302 = tpu.memref_squeeze %dma_wait3A_301 : memref<1x80x128xf32, #tpu.memory_space<vmem>> -> memref<80x128xf32, #tpu.memory_space<vmem>>
      %dma_wait3A_303 = tpu.memref_slice %arg6[%mul3A_297] : memref<10000xi32, #tpu.memory_space<vmem>> -> memref<80xi32, #tpu.memory_space<vmem>>
      %dma_wait3A_304 = arith.constant 0 : i32
      %dma_wait3A_305 = arith.constant 0 : i32
      %dma_wait3A_306 = tpu.memref_slice %arg2[%dma_wait3A_304, %dma_wait3A_305] : memref<10000x128xf32, #tpu.memory_space<hbm>> -> memref<10000x128xf32, #tpu.memory_space<hbm>>
      %dma_wait3A_307 = tpu.memref_slice %arg10[%dma_wait3A_298] : memref<3x!tpu.dma_semaphore, #tpu.memory_space<semaphore_mem>> -> memref<1x!tpu.dma_semaphore, #tpu.memory_space<semaphore_mem>>
      %dma_wait3A_308 = tpu.memref_squeeze %dma_wait3A_307 : memref<1x!tpu.dma_semaphore, #tpu.memory_space<semaphore_mem>> -> memref<!tpu.dma_semaphore, #tpu.memory_space<semaphore_mem>>
      tpu.wait_indirect_dma semaphore(%dma_wait3A_308 : memref<!tpu.dma_semaphore, #tpu.memory_space<semaphore_mem>>) src(%dma_wait3A_306 : memref<10000x128xf32, #tpu.memory_space<hbm>>) dst(%dma_wait3A_302 : memref<80x128xf32, #tpu.memory_space<vmem>>)
      %sub3A_309 = arith.constant 64 : i32
      %sub3A_310 = arith.subi %add3A_240, %sub3A_309 : i32
      %dma_start3A_311 = arith.constant 0 : i32
      %dma_start3A_312 = arith.constant 0 : i32
      %dma_start3A_313 = arith.constant 0 : i32
      %dma_start3A_314 = tpu.memref_slice %arg8[%scan3A_165, %dma_start3A_312, %dma_start3A_313] : memref<3x80x128xf32, #tpu.memory_space<vmem>> -> memref<1x80x128xf32, #tpu.memory_space<vmem>>
      %dma_start3A_315 = tpu.memref_squeeze %dma_start3A_314 : memref<1x80x128xf32, #tpu.memory_space<vmem>> -> memref<80x128xf32, #tpu.memory_space<vmem>>
      %dma_start3A_316 = arith.constant 0 : i32
      %dma_start3A_317 = tpu.memref_slice %arg7[%sub3A_310, %dma_start3A_316] : memref<64x80xi32, #tpu.memory_space<vmem>> -> memref<1x80xi32, #tpu.memory_space<vmem>>
      %dma_start3A_318 = tpu.memref_squeeze %dma_start3A_317 : memref<1x80xi32, #tpu.memory_space<vmem>> -> memref<80xi32, #tpu.memory_space<vmem>>
      %dma_start3A_319 = arith.constant 0 : i32
      %dma_start3A_320 = arith.constant 0 : i32
      %dma_start3A_321 = tpu.memref_slice %arg9[%dma_start3A_319, %dma_start3A_320] : memref<10000x128xf32, #tpu.memory_space<vmem_shared>> -> memref<10000x128xf32, #tpu.memory_space<vmem_shared>>
      %dma_start3A_322 = tpu.memref_slice %arg11[%dma_start3A_311] : memref<3x!tpu.dma_semaphore, #tpu.memory_space<semaphore_mem>> -> memref<1x!tpu.dma_semaphore, #tpu.memory_space<semaphore_mem>>
      %dma_start3A_323 = tpu.memref_squeeze %dma_start3A_322 : memref<1x!tpu.dma_semaphore, #tpu.memory_space<semaphore_mem>> -> memref<!tpu.dma_semaphore, #tpu.memory_space<semaphore_mem>>
      tpu.enqueue_indirect_dma source(%dma_start3A_315 : memref<80x128xf32, #tpu.memory_space<vmem>>) target(%dma_start3A_321 : memref<10000x128xf32, #tpu.memory_space<vmem_shared>>) offsets(%dma_start3A_318 : memref<80xi32, #tpu.memory_space<vmem>>) semaphore(%dma_start3A_323 : memref<!tpu.dma_semaphore, #tpu.memory_space<semaphore_mem>>) {add = true}
      %sub3A_324 = arith.constant 64 : i32
      %sub3A_325 = arith.subi %add3A_228, %sub3A_324 : i32
      %dma_wait3A_326 = arith.constant 1 : i32
      %dma_wait3A_327 = arith.constant 0 : i32
      %dma_wait3A_328 = arith.constant 0 : i32
      %dma_wait3A_329 = tpu.memref_slice %arg8[%scan3A_163, %dma_wait3A_327, %dma_wait3A_328] : memref<3x80x128xf32, #tpu.memory_space<vmem>> -> memref<1x80x128xf32, #tpu.memory_space<vmem>>
      %dma_wait3A_330 = tpu.memref_squeeze %dma_wait3A_329 : memref<1x80x128xf32, #tpu.memory_space<vmem>> -> memref<80x128xf32, #tpu.memory_space<vmem>>
      %dma_wait3A_331 = arith.constant 0 : i32
      %dma_wait3A_332 = tpu.memref_slice %arg7[%sub3A_325, %dma_wait3A_331] : memref<64x80xi32, #tpu.memory_space<vmem>> -> memref<1x80xi32, #tpu.memory_space<vmem>>
      %dma_wait3A_333 = tpu.memref_squeeze %dma_wait3A_332 : memref<1x80xi32, #tpu.memory_space<vmem>> -> memref<80xi32, #tpu.memory_space<vmem>>
      %dma_wait3A_334 = arith.constant 0 : i32
      %dma_wait3A_335 = arith.constant 0 : i32
      %dma_wait3A_336 = tpu.memref_slice %arg9[%dma_wait3A_334, %dma_wait3A_335] : memref<10000x128xf32, #tpu.memory_space<vmem_shared>> -> memref<10000x128xf32, #tpu.memory_space<vmem_shared>>
      %dma_wait3A_337 = tpu.memref_slice %arg11[%dma_wait3A_326] : memref<3x!tpu.dma_semaphore, #tpu.memory_space<semaphore_mem>> -> memref<1x!tpu.dma_semaphore, #tpu.memory_space<semaphore_mem>>
      %dma_wait3A_338 = tpu.memref_squeeze %dma_wait3A_337 : memref<1x!tpu.dma_semaphore, #tpu.memory_space<semaphore_mem>> -> memref<!tpu.dma_semaphore, #tpu.memory_space<semaphore_mem>>
      tpu.wait_indirect_dma semaphore(%dma_wait3A_338 : memref<!tpu.dma_semaphore, #tpu.memory_space<semaphore_mem>>) src(%dma_wait3A_330 : memref<80x128xf32, #tpu.memory_space<vmem>>) dst(%dma_wait3A_336 : memref<10000x128xf32, #tpu.memory_space<vmem_shared>>)
      %add3A_339 = arith.constant 3 : i32
      %add3A_340 = arith.addi %add3A_228, %add3A_339 : i32
      %mul3A_341 = arith.constant 80 : i32
      %mul3A_342 = arith.muli %add3A_340, %mul3A_341 : i32
      %dma_start3A_343 = arith.constant 1 : i32
      %dma_start3A_344 = arith.constant 0 : i32
      %dma_start3A_345 = arith.constant 0 : i32
      %dma_start3A_346 = tpu.memref_slice %arg8[%scan3A_163, %dma_start3A_344, %dma_start3A_345] : memref<3x80x128xf32, #tpu.memory_space<vmem>> -> memref<1x80x128xf32, #tpu.memory_space<vmem>>
      %dma_start3A_347 = tpu.memref_squeeze %dma_start3A_346 : memref<1x80x128xf32, #tpu.memory_space<vmem>> -> memref<80x128xf32, #tpu.memory_space<vmem>>
      %dma_start3A_348 = tpu.memref_slice %arg6[%mul3A_342] : memref<10000xi32, #tpu.memory_space<vmem>> -> memref<80xi32, #tpu.memory_space<vmem>>
      %dma_start3A_349 = arith.constant 0 : i32
      %dma_start3A_350 = arith.constant 0 : i32
      %dma_start3A_351 = tpu.memref_slice %arg2[%dma_start3A_349, %dma_start3A_350] : memref<10000x128xf32, #tpu.memory_space<hbm>> -> memref<10000x128xf32, #tpu.memory_space<hbm>>
      %dma_start3A_352 = tpu.memref_slice %arg10[%dma_start3A_343] : memref<3x!tpu.dma_semaphore, #tpu.memory_space<semaphore_mem>> -> memref<1x!tpu.dma_semaphore, #tpu.memory_space<semaphore_mem>>
      %dma_start3A_353 = tpu.memref_squeeze %dma_start3A_352 : memref<1x!tpu.dma_semaphore, #tpu.memory_space<semaphore_mem>> -> memref<!tpu.dma_semaphore, #tpu.memory_space<semaphore_mem>>
      tpu.enqueue_indirect_dma source(%dma_start3A_351 : memref<10000x128xf32, #tpu.memory_space<hbm>>) target(%dma_start3A_347 : memref<80x128xf32, #tpu.memory_space<vmem>>) offsets(%dma_start3A_348 : memref<80xi32, #tpu.memory_space<vmem>>) semaphore(%dma_start3A_353 : memref<!tpu.dma_semaphore, #tpu.memory_space<semaphore_mem>>)
      %sub3A_354 = arith.constant 64 : i32
      %sub3A_355 = arith.subi %add3A_234, %sub3A_354 : i32
      %dma_wait3A_356 = arith.constant 2 : i32
      %dma_wait3A_357 = arith.constant 0 : i32
      %dma_wait3A_358 = arith.constant 0 : i32
      %dma_wait3A_359 = tpu.memref_slice %arg8[%scan3A_164, %dma_wait3A_357, %dma_wait3A_358] : memref<3x80x128xf32, #tpu.memory_space<vmem>> -> memref<1x80x128xf32, #tpu.memory_space<vmem>>
      %dma_wait3A_360 = tpu.memref_squeeze %dma_wait3A_359 : memref<1x80x128xf32, #tpu.memory_space<vmem>> -> memref<80x128xf32, #tpu.memory_space<vmem>>
      %dma_wait3A_361 = arith.constant 0 : i32
      %dma_wait3A_362 = tpu.memref_slice %arg7[%sub3A_355, %dma_wait3A_361] : memref<64x80xi32, #tpu.memory_space<vmem>> -> memref<1x80xi32, #tpu.memory_space<vmem>>
      %dma_wait3A_363 = tpu.memref_squeeze %dma_wait3A_362 : memref<1x80xi32, #tpu.memory_space<vmem>> -> memref<80xi32, #tpu.memory_space<vmem>>
      %dma_wait3A_364 = arith.constant 0 : i32
      %dma_wait3A_365 = arith.constant 0 : i32
      %dma_wait3A_366 = tpu.memref_slice %arg9[%dma_wait3A_364, %dma_wait3A_365] : memref<10000x128xf32, #tpu.memory_space<vmem_shared>> -> memref<10000x128xf32, #tpu.memory_space<vmem_shared>>
      %dma_wait3A_367 = tpu.memref_slice %arg11[%dma_wait3A_356] : memref<3x!tpu.dma_semaphore, #tpu.memory_space<semaphore_mem>> -> memref<1x!tpu.dma_semaphore, #tpu.memory_space<semaphore_mem>>
      %dma_wait3A_368 = tpu.memref_squeeze %dma_wait3A_367 : memref<1x!tpu.dma_semaphore, #tpu.memory_space<semaphore_mem>> -> memref<!tpu.dma_semaphore, #tpu.memory_space<semaphore_mem>>
      tpu.wait_indirect_dma semaphore(%dma_wait3A_368 : memref<!tpu.dma_semaphore, #tpu.memory_space<semaphore_mem>>) src(%dma_wait3A_360 : memref<80x128xf32, #tpu.memory_space<vmem>>) dst(%dma_wait3A_366 : memref<10000x128xf32, #tpu.memory_space<vmem_shared>>)
      %lt3A = arith.constant 19 : i32
      %lt3A_369 = arith.cmpi slt, %scan3A_222, %lt3A : i32
      %convert_element_type3A = arith.extui %lt3A_369 : i1 to i32
      %cond3A = arith.constant 0 : i32
      %cond3A_370 = arith.cmpi ne, %convert_element_type3A, %cond3A : i32
      scf.if %cond3A_370 {
        %add3A_391 = arith.constant 3 : i32
        %add3A_392 = arith.addi %add3A_234, %add3A_391 : i32
        %mul3A_393 = arith.constant 80 : i32
        %mul3A_394 = arith.muli %add3A_392, %mul3A_393 : i32
        %dma_start3A_395 = arith.constant 2 : i32
        %dma_start3A_396 = arith.constant 0 : i32
        %dma_start3A_397 = arith.constant 0 : i32
        %dma_start3A_398 = tpu.memref_slice %arg8[%scan3A_164, %dma_start3A_396, %dma_start3A_397] : memref<3x80x128xf32, #tpu.memory_space<vmem>> -> memref<1x80x128xf32, #tpu.memory_space<vmem>>
        %dma_start3A_399 = tpu.memref_squeeze %dma_start3A_398 : memref<1x80x128xf32, #tpu.memory_space<vmem>> -> memref<80x128xf32, #tpu.memory_space<vmem>>
        %dma_start3A_400 = tpu.memref_slice %arg6[%mul3A_394] : memref<10000xi32, #tpu.memory_space<vmem>> -> memref<80xi32, #tpu.memory_space<vmem>>
        %dma_start3A_401 = arith.constant 0 : i32
        %dma_start3A_402 = arith.constant 0 : i32
        %dma_start3A_403 = tpu.memref_slice %arg2[%dma_start3A_401, %dma_start3A_402] : memref<10000x128xf32, #tpu.memory_space<hbm>> -> memref<10000x128xf32, #tpu.memory_space<hbm>>
        %dma_start3A_404 = tpu.memref_slice %arg10[%dma_start3A_395] : memref<3x!tpu.dma_semaphore, #tpu.memory_space<semaphore_mem>> -> memref<1x!tpu.dma_semaphore, #tpu.memory_space<semaphore_mem>>
        %dma_start3A_405 = tpu.memref_squeeze %dma_start3A_404 : memref<1x!tpu.dma_semaphore, #tpu.memory_space<semaphore_mem>> -> memref<!tpu.dma_semaphore, #tpu.memory_space<semaphore_mem>>
        tpu.enqueue_indirect_dma source(%dma_start3A_403 : memref<10000x128xf32, #tpu.memory_space<hbm>>) target(%dma_start3A_399 : memref<80x128xf32, #tpu.memory_space<vmem>>) offsets(%dma_start3A_400 : memref<80xi32, #tpu.memory_space<vmem>>) semaphore(%dma_start3A_405 : memref<!tpu.dma_semaphore, #tpu.memory_space<semaphore_mem>>)
      } else {
      }
      %sub3A_371 = arith.constant 64 : i32
      %sub3A_372 = arith.subi %add3A_240, %sub3A_371 : i32
      %dma_wait3A_373 = arith.constant 0 : i32
      %dma_wait3A_374 = arith.constant 0 : i32
      %dma_wait3A_375 = arith.constant 0 : i32
      %dma_wait3A_376 = tpu.memref_slice %arg8[%scan3A_165, %dma_wait3A_374, %dma_wait3A_375] : memref<3x80x128xf32, #tpu.memory_space<vmem>> -> memref<1x80x128xf32, #tpu.memory_space<vmem>>
      %dma_wait3A_377 = tpu.memref_squeeze %dma_wait3A_376 : memref<1x80x128xf32, #tpu.memory_space<vmem>> -> memref<80x128xf32, #tpu.memory_space<vmem>>
      %dma_wait3A_378 = arith.constant 0 : i32
      %dma_wait3A_379 = tpu.memref_slice %arg7[%sub3A_372, %dma_wait3A_378] : memref<64x80xi32, #tpu.memory_space<vmem>> -> memref<1x80xi32, #tpu.memory_space<vmem>>
      %dma_wait3A_380 = tpu.memref_squeeze %dma_wait3A_379 : memref<1x80xi32, #tpu.memory_space<vmem>> -> memref<80xi32, #tpu.memory_space<vmem>>
      %dma_wait3A_381 = arith.constant 0 : i32
      %dma_wait3A_382 = arith.constant 0 : i32
      %dma_wait3A_383 = tpu.memref_slice %arg9[%dma_wait3A_381, %dma_wait3A_382] : memref<10000x128xf32, #tpu.memory_space<vmem_shared>> -> memref<10000x128xf32, #tpu.memory_space<vmem_shared>>
      %dma_wait3A_384 = tpu.memref_slice %arg11[%dma_wait3A_373] : memref<3x!tpu.dma_semaphore, #tpu.memory_space<semaphore_mem>> -> memref<1x!tpu.dma_semaphore, #tpu.memory_space<semaphore_mem>>
      %dma_wait3A_385 = tpu.memref_squeeze %dma_wait3A_384 : memref<1x!tpu.dma_semaphore, #tpu.memory_space<semaphore_mem>> -> memref<!tpu.dma_semaphore, #tpu.memory_space<semaphore_mem>>
      tpu.wait_indirect_dma semaphore(%dma_wait3A_385 : memref<!tpu.dma_semaphore, #tpu.memory_space<semaphore_mem>>) src(%dma_wait3A_377 : memref<80x128xf32, #tpu.memory_space<vmem>>) dst(%dma_wait3A_383 : memref<10000x128xf32, #tpu.memory_space<vmem_shared>>)
      %lt3A_386 = arith.constant 19 : i32
      %lt3A_387 = arith.cmpi slt, %scan3A_222, %lt3A_386 : i32
      %convert_element_type3A_388 = arith.extui %lt3A_387 : i1 to i32
      %cond3A_389 = arith.constant 0 : i32
      %cond3A_390 = arith.cmpi ne, %convert_element_type3A_388, %cond3A_389 : i32
      scf.if %cond3A_390 {
        %add3A_391 = arith.constant 3 : i32
        %add3A_392 = arith.addi %add3A_240, %add3A_391 : i32
        %mul3A_393 = arith.constant 80 : i32
        %mul3A_394 = arith.muli %add3A_392, %mul3A_393 : i32
        %dma_start3A_395 = arith.constant 0 : i32
        %dma_start3A_396 = arith.constant 0 : i32
        %dma_start3A_397 = arith.constant 0 : i32
        %dma_start3A_398 = tpu.memref_slice %arg8[%scan3A_165, %dma_start3A_396, %dma_start3A_397] : memref<3x80x128xf32, #tpu.memory_space<vmem>> -> memref<1x80x128xf32, #tpu.memory_space<vmem>>
        %dma_start3A_399 = tpu.memref_squeeze %dma_start3A_398 : memref<1x80x128xf32, #tpu.memory_space<vmem>> -> memref<80x128xf32, #tpu.memory_space<vmem>>
        %dma_start3A_400 = tpu.memref_slice %arg6[%mul3A_394] : memref<10000xi32, #tpu.memory_space<vmem>> -> memref<80xi32, #tpu.memory_space<vmem>>
        %dma_start3A_401 = arith.constant 0 : i32
        %dma_start3A_402 = arith.constant 0 : i32
        %dma_start3A_403 = tpu.memref_slice %arg2[%dma_start3A_401, %dma_start3A_402] : memref<10000x128xf32, #tpu.memory_space<hbm>> -> memref<10000x128xf32, #tpu.memory_space<hbm>>
        %dma_start3A_404 = tpu.memref_slice %arg10[%dma_start3A_395] : memref<3x!tpu.dma_semaphore, #tpu.memory_space<semaphore_mem>> -> memref<1x!tpu.dma_semaphore, #tpu.memory_space<semaphore_mem>>
        %dma_start3A_405 = tpu.memref_squeeze %dma_start3A_404 : memref<1x!tpu.dma_semaphore, #tpu.memory_space<semaphore_mem>> -> memref<!tpu.dma_semaphore, #tpu.memory_space<semaphore_mem>>
        tpu.enqueue_indirect_dma source(%dma_start3A_403 : memref<10000x128xf32, #tpu.memory_space<hbm>>) target(%dma_start3A_399 : memref<80x128xf32, #tpu.memory_space<vmem>>) offsets(%dma_start3A_400 : memref<80xi32, #tpu.memory_space<vmem>>) semaphore(%dma_start3A_405 : memref<!tpu.dma_semaphore, #tpu.memory_space<semaphore_mem>>)
      } else {
      }
    }
    %scan3A_170 = arith.constant 20 : i32
    %dma_wait3A_171 = arith.constant 1 : i32
    %dma_wait3A_172 = arith.constant 1 : i32
    %dma_wait3A_173 = arith.constant 0 : i32
    %dma_wait3A_174 = arith.constant 0 : i32
    %dma_wait3A_175 = tpu.memref_slice %arg8[%dma_wait3A_171, %dma_wait3A_173, %dma_wait3A_174] : memref<3x80x128xf32, #tpu.memory_space<vmem>> -> memref<1x80x128xf32, #tpu.memory_space<vmem>>
    %dma_wait3A_176 = tpu.memref_squeeze %dma_wait3A_175 : memref<1x80x128xf32, #tpu.memory_space<vmem>> -> memref<80x128xf32, #tpu.memory_space<vmem>>
    %dma_wait3A_177 = arith.constant 9920 : i32
    %dma_wait3A_178 = tpu.memref_slice %arg6[%dma_wait3A_177] : memref<10000xi32, #tpu.memory_space<vmem>> -> memref<80xi32, #tpu.memory_space<vmem>>
    %dma_wait3A_179 = arith.constant 0 : i32
    %dma_wait3A_180 = arith.constant 0 : i32
    %dma_wait3A_181 = tpu.memref_slice %arg2[%dma_wait3A_179, %dma_wait3A_180] : memref<10000x128xf32, #tpu.memory_space<hbm>> -> memref<10000x128xf32, #tpu.memory_space<hbm>>
    %dma_wait3A_182 = tpu.memref_slice %arg10[%dma_wait3A_172] : memref<3x!tpu.dma_semaphore, #tpu.memory_space<semaphore_mem>> -> memref<1x!tpu.dma_semaphore, #tpu.memory_space<semaphore_mem>>
    %dma_wait3A_183 = tpu.memref_squeeze %dma_wait3A_182 : memref<1x!tpu.dma_semaphore, #tpu.memory_space<semaphore_mem>> -> memref<!tpu.dma_semaphore, #tpu.memory_space<semaphore_mem>>
    tpu.wait_indirect_dma semaphore(%dma_wait3A_183 : memref<!tpu.dma_semaphore, #tpu.memory_space<semaphore_mem>>) src(%dma_wait3A_181 : memref<10000x128xf32, #tpu.memory_space<hbm>>) dst(%dma_wait3A_176 : memref<80x128xf32, #tpu.memory_space<vmem>>)
    %dma_start3A_184 = arith.constant 1 : i32
    %dma_start3A_185 = arith.constant 60 : i32
    %dma_start3A_186 = arith.constant 1 : i32
    %dma_start3A_187 = arith.constant 0 : i32
    %dma_start3A_188 = arith.constant 0 : i32
    %dma_start3A_189 = tpu.memref_slice %arg8[%dma_start3A_184, %dma_start3A_187, %dma_start3A_188] : memref<3x80x128xf32, #tpu.memory_space<vmem>> -> memref<1x80x128xf32, #tpu.memory_space<vmem>>
    %dma_start3A_190 = tpu.memref_squeeze %dma_start3A_189 : memref<1x80x128xf32, #tpu.memory_space<vmem>> -> memref<80x128xf32, #tpu.memory_space<vmem>>
    %dma_start3A_191 = arith.constant 0 : i32
    %dma_start3A_192 = tpu.memref_slice %arg7[%dma_start3A_185, %dma_start3A_191] : memref<64x80xi32, #tpu.memory_space<vmem>> -> memref<1x80xi32, #tpu.memory_space<vmem>>
    %dma_start3A_193 = tpu.memref_squeeze %dma_start3A_192 : memref<1x80xi32, #tpu.memory_space<vmem>> -> memref<80xi32, #tpu.memory_space<vmem>>
    %dma_start3A_194 = arith.constant 0 : i32
    %dma_start3A_195 = arith.constant 0 : i32
    %dma_start3A_196 = tpu.memref_slice %arg9[%dma_start3A_194, %dma_start3A_195] : memref<10000x128xf32, #tpu.memory_space<vmem_shared>> -> memref<10000x128xf32, #tpu.memory_space<vmem_shared>>
    %dma_start3A_197 = tpu.memref_slice %arg11[%dma_start3A_186] : memref<3x!tpu.dma_semaphore, #tpu.memory_space<semaphore_mem>> -> memref<1x!tpu.dma_semaphore, #tpu.memory_space<semaphore_mem>>
    %dma_start3A_198 = tpu.memref_squeeze %dma_start3A_197 : memref<1x!tpu.dma_semaphore, #tpu.memory_space<semaphore_mem>> -> memref<!tpu.dma_semaphore, #tpu.memory_space<semaphore_mem>>
    tpu.enqueue_indirect_dma source(%dma_start3A_190 : memref<80x128xf32, #tpu.memory_space<vmem>>) target(%dma_start3A_196 : memref<10000x128xf32, #tpu.memory_space<vmem_shared>>) offsets(%dma_start3A_193 : memref<80xi32, #tpu.memory_space<vmem>>) semaphore(%dma_start3A_198 : memref<!tpu.dma_semaphore, #tpu.memory_space<semaphore_mem>>) {add = true}
    %dma_wait3A_199 = arith.constant 1 : i32
    %dma_wait3A_200 = arith.constant 60 : i32
    %dma_wait3A_201 = arith.constant 1 : i32
    %dma_wait3A_202 = arith.constant 0 : i32
    %dma_wait3A_203 = arith.constant 0 : i32
    %dma_wait3A_204 = tpu.memref_slice %arg8[%dma_wait3A_199, %dma_wait3A_202, %dma_wait3A_203] : memref<3x80x128xf32, #tpu.memory_space<vmem>> -> memref<1x80x128xf32, #tpu.memory_space<vmem>>
    %dma_wait3A_205 = tpu.memref_squeeze %dma_wait3A_204 : memref<1x80x128xf32, #tpu.memory_space<vmem>> -> memref<80x128xf32, #tpu.memory_space<vmem>>
    %dma_wait3A_206 = arith.constant 0 : i32
    %dma_wait3A_207 = tpu.memref_slice %arg7[%dma_wait3A_200, %dma_wait3A_206] : memref<64x80xi32, #tpu.memory_space<vmem>> -> memref<1x80xi32, #tpu.memory_space<vmem>>
    %dma_wait3A_208 = tpu.memref_squeeze %dma_wait3A_207 : memref<1x80xi32, #tpu.memory_space<vmem>> -> memref<80xi32, #tpu.memory_space<vmem>>
    %dma_wait3A_209 = arith.constant 0 : i32
    %dma_wait3A_210 = arith.constant 0 : i32
    %dma_wait3A_211 = tpu.memref_slice %arg9[%dma_wait3A_209, %dma_wait3A_210] : memref<10000x128xf32, #tpu.memory_space<vmem_shared>> -> memref<10000x128xf32, #tpu.memory_space<vmem_shared>>
    %dma_wait3A_212 = tpu.memref_slice %arg11[%dma_wait3A_201] : memref<3x!tpu.dma_semaphore, #tpu.memory_space<semaphore_mem>> -> memref<1x!tpu.dma_semaphore, #tpu.memory_space<semaphore_mem>>
    %dma_wait3A_213 = tpu.memref_squeeze %dma_wait3A_212 : memref<1x!tpu.dma_semaphore, #tpu.memory_space<semaphore_mem>> -> memref<!tpu.dma_semaphore, #tpu.memory_space<semaphore_mem>>
    tpu.wait_indirect_dma semaphore(%dma_wait3A_213 : memref<!tpu.dma_semaphore, #tpu.memory_space<semaphore_mem>>) src(%dma_wait3A_205 : memref<80x128xf32, #tpu.memory_space<vmem>>) dst(%dma_wait3A_211 : memref<10000x128xf32, #tpu.memory_space<vmem_shared>>)
    %barrier3A_214 = arith.constant 0 : index
    tpu.barrier barrier_id(%barrier3A_214)
    %mul3A_215 = arith.constant 624 : i32
    %mul3A_216 = arith.muli %arg1, %mul3A_215 : i32
    %mul3A_217 = arith.constant 10000 : i32
    %mul3A_218 = arith.muli %arg0, %mul3A_217 : i32
    %mul3A_219 = arith.constant 624 : i32
    %mul3A_220 = arith.muli %arg1, %mul3A_219 : i32
    %add3A_221 = arith.addi %mul3A_218, %mul3A_220 : i32
    "tpu.region"() ({
      %run_scoped3A = tpu.sem_alloc : memref<!tpu.dma_semaphore, #tpu.memory_space<semaphore_mem>>
      %dma_start3A_222 = arith.constant 0 : i32
      %dma_start3A_223 = tpu.memref_slice %arg5[%add3A_221, %dma_start3A_222] : memref<20000x128xf32, #tpu.memory_space<hbm>> -> memref<640x128xf32, #tpu.memory_space<hbm>>
      %dma_start3A_224 = arith.constant 0 : i32
      %dma_start3A_225 = tpu.memref_slice %arg9[%mul3A_216, %dma_start3A_224] : memref<10000x128xf32, #tpu.memory_space<vmem_shared>> -> memref<640x128xf32, #tpu.memory_space<vmem_shared>>
      tpu.enqueue_dma source(%dma_start3A_225 : memref<640x128xf32, #tpu.memory_space<vmem_shared>>) target(%dma_start3A_223 : memref<640x128xf32, #tpu.memory_space<hbm>>) target_semaphore(%run_scoped3A : memref<!tpu.dma_semaphore, #tpu.memory_space<semaphore_mem>>)
      %dma_wait3A_226 = arith.constant 0 : i32
      %dma_wait3A_227 = tpu.memref_slice %arg5[%add3A_221, %dma_wait3A_226] : memref<20000x128xf32, #tpu.memory_space<hbm>> -> memref<640x128xf32, #tpu.memory_space<hbm>>
      %dma_wait3A_228 = arith.constant 0 : i32
      %dma_wait3A_229 = tpu.memref_slice %arg9[%mul3A_216, %dma_wait3A_228] : memref<10000x128xf32, #tpu.memory_space<vmem_shared>> -> memref<640x128xf32, #tpu.memory_space<vmem_shared>>
      tpu.wait_dma2 semaphore(%run_scoped3A : memref<!tpu.dma_semaphore, #tpu.memory_space<semaphore_mem>>) src(%dma_wait3A_229 : memref<640x128xf32, #tpu.memory_space<vmem_shared>>) dst(%dma_wait3A_227 : memref<640x128xf32, #tpu.memory_space<hbm>>)
      tpu.yield
    }) : () -> ()
    return
  }
}

#map = affine_map<(d0, d1) -> (0, 0)>
#map1 = affine_map<(d0, d1) -> (0, 0, 0)>
module attributes {stable_mosaic.version = 14 : i64} {
  func.func @edge_kernel(%arg0: i32, %arg1: i32, %arg2: memref<10000x128xf32, #tpu.memory_space<hbm>>, %arg3: memref<32x10000xi32, #tpu.memory_space<hbm>>, %arg4: memref<32x128x80xi32, #tpu.memory_space<hbm>>, %arg5: memref<20000x128xf32, #tpu.memory_space<hbm>>, %arg6: memref<10000xi32, #tpu.memory_space<vmem>>, %arg7: memref<64x80xi32, #tpu.memory_space<vmem>>, %arg8: memref<3x80x128xf32, #tpu.memory_space<vmem>>, %arg9: memref<10000x128xf32, #tpu.memory_space<vmem_shared>>, %arg10: memref<3x!tpu.dma_semaphore, #tpu.memory_space<semaphore_mem>>, %arg11: memref<3x!tpu.dma_semaphore, #tpu.memory_space<semaphore_mem>>, %arg12: memref<!tpu.dma_semaphore, #tpu.memory_space<semaphore_mem>>) attributes {dimension_semantics = [#tpu.dimension_semantics<core_parallel>, #tpu.dimension_semantics<subcore_parallel>], iteration_bounds = array<i64: 2, 16>, scalar_prefetch = 0 : i64, scratch_operands = 7 : i64, tpu.core_type = #tpu.core_type<sc_vector_subcore>, window_params = [{transform_indices = #map}, {transform_indices = #map}, {transform_indices = #map1}, {transform_indices = #map}]} {
    %mul3A = arith.constant 2 : i32
    %mul3A_0 = arith.muli %arg1, %mul3A : i32
    %add3A = arith.addi %mul3A_0, %arg0 : i32
    %mul3A_1 = arith.constant 624 : i32
    %mul3A_2 = arith.muli %arg1, %mul3A_1 : i32
    %mul3A_3 = arith.constant 624 : i32
    %mul3A_4 = arith.muli %arg1, %mul3A_3 : i32
    %dma_start3A = arith.constant 0 : i32
    %dma_start3A_5 = tpu.memref_slice %arg9[%mul3A_4, %dma_start3A] : memref<10000x128xf32, #tpu.memory_space<vmem_shared>> -> memref<640x128xf32, #tpu.memory_space<vmem_shared>>
    %dma_start3A_6 = arith.constant 0 : i32
    %dma_start3A_7 = tpu.memref_slice %arg2[%mul3A_2, %dma_start3A_6] : memref<10000x128xf32, #tpu.memory_space<hbm>> -> memref<640x128xf32, #tpu.memory_space<hbm>>
    tpu.enqueue_dma source(%dma_start3A_7 : memref<640x128xf32, #tpu.memory_space<hbm>>) target(%dma_start3A_5 : memref<640x128xf32, #tpu.memory_space<vmem_shared>>) target_semaphore(%arg12 : memref<!tpu.dma_semaphore, #tpu.memory_space<semaphore_mem>>)
    %dma_start3A_8 = arith.constant 0 : i32
    %dma_start3A_9 = arith.constant 0 : i32
    %dma_start3A_10 = tpu.memref_slice %arg3[%add3A, %dma_start3A_9] : memref<32x10000xi32, #tpu.memory_space<hbm>> -> memref<1x10000xi32, #tpu.memory_space<hbm>>
    %dma_start3A_11 = tpu.memref_squeeze %dma_start3A_10 : memref<1x10000xi32, #tpu.memory_space<hbm>> -> memref<10000xi32, #tpu.memory_space<hbm>>
    %dma_start3A_12 = tpu.memref_slice %arg10[%dma_start3A_8] : memref<3x!tpu.dma_semaphore, #tpu.memory_space<semaphore_mem>> -> memref<1x!tpu.dma_semaphore, #tpu.memory_space<semaphore_mem>>
    %dma_start3A_13 = tpu.memref_squeeze %dma_start3A_12 : memref<1x!tpu.dma_semaphore, #tpu.memory_space<semaphore_mem>> -> memref<!tpu.dma_semaphore, #tpu.memory_space<semaphore_mem>>
    %dma_start3A_14 = arith.constant 0 : i32
    %dma_start3A_15 = tpu.memref_slice %arg3[%add3A, %dma_start3A_14] : memref<32x10000xi32, #tpu.memory_space<hbm>> -> memref<1x10000xi32, #tpu.memory_space<hbm>>
    %dma_start3A_16 = tpu.memref_squeeze %dma_start3A_15 : memref<1x10000xi32, #tpu.memory_space<hbm>> -> memref<10000xi32, #tpu.memory_space<hbm>>
    tpu.enqueue_dma source(%dma_start3A_16 : memref<10000xi32, #tpu.memory_space<hbm>>) target(%arg6 : memref<10000xi32, #tpu.memory_space<vmem>>) target_semaphore(%dma_start3A_13 : memref<!tpu.dma_semaphore, #tpu.memory_space<semaphore_mem>>)
    %dma_start3A_17 = arith.constant 0 : i32
    %dma_start3A_18 = arith.constant 0 : i32
    %dma_start3A_19 = tpu.memref_slice %arg4[%add3A, %dma_start3A_17, %dma_start3A_18] : memref<32x128x80xi32, #tpu.memory_space<hbm>> -> memref<1x64x80xi32, #tpu.memory_space<hbm>>
    %dma_start3A_20 = tpu.memref_squeeze %dma_start3A_19 : memref<1x64x80xi32, #tpu.memory_space<hbm>> -> memref<64x80xi32, #tpu.memory_space<hbm>>
    %dma_start3A_21 = arith.constant 0 : i32
    %dma_start3A_22 = arith.constant 0 : i32
    %dma_start3A_23 = tpu.memref_slice %arg4[%add3A, %dma_start3A_21, %dma_start3A_22] : memref<32x128x80xi32, #tpu.memory_space<hbm>> -> memref<1x64x80xi32, #tpu.memory_space<hbm>>
    %dma_start3A_24 = tpu.memref_squeeze %dma_start3A_23 : memref<1x64x80xi32, #tpu.memory_space<hbm>> -> memref<64x80xi32, #tpu.memory_space<hbm>>
    tpu.enqueue_dma source(%dma_start3A_24 : memref<64x80xi32, #tpu.memory_space<hbm>>) target(%arg7 : memref<64x80xi32, #tpu.memory_space<vmem>>) target_semaphore(%arg12 : memref<!tpu.dma_semaphore, #tpu.memory_space<semaphore_mem>>)
    %dma_wait3A = arith.constant 0 : i32
    %dma_wait3A_25 = arith.constant 0 : i32
    %dma_wait3A_26 = tpu.memref_slice %arg3[%add3A, %dma_wait3A_25] : memref<32x10000xi32, #tpu.memory_space<hbm>> -> memref<1x10000xi32, #tpu.memory_space<hbm>>
    %dma_wait3A_27 = tpu.memref_squeeze %dma_wait3A_26 : memref<1x10000xi32, #tpu.memory_space<hbm>> -> memref<10000xi32, #tpu.memory_space<hbm>>
    %dma_wait3A_28 = tpu.memref_slice %arg10[%dma_wait3A] : memref<3x!tpu.dma_semaphore, #tpu.memory_space<semaphore_mem>> -> memref<1x!tpu.dma_semaphore, #tpu.memory_space<semaphore_mem>>
    %dma_wait3A_29 = tpu.memref_squeeze %dma_wait3A_28 : memref<1x!tpu.dma_semaphore, #tpu.memory_space<semaphore_mem>> -> memref<!tpu.dma_semaphore, #tpu.memory_space<semaphore_mem>>
    %dma_wait3A_30 = arith.constant 0 : i32
    %dma_wait3A_31 = tpu.memref_slice %arg3[%add3A, %dma_wait3A_30] : memref<32x10000xi32, #tpu.memory_space<hbm>> -> memref<1x10000xi32, #tpu.memory_space<hbm>>
    %dma_wait3A_32 = tpu.memref_squeeze %dma_wait3A_31 : memref<1x10000xi32, #tpu.memory_space<hbm>> -> memref<10000xi32, #tpu.memory_space<hbm>>
    tpu.wait_dma2 semaphore(%dma_wait3A_29 : memref<!tpu.dma_semaphore, #tpu.memory_space<semaphore_mem>>) src(%dma_wait3A_32 : memref<10000xi32, #tpu.memory_space<hbm>>) dst(%arg6 : memref<10000xi32, #tpu.memory_space<vmem>>)
    %dma_start3A_33 = arith.constant 0 : i32
    %dma_start3A_34 = arith.constant 0 : i32
    %dma_start3A_35 = arith.constant 0 : i32
    %dma_start3A_36 = arith.constant 0 : i32
    %dma_start3A_37 = tpu.memref_slice %arg8[%dma_start3A_33, %dma_start3A_35, %dma_start3A_36] : memref<3x80x128xf32, #tpu.memory_space<vmem>> -> memref<1x80x128xf32, #tpu.memory_space<vmem>>
    %dma_start3A_38 = tpu.memref_squeeze %dma_start3A_37 : memref<1x80x128xf32, #tpu.memory_space<vmem>> -> memref<80x128xf32, #tpu.memory_space<vmem>>
    %dma_start3A_39 = arith.constant 0 : i32
    %dma_start3A_40 = tpu.memref_slice %arg6[%dma_start3A_39] : memref<10000xi32, #tpu.memory_space<vmem>> -> memref<80xi32, #tpu.memory_space<vmem>>
    %dma_start3A_41 = arith.constant 0 : i32
    %dma_start3A_42 = arith.constant 0 : i32
    %dma_start3A_43 = tpu.memref_slice %arg2[%dma_start3A_41, %dma_start3A_42] : memref<10000x128xf32, #tpu.memory_space<hbm>> -> memref<10000x128xf32, #tpu.memory_space<hbm>>
    %dma_start3A_44 = tpu.memref_slice %arg10[%dma_start3A_34] : memref<3x!tpu.dma_semaphore, #tpu.memory_space<semaphore_mem>> -> memref<1x!tpu.dma_semaphore, #tpu.memory_space<semaphore_mem>>
    %dma_start3A_45 = tpu.memref_squeeze %dma_start3A_44 : memref<1x!tpu.dma_semaphore, #tpu.memory_space<semaphore_mem>> -> memref<!tpu.dma_semaphore, #tpu.memory_space<semaphore_mem>>
    tpu.enqueue_indirect_dma source(%dma_start3A_43 : memref<10000x128xf32, #tpu.memory_space<hbm>>) target(%dma_start3A_38 : memref<80x128xf32, #tpu.memory_space<vmem>>) offsets(%dma_start3A_40 : memref<80xi32, #tpu.memory_space<vmem>>) semaphore(%dma_start3A_45 : memref<!tpu.dma_semaphore, #tpu.memory_space<semaphore_mem>>)
    %dma_start3A_46 = arith.constant 1 : i32
    %dma_start3A_47 = arith.constant 1 : i32
    %dma_start3A_48 = arith.constant 0 : i32
    %dma_start3A_49 = arith.constant 0 : i32
    %dma_start3A_50 = tpu.memref_slice %arg8[%dma_start3A_46, %dma_start3A_48, %dma_start3A_49] : memref<3x80x128xf32, #tpu.memory_space<vmem>> -> memref<1x80x128xf32, #tpu.memory_space<vmem>>
    %dma_start3A_51 = tpu.memref_squeeze %dma_start3A_50 : memref<1x80x128xf32, #tpu.memory_space<vmem>> -> memref<80x128xf32, #tpu.memory_space<vmem>>
    %dma_start3A_52 = arith.constant 80 : i32
    %dma_start3A_53 = tpu.memref_slice %arg6[%dma_start3A_52] : memref<10000xi32, #tpu.memory_space<vmem>> -> memref<80xi32, #tpu.memory_space<vmem>>
    %dma_start3A_54 = arith.constant 0 : i32
    %dma_start3A_55 = arith.constant 0 : i32
    %dma_start3A_56 = tpu.memref_slice %arg2[%dma_start3A_54, %dma_start3A_55] : memref<10000x128xf32, #tpu.memory_space<hbm>> -> memref<10000x128xf32, #tpu.memory_space<hbm>>
    %dma_start3A_57 = tpu.memref_slice %arg10[%dma_start3A_47] : memref<3x!tpu.dma_semaphore, #tpu.memory_space<semaphore_mem>> -> memref<1x!tpu.dma_semaphore, #tpu.memory_space<semaphore_mem>>
    %dma_start3A_58 = tpu.memref_squeeze %dma_start3A_57 : memref<1x!tpu.dma_semaphore, #tpu.memory_space<semaphore_mem>> -> memref<!tpu.dma_semaphore, #tpu.memory_space<semaphore_mem>>
    tpu.enqueue_indirect_dma source(%dma_start3A_56 : memref<10000x128xf32, #tpu.memory_space<hbm>>) target(%dma_start3A_51 : memref<80x128xf32, #tpu.memory_space<vmem>>) offsets(%dma_start3A_53 : memref<80xi32, #tpu.memory_space<vmem>>) semaphore(%dma_start3A_58 : memref<!tpu.dma_semaphore, #tpu.memory_space<semaphore_mem>>)
    %dma_start3A_59 = arith.constant 2 : i32
    %dma_start3A_60 = arith.constant 2 : i32
    %dma_start3A_61 = arith.constant 0 : i32
    %dma_start3A_62 = arith.constant 0 : i32
    %dma_start3A_63 = tpu.memref_slice %arg8[%dma_start3A_59, %dma_start3A_61, %dma_start3A_62] : memref<3x80x128xf32, #tpu.memory_space<vmem>> -> memref<1x80x128xf32, #tpu.memory_space<vmem>>
    %dma_start3A_64 = tpu.memref_squeeze %dma_start3A_63 : memref<1x80x128xf32, #tpu.memory_space<vmem>> -> memref<80x128xf32, #tpu.memory_space<vmem>>
    %dma_start3A_65 = arith.constant 160 : i32
    %dma_start3A_66 = tpu.memref_slice %arg6[%dma_start3A_65] : memref<10000xi32, #tpu.memory_space<vmem>> -> memref<80xi32, #tpu.memory_space<vmem>>
    %dma_start3A_67 = arith.constant 0 : i32
    %dma_start3A_68 = arith.constant 0 : i32
    %dma_start3A_69 = tpu.memref_slice %arg2[%dma_start3A_67, %dma_start3A_68] : memref<10000x128xf32, #tpu.memory_space<hbm>> -> memref<10000x128xf32, #tpu.memory_space<hbm>>
    %dma_start3A_70 = tpu.memref_slice %arg10[%dma_start3A_60] : memref<3x!tpu.dma_semaphore, #tpu.memory_space<semaphore_mem>> -> memref<1x!tpu.dma_semaphore, #tpu.memory_space<semaphore_mem>>
    %dma_start3A_71 = tpu.memref_squeeze %dma_start3A_70 : memref<1x!tpu.dma_semaphore, #tpu.memory_space<semaphore_mem>> -> memref<!tpu.dma_semaphore, #tpu.memory_space<semaphore_mem>>
    tpu.enqueue_indirect_dma source(%dma_start3A_69 : memref<10000x128xf32, #tpu.memory_space<hbm>>) target(%dma_start3A_64 : memref<80x128xf32, #tpu.memory_space<vmem>>) offsets(%dma_start3A_66 : memref<80xi32, #tpu.memory_space<vmem>>) semaphore(%dma_start3A_71 : memref<!tpu.dma_semaphore, #tpu.memory_space<semaphore_mem>>)
    %dma_wait3A_72 = arith.constant 0 : i32
    %dma_wait3A_73 = arith.constant 0 : i32
    %dma_wait3A_74 = tpu.memref_slice %arg4[%add3A, %dma_wait3A_72, %dma_wait3A_73] : memref<32x128x80xi32, #tpu.memory_space<hbm>> -> memref<1x64x80xi32, #tpu.memory_space<hbm>>
    %dma_wait3A_75 = tpu.memref_squeeze %dma_wait3A_74 : memref<1x64x80xi32, #tpu.memory_space<hbm>> -> memref<64x80xi32, #tpu.memory_space<hbm>>
    %dma_wait3A_76 = arith.constant 0 : i32
    %dma_wait3A_77 = arith.constant 0 : i32
    %dma_wait3A_78 = tpu.memref_slice %arg4[%add3A, %dma_wait3A_76, %dma_wait3A_77] : memref<32x128x80xi32, #tpu.memory_space<hbm>> -> memref<1x64x80xi32, #tpu.memory_space<hbm>>
    %dma_wait3A_79 = tpu.memref_squeeze %dma_wait3A_78 : memref<1x64x80xi32, #tpu.memory_space<hbm>> -> memref<64x80xi32, #tpu.memory_space<hbm>>
    tpu.wait_dma2 semaphore(%arg12 : memref<!tpu.dma_semaphore, #tpu.memory_space<semaphore_mem>>) src(%dma_wait3A_79 : memref<64x80xi32, #tpu.memory_space<hbm>>) dst(%arg7 : memref<64x80xi32, #tpu.memory_space<vmem>>)
    %dma_wait3A_80 = arith.constant 0 : i32
    %dma_wait3A_81 = tpu.memref_slice %arg9[%mul3A_4, %dma_wait3A_80] : memref<10000x128xf32, #tpu.memory_space<vmem_shared>> -> memref<640x128xf32, #tpu.memory_space<vmem_shared>>
    %dma_wait3A_82 = arith.constant 0 : i32
    %dma_wait3A_83 = tpu.memref_slice %arg2[%mul3A_2, %dma_wait3A_82] : memref<10000x128xf32, #tpu.memory_space<hbm>> -> memref<640x128xf32, #tpu.memory_space<hbm>>
    tpu.wait_dma2 semaphore(%arg12 : memref<!tpu.dma_semaphore, #tpu.memory_space<semaphore_mem>>) src(%dma_wait3A_83 : memref<640x128xf32, #tpu.memory_space<hbm>>) dst(%dma_wait3A_81 : memref<640x128xf32, #tpu.memory_space<vmem_shared>>)
    %barrier3A = arith.constant 0 : index
    tpu.barrier barrier_id(%barrier3A)
    %scan3A = arith.constant 0 : i32
    %scan3A_84 = arith.constant 1 : i32
    %scan3A_85 = arith.constant 2 : i32
    %scan3A_86 = arith.constant 0 : i32
    %scan3A_87 = arith.constant 21 : i32
    %scan3A_88 = arith.addi %scan3A_86, %scan3A_87 : i32
    %scan3A_89 = arith.constant 1 : i32
    scf.for %scan3A_222 = %scan3A_86 to %scan3A_88 step %scan3A_89  : i32 {
      %mul3A_223 = arith.constant 3 : i32
      %mul3A_224 = arith.muli %mul3A_223, %scan3A_222 : i32
      %add3A_225 = arith.constant 0 : i32
      %add3A_226 = arith.addi %add3A_225, %mul3A_224 : i32
      %add3A_227 = arith.constant 0 : i32
      %add3A_228 = arith.addi %add3A_226, %add3A_227 : i32
      %mul3A_229 = arith.constant 3 : i32
      %mul3A_230 = arith.muli %mul3A_229, %scan3A_222 : i32
      %add3A_231 = arith.constant 0 : i32
      %add3A_232 = arith.addi %add3A_231, %mul3A_230 : i32
      %add3A_233 = arith.constant 1 : i32
      %add3A_234 = arith.addi %add3A_232, %add3A_233 : i32
      %mul3A_235 = arith.constant 3 : i32
      %mul3A_236 = arith.muli %mul3A_235, %scan3A_222 : i32
      %add3A_237 = arith.constant 0 : i32
      %add3A_238 = arith.addi %add3A_237, %mul3A_236 : i32
      %add3A_239 = arith.constant 2 : i32
      %add3A_240 = arith.addi %add3A_238, %add3A_239 : i32
      %mul3A_241 = arith.constant 80 : i32
      %mul3A_242 = arith.muli %add3A_228, %mul3A_241 : i32
      %dma_wait3A_243 = arith.constant 0 : i32
      %dma_wait3A_244 = arith.constant 0 : i32
      %dma_wait3A_245 = arith.constant 0 : i32
      %dma_wait3A_246 = tpu.memref_slice %arg8[%scan3A, %dma_wait3A_244, %dma_wait3A_245] : memref<3x80x128xf32, #tpu.memory_space<vmem>> -> memref<1x80x128xf32, #tpu.memory_space<vmem>>
      %dma_wait3A_247 = tpu.memref_squeeze %dma_wait3A_246 : memref<1x80x128xf32, #tpu.memory_space<vmem>> -> memref<80x128xf32, #tpu.memory_space<vmem>>
      %dma_wait3A_248 = tpu.memref_slice %arg6[%mul3A_242] : memref<10000xi32, #tpu.memory_space<vmem>> -> memref<80xi32, #tpu.memory_space<vmem>>
      %dma_wait3A_249 = arith.constant 0 : i32
      %dma_wait3A_250 = arith.constant 0 : i32
      %dma_wait3A_251 = tpu.memref_slice %arg2[%dma_wait3A_249, %dma_wait3A_250] : memref<10000x128xf32, #tpu.memory_space<hbm>> -> memref<10000x128xf32, #tpu.memory_space<hbm>>
      %dma_wait3A_252 = tpu.memref_slice %arg10[%dma_wait3A_243] : memref<3x!tpu.dma_semaphore, #tpu.memory_space<semaphore_mem>> -> memref<1x!tpu.dma_semaphore, #tpu.memory_space<semaphore_mem>>
      %dma_wait3A_253 = tpu.memref_squeeze %dma_wait3A_252 : memref<1x!tpu.dma_semaphore, #tpu.memory_space<semaphore_mem>> -> memref<!tpu.dma_semaphore, #tpu.memory_space<semaphore_mem>>
      tpu.wait_indirect_dma semaphore(%dma_wait3A_253 : memref<!tpu.dma_semaphore, #tpu.memory_space<semaphore_mem>>) src(%dma_wait3A_251 : memref<10000x128xf32, #tpu.memory_space<hbm>>) dst(%dma_wait3A_247 : memref<80x128xf32, #tpu.memory_space<vmem>>)
      %sub3A = arith.constant 0 : i32
      %sub3A_254 = arith.subi %add3A_228, %sub3A : i32
      %dma_start3A_255 = arith.constant 0 : i32
      %dma_start3A_256 = arith.constant 0 : i32
      %dma_start3A_257 = arith.constant 0 : i32
      %dma_start3A_258 = tpu.memref_slice %arg8[%scan3A, %dma_start3A_256, %dma_start3A_257] : memref<3x80x128xf32, #tpu.memory_space<vmem>> -> memref<1x80x128xf32, #tpu.memory_space<vmem>>
      %dma_start3A_259 = tpu.memref_squeeze %dma_start3A_258 : memref<1x80x128xf32, #tpu.memory_space<vmem>> -> memref<80x128xf32, #tpu.memory_space<vmem>>
      %dma_start3A_260 = arith.constant 0 : i32
      %dma_start3A_261 = tpu.memref_slice %arg7[%sub3A_254, %dma_start3A_260] : memref<64x80xi32, #tpu.memory_space<vmem>> -> memref<1x80xi32, #tpu.memory_space<vmem>>
      %dma_start3A_262 = tpu.memref_squeeze %dma_start3A_261 : memref<1x80xi32, #tpu.memory_space<vmem>> -> memref<80xi32, #tpu.memory_space<vmem>>
      %dma_start3A_263 = arith.constant 0 : i32
      %dma_start3A_264 = arith.constant 0 : i32
      %dma_start3A_265 = tpu.memref_slice %arg9[%dma_start3A_263, %dma_start3A_264] : memref<10000x128xf32, #tpu.memory_space<vmem_shared>> -> memref<10000x128xf32, #tpu.memory_space<vmem_shared>>
      %dma_start3A_266 = tpu.memref_slice %arg11[%dma_start3A_255] : memref<3x!tpu.dma_semaphore, #tpu.memory_space<semaphore_mem>> -> memref<1x!tpu.dma_semaphore, #tpu.memory_space<semaphore_mem>>
      %dma_start3A_267 = tpu.memref_squeeze %dma_start3A_266 : memref<1x!tpu.dma_semaphore, #tpu.memory_space<semaphore_mem>> -> memref<!tpu.dma_semaphore, #tpu.memory_space<semaphore_mem>>
      tpu.enqueue_indirect_dma source(%dma_start3A_259 : memref<80x128xf32, #tpu.memory_space<vmem>>) target(%dma_start3A_265 : memref<10000x128xf32, #tpu.memory_space<vmem_shared>>) offsets(%dma_start3A_262 : memref<80xi32, #tpu.memory_space<vmem>>) semaphore(%dma_start3A_267 : memref<!tpu.dma_semaphore, #tpu.memory_space<semaphore_mem>>) {add = true}
      %mul3A_268 = arith.constant 80 : i32
      %mul3A_269 = arith.muli %add3A_234, %mul3A_268 : i32
      %dma_wait3A_270 = arith.constant 1 : i32
      %dma_wait3A_271 = arith.constant 0 : i32
      %dma_wait3A_272 = arith.constant 0 : i32
      %dma_wait3A_273 = tpu.memref_slice %arg8[%scan3A_84, %dma_wait3A_271, %dma_wait3A_272] : memref<3x80x128xf32, #tpu.memory_space<vmem>> -> memref<1x80x128xf32, #tpu.memory_space<vmem>>
      %dma_wait3A_274 = tpu.memref_squeeze %dma_wait3A_273 : memref<1x80x128xf32, #tpu.memory_space<vmem>> -> memref<80x128xf32, #tpu.memory_space<vmem>>
      %dma_wait3A_275 = tpu.memref_slice %arg6[%mul3A_269] : memref<10000xi32, #tpu.memory_space<vmem>> -> memref<80xi32, #tpu.memory_space<vmem>>
      %dma_wait3A_276 = arith.constant 0 : i32
      %dma_wait3A_277 = arith.constant 0 : i32
      %dma_wait3A_278 = tpu.memref_slice %arg2[%dma_wait3A_276, %dma_wait3A_277] : memref<10000x128xf32, #tpu.memory_space<hbm>> -> memref<10000x128xf32, #tpu.memory_space<hbm>>
      %dma_wait3A_279 = tpu.memref_slice %arg10[%dma_wait3A_270] : memref<3x!tpu.dma_semaphore, #tpu.memory_space<semaphore_mem>> -> memref<1x!tpu.dma_semaphore, #tpu.memory_space<semaphore_mem>>
      %dma_wait3A_280 = tpu.memref_squeeze %dma_wait3A_279 : memref<1x!tpu.dma_semaphore, #tpu.memory_space<semaphore_mem>> -> memref<!tpu.dma_semaphore, #tpu.memory_space<semaphore_mem>>
      tpu.wait_indirect_dma semaphore(%dma_wait3A_280 : memref<!tpu.dma_semaphore, #tpu.memory_space<semaphore_mem>>) src(%dma_wait3A_278 : memref<10000x128xf32, #tpu.memory_space<hbm>>) dst(%dma_wait3A_274 : memref<80x128xf32, #tpu.memory_space<vmem>>)
      %sub3A_281 = arith.constant 0 : i32
      %sub3A_282 = arith.subi %add3A_234, %sub3A_281 : i32
      %dma_start3A_283 = arith.constant 1 : i32
      %dma_start3A_284 = arith.constant 0 : i32
      %dma_start3A_285 = arith.constant 0 : i32
      %dma_start3A_286 = tpu.memref_slice %arg8[%scan3A_84, %dma_start3A_284, %dma_start3A_285] : memref<3x80x128xf32, #tpu.memory_space<vmem>> -> memref<1x80x128xf32, #tpu.memory_space<vmem>>
      %dma_start3A_287 = tpu.memref_squeeze %dma_start3A_286 : memref<1x80x128xf32, #tpu.memory_space<vmem>> -> memref<80x128xf32, #tpu.memory_space<vmem>>
      %dma_start3A_288 = arith.constant 0 : i32
      %dma_start3A_289 = tpu.memref_slice %arg7[%sub3A_282, %dma_start3A_288] : memref<64x80xi32, #tpu.memory_space<vmem>> -> memref<1x80xi32, #tpu.memory_space<vmem>>
      %dma_start3A_290 = tpu.memref_squeeze %dma_start3A_289 : memref<1x80xi32, #tpu.memory_space<vmem>> -> memref<80xi32, #tpu.memory_space<vmem>>
      %dma_start3A_291 = arith.constant 0 : i32
      %dma_start3A_292 = arith.constant 0 : i32
      %dma_start3A_293 = tpu.memref_slice %arg9[%dma_start3A_291, %dma_start3A_292] : memref<10000x128xf32, #tpu.memory_space<vmem_shared>> -> memref<10000x128xf32, #tpu.memory_space<vmem_shared>>
      %dma_start3A_294 = tpu.memref_slice %arg11[%dma_start3A_283] : memref<3x!tpu.dma_semaphore, #tpu.memory_space<semaphore_mem>> -> memref<1x!tpu.dma_semaphore, #tpu.memory_space<semaphore_mem>>
      %dma_start3A_295 = tpu.memref_squeeze %dma_start3A_294 : memref<1x!tpu.dma_semaphore, #tpu.memory_space<semaphore_mem>> -> memref<!tpu.dma_semaphore, #tpu.memory_space<semaphore_mem>>
      tpu.enqueue_indirect_dma source(%dma_start3A_287 : memref<80x128xf32, #tpu.memory_space<vmem>>) target(%dma_start3A_293 : memref<10000x128xf32, #tpu.memory_space<vmem_shared>>) offsets(%dma_start3A_290 : memref<80xi32, #tpu.memory_space<vmem>>) semaphore(%dma_start3A_295 : memref<!tpu.dma_semaphore, #tpu.memory_space<semaphore_mem>>) {add = true}
      %mul3A_296 = arith.constant 80 : i32
      %mul3A_297 = arith.muli %add3A_240, %mul3A_296 : i32
      %dma_wait3A_298 = arith.constant 2 : i32
      %dma_wait3A_299 = arith.constant 0 : i32
      %dma_wait3A_300 = arith.constant 0 : i32
      %dma_wait3A_301 = tpu.memref_slice %arg8[%scan3A_85, %dma_wait3A_299, %dma_wait3A_300] : memref<3x80x128xf32, #tpu.memory_space<vmem>> -> memref<1x80x128xf32, #tpu.memory_space<vmem>>
      %dma_wait3A_302 = tpu.memref_squeeze %dma_wait3A_301 : memref<1x80x128xf32, #tpu.memory_space<vmem>> -> memref<80x128xf32, #tpu.memory_space<vmem>>
      %dma_wait3A_303 = tpu.memref_slice %arg6[%mul3A_297] : memref<10000xi32, #tpu.memory_space<vmem>> -> memref<80xi32, #tpu.memory_space<vmem>>
      %dma_wait3A_304 = arith.constant 0 : i32
      %dma_wait3A_305 = arith.constant 0 : i32
      %dma_wait3A_306 = tpu.memref_slice %arg2[%dma_wait3A_304, %dma_wait3A_305] : memref<10000x128xf32, #tpu.memory_space<hbm>> -> memref<10000x128xf32, #tpu.memory_space<hbm>>
      %dma_wait3A_307 = tpu.memref_slice %arg10[%dma_wait3A_298] : memref<3x!tpu.dma_semaphore, #tpu.memory_space<semaphore_mem>> -> memref<1x!tpu.dma_semaphore, #tpu.memory_space<semaphore_mem>>
      %dma_wait3A_308 = tpu.memref_squeeze %dma_wait3A_307 : memref<1x!tpu.dma_semaphore, #tpu.memory_space<semaphore_mem>> -> memref<!tpu.dma_semaphore, #tpu.memory_space<semaphore_mem>>
      tpu.wait_indirect_dma semaphore(%dma_wait3A_308 : memref<!tpu.dma_semaphore, #tpu.memory_space<semaphore_mem>>) src(%dma_wait3A_306 : memref<10000x128xf32, #tpu.memory_space<hbm>>) dst(%dma_wait3A_302 : memref<80x128xf32, #tpu.memory_space<vmem>>)
      %sub3A_309 = arith.constant 0 : i32
      %sub3A_310 = arith.subi %add3A_240, %sub3A_309 : i32
      %dma_start3A_311 = arith.constant 2 : i32
      %dma_start3A_312 = arith.constant 0 : i32
      %dma_start3A_313 = arith.constant 0 : i32
      %dma_start3A_314 = tpu.memref_slice %arg8[%scan3A_85, %dma_start3A_312, %dma_start3A_313] : memref<3x80x128xf32, #tpu.memory_space<vmem>> -> memref<1x80x128xf32, #tpu.memory_space<vmem>>
      %dma_start3A_315 = tpu.memref_squeeze %dma_start3A_314 : memref<1x80x128xf32, #tpu.memory_space<vmem>> -> memref<80x128xf32, #tpu.memory_space<vmem>>
      %dma_start3A_316 = arith.constant 0 : i32
      %dma_start3A_317 = tpu.memref_slice %arg7[%sub3A_310, %dma_start3A_316] : memref<64x80xi32, #tpu.memory_space<vmem>> -> memref<1x80xi32, #tpu.memory_space<vmem>>
      %dma_start3A_318 = tpu.memref_squeeze %dma_start3A_317 : memref<1x80xi32, #tpu.memory_space<vmem>> -> memref<80xi32, #tpu.memory_space<vmem>>
      %dma_start3A_319 = arith.constant 0 : i32
      %dma_start3A_320 = arith.constant 0 : i32
      %dma_start3A_321 = tpu.memref_slice %arg9[%dma_start3A_319, %dma_start3A_320] : memref<10000x128xf32, #tpu.memory_space<vmem_shared>> -> memref<10000x128xf32, #tpu.memory_space<vmem_shared>>
      %dma_start3A_322 = tpu.memref_slice %arg11[%dma_start3A_311] : memref<3x!tpu.dma_semaphore, #tpu.memory_space<semaphore_mem>> -> memref<1x!tpu.dma_semaphore, #tpu.memory_space<semaphore_mem>>
      %dma_start3A_323 = tpu.memref_squeeze %dma_start3A_322 : memref<1x!tpu.dma_semaphore, #tpu.memory_space<semaphore_mem>> -> memref<!tpu.dma_semaphore, #tpu.memory_space<semaphore_mem>>
      tpu.enqueue_indirect_dma source(%dma_start3A_315 : memref<80x128xf32, #tpu.memory_space<vmem>>) target(%dma_start3A_321 : memref<10000x128xf32, #tpu.memory_space<vmem_shared>>) offsets(%dma_start3A_318 : memref<80xi32, #tpu.memory_space<vmem>>) semaphore(%dma_start3A_323 : memref<!tpu.dma_semaphore, #tpu.memory_space<semaphore_mem>>) {add = true}
      %sub3A_324 = arith.constant 0 : i32
      %sub3A_325 = arith.subi %add3A_228, %sub3A_324 : i32
      %dma_wait3A_326 = arith.constant 0 : i32
      %dma_wait3A_327 = arith.constant 0 : i32
      %dma_wait3A_328 = arith.constant 0 : i32
      %dma_wait3A_329 = tpu.memref_slice %arg8[%scan3A, %dma_wait3A_327, %dma_wait3A_328] : memref<3x80x128xf32, #tpu.memory_space<vmem>> -> memref<1x80x128xf32, #tpu.memory_space<vmem>>
      %dma_wait3A_330 = tpu.memref_squeeze %dma_wait3A_329 : memref<1x80x128xf32, #tpu.memory_space<vmem>> -> memref<80x128xf32, #tpu.memory_space<vmem>>
      %dma_wait3A_331 = arith.constant 0 : i32
      %dma_wait3A_332 = tpu.memref_slice %arg7[%sub3A_325, %dma_wait3A_331] : memref<64x80xi32, #tpu.memory_space<vmem>> -> memref<1x80xi32, #tpu.memory_space<vmem>>
      %dma_wait3A_333 = tpu.memref_squeeze %dma_wait3A_332 : memref<1x80xi32, #tpu.memory_space<vmem>> -> memref<80xi32, #tpu.memory_space<vmem>>
      %dma_wait3A_334 = arith.constant 0 : i32
      %dma_wait3A_335 = arith.constant 0 : i32
      %dma_wait3A_336 = tpu.memref_slice %arg9[%dma_wait3A_334, %dma_wait3A_335] : memref<10000x128xf32, #tpu.memory_space<vmem_shared>> -> memref<10000x128xf32, #tpu.memory_space<vmem_shared>>
      %dma_wait3A_337 = tpu.memref_slice %arg11[%dma_wait3A_326] : memref<3x!tpu.dma_semaphore, #tpu.memory_space<semaphore_mem>> -> memref<1x!tpu.dma_semaphore, #tpu.memory_space<semaphore_mem>>
      %dma_wait3A_338 = tpu.memref_squeeze %dma_wait3A_337 : memref<1x!tpu.dma_semaphore, #tpu.memory_space<semaphore_mem>> -> memref<!tpu.dma_semaphore, #tpu.memory_space<semaphore_mem>>
      tpu.wait_indirect_dma semaphore(%dma_wait3A_338 : memref<!tpu.dma_semaphore, #tpu.memory_space<semaphore_mem>>) src(%dma_wait3A_330 : memref<80x128xf32, #tpu.memory_space<vmem>>) dst(%dma_wait3A_336 : memref<10000x128xf32, #tpu.memory_space<vmem_shared>>)
      %add3A_339 = arith.constant 3 : i32
      %add3A_340 = arith.addi %add3A_228, %add3A_339 : i32
      %mul3A_341 = arith.constant 80 : i32
      %mul3A_342 = arith.muli %add3A_340, %mul3A_341 : i32
      %dma_start3A_343 = arith.constant 0 : i32
      %dma_start3A_344 = arith.constant 0 : i32
      %dma_start3A_345 = arith.constant 0 : i32
      %dma_start3A_346 = tpu.memref_slice %arg8[%scan3A, %dma_start3A_344, %dma_start3A_345] : memref<3x80x128xf32, #tpu.memory_space<vmem>> -> memref<1x80x128xf32, #tpu.memory_space<vmem>>
      %dma_start3A_347 = tpu.memref_squeeze %dma_start3A_346 : memref<1x80x128xf32, #tpu.memory_space<vmem>> -> memref<80x128xf32, #tpu.memory_space<vmem>>
      %dma_start3A_348 = tpu.memref_slice %arg6[%mul3A_342] : memref<10000xi32, #tpu.memory_space<vmem>> -> memref<80xi32, #tpu.memory_space<vmem>>
      %dma_start3A_349 = arith.constant 0 : i32
      %dma_start3A_350 = arith.constant 0 : i32
      %dma_start3A_351 = tpu.memref_slice %arg2[%dma_start3A_349, %dma_start3A_350] : memref<10000x128xf32, #tpu.memory_space<hbm>> -> memref<10000x128xf32, #tpu.memory_space<hbm>>
      %dma_start3A_352 = tpu.memref_slice %arg10[%dma_start3A_343] : memref<3x!tpu.dma_semaphore, #tpu.memory_space<semaphore_mem>> -> memref<1x!tpu.dma_semaphore, #tpu.memory_space<semaphore_mem>>
      %dma_start3A_353 = tpu.memref_squeeze %dma_start3A_352 : memref<1x!tpu.dma_semaphore, #tpu.memory_space<semaphore_mem>> -> memref<!tpu.dma_semaphore, #tpu.memory_space<semaphore_mem>>
      tpu.enqueue_indirect_dma source(%dma_start3A_351 : memref<10000x128xf32, #tpu.memory_space<hbm>>) target(%dma_start3A_347 : memref<80x128xf32, #tpu.memory_space<vmem>>) offsets(%dma_start3A_348 : memref<80xi32, #tpu.memory_space<vmem>>) semaphore(%dma_start3A_353 : memref<!tpu.dma_semaphore, #tpu.memory_space<semaphore_mem>>)
      %sub3A_354 = arith.constant 0 : i32
      %sub3A_355 = arith.subi %add3A_234, %sub3A_354 : i32
      %dma_wait3A_356 = arith.constant 1 : i32
      %dma_wait3A_357 = arith.constant 0 : i32
      %dma_wait3A_358 = arith.constant 0 : i32
      %dma_wait3A_359 = tpu.memref_slice %arg8[%scan3A_84, %dma_wait3A_357, %dma_wait3A_358] : memref<3x80x128xf32, #tpu.memory_space<vmem>> -> memref<1x80x128xf32, #tpu.memory_space<vmem>>
      %dma_wait3A_360 = tpu.memref_squeeze %dma_wait3A_359 : memref<1x80x128xf32, #tpu.memory_space<vmem>> -> memref<80x128xf32, #tpu.memory_space<vmem>>
      %dma_wait3A_361 = arith.constant 0 : i32
      %dma_wait3A_362 = tpu.memref_slice %arg7[%sub3A_355, %dma_wait3A_361] : memref<64x80xi32, #tpu.memory_space<vmem>> -> memref<1x80xi32, #tpu.memory_space<vmem>>
      %dma_wait3A_363 = tpu.memref_squeeze %dma_wait3A_362 : memref<1x80xi32, #tpu.memory_space<vmem>> -> memref<80xi32, #tpu.memory_space<vmem>>
      %dma_wait3A_364 = arith.constant 0 : i32
      %dma_wait3A_365 = arith.constant 0 : i32
      %dma_wait3A_366 = tpu.memref_slice %arg9[%dma_wait3A_364, %dma_wait3A_365] : memref<10000x128xf32, #tpu.memory_space<vmem_shared>> -> memref<10000x128xf32, #tpu.memory_space<vmem_shared>>
      %dma_wait3A_367 = tpu.memref_slice %arg11[%dma_wait3A_356] : memref<3x!tpu.dma_semaphore, #tpu.memory_space<semaphore_mem>> -> memref<1x!tpu.dma_semaphore, #tpu.memory_space<semaphore_mem>>
      %dma_wait3A_368 = tpu.memref_squeeze %dma_wait3A_367 : memref<1x!tpu.dma_semaphore, #tpu.memory_space<semaphore_mem>> -> memref<!tpu.dma_semaphore, #tpu.memory_space<semaphore_mem>>
      tpu.wait_indirect_dma semaphore(%dma_wait3A_368 : memref<!tpu.dma_semaphore, #tpu.memory_space<semaphore_mem>>) src(%dma_wait3A_360 : memref<80x128xf32, #tpu.memory_space<vmem>>) dst(%dma_wait3A_366 : memref<10000x128xf32, #tpu.memory_space<vmem_shared>>)
      %add3A_369 = arith.constant 3 : i32
      %add3A_370 = arith.addi %add3A_234, %add3A_369 : i32
      %mul3A_371 = arith.constant 80 : i32
      %mul3A_372 = arith.muli %add3A_370, %mul3A_371 : i32
      %dma_start3A_373 = arith.constant 1 : i32
      %dma_start3A_374 = arith.constant 0 : i32
      %dma_start3A_375 = arith.constant 0 : i32
      %dma_start3A_376 = tpu.memref_slice %arg8[%scan3A_84, %dma_start3A_374, %dma_start3A_375] : memref<3x80x128xf32, #tpu.memory_space<vmem>> -> memref<1x80x128xf32, #tpu.memory_space<vmem>>
      %dma_start3A_377 = tpu.memref_squeeze %dma_start3A_376 : memref<1x80x128xf32, #tpu.memory_space<vmem>> -> memref<80x128xf32, #tpu.memory_space<vmem>>
      %dma_start3A_378 = tpu.memref_slice %arg6[%mul3A_372] : memref<10000xi32, #tpu.memory_space<vmem>> -> memref<80xi32, #tpu.memory_space<vmem>>
      %dma_start3A_379 = arith.constant 0 : i32
      %dma_start3A_380 = arith.constant 0 : i32
      %dma_start3A_381 = tpu.memref_slice %arg2[%dma_start3A_379, %dma_start3A_380] : memref<10000x128xf32, #tpu.memory_space<hbm>> -> memref<10000x128xf32, #tpu.memory_space<hbm>>
      %dma_start3A_382 = tpu.memref_slice %arg10[%dma_start3A_373] : memref<3x!tpu.dma_semaphore, #tpu.memory_space<semaphore_mem>> -> memref<1x!tpu.dma_semaphore, #tpu.memory_space<semaphore_mem>>
      %dma_start3A_383 = tpu.memref_squeeze %dma_start3A_382 : memref<1x!tpu.dma_semaphore, #tpu.memory_space<semaphore_mem>> -> memref<!tpu.dma_semaphore, #tpu.memory_space<semaphore_mem>>
      tpu.enqueue_indirect_dma source(%dma_start3A_381 : memref<10000x128xf32, #tpu.memory_space<hbm>>) target(%dma_start3A_377 : memref<80x128xf32, #tpu.memory_space<vmem>>) offsets(%dma_start3A_378 : memref<80xi32, #tpu.memory_space<vmem>>) semaphore(%dma_start3A_383 : memref<!tpu.dma_semaphore, #tpu.memory_space<semaphore_mem>>)
      %sub3A_384 = arith.constant 0 : i32
      %sub3A_385 = arith.subi %add3A_240, %sub3A_384 : i32
      %dma_wait3A_386 = arith.constant 2 : i32
      %dma_wait3A_387 = arith.constant 0 : i32
      %dma_wait3A_388 = arith.constant 0 : i32
      %dma_wait3A_389 = tpu.memref_slice %arg8[%scan3A_85, %dma_wait3A_387, %dma_wait3A_388] : memref<3x80x128xf32, #tpu.memory_space<vmem>> -> memref<1x80x128xf32, #tpu.memory_space<vmem>>
      %dma_wait3A_390 = tpu.memref_squeeze %dma_wait3A_389 : memref<1x80x128xf32, #tpu.memory_space<vmem>> -> memref<80x128xf32, #tpu.memory_space<vmem>>
      %dma_wait3A_391 = arith.constant 0 : i32
      %dma_wait3A_392 = tpu.memref_slice %arg7[%sub3A_385, %dma_wait3A_391] : memref<64x80xi32, #tpu.memory_space<vmem>> -> memref<1x80xi32, #tpu.memory_space<vmem>>
      %dma_wait3A_393 = tpu.memref_squeeze %dma_wait3A_392 : memref<1x80xi32, #tpu.memory_space<vmem>> -> memref<80xi32, #tpu.memory_space<vmem>>
      %dma_wait3A_394 = arith.constant 0 : i32
      %dma_wait3A_395 = arith.constant 0 : i32
      %dma_wait3A_396 = tpu.memref_slice %arg9[%dma_wait3A_394, %dma_wait3A_395] : memref<10000x128xf32, #tpu.memory_space<vmem_shared>> -> memref<10000x128xf32, #tpu.memory_space<vmem_shared>>
      %dma_wait3A_397 = tpu.memref_slice %arg11[%dma_wait3A_386] : memref<3x!tpu.dma_semaphore, #tpu.memory_space<semaphore_mem>> -> memref<1x!tpu.dma_semaphore, #tpu.memory_space<semaphore_mem>>
      %dma_wait3A_398 = tpu.memref_squeeze %dma_wait3A_397 : memref<1x!tpu.dma_semaphore, #tpu.memory_space<semaphore_mem>> -> memref<!tpu.dma_semaphore, #tpu.memory_space<semaphore_mem>>
      tpu.wait_indirect_dma semaphore(%dma_wait3A_398 : memref<!tpu.dma_semaphore, #tpu.memory_space<semaphore_mem>>) src(%dma_wait3A_390 : memref<80x128xf32, #tpu.memory_space<vmem>>) dst(%dma_wait3A_396 : memref<10000x128xf32, #tpu.memory_space<vmem_shared>>)
      %add3A_399 = arith.constant 3 : i32
      %add3A_400 = arith.addi %add3A_240, %add3A_399 : i32
      %mul3A_401 = arith.constant 80 : i32
      %mul3A_402 = arith.muli %add3A_400, %mul3A_401 : i32
      %dma_start3A_403 = arith.constant 2 : i32
      %dma_start3A_404 = arith.constant 0 : i32
      %dma_start3A_405 = arith.constant 0 : i32
      %dma_start3A_406 = tpu.memref_slice %arg8[%scan3A_85, %dma_start3A_404, %dma_start3A_405] : memref<3x80x128xf32, #tpu.memory_space<vmem>> -> memref<1x80x128xf32, #tpu.memory_space<vmem>>
      %dma_start3A_407 = tpu.memref_squeeze %dma_start3A_406 : memref<1x80x128xf32, #tpu.memory_space<vmem>> -> memref<80x128xf32, #tpu.memory_space<vmem>>
      %dma_start3A_408 = tpu.memref_slice %arg6[%mul3A_402] : memref<10000xi32, #tpu.memory_space<vmem>> -> memref<80xi32, #tpu.memory_space<vmem>>
      %dma_start3A_409 = arith.constant 0 : i32
      %dma_start3A_410 = arith.constant 0 : i32
      %dma_start3A_411 = tpu.memref_slice %arg2[%dma_start3A_409, %dma_start3A_410] : memref<10000x128xf32, #tpu.memory_space<hbm>> -> memref<10000x128xf32, #tpu.memory_space<hbm>>
      %dma_start3A_412 = tpu.memref_slice %arg10[%dma_start3A_403] : memref<3x!tpu.dma_semaphore, #tpu.memory_space<semaphore_mem>> -> memref<1x!tpu.dma_semaphore, #tpu.memory_space<semaphore_mem>>
      %dma_start3A_413 = tpu.memref_squeeze %dma_start3A_412 : memref<1x!tpu.dma_semaphore, #tpu.memory_space<semaphore_mem>> -> memref<!tpu.dma_semaphore, #tpu.memory_space<semaphore_mem>>
      tpu.enqueue_indirect_dma source(%dma_start3A_411 : memref<10000x128xf32, #tpu.memory_space<hbm>>) target(%dma_start3A_407 : memref<80x128xf32, #tpu.memory_space<vmem>>) offsets(%dma_start3A_408 : memref<80xi32, #tpu.memory_space<vmem>>) semaphore(%dma_start3A_413 : memref<!tpu.dma_semaphore, #tpu.memory_space<semaphore_mem>>)
    }
    %scan3A_90 = arith.constant 21 : i32
    %dma_wait3A_91 = arith.constant 0 : i32
    %dma_wait3A_92 = arith.constant 0 : i32
    %dma_wait3A_93 = arith.constant 0 : i32
    %dma_wait3A_94 = arith.constant 0 : i32
    %dma_wait3A_95 = tpu.memref_slice %arg8[%dma_wait3A_91, %dma_wait3A_93, %dma_wait3A_94] : memref<3x80x128xf32, #tpu.memory_space<vmem>> -> memref<1x80x128xf32, #tpu.memory_space<vmem>>
    %dma_wait3A_96 = tpu.memref_squeeze %dma_wait3A_95 : memref<1x80x128xf32, #tpu.memory_space<vmem>> -> memref<80x128xf32, #tpu.memory_space<vmem>>
    %dma_wait3A_97 = arith.constant 5040 : i32
    %dma_wait3A_98 = tpu.memref_slice %arg6[%dma_wait3A_97] : memref<10000xi32, #tpu.memory_space<vmem>> -> memref<80xi32, #tpu.memory_space<vmem>>
    %dma_wait3A_99 = arith.constant 0 : i32
    %dma_wait3A_100 = arith.constant 0 : i32
    %dma_wait3A_101 = tpu.memref_slice %arg2[%dma_wait3A_99, %dma_wait3A_100] : memref<10000x128xf32, #tpu.memory_space<hbm>> -> memref<10000x128xf32, #tpu.memory_space<hbm>>
    %dma_wait3A_102 = tpu.memref_slice %arg10[%dma_wait3A_92] : memref<3x!tpu.dma_semaphore, #tpu.memory_space<semaphore_mem>> -> memref<1x!tpu.dma_semaphore, #tpu.memory_space<semaphore_mem>>
    %dma_wait3A_103 = tpu.memref_squeeze %dma_wait3A_102 : memref<1x!tpu.dma_semaphore, #tpu.memory_space<semaphore_mem>> -> memref<!tpu.dma_semaphore, #tpu.memory_space<semaphore_mem>>
    tpu.wait_indirect_dma semaphore(%dma_wait3A_103 : memref<!tpu.dma_semaphore, #tpu.memory_space<semaphore_mem>>) src(%dma_wait3A_101 : memref<10000x128xf32, #tpu.memory_space<hbm>>) dst(%dma_wait3A_96 : memref<80x128xf32, #tpu.memory_space<vmem>>)
    %dma_start3A_104 = arith.constant 0 : i32
    %dma_start3A_105 = arith.constant 63 : i32
    %dma_start3A_106 = arith.constant 0 : i32
    %dma_start3A_107 = arith.constant 0 : i32
    %dma_start3A_108 = arith.constant 0 : i32
    %dma_start3A_109 = tpu.memref_slice %arg8[%dma_start3A_104, %dma_start3A_107, %dma_start3A_108] : memref<3x80x128xf32, #tpu.memory_space<vmem>> -> memref<1x80x128xf32, #tpu.memory_space<vmem>>
    %dma_start3A_110 = tpu.memref_squeeze %dma_start3A_109 : memref<1x80x128xf32, #tpu.memory_space<vmem>> -> memref<80x128xf32, #tpu.memory_space<vmem>>
    %dma_start3A_111 = arith.constant 0 : i32
    %dma_start3A_112 = tpu.memref_slice %arg7[%dma_start3A_105, %dma_start3A_111] : memref<64x80xi32, #tpu.memory_space<vmem>> -> memref<1x80xi32, #tpu.memory_space<vmem>>
    %dma_start3A_113 = tpu.memref_squeeze %dma_start3A_112 : memref<1x80xi32, #tpu.memory_space<vmem>> -> memref<80xi32, #tpu.memory_space<vmem>>
    %dma_start3A_114 = arith.constant 0 : i32
    %dma_start3A_115 = arith.constant 0 : i32
    %dma_start3A_116 = tpu.memref_slice %arg9[%dma_start3A_114, %dma_start3A_115] : memref<10000x128xf32, #tpu.memory_space<vmem_shared>> -> memref<10000x128xf32, #tpu.memory_space<vmem_shared>>
    %dma_start3A_117 = tpu.memref_slice %arg11[%dma_start3A_106] : memref<3x!tpu.dma_semaphore, #tpu.memory_space<semaphore_mem>> -> memref<1x!tpu.dma_semaphore, #tpu.memory_space<semaphore_mem>>
    %dma_start3A_118 = tpu.memref_squeeze %dma_start3A_117 : memref<1x!tpu.dma_semaphore, #tpu.memory_space<semaphore_mem>> -> memref<!tpu.dma_semaphore, #tpu.memory_space<semaphore_mem>>
    tpu.enqueue_indirect_dma source(%dma_start3A_110 : memref<80x128xf32, #tpu.memory_space<vmem>>) target(%dma_start3A_116 : memref<10000x128xf32, #tpu.memory_space<vmem_shared>>) offsets(%dma_start3A_113 : memref<80xi32, #tpu.memory_space<vmem>>) semaphore(%dma_start3A_118 : memref<!tpu.dma_semaphore, #tpu.memory_space<semaphore_mem>>) {add = true}
    %dma_wait3A_119 = arith.constant 0 : i32
    %dma_wait3A_120 = arith.constant 63 : i32
    %dma_wait3A_121 = arith.constant 0 : i32
    %dma_wait3A_122 = arith.constant 0 : i32
    %dma_wait3A_123 = arith.constant 0 : i32
    %dma_wait3A_124 = tpu.memref_slice %arg8[%dma_wait3A_119, %dma_wait3A_122, %dma_wait3A_123] : memref<3x80x128xf32, #tpu.memory_space<vmem>> -> memref<1x80x128xf32, #tpu.memory_space<vmem>>
    %dma_wait3A_125 = tpu.memref_squeeze %dma_wait3A_124 : memref<1x80x128xf32, #tpu.memory_space<vmem>> -> memref<80x128xf32, #tpu.memory_space<vmem>>
    %dma_wait3A_126 = arith.constant 0 : i32
    %dma_wait3A_127 = tpu.memref_slice %arg7[%dma_wait3A_120, %dma_wait3A_126] : memref<64x80xi32, #tpu.memory_space<vmem>> -> memref<1x80xi32, #tpu.memory_space<vmem>>
    %dma_wait3A_128 = tpu.memref_squeeze %dma_wait3A_127 : memref<1x80xi32, #tpu.memory_space<vmem>> -> memref<80xi32, #tpu.memory_space<vmem>>
    %dma_wait3A_129 = arith.constant 0 : i32
    %dma_wait3A_130 = arith.constant 0 : i32
    %dma_wait3A_131 = tpu.memref_slice %arg9[%dma_wait3A_129, %dma_wait3A_130] : memref<10000x128xf32, #tpu.memory_space<vmem_shared>> -> memref<10000x128xf32, #tpu.memory_space<vmem_shared>>
    %dma_wait3A_132 = tpu.memref_slice %arg11[%dma_wait3A_121] : memref<3x!tpu.dma_semaphore, #tpu.memory_space<semaphore_mem>> -> memref<1x!tpu.dma_semaphore, #tpu.memory_space<semaphore_mem>>
    %dma_wait3A_133 = tpu.memref_squeeze %dma_wait3A_132 : memref<1x!tpu.dma_semaphore, #tpu.memory_space<semaphore_mem>> -> memref<!tpu.dma_semaphore, #tpu.memory_space<semaphore_mem>>
    tpu.wait_indirect_dma semaphore(%dma_wait3A_133 : memref<!tpu.dma_semaphore, #tpu.memory_space<semaphore_mem>>) src(%dma_wait3A_125 : memref<80x128xf32, #tpu.memory_space<vmem>>) dst(%dma_wait3A_131 : memref<10000x128xf32, #tpu.memory_space<vmem_shared>>)
    %dma_start3A_134 = arith.constant 64 : i32
    %dma_start3A_135 = arith.constant 0 : i32
    %dma_start3A_136 = tpu.memref_slice %arg4[%add3A, %dma_start3A_134, %dma_start3A_135] : memref<32x128x80xi32, #tpu.memory_space<hbm>> -> memref<1x64x80xi32, #tpu.memory_space<hbm>>
    %dma_start3A_137 = tpu.memref_squeeze %dma_start3A_136 : memref<1x64x80xi32, #tpu.memory_space<hbm>> -> memref<64x80xi32, #tpu.memory_space<hbm>>
    %dma_start3A_138 = arith.constant 64 : i32
    %dma_start3A_139 = arith.constant 0 : i32
    %dma_start3A_140 = tpu.memref_slice %arg4[%add3A, %dma_start3A_138, %dma_start3A_139] : memref<32x128x80xi32, #tpu.memory_space<hbm>> -> memref<1x64x80xi32, #tpu.memory_space<hbm>>
    %dma_start3A_141 = tpu.memref_squeeze %dma_start3A_140 : memref<1x64x80xi32, #tpu.memory_space<hbm>> -> memref<64x80xi32, #tpu.memory_space<hbm>>
    tpu.enqueue_dma source(%dma_start3A_141 : memref<64x80xi32, #tpu.memory_space<hbm>>) target(%arg7 : memref<64x80xi32, #tpu.memory_space<vmem>>) target_semaphore(%arg12 : memref<!tpu.dma_semaphore, #tpu.memory_space<semaphore_mem>>)
    %dma_start3A_142 = arith.constant 0 : i32
    %dma_start3A_143 = arith.constant 0 : i32
    %dma_start3A_144 = arith.constant 0 : i32
    %dma_start3A_145 = arith.constant 0 : i32
    %dma_start3A_146 = tpu.memref_slice %arg8[%dma_start3A_142, %dma_start3A_144, %dma_start3A_145] : memref<3x80x128xf32, #tpu.memory_space<vmem>> -> memref<1x80x128xf32, #tpu.memory_space<vmem>>
    %dma_start3A_147 = tpu.memref_squeeze %dma_start3A_146 : memref<1x80x128xf32, #tpu.memory_space<vmem>> -> memref<80x128xf32, #tpu.memory_space<vmem>>
    %dma_start3A_148 = arith.constant 5280 : i32
    %dma_start3A_149 = tpu.memref_slice %arg6[%dma_start3A_148] : memref<10000xi32, #tpu.memory_space<vmem>> -> memref<80xi32, #tpu.memory_space<vmem>>
    %dma_start3A_150 = arith.constant 0 : i32
    %dma_start3A_151 = arith.constant 0 : i32
    %dma_start3A_152 = tpu.memref_slice %arg2[%dma_start3A_150, %dma_start3A_151] : memref<10000x128xf32, #tpu.memory_space<hbm>> -> memref<10000x128xf32, #tpu.memory_space<hbm>>
    %dma_start3A_153 = tpu.memref_slice %arg10[%dma_start3A_143] : memref<3x!tpu.dma_semaphore, #tpu.memory_space<semaphore_mem>> -> memref<1x!tpu.dma_semaphore, #tpu.memory_space<semaphore_mem>>
    %dma_start3A_154 = tpu.memref_squeeze %dma_start3A_153 : memref<1x!tpu.dma_semaphore, #tpu.memory_space<semaphore_mem>> -> memref<!tpu.dma_semaphore, #tpu.memory_space<semaphore_mem>>
    tpu.enqueue_indirect_dma source(%dma_start3A_152 : memref<10000x128xf32, #tpu.memory_space<hbm>>) target(%dma_start3A_147 : memref<80x128xf32, #tpu.memory_space<vmem>>) offsets(%dma_start3A_149 : memref<80xi32, #tpu.memory_space<vmem>>) semaphore(%dma_start3A_154 : memref<!tpu.dma_semaphore, #tpu.memory_space<semaphore_mem>>)
    %dma_wait3A_155 = arith.constant 64 : i32
    %dma_wait3A_156 = arith.constant 0 : i32
    %dma_wait3A_157 = tpu.memref_slice %arg4[%add3A, %dma_wait3A_155, %dma_wait3A_156] : memref<32x128x80xi32, #tpu.memory_space<hbm>> -> memref<1x64x80xi32, #tpu.memory_space<hbm>>
    %dma_wait3A_158 = tpu.memref_squeeze %dma_wait3A_157 : memref<1x64x80xi32, #tpu.memory_space<hbm>> -> memref<64x80xi32, #tpu.memory_space<hbm>>
    %dma_wait3A_159 = arith.constant 64 : i32
    %dma_wait3A_160 = arith.constant 0 : i32
    %dma_wait3A_161 = tpu.memref_slice %arg4[%add3A, %dma_wait3A_159, %dma_wait3A_160] : memref<32x128x80xi32, #tpu.memory_space<hbm>> -> memref<1x64x80xi32, #tpu.memory_space<hbm>>
    %dma_wait3A_162 = tpu.memref_squeeze %dma_wait3A_161 : memref<1x64x80xi32, #tpu.memory_space<hbm>> -> memref<64x80xi32, #tpu.memory_space<hbm>>
    tpu.wait_dma2 semaphore(%arg12 : memref<!tpu.dma_semaphore, #tpu.memory_space<semaphore_mem>>) src(%dma_wait3A_162 : memref<64x80xi32, #tpu.memory_space<hbm>>) dst(%arg7 : memref<64x80xi32, #tpu.memory_space<vmem>>)
    %scan3A_163 = arith.constant 1 : i32
    %scan3A_164 = arith.constant 2 : i32
    %scan3A_165 = arith.constant 0 : i32
    %scan3A_166 = arith.constant 0 : i32
    %scan3A_167 = arith.constant 20 : i32
    %scan3A_168 = arith.addi %scan3A_166, %scan3A_167 : i32
    %scan3A_169 = arith.constant 1 : i32
    scf.for %scan3A_222 = %scan3A_166 to %scan3A_168 step %scan3A_169  : i32 {
      %mul3A_223 = arith.constant 3 : i32
      %mul3A_224 = arith.muli %mul3A_223, %scan3A_222 : i32
      %add3A_225 = arith.constant 64 : i32
      %add3A_226 = arith.addi %add3A_225, %mul3A_224 : i32
      %add3A_227 = arith.constant 0 : i32
      %add3A_228 = arith.addi %add3A_226, %add3A_227 : i32
      %mul3A_229 = arith.constant 3 : i32
      %mul3A_230 = arith.muli %mul3A_229, %scan3A_222 : i32
      %add3A_231 = arith.constant 64 : i32
      %add3A_232 = arith.addi %add3A_231, %mul3A_230 : i32
      %add3A_233 = arith.constant 1 : i32
      %add3A_234 = arith.addi %add3A_232, %add3A_233 : i32
      %mul3A_235 = arith.constant 3 : i32
      %mul3A_236 = arith.muli %mul3A_235, %scan3A_222 : i32
      %add3A_237 = arith.constant 64 : i32
      %add3A_238 = arith.addi %add3A_237, %mul3A_236 : i32
      %add3A_239 = arith.constant 2 : i32
      %add3A_240 = arith.addi %add3A_238, %add3A_239 : i32
      %mul3A_241 = arith.constant 80 : i32
      %mul3A_242 = arith.muli %add3A_228, %mul3A_241 : i32
      %dma_wait3A_243 = arith.constant 1 : i32
      %dma_wait3A_244 = arith.constant 0 : i32
      %dma_wait3A_245 = arith.constant 0 : i32
      %dma_wait3A_246 = tpu.memref_slice %arg8[%scan3A_163, %dma_wait3A_244, %dma_wait3A_245] : memref<3x80x128xf32, #tpu.memory_space<vmem>> -> memref<1x80x128xf32, #tpu.memory_space<vmem>>
      %dma_wait3A_247 = tpu.memref_squeeze %dma_wait3A_246 : memref<1x80x128xf32, #tpu.memory_space<vmem>> -> memref<80x128xf32, #tpu.memory_space<vmem>>
      %dma_wait3A_248 = tpu.memref_slice %arg6[%mul3A_242] : memref<10000xi32, #tpu.memory_space<vmem>> -> memref<80xi32, #tpu.memory_space<vmem>>
      %dma_wait3A_249 = arith.constant 0 : i32
      %dma_wait3A_250 = arith.constant 0 : i32
      %dma_wait3A_251 = tpu.memref_slice %arg2[%dma_wait3A_249, %dma_wait3A_250] : memref<10000x128xf32, #tpu.memory_space<hbm>> -> memref<10000x128xf32, #tpu.memory_space<hbm>>
      %dma_wait3A_252 = tpu.memref_slice %arg10[%dma_wait3A_243] : memref<3x!tpu.dma_semaphore, #tpu.memory_space<semaphore_mem>> -> memref<1x!tpu.dma_semaphore, #tpu.memory_space<semaphore_mem>>
      %dma_wait3A_253 = tpu.memref_squeeze %dma_wait3A_252 : memref<1x!tpu.dma_semaphore, #tpu.memory_space<semaphore_mem>> -> memref<!tpu.dma_semaphore, #tpu.memory_space<semaphore_mem>>
      tpu.wait_indirect_dma semaphore(%dma_wait3A_253 : memref<!tpu.dma_semaphore, #tpu.memory_space<semaphore_mem>>) src(%dma_wait3A_251 : memref<10000x128xf32, #tpu.memory_space<hbm>>) dst(%dma_wait3A_247 : memref<80x128xf32, #tpu.memory_space<vmem>>)
      %sub3A = arith.constant 64 : i32
      %sub3A_254 = arith.subi %add3A_228, %sub3A : i32
      %dma_start3A_255 = arith.constant 1 : i32
      %dma_start3A_256 = arith.constant 0 : i32
      %dma_start3A_257 = arith.constant 0 : i32
      %dma_start3A_258 = tpu.memref_slice %arg8[%scan3A_163, %dma_start3A_256, %dma_start3A_257] : memref<3x80x128xf32, #tpu.memory_space<vmem>> -> memref<1x80x128xf32, #tpu.memory_space<vmem>>
      %dma_start3A_259 = tpu.memref_squeeze %dma_start3A_258 : memref<1x80x128xf32, #tpu.memory_space<vmem>> -> memref<80x128xf32, #tpu.memory_space<vmem>>
      %dma_start3A_260 = arith.constant 0 : i32
      %dma_start3A_261 = tpu.memref_slice %arg7[%sub3A_254, %dma_start3A_260] : memref<64x80xi32, #tpu.memory_space<vmem>> -> memref<1x80xi32, #tpu.memory_space<vmem>>
      %dma_start3A_262 = tpu.memref_squeeze %dma_start3A_261 : memref<1x80xi32, #tpu.memory_space<vmem>> -> memref<80xi32, #tpu.memory_space<vmem>>
      %dma_start3A_263 = arith.constant 0 : i32
      %dma_start3A_264 = arith.constant 0 : i32
      %dma_start3A_265 = tpu.memref_slice %arg9[%dma_start3A_263, %dma_start3A_264] : memref<10000x128xf32, #tpu.memory_space<vmem_shared>> -> memref<10000x128xf32, #tpu.memory_space<vmem_shared>>
      %dma_start3A_266 = tpu.memref_slice %arg11[%dma_start3A_255] : memref<3x!tpu.dma_semaphore, #tpu.memory_space<semaphore_mem>> -> memref<1x!tpu.dma_semaphore, #tpu.memory_space<semaphore_mem>>
      %dma_start3A_267 = tpu.memref_squeeze %dma_start3A_266 : memref<1x!tpu.dma_semaphore, #tpu.memory_space<semaphore_mem>> -> memref<!tpu.dma_semaphore, #tpu.memory_space<semaphore_mem>>
      tpu.enqueue_indirect_dma source(%dma_start3A_259 : memref<80x128xf32, #tpu.memory_space<vmem>>) target(%dma_start3A_265 : memref<10000x128xf32, #tpu.memory_space<vmem_shared>>) offsets(%dma_start3A_262 : memref<80xi32, #tpu.memory_space<vmem>>) semaphore(%dma_start3A_267 : memref<!tpu.dma_semaphore, #tpu.memory_space<semaphore_mem>>) {add = true}
      %mul3A_268 = arith.constant 80 : i32
      %mul3A_269 = arith.muli %add3A_234, %mul3A_268 : i32
      %dma_wait3A_270 = arith.constant 2 : i32
      %dma_wait3A_271 = arith.constant 0 : i32
      %dma_wait3A_272 = arith.constant 0 : i32
      %dma_wait3A_273 = tpu.memref_slice %arg8[%scan3A_164, %dma_wait3A_271, %dma_wait3A_272] : memref<3x80x128xf32, #tpu.memory_space<vmem>> -> memref<1x80x128xf32, #tpu.memory_space<vmem>>
      %dma_wait3A_274 = tpu.memref_squeeze %dma_wait3A_273 : memref<1x80x128xf32, #tpu.memory_space<vmem>> -> memref<80x128xf32, #tpu.memory_space<vmem>>
      %dma_wait3A_275 = tpu.memref_slice %arg6[%mul3A_269] : memref<10000xi32, #tpu.memory_space<vmem>> -> memref<80xi32, #tpu.memory_space<vmem>>
      %dma_wait3A_276 = arith.constant 0 : i32
      %dma_wait3A_277 = arith.constant 0 : i32
      %dma_wait3A_278 = tpu.memref_slice %arg2[%dma_wait3A_276, %dma_wait3A_277] : memref<10000x128xf32, #tpu.memory_space<hbm>> -> memref<10000x128xf32, #tpu.memory_space<hbm>>
      %dma_wait3A_279 = tpu.memref_slice %arg10[%dma_wait3A_270] : memref<3x!tpu.dma_semaphore, #tpu.memory_space<semaphore_mem>> -> memref<1x!tpu.dma_semaphore, #tpu.memory_space<semaphore_mem>>
      %dma_wait3A_280 = tpu.memref_squeeze %dma_wait3A_279 : memref<1x!tpu.dma_semaphore, #tpu.memory_space<semaphore_mem>> -> memref<!tpu.dma_semaphore, #tpu.memory_space<semaphore_mem>>
      tpu.wait_indirect_dma semaphore(%dma_wait3A_280 : memref<!tpu.dma_semaphore, #tpu.memory_space<semaphore_mem>>) src(%dma_wait3A_278 : memref<10000x128xf32, #tpu.memory_space<hbm>>) dst(%dma_wait3A_274 : memref<80x128xf32, #tpu.memory_space<vmem>>)
      %sub3A_281 = arith.constant 64 : i32
      %sub3A_282 = arith.subi %add3A_234, %sub3A_281 : i32
      %dma_start3A_283 = arith.constant 2 : i32
      %dma_start3A_284 = arith.constant 0 : i32
      %dma_start3A_285 = arith.constant 0 : i32
      %dma_start3A_286 = tpu.memref_slice %arg8[%scan3A_164, %dma_start3A_284, %dma_start3A_285] : memref<3x80x128xf32, #tpu.memory_space<vmem>> -> memref<1x80x128xf32, #tpu.memory_space<vmem>>
      %dma_start3A_287 = tpu.memref_squeeze %dma_start3A_286 : memref<1x80x128xf32, #tpu.memory_space<vmem>> -> memref<80x128xf32, #tpu.memory_space<vmem>>
      %dma_start3A_288 = arith.constant 0 : i32
      %dma_start3A_289 = tpu.memref_slice %arg7[%sub3A_282, %dma_start3A_288] : memref<64x80xi32, #tpu.memory_space<vmem>> -> memref<1x80xi32, #tpu.memory_space<vmem>>
      %dma_start3A_290 = tpu.memref_squeeze %dma_start3A_289 : memref<1x80xi32, #tpu.memory_space<vmem>> -> memref<80xi32, #tpu.memory_space<vmem>>
      %dma_start3A_291 = arith.constant 0 : i32
      %dma_start3A_292 = arith.constant 0 : i32
      %dma_start3A_293 = tpu.memref_slice %arg9[%dma_start3A_291, %dma_start3A_292] : memref<10000x128xf32, #tpu.memory_space<vmem_shared>> -> memref<10000x128xf32, #tpu.memory_space<vmem_shared>>
      %dma_start3A_294 = tpu.memref_slice %arg11[%dma_start3A_283] : memref<3x!tpu.dma_semaphore, #tpu.memory_space<semaphore_mem>> -> memref<1x!tpu.dma_semaphore, #tpu.memory_space<semaphore_mem>>
      %dma_start3A_295 = tpu.memref_squeeze %dma_start3A_294 : memref<1x!tpu.dma_semaphore, #tpu.memory_space<semaphore_mem>> -> memref<!tpu.dma_semaphore, #tpu.memory_space<semaphore_mem>>
      tpu.enqueue_indirect_dma source(%dma_start3A_287 : memref<80x128xf32, #tpu.memory_space<vmem>>) target(%dma_start3A_293 : memref<10000x128xf32, #tpu.memory_space<vmem_shared>>) offsets(%dma_start3A_290 : memref<80xi32, #tpu.memory_space<vmem>>) semaphore(%dma_start3A_295 : memref<!tpu.dma_semaphore, #tpu.memory_space<semaphore_mem>>) {add = true}
      %mul3A_296 = arith.constant 80 : i32
      %mul3A_297 = arith.muli %add3A_240, %mul3A_296 : i32
      %dma_wait3A_298 = arith.constant 0 : i32
      %dma_wait3A_299 = arith.constant 0 : i32
      %dma_wait3A_300 = arith.constant 0 : i32
      %dma_wait3A_301 = tpu.memref_slice %arg8[%scan3A_165, %dma_wait3A_299, %dma_wait3A_300] : memref<3x80x128xf32, #tpu.memory_space<vmem>> -> memref<1x80x128xf32, #tpu.memory_space<vmem>>
      %dma_wait3A_302 = tpu.memref_squeeze %dma_wait3A_301 : memref<1x80x128xf32, #tpu.memory_space<vmem>> -> memref<80x128xf32, #tpu.memory_space<vmem>>
      %dma_wait3A_303 = tpu.memref_slice %arg6[%mul3A_297] : memref<10000xi32, #tpu.memory_space<vmem>> -> memref<80xi32, #tpu.memory_space<vmem>>
      %dma_wait3A_304 = arith.constant 0 : i32
      %dma_wait3A_305 = arith.constant 0 : i32
      %dma_wait3A_306 = tpu.memref_slice %arg2[%dma_wait3A_304, %dma_wait3A_305] : memref<10000x128xf32, #tpu.memory_space<hbm>> -> memref<10000x128xf32, #tpu.memory_space<hbm>>
      %dma_wait3A_307 = tpu.memref_slice %arg10[%dma_wait3A_298] : memref<3x!tpu.dma_semaphore, #tpu.memory_space<semaphore_mem>> -> memref<1x!tpu.dma_semaphore, #tpu.memory_space<semaphore_mem>>
      %dma_wait3A_308 = tpu.memref_squeeze %dma_wait3A_307 : memref<1x!tpu.dma_semaphore, #tpu.memory_space<semaphore_mem>> -> memref<!tpu.dma_semaphore, #tpu.memory_space<semaphore_mem>>
      tpu.wait_indirect_dma semaphore(%dma_wait3A_308 : memref<!tpu.dma_semaphore, #tpu.memory_space<semaphore_mem>>) src(%dma_wait3A_306 : memref<10000x128xf32, #tpu.memory_space<hbm>>) dst(%dma_wait3A_302 : memref<80x128xf32, #tpu.memory_space<vmem>>)
      %sub3A_309 = arith.constant 64 : i32
      %sub3A_310 = arith.subi %add3A_240, %sub3A_309 : i32
      %dma_start3A_311 = arith.constant 0 : i32
      %dma_start3A_312 = arith.constant 0 : i32
      %dma_start3A_313 = arith.constant 0 : i32
      %dma_start3A_314 = tpu.memref_slice %arg8[%scan3A_165, %dma_start3A_312, %dma_start3A_313] : memref<3x80x128xf32, #tpu.memory_space<vmem>> -> memref<1x80x128xf32, #tpu.memory_space<vmem>>
      %dma_start3A_315 = tpu.memref_squeeze %dma_start3A_314 : memref<1x80x128xf32, #tpu.memory_space<vmem>> -> memref<80x128xf32, #tpu.memory_space<vmem>>
      %dma_start3A_316 = arith.constant 0 : i32
      %dma_start3A_317 = tpu.memref_slice %arg7[%sub3A_310, %dma_start3A_316] : memref<64x80xi32, #tpu.memory_space<vmem>> -> memref<1x80xi32, #tpu.memory_space<vmem>>
      %dma_start3A_318 = tpu.memref_squeeze %dma_start3A_317 : memref<1x80xi32, #tpu.memory_space<vmem>> -> memref<80xi32, #tpu.memory_space<vmem>>
      %dma_start3A_319 = arith.constant 0 : i32
      %dma_start3A_320 = arith.constant 0 : i32
      %dma_start3A_321 = tpu.memref_slice %arg9[%dma_start3A_319, %dma_start3A_320] : memref<10000x128xf32, #tpu.memory_space<vmem_shared>> -> memref<10000x128xf32, #tpu.memory_space<vmem_shared>>
      %dma_start3A_322 = tpu.memref_slice %arg11[%dma_start3A_311] : memref<3x!tpu.dma_semaphore, #tpu.memory_space<semaphore_mem>> -> memref<1x!tpu.dma_semaphore, #tpu.memory_space<semaphore_mem>>
      %dma_start3A_323 = tpu.memref_squeeze %dma_start3A_322 : memref<1x!tpu.dma_semaphore, #tpu.memory_space<semaphore_mem>> -> memref<!tpu.dma_semaphore, #tpu.memory_space<semaphore_mem>>
      tpu.enqueue_indirect_dma source(%dma_start3A_315 : memref<80x128xf32, #tpu.memory_space<vmem>>) target(%dma_start3A_321 : memref<10000x128xf32, #tpu.memory_space<vmem_shared>>) offsets(%dma_start3A_318 : memref<80xi32, #tpu.memory_space<vmem>>) semaphore(%dma_start3A_323 : memref<!tpu.dma_semaphore, #tpu.memory_space<semaphore_mem>>) {add = true}
      %sub3A_324 = arith.constant 64 : i32
      %sub3A_325 = arith.subi %add3A_228, %sub3A_324 : i32
      %dma_wait3A_326 = arith.constant 1 : i32
      %dma_wait3A_327 = arith.constant 0 : i32
      %dma_wait3A_328 = arith.constant 0 : i32
      %dma_wait3A_329 = tpu.memref_slice %arg8[%scan3A_163, %dma_wait3A_327, %dma_wait3A_328] : memref<3x80x128xf32, #tpu.memory_space<vmem>> -> memref<1x80x128xf32, #tpu.memory_space<vmem>>
      %dma_wait3A_330 = tpu.memref_squeeze %dma_wait3A_329 : memref<1x80x128xf32, #tpu.memory_space<vmem>> -> memref<80x128xf32, #tpu.memory_space<vmem>>
      %dma_wait3A_331 = arith.constant 0 : i32
      %dma_wait3A_332 = tpu.memref_slice %arg7[%sub3A_325, %dma_wait3A_331] : memref<64x80xi32, #tpu.memory_space<vmem>> -> memref<1x80xi32, #tpu.memory_space<vmem>>
      %dma_wait3A_333 = tpu.memref_squeeze %dma_wait3A_332 : memref<1x80xi32, #tpu.memory_space<vmem>> -> memref<80xi32, #tpu.memory_space<vmem>>
      %dma_wait3A_334 = arith.constant 0 : i32
      %dma_wait3A_335 = arith.constant 0 : i32
      %dma_wait3A_336 = tpu.memref_slice %arg9[%dma_wait3A_334, %dma_wait3A_335] : memref<10000x128xf32, #tpu.memory_space<vmem_shared>> -> memref<10000x128xf32, #tpu.memory_space<vmem_shared>>
      %dma_wait3A_337 = tpu.memref_slice %arg11[%dma_wait3A_326] : memref<3x!tpu.dma_semaphore, #tpu.memory_space<semaphore_mem>> -> memref<1x!tpu.dma_semaphore, #tpu.memory_space<semaphore_mem>>
      %dma_wait3A_338 = tpu.memref_squeeze %dma_wait3A_337 : memref<1x!tpu.dma_semaphore, #tpu.memory_space<semaphore_mem>> -> memref<!tpu.dma_semaphore, #tpu.memory_space<semaphore_mem>>
      tpu.wait_indirect_dma semaphore(%dma_wait3A_338 : memref<!tpu.dma_semaphore, #tpu.memory_space<semaphore_mem>>) src(%dma_wait3A_330 : memref<80x128xf32, #tpu.memory_space<vmem>>) dst(%dma_wait3A_336 : memref<10000x128xf32, #tpu.memory_space<vmem_shared>>)
      %add3A_339 = arith.constant 3 : i32
      %add3A_340 = arith.addi %add3A_228, %add3A_339 : i32
      %mul3A_341 = arith.constant 80 : i32
      %mul3A_342 = arith.muli %add3A_340, %mul3A_341 : i32
      %dma_start3A_343 = arith.constant 1 : i32
      %dma_start3A_344 = arith.constant 0 : i32
      %dma_start3A_345 = arith.constant 0 : i32
      %dma_start3A_346 = tpu.memref_slice %arg8[%scan3A_163, %dma_start3A_344, %dma_start3A_345] : memref<3x80x128xf32, #tpu.memory_space<vmem>> -> memref<1x80x128xf32, #tpu.memory_space<vmem>>
      %dma_start3A_347 = tpu.memref_squeeze %dma_start3A_346 : memref<1x80x128xf32, #tpu.memory_space<vmem>> -> memref<80x128xf32, #tpu.memory_space<vmem>>
      %dma_start3A_348 = tpu.memref_slice %arg6[%mul3A_342] : memref<10000xi32, #tpu.memory_space<vmem>> -> memref<80xi32, #tpu.memory_space<vmem>>
      %dma_start3A_349 = arith.constant 0 : i32
      %dma_start3A_350 = arith.constant 0 : i32
      %dma_start3A_351 = tpu.memref_slice %arg2[%dma_start3A_349, %dma_start3A_350] : memref<10000x128xf32, #tpu.memory_space<hbm>> -> memref<10000x128xf32, #tpu.memory_space<hbm>>
      %dma_start3A_352 = tpu.memref_slice %arg10[%dma_start3A_343] : memref<3x!tpu.dma_semaphore, #tpu.memory_space<semaphore_mem>> -> memref<1x!tpu.dma_semaphore, #tpu.memory_space<semaphore_mem>>
      %dma_start3A_353 = tpu.memref_squeeze %dma_start3A_352 : memref<1x!tpu.dma_semaphore, #tpu.memory_space<semaphore_mem>> -> memref<!tpu.dma_semaphore, #tpu.memory_space<semaphore_mem>>
      tpu.enqueue_indirect_dma source(%dma_start3A_351 : memref<10000x128xf32, #tpu.memory_space<hbm>>) target(%dma_start3A_347 : memref<80x128xf32, #tpu.memory_space<vmem>>) offsets(%dma_start3A_348 : memref<80xi32, #tpu.memory_space<vmem>>) semaphore(%dma_start3A_353 : memref<!tpu.dma_semaphore, #tpu.memory_space<semaphore_mem>>)
      %sub3A_354 = arith.constant 64 : i32
      %sub3A_355 = arith.subi %add3A_234, %sub3A_354 : i32
      %dma_wait3A_356 = arith.constant 2 : i32
      %dma_wait3A_357 = arith.constant 0 : i32
      %dma_wait3A_358 = arith.constant 0 : i32
      %dma_wait3A_359 = tpu.memref_slice %arg8[%scan3A_164, %dma_wait3A_357, %dma_wait3A_358] : memref<3x80x128xf32, #tpu.memory_space<vmem>> -> memref<1x80x128xf32, #tpu.memory_space<vmem>>
      %dma_wait3A_360 = tpu.memref_squeeze %dma_wait3A_359 : memref<1x80x128xf32, #tpu.memory_space<vmem>> -> memref<80x128xf32, #tpu.memory_space<vmem>>
      %dma_wait3A_361 = arith.constant 0 : i32
      %dma_wait3A_362 = tpu.memref_slice %arg7[%sub3A_355, %dma_wait3A_361] : memref<64x80xi32, #tpu.memory_space<vmem>> -> memref<1x80xi32, #tpu.memory_space<vmem>>
      %dma_wait3A_363 = tpu.memref_squeeze %dma_wait3A_362 : memref<1x80xi32, #tpu.memory_space<vmem>> -> memref<80xi32, #tpu.memory_space<vmem>>
      %dma_wait3A_364 = arith.constant 0 : i32
      %dma_wait3A_365 = arith.constant 0 : i32
      %dma_wait3A_366 = tpu.memref_slice %arg9[%dma_wait3A_364, %dma_wait3A_365] : memref<10000x128xf32, #tpu.memory_space<vmem_shared>> -> memref<10000x128xf32, #tpu.memory_space<vmem_shared>>
      %dma_wait3A_367 = tpu.memref_slice %arg11[%dma_wait3A_356] : memref<3x!tpu.dma_semaphore, #tpu.memory_space<semaphore_mem>> -> memref<1x!tpu.dma_semaphore, #tpu.memory_space<semaphore_mem>>
      %dma_wait3A_368 = tpu.memref_squeeze %dma_wait3A_367 : memref<1x!tpu.dma_semaphore, #tpu.memory_space<semaphore_mem>> -> memref<!tpu.dma_semaphore, #tpu.memory_space<semaphore_mem>>
      tpu.wait_indirect_dma semaphore(%dma_wait3A_368 : memref<!tpu.dma_semaphore, #tpu.memory_space<semaphore_mem>>) src(%dma_wait3A_360 : memref<80x128xf32, #tpu.memory_space<vmem>>) dst(%dma_wait3A_366 : memref<10000x128xf32, #tpu.memory_space<vmem_shared>>)
      %lt3A = arith.constant 19 : i32
      %lt3A_369 = arith.cmpi slt, %scan3A_222, %lt3A : i32
      %convert_element_type3A = arith.extui %lt3A_369 : i1 to i32
      %cond3A = arith.constant 0 : i32
      %cond3A_370 = arith.cmpi ne, %convert_element_type3A, %cond3A : i32
      scf.if %cond3A_370 {
        %add3A_391 = arith.constant 3 : i32
        %add3A_392 = arith.addi %add3A_234, %add3A_391 : i32
        %mul3A_393 = arith.constant 80 : i32
        %mul3A_394 = arith.muli %add3A_392, %mul3A_393 : i32
        %dma_start3A_395 = arith.constant 2 : i32
        %dma_start3A_396 = arith.constant 0 : i32
        %dma_start3A_397 = arith.constant 0 : i32
        %dma_start3A_398 = tpu.memref_slice %arg8[%scan3A_164, %dma_start3A_396, %dma_start3A_397] : memref<3x80x128xf32, #tpu.memory_space<vmem>> -> memref<1x80x128xf32, #tpu.memory_space<vmem>>
        %dma_start3A_399 = tpu.memref_squeeze %dma_start3A_398 : memref<1x80x128xf32, #tpu.memory_space<vmem>> -> memref<80x128xf32, #tpu.memory_space<vmem>>
        %dma_start3A_400 = tpu.memref_slice %arg6[%mul3A_394] : memref<10000xi32, #tpu.memory_space<vmem>> -> memref<80xi32, #tpu.memory_space<vmem>>
        %dma_start3A_401 = arith.constant 0 : i32
        %dma_start3A_402 = arith.constant 0 : i32
        %dma_start3A_403 = tpu.memref_slice %arg2[%dma_start3A_401, %dma_start3A_402] : memref<10000x128xf32, #tpu.memory_space<hbm>> -> memref<10000x128xf32, #tpu.memory_space<hbm>>
        %dma_start3A_404 = tpu.memref_slice %arg10[%dma_start3A_395] : memref<3x!tpu.dma_semaphore, #tpu.memory_space<semaphore_mem>> -> memref<1x!tpu.dma_semaphore, #tpu.memory_space<semaphore_mem>>
        %dma_start3A_405 = tpu.memref_squeeze %dma_start3A_404 : memref<1x!tpu.dma_semaphore, #tpu.memory_space<semaphore_mem>> -> memref<!tpu.dma_semaphore, #tpu.memory_space<semaphore_mem>>
        tpu.enqueue_indirect_dma source(%dma_start3A_403 : memref<10000x128xf32, #tpu.memory_space<hbm>>) target(%dma_start3A_399 : memref<80x128xf32, #tpu.memory_space<vmem>>) offsets(%dma_start3A_400 : memref<80xi32, #tpu.memory_space<vmem>>) semaphore(%dma_start3A_405 : memref<!tpu.dma_semaphore, #tpu.memory_space<semaphore_mem>>)
      } else {
      }
      %sub3A_371 = arith.constant 64 : i32
      %sub3A_372 = arith.subi %add3A_240, %sub3A_371 : i32
      %dma_wait3A_373 = arith.constant 0 : i32
      %dma_wait3A_374 = arith.constant 0 : i32
      %dma_wait3A_375 = arith.constant 0 : i32
      %dma_wait3A_376 = tpu.memref_slice %arg8[%scan3A_165, %dma_wait3A_374, %dma_wait3A_375] : memref<3x80x128xf32, #tpu.memory_space<vmem>> -> memref<1x80x128xf32, #tpu.memory_space<vmem>>
      %dma_wait3A_377 = tpu.memref_squeeze %dma_wait3A_376 : memref<1x80x128xf32, #tpu.memory_space<vmem>> -> memref<80x128xf32, #tpu.memory_space<vmem>>
      %dma_wait3A_378 = arith.constant 0 : i32
      %dma_wait3A_379 = tpu.memref_slice %arg7[%sub3A_372, %dma_wait3A_378] : memref<64x80xi32, #tpu.memory_space<vmem>> -> memref<1x80xi32, #tpu.memory_space<vmem>>
      %dma_wait3A_380 = tpu.memref_squeeze %dma_wait3A_379 : memref<1x80xi32, #tpu.memory_space<vmem>> -> memref<80xi32, #tpu.memory_space<vmem>>
      %dma_wait3A_381 = arith.constant 0 : i32
      %dma_wait3A_382 = arith.constant 0 : i32
      %dma_wait3A_383 = tpu.memref_slice %arg9[%dma_wait3A_381, %dma_wait3A_382] : memref<10000x128xf32, #tpu.memory_space<vmem_shared>> -> memref<10000x128xf32, #tpu.memory_space<vmem_shared>>
      %dma_wait3A_384 = tpu.memref_slice %arg11[%dma_wait3A_373] : memref<3x!tpu.dma_semaphore, #tpu.memory_space<semaphore_mem>> -> memref<1x!tpu.dma_semaphore, #tpu.memory_space<semaphore_mem>>
      %dma_wait3A_385 = tpu.memref_squeeze %dma_wait3A_384 : memref<1x!tpu.dma_semaphore, #tpu.memory_space<semaphore_mem>> -> memref<!tpu.dma_semaphore, #tpu.memory_space<semaphore_mem>>
      tpu.wait_indirect_dma semaphore(%dma_wait3A_385 : memref<!tpu.dma_semaphore, #tpu.memory_space<semaphore_mem>>) src(%dma_wait3A_377 : memref<80x128xf32, #tpu.memory_space<vmem>>) dst(%dma_wait3A_383 : memref<10000x128xf32, #tpu.memory_space<vmem_shared>>)
      %lt3A_386 = arith.constant 19 : i32
      %lt3A_387 = arith.cmpi slt, %scan3A_222, %lt3A_386 : i32
      %convert_element_type3A_388 = arith.extui %lt3A_387 : i1 to i32
      %cond3A_389 = arith.constant 0 : i32
      %cond3A_390 = arith.cmpi ne, %convert_element_type3A_388, %cond3A_389 : i32
      scf.if %cond3A_390 {
        %add3A_391 = arith.constant 3 : i32
        %add3A_392 = arith.addi %add3A_240, %add3A_391 : i32
        %mul3A_393 = arith.constant 80 : i32
        %mul3A_394 = arith.muli %add3A_392, %mul3A_393 : i32
        %dma_start3A_395 = arith.constant 0 : i32
        %dma_start3A_396 = arith.constant 0 : i32
        %dma_start3A_397 = arith.constant 0 : i32
        %dma_start3A_398 = tpu.memref_slice %arg8[%scan3A_165, %dma_start3A_396, %dma_start3A_397] : memref<3x80x128xf32, #tpu.memory_space<vmem>> -> memref<1x80x128xf32, #tpu.memory_space<vmem>>
        %dma_start3A_399 = tpu.memref_squeeze %dma_start3A_398 : memref<1x80x128xf32, #tpu.memory_space<vmem>> -> memref<80x128xf32, #tpu.memory_space<vmem>>
        %dma_start3A_400 = tpu.memref_slice %arg6[%mul3A_394] : memref<10000xi32, #tpu.memory_space<vmem>> -> memref<80xi32, #tpu.memory_space<vmem>>
        %dma_start3A_401 = arith.constant 0 : i32
        %dma_start3A_402 = arith.constant 0 : i32
        %dma_start3A_403 = tpu.memref_slice %arg2[%dma_start3A_401, %dma_start3A_402] : memref<10000x128xf32, #tpu.memory_space<hbm>> -> memref<10000x128xf32, #tpu.memory_space<hbm>>
        %dma_start3A_404 = tpu.memref_slice %arg10[%dma_start3A_395] : memref<3x!tpu.dma_semaphore, #tpu.memory_space<semaphore_mem>> -> memref<1x!tpu.dma_semaphore, #tpu.memory_space<semaphore_mem>>
        %dma_start3A_405 = tpu.memref_squeeze %dma_start3A_404 : memref<1x!tpu.dma_semaphore, #tpu.memory_space<semaphore_mem>> -> memref<!tpu.dma_semaphore, #tpu.memory_space<semaphore_mem>>
        tpu.enqueue_indirect_dma source(%dma_start3A_403 : memref<10000x128xf32, #tpu.memory_space<hbm>>) target(%dma_start3A_399 : memref<80x128xf32, #tpu.memory_space<vmem>>) offsets(%dma_start3A_400 : memref<80xi32, #tpu.memory_space<vmem>>) semaphore(%dma_start3A_405 : memref<!tpu.dma_semaphore, #tpu.memory_space<semaphore_mem>>)
      } else {
      }
    }
    %scan3A_170 = arith.constant 20 : i32
    %dma_wait3A_171 = arith.constant 1 : i32
    %dma_wait3A_172 = arith.constant 1 : i32
    %dma_wait3A_173 = arith.constant 0 : i32
    %dma_wait3A_174 = arith.constant 0 : i32
    %dma_wait3A_175 = tpu.memref_slice %arg8[%dma_wait3A_171, %dma_wait3A_173, %dma_wait3A_174] : memref<3x80x128xf32, #tpu.memory_space<vmem>> -> memref<1x80x128xf32, #tpu.memory_space<vmem>>
    %dma_wait3A_176 = tpu.memref_squeeze %dma_wait3A_175 : memref<1x80x128xf32, #tpu.memory_space<vmem>> -> memref<80x128xf32, #tpu.memory_space<vmem>>
    %dma_wait3A_177 = arith.constant 9920 : i32
    %dma_wait3A_178 = tpu.memref_slice %arg6[%dma_wait3A_177] : memref<10000xi32, #tpu.memory_space<vmem>> -> memref<80xi32, #tpu.memory_space<vmem>>
    %dma_wait3A_179 = arith.constant 0 : i32
    %dma_wait3A_180 = arith.constant 0 : i32
    %dma_wait3A_181 = tpu.memref_slice %arg2[%dma_wait3A_179, %dma_wait3A_180] : memref<10000x128xf32, #tpu.memory_space<hbm>> -> memref<10000x128xf32, #tpu.memory_space<hbm>>
    %dma_wait3A_182 = tpu.memref_slice %arg10[%dma_wait3A_172] : memref<3x!tpu.dma_semaphore, #tpu.memory_space<semaphore_mem>> -> memref<1x!tpu.dma_semaphore, #tpu.memory_space<semaphore_mem>>
    %dma_wait3A_183 = tpu.memref_squeeze %dma_wait3A_182 : memref<1x!tpu.dma_semaphore, #tpu.memory_space<semaphore_mem>> -> memref<!tpu.dma_semaphore, #tpu.memory_space<semaphore_mem>>
    tpu.wait_indirect_dma semaphore(%dma_wait3A_183 : memref<!tpu.dma_semaphore, #tpu.memory_space<semaphore_mem>>) src(%dma_wait3A_181 : memref<10000x128xf32, #tpu.memory_space<hbm>>) dst(%dma_wait3A_176 : memref<80x128xf32, #tpu.memory_space<vmem>>)
    %dma_start3A_184 = arith.constant 1 : i32
    %dma_start3A_185 = arith.constant 60 : i32
    %dma_start3A_186 = arith.constant 1 : i32
    %dma_start3A_187 = arith.constant 0 : i32
    %dma_start3A_188 = arith.constant 0 : i32
    %dma_start3A_189 = tpu.memref_slice %arg8[%dma_start3A_184, %dma_start3A_187, %dma_start3A_188] : memref<3x80x128xf32, #tpu.memory_space<vmem>> -> memref<1x80x128xf32, #tpu.memory_space<vmem>>
    %dma_start3A_190 = tpu.memref_squeeze %dma_start3A_189 : memref<1x80x128xf32, #tpu.memory_space<vmem>> -> memref<80x128xf32, #tpu.memory_space<vmem>>
    %dma_start3A_191 = arith.constant 0 : i32
    %dma_start3A_192 = tpu.memref_slice %arg7[%dma_start3A_185, %dma_start3A_191] : memref<64x80xi32, #tpu.memory_space<vmem>> -> memref<1x80xi32, #tpu.memory_space<vmem>>
    %dma_start3A_193 = tpu.memref_squeeze %dma_start3A_192 : memref<1x80xi32, #tpu.memory_space<vmem>> -> memref<80xi32, #tpu.memory_space<vmem>>
    %dma_start3A_194 = arith.constant 0 : i32
    %dma_start3A_195 = arith.constant 0 : i32
    %dma_start3A_196 = tpu.memref_slice %arg9[%dma_start3A_194, %dma_start3A_195] : memref<10000x128xf32, #tpu.memory_space<vmem_shared>> -> memref<10000x128xf32, #tpu.memory_space<vmem_shared>>
    %dma_start3A_197 = tpu.memref_slice %arg11[%dma_start3A_186] : memref<3x!tpu.dma_semaphore, #tpu.memory_space<semaphore_mem>> -> memref<1x!tpu.dma_semaphore, #tpu.memory_space<semaphore_mem>>
    %dma_start3A_198 = tpu.memref_squeeze %dma_start3A_197 : memref<1x!tpu.dma_semaphore, #tpu.memory_space<semaphore_mem>> -> memref<!tpu.dma_semaphore, #tpu.memory_space<semaphore_mem>>
    tpu.enqueue_indirect_dma source(%dma_start3A_190 : memref<80x128xf32, #tpu.memory_space<vmem>>) target(%dma_start3A_196 : memref<10000x128xf32, #tpu.memory_space<vmem_shared>>) offsets(%dma_start3A_193 : memref<80xi32, #tpu.memory_space<vmem>>) semaphore(%dma_start3A_198 : memref<!tpu.dma_semaphore, #tpu.memory_space<semaphore_mem>>) {add = true}
    %dma_wait3A_199 = arith.constant 1 : i32
    %dma_wait3A_200 = arith.constant 60 : i32
    %dma_wait3A_201 = arith.constant 1 : i32
    %dma_wait3A_202 = arith.constant 0 : i32
    %dma_wait3A_203 = arith.constant 0 : i32
    %dma_wait3A_204 = tpu.memref_slice %arg8[%dma_wait3A_199, %dma_wait3A_202, %dma_wait3A_203] : memref<3x80x128xf32, #tpu.memory_space<vmem>> -> memref<1x80x128xf32, #tpu.memory_space<vmem>>
    %dma_wait3A_205 = tpu.memref_squeeze %dma_wait3A_204 : memref<1x80x128xf32, #tpu.memory_space<vmem>> -> memref<80x128xf32, #tpu.memory_space<vmem>>
    %dma_wait3A_206 = arith.constant 0 : i32
    %dma_wait3A_207 = tpu.memref_slice %arg7[%dma_wait3A_200, %dma_wait3A_206] : memref<64x80xi32, #tpu.memory_space<vmem>> -> memref<1x80xi32, #tpu.memory_space<vmem>>
    %dma_wait3A_208 = tpu.memref_squeeze %dma_wait3A_207 : memref<1x80xi32, #tpu.memory_space<vmem>> -> memref<80xi32, #tpu.memory_space<vmem>>
    %dma_wait3A_209 = arith.constant 0 : i32
    %dma_wait3A_210 = arith.constant 0 : i32
    %dma_wait3A_211 = tpu.memref_slice %arg9[%dma_wait3A_209, %dma_wait3A_210] : memref<10000x128xf32, #tpu.memory_space<vmem_shared>> -> memref<10000x128xf32, #tpu.memory_space<vmem_shared>>
    %dma_wait3A_212 = tpu.memref_slice %arg11[%dma_wait3A_201] : memref<3x!tpu.dma_semaphore, #tpu.memory_space<semaphore_mem>> -> memref<1x!tpu.dma_semaphore, #tpu.memory_space<semaphore_mem>>
    %dma_wait3A_213 = tpu.memref_squeeze %dma_wait3A_212 : memref<1x!tpu.dma_semaphore, #tpu.memory_space<semaphore_mem>> -> memref<!tpu.dma_semaphore, #tpu.memory_space<semaphore_mem>>
    tpu.wait_indirect_dma semaphore(%dma_wait3A_213 : memref<!tpu.dma_semaphore, #tpu.memory_space<semaphore_mem>>) src(%dma_wait3A_205 : memref<80x128xf32, #tpu.memory_space<vmem>>) dst(%dma_wait3A_211 : memref<10000x128xf32, #tpu.memory_space<vmem_shared>>)
    %barrier3A_214 = arith.constant 0 : index
    tpu.barrier barrier_id(%barrier3A_214)
    %mul3A_215 = arith.constant 624 : i32
    %mul3A_216 = arith.muli %arg1, %mul3A_215 : i32
    %mul3A_217 = arith.constant 10000 : i32
    %mul3A_218 = arith.muli %arg0, %mul3A_217 : i32
    %mul3A_219 = arith.constant 624 : i32
    %mul3A_220 = arith.muli %arg1, %mul3A_219 : i32
    %add3A_221 = arith.addi %mul3A_218, %mul3A_220 : i32
    "tpu.region"() ({
      %run_scoped3A = tpu.sem_alloc : memref<!tpu.dma_semaphore, #tpu.memory_space<semaphore_mem>>
      %dma_start3A_222 = arith.constant 0 : i32
      %dma_start3A_223 = tpu.memref_slice %arg5[%add3A_221, %dma_start3A_222] : memref<20000x128xf32, #tpu.memory_space<hbm>> -> memref<640x128xf32, #tpu.memory_space<hbm>>
      %dma_start3A_224 = arith.constant 0 : i32
      %dma_start3A_225 = tpu.memref_slice %arg9[%mul3A_216, %dma_start3A_224] : memref<10000x128xf32, #tpu.memory_space<vmem_shared>> -> memref<640x128xf32, #tpu.memory_space<vmem_shared>>
      tpu.enqueue_dma source(%dma_start3A_225 : memref<640x128xf32, #tpu.memory_space<vmem_shared>>) target(%dma_start3A_223 : memref<640x128xf32, #tpu.memory_space<hbm>>) target_semaphore(%run_scoped3A : memref<!tpu.dma_semaphore, #tpu.memory_space<semaphore_mem>>)
      %dma_wait3A_226 = arith.constant 0 : i32
      %dma_wait3A_227 = tpu.memref_slice %arg5[%add3A_221, %dma_wait3A_226] : memref<20000x128xf32, #tpu.memory_space<hbm>> -> memref<640x128xf32, #tpu.memory_space<hbm>>
      %dma_wait3A_228 = arith.constant 0 : i32
      %dma_wait3A_229 = tpu.memref_slice %arg9[%mul3A_216, %dma_wait3A_228] : memref<10000x128xf32, #tpu.memory_space<vmem_shared>> -> memref<640x128xf32, #tpu.memory_space<vmem_shared>>
      tpu.wait_dma2 semaphore(%run_scoped3A : memref<!tpu.dma_semaphore, #tpu.memory_space<semaphore_mem>>) src(%dma_wait3A_229 : memref<640x128xf32, #tpu.memory_space<vmem_shared>>) dst(%dma_wait3A_227 : memref<640x128xf32, #tpu.memory_space<hbm>>)
      tpu.yield
    }) : () -> ()
    return
  }
}

#map = affine_map<(d0, d1) -> (0, 0)>
#map1 = affine_map<(d0, d1) -> (0, 0, 0)>
module attributes {stable_mosaic.version = 14 : i64} {
  func.func @edge_kernel(%arg0: i32, %arg1: i32, %arg2: memref<10000x128xf32, #tpu.memory_space<hbm>>, %arg3: memref<32x10000xi32, #tpu.memory_space<hbm>>, %arg4: memref<32x128x80xi32, #tpu.memory_space<hbm>>, %arg5: memref<20000x128xf32, #tpu.memory_space<hbm>>, %arg6: memref<10000xi32, #tpu.memory_space<vmem>>, %arg7: memref<64x80xi32, #tpu.memory_space<vmem>>, %arg8: memref<3x80x128xf32, #tpu.memory_space<vmem>>, %arg9: memref<10000x128xf32, #tpu.memory_space<vmem_shared>>, %arg10: memref<3x!tpu.dma_semaphore, #tpu.memory_space<semaphore_mem>>, %arg11: memref<3x!tpu.dma_semaphore, #tpu.memory_space<semaphore_mem>>, %arg12: memref<!tpu.dma_semaphore, #tpu.memory_space<semaphore_mem>>) attributes {dimension_semantics = [#tpu.dimension_semantics<core_parallel>, #tpu.dimension_semantics<subcore_parallel>], iteration_bounds = array<i64: 2, 16>, scalar_prefetch = 0 : i64, scratch_operands = 7 : i64, tpu.core_type = #tpu.core_type<sc_vector_subcore>, window_params = [{transform_indices = #map}, {transform_indices = #map}, {transform_indices = #map1}, {transform_indices = #map}]} {
    %mul3A = arith.constant 2 : i32
    %mul3A_0 = arith.muli %arg1, %mul3A : i32
    %add3A = arith.addi %mul3A_0, %arg0 : i32
    %mul3A_1 = arith.constant 624 : i32
    %mul3A_2 = arith.muli %arg1, %mul3A_1 : i32
    %mul3A_3 = arith.constant 624 : i32
    %mul3A_4 = arith.muli %arg1, %mul3A_3 : i32
    %dma_start3A = arith.constant 0 : i32
    %dma_start3A_5 = tpu.memref_slice %arg9[%mul3A_4, %dma_start3A] : memref<10000x128xf32, #tpu.memory_space<vmem_shared>> -> memref<640x128xf32, #tpu.memory_space<vmem_shared>>
    %dma_start3A_6 = arith.constant 0 : i32
    %dma_start3A_7 = tpu.memref_slice %arg2[%mul3A_2, %dma_start3A_6] : memref<10000x128xf32, #tpu.memory_space<hbm>> -> memref<640x128xf32, #tpu.memory_space<hbm>>
    tpu.enqueue_dma source(%dma_start3A_7 : memref<640x128xf32, #tpu.memory_space<hbm>>) target(%dma_start3A_5 : memref<640x128xf32, #tpu.memory_space<vmem_shared>>) target_semaphore(%arg12 : memref<!tpu.dma_semaphore, #tpu.memory_space<semaphore_mem>>)
    %dma_start3A_8 = arith.constant 0 : i32
    %dma_start3A_9 = arith.constant 0 : i32
    %dma_start3A_10 = tpu.memref_slice %arg3[%add3A, %dma_start3A_9] : memref<32x10000xi32, #tpu.memory_space<hbm>> -> memref<1x10000xi32, #tpu.memory_space<hbm>>
    %dma_start3A_11 = tpu.memref_squeeze %dma_start3A_10 : memref<1x10000xi32, #tpu.memory_space<hbm>> -> memref<10000xi32, #tpu.memory_space<hbm>>
    %dma_start3A_12 = tpu.memref_slice %arg10[%dma_start3A_8] : memref<3x!tpu.dma_semaphore, #tpu.memory_space<semaphore_mem>> -> memref<1x!tpu.dma_semaphore, #tpu.memory_space<semaphore_mem>>
    %dma_start3A_13 = tpu.memref_squeeze %dma_start3A_12 : memref<1x!tpu.dma_semaphore, #tpu.memory_space<semaphore_mem>> -> memref<!tpu.dma_semaphore, #tpu.memory_space<semaphore_mem>>
    %dma_start3A_14 = arith.constant 0 : i32
    %dma_start3A_15 = tpu.memref_slice %arg3[%add3A, %dma_start3A_14] : memref<32x10000xi32, #tpu.memory_space<hbm>> -> memref<1x10000xi32, #tpu.memory_space<hbm>>
    %dma_start3A_16 = tpu.memref_squeeze %dma_start3A_15 : memref<1x10000xi32, #tpu.memory_space<hbm>> -> memref<10000xi32, #tpu.memory_space<hbm>>
    tpu.enqueue_dma source(%dma_start3A_16 : memref<10000xi32, #tpu.memory_space<hbm>>) target(%arg6 : memref<10000xi32, #tpu.memory_space<vmem>>) target_semaphore(%dma_start3A_13 : memref<!tpu.dma_semaphore, #tpu.memory_space<semaphore_mem>>)
    %dma_start3A_17 = arith.constant 0 : i32
    %dma_start3A_18 = arith.constant 0 : i32
    %dma_start3A_19 = tpu.memref_slice %arg4[%add3A, %dma_start3A_17, %dma_start3A_18] : memref<32x128x80xi32, #tpu.memory_space<hbm>> -> memref<1x64x80xi32, #tpu.memory_space<hbm>>
    %dma_start3A_20 = tpu.memref_squeeze %dma_start3A_19 : memref<1x64x80xi32, #tpu.memory_space<hbm>> -> memref<64x80xi32, #tpu.memory_space<hbm>>
    %dma_start3A_21 = arith.constant 0 : i32
    %dma_start3A_22 = arith.constant 0 : i32
    %dma_start3A_23 = tpu.memref_slice %arg4[%add3A, %dma_start3A_21, %dma_start3A_22] : memref<32x128x80xi32, #tpu.memory_space<hbm>> -> memref<1x64x80xi32, #tpu.memory_space<hbm>>
    %dma_start3A_24 = tpu.memref_squeeze %dma_start3A_23 : memref<1x64x80xi32, #tpu.memory_space<hbm>> -> memref<64x80xi32, #tpu.memory_space<hbm>>
    tpu.enqueue_dma source(%dma_start3A_24 : memref<64x80xi32, #tpu.memory_space<hbm>>) target(%arg7 : memref<64x80xi32, #tpu.memory_space<vmem>>) target_semaphore(%arg12 : memref<!tpu.dma_semaphore, #tpu.memory_space<semaphore_mem>>)
    %dma_wait3A = arith.constant 0 : i32
    %dma_wait3A_25 = arith.constant 0 : i32
    %dma_wait3A_26 = tpu.memref_slice %arg3[%add3A, %dma_wait3A_25] : memref<32x10000xi32, #tpu.memory_space<hbm>> -> memref<1x10000xi32, #tpu.memory_space<hbm>>
    %dma_wait3A_27 = tpu.memref_squeeze %dma_wait3A_26 : memref<1x10000xi32, #tpu.memory_space<hbm>> -> memref<10000xi32, #tpu.memory_space<hbm>>
    %dma_wait3A_28 = tpu.memref_slice %arg10[%dma_wait3A] : memref<3x!tpu.dma_semaphore, #tpu.memory_space<semaphore_mem>> -> memref<1x!tpu.dma_semaphore, #tpu.memory_space<semaphore_mem>>
    %dma_wait3A_29 = tpu.memref_squeeze %dma_wait3A_28 : memref<1x!tpu.dma_semaphore, #tpu.memory_space<semaphore_mem>> -> memref<!tpu.dma_semaphore, #tpu.memory_space<semaphore_mem>>
    %dma_wait3A_30 = arith.constant 0 : i32
    %dma_wait3A_31 = tpu.memref_slice %arg3[%add3A, %dma_wait3A_30] : memref<32x10000xi32, #tpu.memory_space<hbm>> -> memref<1x10000xi32, #tpu.memory_space<hbm>>
    %dma_wait3A_32 = tpu.memref_squeeze %dma_wait3A_31 : memref<1x10000xi32, #tpu.memory_space<hbm>> -> memref<10000xi32, #tpu.memory_space<hbm>>
    tpu.wait_dma2 semaphore(%dma_wait3A_29 : memref<!tpu.dma_semaphore, #tpu.memory_space<semaphore_mem>>) src(%dma_wait3A_32 : memref<10000xi32, #tpu.memory_space<hbm>>) dst(%arg6 : memref<10000xi32, #tpu.memory_space<vmem>>)
    %dma_start3A_33 = arith.constant 0 : i32
    %dma_start3A_34 = arith.constant 0 : i32
    %dma_start3A_35 = arith.constant 0 : i32
    %dma_start3A_36 = arith.constant 0 : i32
    %dma_start3A_37 = tpu.memref_slice %arg8[%dma_start3A_33, %dma_start3A_35, %dma_start3A_36] : memref<3x80x128xf32, #tpu.memory_space<vmem>> -> memref<1x80x128xf32, #tpu.memory_space<vmem>>
    %dma_start3A_38 = tpu.memref_squeeze %dma_start3A_37 : memref<1x80x128xf32, #tpu.memory_space<vmem>> -> memref<80x128xf32, #tpu.memory_space<vmem>>
    %dma_start3A_39 = arith.constant 0 : i32
    %dma_start3A_40 = tpu.memref_slice %arg6[%dma_start3A_39] : memref<10000xi32, #tpu.memory_space<vmem>> -> memref<80xi32, #tpu.memory_space<vmem>>
    %dma_start3A_41 = arith.constant 0 : i32
    %dma_start3A_42 = arith.constant 0 : i32
    %dma_start3A_43 = tpu.memref_slice %arg2[%dma_start3A_41, %dma_start3A_42] : memref<10000x128xf32, #tpu.memory_space<hbm>> -> memref<10000x128xf32, #tpu.memory_space<hbm>>
    %dma_start3A_44 = tpu.memref_slice %arg10[%dma_start3A_34] : memref<3x!tpu.dma_semaphore, #tpu.memory_space<semaphore_mem>> -> memref<1x!tpu.dma_semaphore, #tpu.memory_space<semaphore_mem>>
    %dma_start3A_45 = tpu.memref_squeeze %dma_start3A_44 : memref<1x!tpu.dma_semaphore, #tpu.memory_space<semaphore_mem>> -> memref<!tpu.dma_semaphore, #tpu.memory_space<semaphore_mem>>
    tpu.enqueue_indirect_dma source(%dma_start3A_43 : memref<10000x128xf32, #tpu.memory_space<hbm>>) target(%dma_start3A_38 : memref<80x128xf32, #tpu.memory_space<vmem>>) offsets(%dma_start3A_40 : memref<80xi32, #tpu.memory_space<vmem>>) semaphore(%dma_start3A_45 : memref<!tpu.dma_semaphore, #tpu.memory_space<semaphore_mem>>)
    %dma_start3A_46 = arith.constant 1 : i32
    %dma_start3A_47 = arith.constant 1 : i32
    %dma_start3A_48 = arith.constant 0 : i32
    %dma_start3A_49 = arith.constant 0 : i32
    %dma_start3A_50 = tpu.memref_slice %arg8[%dma_start3A_46, %dma_start3A_48, %dma_start3A_49] : memref<3x80x128xf32, #tpu.memory_space<vmem>> -> memref<1x80x128xf32, #tpu.memory_space<vmem>>
    %dma_start3A_51 = tpu.memref_squeeze %dma_start3A_50 : memref<1x80x128xf32, #tpu.memory_space<vmem>> -> memref<80x128xf32, #tpu.memory_space<vmem>>
    %dma_start3A_52 = arith.constant 80 : i32
    %dma_start3A_53 = tpu.memref_slice %arg6[%dma_start3A_52] : memref<10000xi32, #tpu.memory_space<vmem>> -> memref<80xi32, #tpu.memory_space<vmem>>
    %dma_start3A_54 = arith.constant 0 : i32
    %dma_start3A_55 = arith.constant 0 : i32
    %dma_start3A_56 = tpu.memref_slice %arg2[%dma_start3A_54, %dma_start3A_55] : memref<10000x128xf32, #tpu.memory_space<hbm>> -> memref<10000x128xf32, #tpu.memory_space<hbm>>
    %dma_start3A_57 = tpu.memref_slice %arg10[%dma_start3A_47] : memref<3x!tpu.dma_semaphore, #tpu.memory_space<semaphore_mem>> -> memref<1x!tpu.dma_semaphore, #tpu.memory_space<semaphore_mem>>
    %dma_start3A_58 = tpu.memref_squeeze %dma_start3A_57 : memref<1x!tpu.dma_semaphore, #tpu.memory_space<semaphore_mem>> -> memref<!tpu.dma_semaphore, #tpu.memory_space<semaphore_mem>>
    tpu.enqueue_indirect_dma source(%dma_start3A_56 : memref<10000x128xf32, #tpu.memory_space<hbm>>) target(%dma_start3A_51 : memref<80x128xf32, #tpu.memory_space<vmem>>) offsets(%dma_start3A_53 : memref<80xi32, #tpu.memory_space<vmem>>) semaphore(%dma_start3A_58 : memref<!tpu.dma_semaphore, #tpu.memory_space<semaphore_mem>>)
    %dma_start3A_59 = arith.constant 2 : i32
    %dma_start3A_60 = arith.constant 2 : i32
    %dma_start3A_61 = arith.constant 0 : i32
    %dma_start3A_62 = arith.constant 0 : i32
    %dma_start3A_63 = tpu.memref_slice %arg8[%dma_start3A_59, %dma_start3A_61, %dma_start3A_62] : memref<3x80x128xf32, #tpu.memory_space<vmem>> -> memref<1x80x128xf32, #tpu.memory_space<vmem>>
    %dma_start3A_64 = tpu.memref_squeeze %dma_start3A_63 : memref<1x80x128xf32, #tpu.memory_space<vmem>> -> memref<80x128xf32, #tpu.memory_space<vmem>>
    %dma_start3A_65 = arith.constant 160 : i32
    %dma_start3A_66 = tpu.memref_slice %arg6[%dma_start3A_65] : memref<10000xi32, #tpu.memory_space<vmem>> -> memref<80xi32, #tpu.memory_space<vmem>>
    %dma_start3A_67 = arith.constant 0 : i32
    %dma_start3A_68 = arith.constant 0 : i32
    %dma_start3A_69 = tpu.memref_slice %arg2[%dma_start3A_67, %dma_start3A_68] : memref<10000x128xf32, #tpu.memory_space<hbm>> -> memref<10000x128xf32, #tpu.memory_space<hbm>>
    %dma_start3A_70 = tpu.memref_slice %arg10[%dma_start3A_60] : memref<3x!tpu.dma_semaphore, #tpu.memory_space<semaphore_mem>> -> memref<1x!tpu.dma_semaphore, #tpu.memory_space<semaphore_mem>>
    %dma_start3A_71 = tpu.memref_squeeze %dma_start3A_70 : memref<1x!tpu.dma_semaphore, #tpu.memory_space<semaphore_mem>> -> memref<!tpu.dma_semaphore, #tpu.memory_space<semaphore_mem>>
    tpu.enqueue_indirect_dma source(%dma_start3A_69 : memref<10000x128xf32, #tpu.memory_space<hbm>>) target(%dma_start3A_64 : memref<80x128xf32, #tpu.memory_space<vmem>>) offsets(%dma_start3A_66 : memref<80xi32, #tpu.memory_space<vmem>>) semaphore(%dma_start3A_71 : memref<!tpu.dma_semaphore, #tpu.memory_space<semaphore_mem>>)
    %dma_wait3A_72 = arith.constant 0 : i32
    %dma_wait3A_73 = arith.constant 0 : i32
    %dma_wait3A_74 = tpu.memref_slice %arg4[%add3A, %dma_wait3A_72, %dma_wait3A_73] : memref<32x128x80xi32, #tpu.memory_space<hbm>> -> memref<1x64x80xi32, #tpu.memory_space<hbm>>
    %dma_wait3A_75 = tpu.memref_squeeze %dma_wait3A_74 : memref<1x64x80xi32, #tpu.memory_space<hbm>> -> memref<64x80xi32, #tpu.memory_space<hbm>>
    %dma_wait3A_76 = arith.constant 0 : i32
    %dma_wait3A_77 = arith.constant 0 : i32
    %dma_wait3A_78 = tpu.memref_slice %arg4[%add3A, %dma_wait3A_76, %dma_wait3A_77] : memref<32x128x80xi32, #tpu.memory_space<hbm>> -> memref<1x64x80xi32, #tpu.memory_space<hbm>>
    %dma_wait3A_79 = tpu.memref_squeeze %dma_wait3A_78 : memref<1x64x80xi32, #tpu.memory_space<hbm>> -> memref<64x80xi32, #tpu.memory_space<hbm>>
    tpu.wait_dma2 semaphore(%arg12 : memref<!tpu.dma_semaphore, #tpu.memory_space<semaphore_mem>>) src(%dma_wait3A_79 : memref<64x80xi32, #tpu.memory_space<hbm>>) dst(%arg7 : memref<64x80xi32, #tpu.memory_space<vmem>>)
    %dma_wait3A_80 = arith.constant 0 : i32
    %dma_wait3A_81 = tpu.memref_slice %arg9[%mul3A_4, %dma_wait3A_80] : memref<10000x128xf32, #tpu.memory_space<vmem_shared>> -> memref<640x128xf32, #tpu.memory_space<vmem_shared>>
    %dma_wait3A_82 = arith.constant 0 : i32
    %dma_wait3A_83 = tpu.memref_slice %arg2[%mul3A_2, %dma_wait3A_82] : memref<10000x128xf32, #tpu.memory_space<hbm>> -> memref<640x128xf32, #tpu.memory_space<hbm>>
    tpu.wait_dma2 semaphore(%arg12 : memref<!tpu.dma_semaphore, #tpu.memory_space<semaphore_mem>>) src(%dma_wait3A_83 : memref<640x128xf32, #tpu.memory_space<hbm>>) dst(%dma_wait3A_81 : memref<640x128xf32, #tpu.memory_space<vmem_shared>>)
    %barrier3A = arith.constant 0 : index
    tpu.barrier barrier_id(%barrier3A)
    %scan3A = arith.constant 0 : i32
    %scan3A_84 = arith.constant 1 : i32
    %scan3A_85 = arith.constant 2 : i32
    %scan3A_86 = arith.constant 0 : i32
    %scan3A_87 = arith.constant 21 : i32
    %scan3A_88 = arith.addi %scan3A_86, %scan3A_87 : i32
    %scan3A_89 = arith.constant 1 : i32
    scf.for %scan3A_222 = %scan3A_86 to %scan3A_88 step %scan3A_89  : i32 {
      %mul3A_223 = arith.constant 3 : i32
      %mul3A_224 = arith.muli %mul3A_223, %scan3A_222 : i32
      %add3A_225 = arith.constant 0 : i32
      %add3A_226 = arith.addi %add3A_225, %mul3A_224 : i32
      %add3A_227 = arith.constant 0 : i32
      %add3A_228 = arith.addi %add3A_226, %add3A_227 : i32
      %mul3A_229 = arith.constant 3 : i32
      %mul3A_230 = arith.muli %mul3A_229, %scan3A_222 : i32
      %add3A_231 = arith.constant 0 : i32
      %add3A_232 = arith.addi %add3A_231, %mul3A_230 : i32
      %add3A_233 = arith.constant 1 : i32
      %add3A_234 = arith.addi %add3A_232, %add3A_233 : i32
      %mul3A_235 = arith.constant 3 : i32
      %mul3A_236 = arith.muli %mul3A_235, %scan3A_222 : i32
      %add3A_237 = arith.constant 0 : i32
      %add3A_238 = arith.addi %add3A_237, %mul3A_236 : i32
      %add3A_239 = arith.constant 2 : i32
      %add3A_240 = arith.addi %add3A_238, %add3A_239 : i32
      %mul3A_241 = arith.constant 80 : i32
      %mul3A_242 = arith.muli %add3A_228, %mul3A_241 : i32
      %dma_wait3A_243 = arith.constant 0 : i32
      %dma_wait3A_244 = arith.constant 0 : i32
      %dma_wait3A_245 = arith.constant 0 : i32
      %dma_wait3A_246 = tpu.memref_slice %arg8[%scan3A, %dma_wait3A_244, %dma_wait3A_245] : memref<3x80x128xf32, #tpu.memory_space<vmem>> -> memref<1x80x128xf32, #tpu.memory_space<vmem>>
      %dma_wait3A_247 = tpu.memref_squeeze %dma_wait3A_246 : memref<1x80x128xf32, #tpu.memory_space<vmem>> -> memref<80x128xf32, #tpu.memory_space<vmem>>
      %dma_wait3A_248 = tpu.memref_slice %arg6[%mul3A_242] : memref<10000xi32, #tpu.memory_space<vmem>> -> memref<80xi32, #tpu.memory_space<vmem>>
      %dma_wait3A_249 = arith.constant 0 : i32
      %dma_wait3A_250 = arith.constant 0 : i32
      %dma_wait3A_251 = tpu.memref_slice %arg2[%dma_wait3A_249, %dma_wait3A_250] : memref<10000x128xf32, #tpu.memory_space<hbm>> -> memref<10000x128xf32, #tpu.memory_space<hbm>>
      %dma_wait3A_252 = tpu.memref_slice %arg10[%dma_wait3A_243] : memref<3x!tpu.dma_semaphore, #tpu.memory_space<semaphore_mem>> -> memref<1x!tpu.dma_semaphore, #tpu.memory_space<semaphore_mem>>
      %dma_wait3A_253 = tpu.memref_squeeze %dma_wait3A_252 : memref<1x!tpu.dma_semaphore, #tpu.memory_space<semaphore_mem>> -> memref<!tpu.dma_semaphore, #tpu.memory_space<semaphore_mem>>
      tpu.wait_indirect_dma semaphore(%dma_wait3A_253 : memref<!tpu.dma_semaphore, #tpu.memory_space<semaphore_mem>>) src(%dma_wait3A_251 : memref<10000x128xf32, #tpu.memory_space<hbm>>) dst(%dma_wait3A_247 : memref<80x128xf32, #tpu.memory_space<vmem>>)
      %sub3A = arith.constant 0 : i32
      %sub3A_254 = arith.subi %add3A_228, %sub3A : i32
      %dma_start3A_255 = arith.constant 0 : i32
      %dma_start3A_256 = arith.constant 0 : i32
      %dma_start3A_257 = arith.constant 0 : i32
      %dma_start3A_258 = tpu.memref_slice %arg8[%scan3A, %dma_start3A_256, %dma_start3A_257] : memref<3x80x128xf32, #tpu.memory_space<vmem>> -> memref<1x80x128xf32, #tpu.memory_space<vmem>>
      %dma_start3A_259 = tpu.memref_squeeze %dma_start3A_258 : memref<1x80x128xf32, #tpu.memory_space<vmem>> -> memref<80x128xf32, #tpu.memory_space<vmem>>
      %dma_start3A_260 = arith.constant 0 : i32
      %dma_start3A_261 = tpu.memref_slice %arg7[%sub3A_254, %dma_start3A_260] : memref<64x80xi32, #tpu.memory_space<vmem>> -> memref<1x80xi32, #tpu.memory_space<vmem>>
      %dma_start3A_262 = tpu.memref_squeeze %dma_start3A_261 : memref<1x80xi32, #tpu.memory_space<vmem>> -> memref<80xi32, #tpu.memory_space<vmem>>
      %dma_start3A_263 = arith.constant 0 : i32
      %dma_start3A_264 = arith.constant 0 : i32
      %dma_start3A_265 = tpu.memref_slice %arg9[%dma_start3A_263, %dma_start3A_264] : memref<10000x128xf32, #tpu.memory_space<vmem_shared>> -> memref<10000x128xf32, #tpu.memory_space<vmem_shared>>
      %dma_start3A_266 = tpu.memref_slice %arg11[%dma_start3A_255] : memref<3x!tpu.dma_semaphore, #tpu.memory_space<semaphore_mem>> -> memref<1x!tpu.dma_semaphore, #tpu.memory_space<semaphore_mem>>
      %dma_start3A_267 = tpu.memref_squeeze %dma_start3A_266 : memref<1x!tpu.dma_semaphore, #tpu.memory_space<semaphore_mem>> -> memref<!tpu.dma_semaphore, #tpu.memory_space<semaphore_mem>>
      tpu.enqueue_indirect_dma source(%dma_start3A_259 : memref<80x128xf32, #tpu.memory_space<vmem>>) target(%dma_start3A_265 : memref<10000x128xf32, #tpu.memory_space<vmem_shared>>) offsets(%dma_start3A_262 : memref<80xi32, #tpu.memory_space<vmem>>) semaphore(%dma_start3A_267 : memref<!tpu.dma_semaphore, #tpu.memory_space<semaphore_mem>>) {add = true}
      %mul3A_268 = arith.constant 80 : i32
      %mul3A_269 = arith.muli %add3A_234, %mul3A_268 : i32
      %dma_wait3A_270 = arith.constant 1 : i32
      %dma_wait3A_271 = arith.constant 0 : i32
      %dma_wait3A_272 = arith.constant 0 : i32
      %dma_wait3A_273 = tpu.memref_slice %arg8[%scan3A_84, %dma_wait3A_271, %dma_wait3A_272] : memref<3x80x128xf32, #tpu.memory_space<vmem>> -> memref<1x80x128xf32, #tpu.memory_space<vmem>>
      %dma_wait3A_274 = tpu.memref_squeeze %dma_wait3A_273 : memref<1x80x128xf32, #tpu.memory_space<vmem>> -> memref<80x128xf32, #tpu.memory_space<vmem>>
      %dma_wait3A_275 = tpu.memref_slice %arg6[%mul3A_269] : memref<10000xi32, #tpu.memory_space<vmem>> -> memref<80xi32, #tpu.memory_space<vmem>>
      %dma_wait3A_276 = arith.constant 0 : i32
      %dma_wait3A_277 = arith.constant 0 : i32
      %dma_wait3A_278 = tpu.memref_slice %arg2[%dma_wait3A_276, %dma_wait3A_277] : memref<10000x128xf32, #tpu.memory_space<hbm>> -> memref<10000x128xf32, #tpu.memory_space<hbm>>
      %dma_wait3A_279 = tpu.memref_slice %arg10[%dma_wait3A_270] : memref<3x!tpu.dma_semaphore, #tpu.memory_space<semaphore_mem>> -> memref<1x!tpu.dma_semaphore, #tpu.memory_space<semaphore_mem>>
      %dma_wait3A_280 = tpu.memref_squeeze %dma_wait3A_279 : memref<1x!tpu.dma_semaphore, #tpu.memory_space<semaphore_mem>> -> memref<!tpu.dma_semaphore, #tpu.memory_space<semaphore_mem>>
      tpu.wait_indirect_dma semaphore(%dma_wait3A_280 : memref<!tpu.dma_semaphore, #tpu.memory_space<semaphore_mem>>) src(%dma_wait3A_278 : memref<10000x128xf32, #tpu.memory_space<hbm>>) dst(%dma_wait3A_274 : memref<80x128xf32, #tpu.memory_space<vmem>>)
      %sub3A_281 = arith.constant 0 : i32
      %sub3A_282 = arith.subi %add3A_234, %sub3A_281 : i32
      %dma_start3A_283 = arith.constant 1 : i32
      %dma_start3A_284 = arith.constant 0 : i32
      %dma_start3A_285 = arith.constant 0 : i32
      %dma_start3A_286 = tpu.memref_slice %arg8[%scan3A_84, %dma_start3A_284, %dma_start3A_285] : memref<3x80x128xf32, #tpu.memory_space<vmem>> -> memref<1x80x128xf32, #tpu.memory_space<vmem>>
      %dma_start3A_287 = tpu.memref_squeeze %dma_start3A_286 : memref<1x80x128xf32, #tpu.memory_space<vmem>> -> memref<80x128xf32, #tpu.memory_space<vmem>>
      %dma_start3A_288 = arith.constant 0 : i32
      %dma_start3A_289 = tpu.memref_slice %arg7[%sub3A_282, %dma_start3A_288] : memref<64x80xi32, #tpu.memory_space<vmem>> -> memref<1x80xi32, #tpu.memory_space<vmem>>
      %dma_start3A_290 = tpu.memref_squeeze %dma_start3A_289 : memref<1x80xi32, #tpu.memory_space<vmem>> -> memref<80xi32, #tpu.memory_space<vmem>>
      %dma_start3A_291 = arith.constant 0 : i32
      %dma_start3A_292 = arith.constant 0 : i32
      %dma_start3A_293 = tpu.memref_slice %arg9[%dma_start3A_291, %dma_start3A_292] : memref<10000x128xf32, #tpu.memory_space<vmem_shared>> -> memref<10000x128xf32, #tpu.memory_space<vmem_shared>>
      %dma_start3A_294 = tpu.memref_slice %arg11[%dma_start3A_283] : memref<3x!tpu.dma_semaphore, #tpu.memory_space<semaphore_mem>> -> memref<1x!tpu.dma_semaphore, #tpu.memory_space<semaphore_mem>>
      %dma_start3A_295 = tpu.memref_squeeze %dma_start3A_294 : memref<1x!tpu.dma_semaphore, #tpu.memory_space<semaphore_mem>> -> memref<!tpu.dma_semaphore, #tpu.memory_space<semaphore_mem>>
      tpu.enqueue_indirect_dma source(%dma_start3A_287 : memref<80x128xf32, #tpu.memory_space<vmem>>) target(%dma_start3A_293 : memref<10000x128xf32, #tpu.memory_space<vmem_shared>>) offsets(%dma_start3A_290 : memref<80xi32, #tpu.memory_space<vmem>>) semaphore(%dma_start3A_295 : memref<!tpu.dma_semaphore, #tpu.memory_space<semaphore_mem>>) {add = true}
      %mul3A_296 = arith.constant 80 : i32
      %mul3A_297 = arith.muli %add3A_240, %mul3A_296 : i32
      %dma_wait3A_298 = arith.constant 2 : i32
      %dma_wait3A_299 = arith.constant 0 : i32
      %dma_wait3A_300 = arith.constant 0 : i32
      %dma_wait3A_301 = tpu.memref_slice %arg8[%scan3A_85, %dma_wait3A_299, %dma_wait3A_300] : memref<3x80x128xf32, #tpu.memory_space<vmem>> -> memref<1x80x128xf32, #tpu.memory_space<vmem>>
      %dma_wait3A_302 = tpu.memref_squeeze %dma_wait3A_301 : memref<1x80x128xf32, #tpu.memory_space<vmem>> -> memref<80x128xf32, #tpu.memory_space<vmem>>
      %dma_wait3A_303 = tpu.memref_slice %arg6[%mul3A_297] : memref<10000xi32, #tpu.memory_space<vmem>> -> memref<80xi32, #tpu.memory_space<vmem>>
      %dma_wait3A_304 = arith.constant 0 : i32
      %dma_wait3A_305 = arith.constant 0 : i32
      %dma_wait3A_306 = tpu.memref_slice %arg2[%dma_wait3A_304, %dma_wait3A_305] : memref<10000x128xf32, #tpu.memory_space<hbm>> -> memref<10000x128xf32, #tpu.memory_space<hbm>>
      %dma_wait3A_307 = tpu.memref_slice %arg10[%dma_wait3A_298] : memref<3x!tpu.dma_semaphore, #tpu.memory_space<semaphore_mem>> -> memref<1x!tpu.dma_semaphore, #tpu.memory_space<semaphore_mem>>
      %dma_wait3A_308 = tpu.memref_squeeze %dma_wait3A_307 : memref<1x!tpu.dma_semaphore, #tpu.memory_space<semaphore_mem>> -> memref<!tpu.dma_semaphore, #tpu.memory_space<semaphore_mem>>
      tpu.wait_indirect_dma semaphore(%dma_wait3A_308 : memref<!tpu.dma_semaphore, #tpu.memory_space<semaphore_mem>>) src(%dma_wait3A_306 : memref<10000x128xf32, #tpu.memory_space<hbm>>) dst(%dma_wait3A_302 : memref<80x128xf32, #tpu.memory_space<vmem>>)
      %sub3A_309 = arith.constant 0 : i32
      %sub3A_310 = arith.subi %add3A_240, %sub3A_309 : i32
      %dma_start3A_311 = arith.constant 2 : i32
      %dma_start3A_312 = arith.constant 0 : i32
      %dma_start3A_313 = arith.constant 0 : i32
      %dma_start3A_314 = tpu.memref_slice %arg8[%scan3A_85, %dma_start3A_312, %dma_start3A_313] : memref<3x80x128xf32, #tpu.memory_space<vmem>> -> memref<1x80x128xf32, #tpu.memory_space<vmem>>
      %dma_start3A_315 = tpu.memref_squeeze %dma_start3A_314 : memref<1x80x128xf32, #tpu.memory_space<vmem>> -> memref<80x128xf32, #tpu.memory_space<vmem>>
      %dma_start3A_316 = arith.constant 0 : i32
      %dma_start3A_317 = tpu.memref_slice %arg7[%sub3A_310, %dma_start3A_316] : memref<64x80xi32, #tpu.memory_space<vmem>> -> memref<1x80xi32, #tpu.memory_space<vmem>>
      %dma_start3A_318 = tpu.memref_squeeze %dma_start3A_317 : memref<1x80xi32, #tpu.memory_space<vmem>> -> memref<80xi32, #tpu.memory_space<vmem>>
      %dma_start3A_319 = arith.constant 0 : i32
      %dma_start3A_320 = arith.constant 0 : i32
      %dma_start3A_321 = tpu.memref_slice %arg9[%dma_start3A_319, %dma_start3A_320] : memref<10000x128xf32, #tpu.memory_space<vmem_shared>> -> memref<10000x128xf32, #tpu.memory_space<vmem_shared>>
      %dma_start3A_322 = tpu.memref_slice %arg11[%dma_start3A_311] : memref<3x!tpu.dma_semaphore, #tpu.memory_space<semaphore_mem>> -> memref<1x!tpu.dma_semaphore, #tpu.memory_space<semaphore_mem>>
      %dma_start3A_323 = tpu.memref_squeeze %dma_start3A_322 : memref<1x!tpu.dma_semaphore, #tpu.memory_space<semaphore_mem>> -> memref<!tpu.dma_semaphore, #tpu.memory_space<semaphore_mem>>
      tpu.enqueue_indirect_dma source(%dma_start3A_315 : memref<80x128xf32, #tpu.memory_space<vmem>>) target(%dma_start3A_321 : memref<10000x128xf32, #tpu.memory_space<vmem_shared>>) offsets(%dma_start3A_318 : memref<80xi32, #tpu.memory_space<vmem>>) semaphore(%dma_start3A_323 : memref<!tpu.dma_semaphore, #tpu.memory_space<semaphore_mem>>) {add = true}
      %sub3A_324 = arith.constant 0 : i32
      %sub3A_325 = arith.subi %add3A_228, %sub3A_324 : i32
      %dma_wait3A_326 = arith.constant 0 : i32
      %dma_wait3A_327 = arith.constant 0 : i32
      %dma_wait3A_328 = arith.constant 0 : i32
      %dma_wait3A_329 = tpu.memref_slice %arg8[%scan3A, %dma_wait3A_327, %dma_wait3A_328] : memref<3x80x128xf32, #tpu.memory_space<vmem>> -> memref<1x80x128xf32, #tpu.memory_space<vmem>>
      %dma_wait3A_330 = tpu.memref_squeeze %dma_wait3A_329 : memref<1x80x128xf32, #tpu.memory_space<vmem>> -> memref<80x128xf32, #tpu.memory_space<vmem>>
      %dma_wait3A_331 = arith.constant 0 : i32
      %dma_wait3A_332 = tpu.memref_slice %arg7[%sub3A_325, %dma_wait3A_331] : memref<64x80xi32, #tpu.memory_space<vmem>> -> memref<1x80xi32, #tpu.memory_space<vmem>>
      %dma_wait3A_333 = tpu.memref_squeeze %dma_wait3A_332 : memref<1x80xi32, #tpu.memory_space<vmem>> -> memref<80xi32, #tpu.memory_space<vmem>>
      %dma_wait3A_334 = arith.constant 0 : i32
      %dma_wait3A_335 = arith.constant 0 : i32
      %dma_wait3A_336 = tpu.memref_slice %arg9[%dma_wait3A_334, %dma_wait3A_335] : memref<10000x128xf32, #tpu.memory_space<vmem_shared>> -> memref<10000x128xf32, #tpu.memory_space<vmem_shared>>
      %dma_wait3A_337 = tpu.memref_slice %arg11[%dma_wait3A_326] : memref<3x!tpu.dma_semaphore, #tpu.memory_space<semaphore_mem>> -> memref<1x!tpu.dma_semaphore, #tpu.memory_space<semaphore_mem>>
      %dma_wait3A_338 = tpu.memref_squeeze %dma_wait3A_337 : memref<1x!tpu.dma_semaphore, #tpu.memory_space<semaphore_mem>> -> memref<!tpu.dma_semaphore, #tpu.memory_space<semaphore_mem>>
      tpu.wait_indirect_dma semaphore(%dma_wait3A_338 : memref<!tpu.dma_semaphore, #tpu.memory_space<semaphore_mem>>) src(%dma_wait3A_330 : memref<80x128xf32, #tpu.memory_space<vmem>>) dst(%dma_wait3A_336 : memref<10000x128xf32, #tpu.memory_space<vmem_shared>>)
      %add3A_339 = arith.constant 3 : i32
      %add3A_340 = arith.addi %add3A_228, %add3A_339 : i32
      %mul3A_341 = arith.constant 80 : i32
      %mul3A_342 = arith.muli %add3A_340, %mul3A_341 : i32
      %dma_start3A_343 = arith.constant 0 : i32
      %dma_start3A_344 = arith.constant 0 : i32
      %dma_start3A_345 = arith.constant 0 : i32
      %dma_start3A_346 = tpu.memref_slice %arg8[%scan3A, %dma_start3A_344, %dma_start3A_345] : memref<3x80x128xf32, #tpu.memory_space<vmem>> -> memref<1x80x128xf32, #tpu.memory_space<vmem>>
      %dma_start3A_347 = tpu.memref_squeeze %dma_start3A_346 : memref<1x80x128xf32, #tpu.memory_space<vmem>> -> memref<80x128xf32, #tpu.memory_space<vmem>>
      %dma_start3A_348 = tpu.memref_slice %arg6[%mul3A_342] : memref<10000xi32, #tpu.memory_space<vmem>> -> memref<80xi32, #tpu.memory_space<vmem>>
      %dma_start3A_349 = arith.constant 0 : i32
      %dma_start3A_350 = arith.constant 0 : i32
      %dma_start3A_351 = tpu.memref_slice %arg2[%dma_start3A_349, %dma_start3A_350] : memref<10000x128xf32, #tpu.memory_space<hbm>> -> memref<10000x128xf32, #tpu.memory_space<hbm>>
      %dma_start3A_352 = tpu.memref_slice %arg10[%dma_start3A_343] : memref<3x!tpu.dma_semaphore, #tpu.memory_space<semaphore_mem>> -> memref<1x!tpu.dma_semaphore, #tpu.memory_space<semaphore_mem>>
      %dma_start3A_353 = tpu.memref_squeeze %dma_start3A_352 : memref<1x!tpu.dma_semaphore, #tpu.memory_space<semaphore_mem>> -> memref<!tpu.dma_semaphore, #tpu.memory_space<semaphore_mem>>
      tpu.enqueue_indirect_dma source(%dma_start3A_351 : memref<10000x128xf32, #tpu.memory_space<hbm>>) target(%dma_start3A_347 : memref<80x128xf32, #tpu.memory_space<vmem>>) offsets(%dma_start3A_348 : memref<80xi32, #tpu.memory_space<vmem>>) semaphore(%dma_start3A_353 : memref<!tpu.dma_semaphore, #tpu.memory_space<semaphore_mem>>)
      %sub3A_354 = arith.constant 0 : i32
      %sub3A_355 = arith.subi %add3A_234, %sub3A_354 : i32
      %dma_wait3A_356 = arith.constant 1 : i32
      %dma_wait3A_357 = arith.constant 0 : i32
      %dma_wait3A_358 = arith.constant 0 : i32
      %dma_wait3A_359 = tpu.memref_slice %arg8[%scan3A_84, %dma_wait3A_357, %dma_wait3A_358] : memref<3x80x128xf32, #tpu.memory_space<vmem>> -> memref<1x80x128xf32, #tpu.memory_space<vmem>>
      %dma_wait3A_360 = tpu.memref_squeeze %dma_wait3A_359 : memref<1x80x128xf32, #tpu.memory_space<vmem>> -> memref<80x128xf32, #tpu.memory_space<vmem>>
      %dma_wait3A_361 = arith.constant 0 : i32
      %dma_wait3A_362 = tpu.memref_slice %arg7[%sub3A_355, %dma_wait3A_361] : memref<64x80xi32, #tpu.memory_space<vmem>> -> memref<1x80xi32, #tpu.memory_space<vmem>>
      %dma_wait3A_363 = tpu.memref_squeeze %dma_wait3A_362 : memref<1x80xi32, #tpu.memory_space<vmem>> -> memref<80xi32, #tpu.memory_space<vmem>>
      %dma_wait3A_364 = arith.constant 0 : i32
      %dma_wait3A_365 = arith.constant 0 : i32
      %dma_wait3A_366 = tpu.memref_slice %arg9[%dma_wait3A_364, %dma_wait3A_365] : memref<10000x128xf32, #tpu.memory_space<vmem_shared>> -> memref<10000x128xf32, #tpu.memory_space<vmem_shared>>
      %dma_wait3A_367 = tpu.memref_slice %arg11[%dma_wait3A_356] : memref<3x!tpu.dma_semaphore, #tpu.memory_space<semaphore_mem>> -> memref<1x!tpu.dma_semaphore, #tpu.memory_space<semaphore_mem>>
      %dma_wait3A_368 = tpu.memref_squeeze %dma_wait3A_367 : memref<1x!tpu.dma_semaphore, #tpu.memory_space<semaphore_mem>> -> memref<!tpu.dma_semaphore, #tpu.memory_space<semaphore_mem>>
      tpu.wait_indirect_dma semaphore(%dma_wait3A_368 : memref<!tpu.dma_semaphore, #tpu.memory_space<semaphore_mem>>) src(%dma_wait3A_360 : memref<80x128xf32, #tpu.memory_space<vmem>>) dst(%dma_wait3A_366 : memref<10000x128xf32, #tpu.memory_space<vmem_shared>>)
      %add3A_369 = arith.constant 3 : i32
      %add3A_370 = arith.addi %add3A_234, %add3A_369 : i32
      %mul3A_371 = arith.constant 80 : i32
      %mul3A_372 = arith.muli %add3A_370, %mul3A_371 : i32
      %dma_start3A_373 = arith.constant 1 : i32
      %dma_start3A_374 = arith.constant 0 : i32
      %dma_start3A_375 = arith.constant 0 : i32
      %dma_start3A_376 = tpu.memref_slice %arg8[%scan3A_84, %dma_start3A_374, %dma_start3A_375] : memref<3x80x128xf32, #tpu.memory_space<vmem>> -> memref<1x80x128xf32, #tpu.memory_space<vmem>>
      %dma_start3A_377 = tpu.memref_squeeze %dma_start3A_376 : memref<1x80x128xf32, #tpu.memory_space<vmem>> -> memref<80x128xf32, #tpu.memory_space<vmem>>
      %dma_start3A_378 = tpu.memref_slice %arg6[%mul3A_372] : memref<10000xi32, #tpu.memory_space<vmem>> -> memref<80xi32, #tpu.memory_space<vmem>>
      %dma_start3A_379 = arith.constant 0 : i32
      %dma_start3A_380 = arith.constant 0 : i32
      %dma_start3A_381 = tpu.memref_slice %arg2[%dma_start3A_379, %dma_start3A_380] : memref<10000x128xf32, #tpu.memory_space<hbm>> -> memref<10000x128xf32, #tpu.memory_space<hbm>>
      %dma_start3A_382 = tpu.memref_slice %arg10[%dma_start3A_373] : memref<3x!tpu.dma_semaphore, #tpu.memory_space<semaphore_mem>> -> memref<1x!tpu.dma_semaphore, #tpu.memory_space<semaphore_mem>>
      %dma_start3A_383 = tpu.memref_squeeze %dma_start3A_382 : memref<1x!tpu.dma_semaphore, #tpu.memory_space<semaphore_mem>> -> memref<!tpu.dma_semaphore, #tpu.memory_space<semaphore_mem>>
      tpu.enqueue_indirect_dma source(%dma_start3A_381 : memref<10000x128xf32, #tpu.memory_space<hbm>>) target(%dma_start3A_377 : memref<80x128xf32, #tpu.memory_space<vmem>>) offsets(%dma_start3A_378 : memref<80xi32, #tpu.memory_space<vmem>>) semaphore(%dma_start3A_383 : memref<!tpu.dma_semaphore, #tpu.memory_space<semaphore_mem>>)
      %sub3A_384 = arith.constant 0 : i32
      %sub3A_385 = arith.subi %add3A_240, %sub3A_384 : i32
      %dma_wait3A_386 = arith.constant 2 : i32
      %dma_wait3A_387 = arith.constant 0 : i32
      %dma_wait3A_388 = arith.constant 0 : i32
      %dma_wait3A_389 = tpu.memref_slice %arg8[%scan3A_85, %dma_wait3A_387, %dma_wait3A_388] : memref<3x80x128xf32, #tpu.memory_space<vmem>> -> memref<1x80x128xf32, #tpu.memory_space<vmem>>
      %dma_wait3A_390 = tpu.memref_squeeze %dma_wait3A_389 : memref<1x80x128xf32, #tpu.memory_space<vmem>> -> memref<80x128xf32, #tpu.memory_space<vmem>>
      %dma_wait3A_391 = arith.constant 0 : i32
      %dma_wait3A_392 = tpu.memref_slice %arg7[%sub3A_385, %dma_wait3A_391] : memref<64x80xi32, #tpu.memory_space<vmem>> -> memref<1x80xi32, #tpu.memory_space<vmem>>
      %dma_wait3A_393 = tpu.memref_squeeze %dma_wait3A_392 : memref<1x80xi32, #tpu.memory_space<vmem>> -> memref<80xi32, #tpu.memory_space<vmem>>
      %dma_wait3A_394 = arith.constant 0 : i32
      %dma_wait3A_395 = arith.constant 0 : i32
      %dma_wait3A_396 = tpu.memref_slice %arg9[%dma_wait3A_394, %dma_wait3A_395] : memref<10000x128xf32, #tpu.memory_space<vmem_shared>> -> memref<10000x128xf32, #tpu.memory_space<vmem_shared>>
      %dma_wait3A_397 = tpu.memref_slice %arg11[%dma_wait3A_386] : memref<3x!tpu.dma_semaphore, #tpu.memory_space<semaphore_mem>> -> memref<1x!tpu.dma_semaphore, #tpu.memory_space<semaphore_mem>>
      %dma_wait3A_398 = tpu.memref_squeeze %dma_wait3A_397 : memref<1x!tpu.dma_semaphore, #tpu.memory_space<semaphore_mem>> -> memref<!tpu.dma_semaphore, #tpu.memory_space<semaphore_mem>>
      tpu.wait_indirect_dma semaphore(%dma_wait3A_398 : memref<!tpu.dma_semaphore, #tpu.memory_space<semaphore_mem>>) src(%dma_wait3A_390 : memref<80x128xf32, #tpu.memory_space<vmem>>) dst(%dma_wait3A_396 : memref<10000x128xf32, #tpu.memory_space<vmem_shared>>)
      %add3A_399 = arith.constant 3 : i32
      %add3A_400 = arith.addi %add3A_240, %add3A_399 : i32
      %mul3A_401 = arith.constant 80 : i32
      %mul3A_402 = arith.muli %add3A_400, %mul3A_401 : i32
      %dma_start3A_403 = arith.constant 2 : i32
      %dma_start3A_404 = arith.constant 0 : i32
      %dma_start3A_405 = arith.constant 0 : i32
      %dma_start3A_406 = tpu.memref_slice %arg8[%scan3A_85, %dma_start3A_404, %dma_start3A_405] : memref<3x80x128xf32, #tpu.memory_space<vmem>> -> memref<1x80x128xf32, #tpu.memory_space<vmem>>
      %dma_start3A_407 = tpu.memref_squeeze %dma_start3A_406 : memref<1x80x128xf32, #tpu.memory_space<vmem>> -> memref<80x128xf32, #tpu.memory_space<vmem>>
      %dma_start3A_408 = tpu.memref_slice %arg6[%mul3A_402] : memref<10000xi32, #tpu.memory_space<vmem>> -> memref<80xi32, #tpu.memory_space<vmem>>
      %dma_start3A_409 = arith.constant 0 : i32
      %dma_start3A_410 = arith.constant 0 : i32
      %dma_start3A_411 = tpu.memref_slice %arg2[%dma_start3A_409, %dma_start3A_410] : memref<10000x128xf32, #tpu.memory_space<hbm>> -> memref<10000x128xf32, #tpu.memory_space<hbm>>
      %dma_start3A_412 = tpu.memref_slice %arg10[%dma_start3A_403] : memref<3x!tpu.dma_semaphore, #tpu.memory_space<semaphore_mem>> -> memref<1x!tpu.dma_semaphore, #tpu.memory_space<semaphore_mem>>
      %dma_start3A_413 = tpu.memref_squeeze %dma_start3A_412 : memref<1x!tpu.dma_semaphore, #tpu.memory_space<semaphore_mem>> -> memref<!tpu.dma_semaphore, #tpu.memory_space<semaphore_mem>>
      tpu.enqueue_indirect_dma source(%dma_start3A_411 : memref<10000x128xf32, #tpu.memory_space<hbm>>) target(%dma_start3A_407 : memref<80x128xf32, #tpu.memory_space<vmem>>) offsets(%dma_start3A_408 : memref<80xi32, #tpu.memory_space<vmem>>) semaphore(%dma_start3A_413 : memref<!tpu.dma_semaphore, #tpu.memory_space<semaphore_mem>>)
    }
    %scan3A_90 = arith.constant 21 : i32
    %dma_wait3A_91 = arith.constant 0 : i32
    %dma_wait3A_92 = arith.constant 0 : i32
    %dma_wait3A_93 = arith.constant 0 : i32
    %dma_wait3A_94 = arith.constant 0 : i32
    %dma_wait3A_95 = tpu.memref_slice %arg8[%dma_wait3A_91, %dma_wait3A_93, %dma_wait3A_94] : memref<3x80x128xf32, #tpu.memory_space<vmem>> -> memref<1x80x128xf32, #tpu.memory_space<vmem>>
    %dma_wait3A_96 = tpu.memref_squeeze %dma_wait3A_95 : memref<1x80x128xf32, #tpu.memory_space<vmem>> -> memref<80x128xf32, #tpu.memory_space<vmem>>
    %dma_wait3A_97 = arith.constant 5040 : i32
    %dma_wait3A_98 = tpu.memref_slice %arg6[%dma_wait3A_97] : memref<10000xi32, #tpu.memory_space<vmem>> -> memref<80xi32, #tpu.memory_space<vmem>>
    %dma_wait3A_99 = arith.constant 0 : i32
    %dma_wait3A_100 = arith.constant 0 : i32
    %dma_wait3A_101 = tpu.memref_slice %arg2[%dma_wait3A_99, %dma_wait3A_100] : memref<10000x128xf32, #tpu.memory_space<hbm>> -> memref<10000x128xf32, #tpu.memory_space<hbm>>
    %dma_wait3A_102 = tpu.memref_slice %arg10[%dma_wait3A_92] : memref<3x!tpu.dma_semaphore, #tpu.memory_space<semaphore_mem>> -> memref<1x!tpu.dma_semaphore, #tpu.memory_space<semaphore_mem>>
    %dma_wait3A_103 = tpu.memref_squeeze %dma_wait3A_102 : memref<1x!tpu.dma_semaphore, #tpu.memory_space<semaphore_mem>> -> memref<!tpu.dma_semaphore, #tpu.memory_space<semaphore_mem>>
    tpu.wait_indirect_dma semaphore(%dma_wait3A_103 : memref<!tpu.dma_semaphore, #tpu.memory_space<semaphore_mem>>) src(%dma_wait3A_101 : memref<10000x128xf32, #tpu.memory_space<hbm>>) dst(%dma_wait3A_96 : memref<80x128xf32, #tpu.memory_space<vmem>>)
    %dma_start3A_104 = arith.constant 0 : i32
    %dma_start3A_105 = arith.constant 63 : i32
    %dma_start3A_106 = arith.constant 0 : i32
    %dma_start3A_107 = arith.constant 0 : i32
    %dma_start3A_108 = arith.constant 0 : i32
    %dma_start3A_109 = tpu.memref_slice %arg8[%dma_start3A_104, %dma_start3A_107, %dma_start3A_108] : memref<3x80x128xf32, #tpu.memory_space<vmem>> -> memref<1x80x128xf32, #tpu.memory_space<vmem>>
    %dma_start3A_110 = tpu.memref_squeeze %dma_start3A_109 : memref<1x80x128xf32, #tpu.memory_space<vmem>> -> memref<80x128xf32, #tpu.memory_space<vmem>>
    %dma_start3A_111 = arith.constant 0 : i32
    %dma_start3A_112 = tpu.memref_slice %arg7[%dma_start3A_105, %dma_start3A_111] : memref<64x80xi32, #tpu.memory_space<vmem>> -> memref<1x80xi32, #tpu.memory_space<vmem>>
    %dma_start3A_113 = tpu.memref_squeeze %dma_start3A_112 : memref<1x80xi32, #tpu.memory_space<vmem>> -> memref<80xi32, #tpu.memory_space<vmem>>
    %dma_start3A_114 = arith.constant 0 : i32
    %dma_start3A_115 = arith.constant 0 : i32
    %dma_start3A_116 = tpu.memref_slice %arg9[%dma_start3A_114, %dma_start3A_115] : memref<10000x128xf32, #tpu.memory_space<vmem_shared>> -> memref<10000x128xf32, #tpu.memory_space<vmem_shared>>
    %dma_start3A_117 = tpu.memref_slice %arg11[%dma_start3A_106] : memref<3x!tpu.dma_semaphore, #tpu.memory_space<semaphore_mem>> -> memref<1x!tpu.dma_semaphore, #tpu.memory_space<semaphore_mem>>
    %dma_start3A_118 = tpu.memref_squeeze %dma_start3A_117 : memref<1x!tpu.dma_semaphore, #tpu.memory_space<semaphore_mem>> -> memref<!tpu.dma_semaphore, #tpu.memory_space<semaphore_mem>>
    tpu.enqueue_indirect_dma source(%dma_start3A_110 : memref<80x128xf32, #tpu.memory_space<vmem>>) target(%dma_start3A_116 : memref<10000x128xf32, #tpu.memory_space<vmem_shared>>) offsets(%dma_start3A_113 : memref<80xi32, #tpu.memory_space<vmem>>) semaphore(%dma_start3A_118 : memref<!tpu.dma_semaphore, #tpu.memory_space<semaphore_mem>>) {add = true}
    %dma_wait3A_119 = arith.constant 0 : i32
    %dma_wait3A_120 = arith.constant 63 : i32
    %dma_wait3A_121 = arith.constant 0 : i32
    %dma_wait3A_122 = arith.constant 0 : i32
    %dma_wait3A_123 = arith.constant 0 : i32
    %dma_wait3A_124 = tpu.memref_slice %arg8[%dma_wait3A_119, %dma_wait3A_122, %dma_wait3A_123] : memref<3x80x128xf32, #tpu.memory_space<vmem>> -> memref<1x80x128xf32, #tpu.memory_space<vmem>>
    %dma_wait3A_125 = tpu.memref_squeeze %dma_wait3A_124 : memref<1x80x128xf32, #tpu.memory_space<vmem>> -> memref<80x128xf32, #tpu.memory_space<vmem>>
    %dma_wait3A_126 = arith.constant 0 : i32
    %dma_wait3A_127 = tpu.memref_slice %arg7[%dma_wait3A_120, %dma_wait3A_126] : memref<64x80xi32, #tpu.memory_space<vmem>> -> memref<1x80xi32, #tpu.memory_space<vmem>>
    %dma_wait3A_128 = tpu.memref_squeeze %dma_wait3A_127 : memref<1x80xi32, #tpu.memory_space<vmem>> -> memref<80xi32, #tpu.memory_space<vmem>>
    %dma_wait3A_129 = arith.constant 0 : i32
    %dma_wait3A_130 = arith.constant 0 : i32
    %dma_wait3A_131 = tpu.memref_slice %arg9[%dma_wait3A_129, %dma_wait3A_130] : memref<10000x128xf32, #tpu.memory_space<vmem_shared>> -> memref<10000x128xf32, #tpu.memory_space<vmem_shared>>
    %dma_wait3A_132 = tpu.memref_slice %arg11[%dma_wait3A_121] : memref<3x!tpu.dma_semaphore, #tpu.memory_space<semaphore_mem>> -> memref<1x!tpu.dma_semaphore, #tpu.memory_space<semaphore_mem>>
    %dma_wait3A_133 = tpu.memref_squeeze %dma_wait3A_132 : memref<1x!tpu.dma_semaphore, #tpu.memory_space<semaphore_mem>> -> memref<!tpu.dma_semaphore, #tpu.memory_space<semaphore_mem>>
    tpu.wait_indirect_dma semaphore(%dma_wait3A_133 : memref<!tpu.dma_semaphore, #tpu.memory_space<semaphore_mem>>) src(%dma_wait3A_125 : memref<80x128xf32, #tpu.memory_space<vmem>>) dst(%dma_wait3A_131 : memref<10000x128xf32, #tpu.memory_space<vmem_shared>>)
    %dma_start3A_134 = arith.constant 64 : i32
    %dma_start3A_135 = arith.constant 0 : i32
    %dma_start3A_136 = tpu.memref_slice %arg4[%add3A, %dma_start3A_134, %dma_start3A_135] : memref<32x128x80xi32, #tpu.memory_space<hbm>> -> memref<1x64x80xi32, #tpu.memory_space<hbm>>
    %dma_start3A_137 = tpu.memref_squeeze %dma_start3A_136 : memref<1x64x80xi32, #tpu.memory_space<hbm>> -> memref<64x80xi32, #tpu.memory_space<hbm>>
    %dma_start3A_138 = arith.constant 64 : i32
    %dma_start3A_139 = arith.constant 0 : i32
    %dma_start3A_140 = tpu.memref_slice %arg4[%add3A, %dma_start3A_138, %dma_start3A_139] : memref<32x128x80xi32, #tpu.memory_space<hbm>> -> memref<1x64x80xi32, #tpu.memory_space<hbm>>
    %dma_start3A_141 = tpu.memref_squeeze %dma_start3A_140 : memref<1x64x80xi32, #tpu.memory_space<hbm>> -> memref<64x80xi32, #tpu.memory_space<hbm>>
    tpu.enqueue_dma source(%dma_start3A_141 : memref<64x80xi32, #tpu.memory_space<hbm>>) target(%arg7 : memref<64x80xi32, #tpu.memory_space<vmem>>) target_semaphore(%arg12 : memref<!tpu.dma_semaphore, #tpu.memory_space<semaphore_mem>>)
    %dma_start3A_142 = arith.constant 0 : i32
    %dma_start3A_143 = arith.constant 0 : i32
    %dma_start3A_144 = arith.constant 0 : i32
    %dma_start3A_145 = arith.constant 0 : i32
    %dma_start3A_146 = tpu.memref_slice %arg8[%dma_start3A_142, %dma_start3A_144, %dma_start3A_145] : memref<3x80x128xf32, #tpu.memory_space<vmem>> -> memref<1x80x128xf32, #tpu.memory_space<vmem>>
    %dma_start3A_147 = tpu.memref_squeeze %dma_start3A_146 : memref<1x80x128xf32, #tpu.memory_space<vmem>> -> memref<80x128xf32, #tpu.memory_space<vmem>>
    %dma_start3A_148 = arith.constant 5280 : i32
    %dma_start3A_149 = tpu.memref_slice %arg6[%dma_start3A_148] : memref<10000xi32, #tpu.memory_space<vmem>> -> memref<80xi32, #tpu.memory_space<vmem>>
    %dma_start3A_150 = arith.constant 0 : i32
    %dma_start3A_151 = arith.constant 0 : i32
    %dma_start3A_152 = tpu.memref_slice %arg2[%dma_start3A_150, %dma_start3A_151] : memref<10000x128xf32, #tpu.memory_space<hbm>> -> memref<10000x128xf32, #tpu.memory_space<hbm>>
    %dma_start3A_153 = tpu.memref_slice %arg10[%dma_start3A_143] : memref<3x!tpu.dma_semaphore, #tpu.memory_space<semaphore_mem>> -> memref<1x!tpu.dma_semaphore, #tpu.memory_space<semaphore_mem>>
    %dma_start3A_154 = tpu.memref_squeeze %dma_start3A_153 : memref<1x!tpu.dma_semaphore, #tpu.memory_space<semaphore_mem>> -> memref<!tpu.dma_semaphore, #tpu.memory_space<semaphore_mem>>
    tpu.enqueue_indirect_dma source(%dma_start3A_152 : memref<10000x128xf32, #tpu.memory_space<hbm>>) target(%dma_start3A_147 : memref<80x128xf32, #tpu.memory_space<vmem>>) offsets(%dma_start3A_149 : memref<80xi32, #tpu.memory_space<vmem>>) semaphore(%dma_start3A_154 : memref<!tpu.dma_semaphore, #tpu.memory_space<semaphore_mem>>)
    %dma_wait3A_155 = arith.constant 64 : i32
    %dma_wait3A_156 = arith.constant 0 : i32
    %dma_wait3A_157 = tpu.memref_slice %arg4[%add3A, %dma_wait3A_155, %dma_wait3A_156] : memref<32x128x80xi32, #tpu.memory_space<hbm>> -> memref<1x64x80xi32, #tpu.memory_space<hbm>>
    %dma_wait3A_158 = tpu.memref_squeeze %dma_wait3A_157 : memref<1x64x80xi32, #tpu.memory_space<hbm>> -> memref<64x80xi32, #tpu.memory_space<hbm>>
    %dma_wait3A_159 = arith.constant 64 : i32
    %dma_wait3A_160 = arith.constant 0 : i32
    %dma_wait3A_161 = tpu.memref_slice %arg4[%add3A, %dma_wait3A_159, %dma_wait3A_160] : memref<32x128x80xi32, #tpu.memory_space<hbm>> -> memref<1x64x80xi32, #tpu.memory_space<hbm>>
    %dma_wait3A_162 = tpu.memref_squeeze %dma_wait3A_161 : memref<1x64x80xi32, #tpu.memory_space<hbm>> -> memref<64x80xi32, #tpu.memory_space<hbm>>
    tpu.wait_dma2 semaphore(%arg12 : memref<!tpu.dma_semaphore, #tpu.memory_space<semaphore_mem>>) src(%dma_wait3A_162 : memref<64x80xi32, #tpu.memory_space<hbm>>) dst(%arg7 : memref<64x80xi32, #tpu.memory_space<vmem>>)
    %scan3A_163 = arith.constant 1 : i32
    %scan3A_164 = arith.constant 2 : i32
    %scan3A_165 = arith.constant 0 : i32
    %scan3A_166 = arith.constant 0 : i32
    %scan3A_167 = arith.constant 20 : i32
    %scan3A_168 = arith.addi %scan3A_166, %scan3A_167 : i32
    %scan3A_169 = arith.constant 1 : i32
    scf.for %scan3A_222 = %scan3A_166 to %scan3A_168 step %scan3A_169  : i32 {
      %mul3A_223 = arith.constant 3 : i32
      %mul3A_224 = arith.muli %mul3A_223, %scan3A_222 : i32
      %add3A_225 = arith.constant 64 : i32
      %add3A_226 = arith.addi %add3A_225, %mul3A_224 : i32
      %add3A_227 = arith.constant 0 : i32
      %add3A_228 = arith.addi %add3A_226, %add3A_227 : i32
      %mul3A_229 = arith.constant 3 : i32
      %mul3A_230 = arith.muli %mul3A_229, %scan3A_222 : i32
      %add3A_231 = arith.constant 64 : i32
      %add3A_232 = arith.addi %add3A_231, %mul3A_230 : i32
      %add3A_233 = arith.constant 1 : i32
      %add3A_234 = arith.addi %add3A_232, %add3A_233 : i32
      %mul3A_235 = arith.constant 3 : i32
      %mul3A_236 = arith.muli %mul3A_235, %scan3A_222 : i32
      %add3A_237 = arith.constant 64 : i32
      %add3A_238 = arith.addi %add3A_237, %mul3A_236 : i32
      %add3A_239 = arith.constant 2 : i32
      %add3A_240 = arith.addi %add3A_238, %add3A_239 : i32
      %mul3A_241 = arith.constant 80 : i32
      %mul3A_242 = arith.muli %add3A_228, %mul3A_241 : i32
      %dma_wait3A_243 = arith.constant 1 : i32
      %dma_wait3A_244 = arith.constant 0 : i32
      %dma_wait3A_245 = arith.constant 0 : i32
      %dma_wait3A_246 = tpu.memref_slice %arg8[%scan3A_163, %dma_wait3A_244, %dma_wait3A_245] : memref<3x80x128xf32, #tpu.memory_space<vmem>> -> memref<1x80x128xf32, #tpu.memory_space<vmem>>
      %dma_wait3A_247 = tpu.memref_squeeze %dma_wait3A_246 : memref<1x80x128xf32, #tpu.memory_space<vmem>> -> memref<80x128xf32, #tpu.memory_space<vmem>>
      %dma_wait3A_248 = tpu.memref_slice %arg6[%mul3A_242] : memref<10000xi32, #tpu.memory_space<vmem>> -> memref<80xi32, #tpu.memory_space<vmem>>
      %dma_wait3A_249 = arith.constant 0 : i32
      %dma_wait3A_250 = arith.constant 0 : i32
      %dma_wait3A_251 = tpu.memref_slice %arg2[%dma_wait3A_249, %dma_wait3A_250] : memref<10000x128xf32, #tpu.memory_space<hbm>> -> memref<10000x128xf32, #tpu.memory_space<hbm>>
      %dma_wait3A_252 = tpu.memref_slice %arg10[%dma_wait3A_243] : memref<3x!tpu.dma_semaphore, #tpu.memory_space<semaphore_mem>> -> memref<1x!tpu.dma_semaphore, #tpu.memory_space<semaphore_mem>>
      %dma_wait3A_253 = tpu.memref_squeeze %dma_wait3A_252 : memref<1x!tpu.dma_semaphore, #tpu.memory_space<semaphore_mem>> -> memref<!tpu.dma_semaphore, #tpu.memory_space<semaphore_mem>>
      tpu.wait_indirect_dma semaphore(%dma_wait3A_253 : memref<!tpu.dma_semaphore, #tpu.memory_space<semaphore_mem>>) src(%dma_wait3A_251 : memref<10000x128xf32, #tpu.memory_space<hbm>>) dst(%dma_wait3A_247 : memref<80x128xf32, #tpu.memory_space<vmem>>)
      %sub3A = arith.constant 64 : i32
      %sub3A_254 = arith.subi %add3A_228, %sub3A : i32
      %dma_start3A_255 = arith.constant 1 : i32
      %dma_start3A_256 = arith.constant 0 : i32
      %dma_start3A_257 = arith.constant 0 : i32
      %dma_start3A_258 = tpu.memref_slice %arg8[%scan3A_163, %dma_start3A_256, %dma_start3A_257] : memref<3x80x128xf32, #tpu.memory_space<vmem>> -> memref<1x80x128xf32, #tpu.memory_space<vmem>>
      %dma_start3A_259 = tpu.memref_squeeze %dma_start3A_258 : memref<1x80x128xf32, #tpu.memory_space<vmem>> -> memref<80x128xf32, #tpu.memory_space<vmem>>
      %dma_start3A_260 = arith.constant 0 : i32
      %dma_start3A_261 = tpu.memref_slice %arg7[%sub3A_254, %dma_start3A_260] : memref<64x80xi32, #tpu.memory_space<vmem>> -> memref<1x80xi32, #tpu.memory_space<vmem>>
      %dma_start3A_262 = tpu.memref_squeeze %dma_start3A_261 : memref<1x80xi32, #tpu.memory_space<vmem>> -> memref<80xi32, #tpu.memory_space<vmem>>
      %dma_start3A_263 = arith.constant 0 : i32
      %dma_start3A_264 = arith.constant 0 : i32
      %dma_start3A_265 = tpu.memref_slice %arg9[%dma_start3A_263, %dma_start3A_264] : memref<10000x128xf32, #tpu.memory_space<vmem_shared>> -> memref<10000x128xf32, #tpu.memory_space<vmem_shared>>
      %dma_start3A_266 = tpu.memref_slice %arg11[%dma_start3A_255] : memref<3x!tpu.dma_semaphore, #tpu.memory_space<semaphore_mem>> -> memref<1x!tpu.dma_semaphore, #tpu.memory_space<semaphore_mem>>
      %dma_start3A_267 = tpu.memref_squeeze %dma_start3A_266 : memref<1x!tpu.dma_semaphore, #tpu.memory_space<semaphore_mem>> -> memref<!tpu.dma_semaphore, #tpu.memory_space<semaphore_mem>>
      tpu.enqueue_indirect_dma source(%dma_start3A_259 : memref<80x128xf32, #tpu.memory_space<vmem>>) target(%dma_start3A_265 : memref<10000x128xf32, #tpu.memory_space<vmem_shared>>) offsets(%dma_start3A_262 : memref<80xi32, #tpu.memory_space<vmem>>) semaphore(%dma_start3A_267 : memref<!tpu.dma_semaphore, #tpu.memory_space<semaphore_mem>>) {add = true}
      %mul3A_268 = arith.constant 80 : i32
      %mul3A_269 = arith.muli %add3A_234, %mul3A_268 : i32
      %dma_wait3A_270 = arith.constant 2 : i32
      %dma_wait3A_271 = arith.constant 0 : i32
      %dma_wait3A_272 = arith.constant 0 : i32
      %dma_wait3A_273 = tpu.memref_slice %arg8[%scan3A_164, %dma_wait3A_271, %dma_wait3A_272] : memref<3x80x128xf32, #tpu.memory_space<vmem>> -> memref<1x80x128xf32, #tpu.memory_space<vmem>>
      %dma_wait3A_274 = tpu.memref_squeeze %dma_wait3A_273 : memref<1x80x128xf32, #tpu.memory_space<vmem>> -> memref<80x128xf32, #tpu.memory_space<vmem>>
      %dma_wait3A_275 = tpu.memref_slice %arg6[%mul3A_269] : memref<10000xi32, #tpu.memory_space<vmem>> -> memref<80xi32, #tpu.memory_space<vmem>>
      %dma_wait3A_276 = arith.constant 0 : i32
      %dma_wait3A_277 = arith.constant 0 : i32
      %dma_wait3A_278 = tpu.memref_slice %arg2[%dma_wait3A_276, %dma_wait3A_277] : memref<10000x128xf32, #tpu.memory_space<hbm>> -> memref<10000x128xf32, #tpu.memory_space<hbm>>
      %dma_wait3A_279 = tpu.memref_slice %arg10[%dma_wait3A_270] : memref<3x!tpu.dma_semaphore, #tpu.memory_space<semaphore_mem>> -> memref<1x!tpu.dma_semaphore, #tpu.memory_space<semaphore_mem>>
      %dma_wait3A_280 = tpu.memref_squeeze %dma_wait3A_279 : memref<1x!tpu.dma_semaphore, #tpu.memory_space<semaphore_mem>> -> memref<!tpu.dma_semaphore, #tpu.memory_space<semaphore_mem>>
      tpu.wait_indirect_dma semaphore(%dma_wait3A_280 : memref<!tpu.dma_semaphore, #tpu.memory_space<semaphore_mem>>) src(%dma_wait3A_278 : memref<10000x128xf32, #tpu.memory_space<hbm>>) dst(%dma_wait3A_274 : memref<80x128xf32, #tpu.memory_space<vmem>>)
      %sub3A_281 = arith.constant 64 : i32
      %sub3A_282 = arith.subi %add3A_234, %sub3A_281 : i32
      %dma_start3A_283 = arith.constant 2 : i32
      %dma_start3A_284 = arith.constant 0 : i32
      %dma_start3A_285 = arith.constant 0 : i32
      %dma_start3A_286 = tpu.memref_slice %arg8[%scan3A_164, %dma_start3A_284, %dma_start3A_285] : memref<3x80x128xf32, #tpu.memory_space<vmem>> -> memref<1x80x128xf32, #tpu.memory_space<vmem>>
      %dma_start3A_287 = tpu.memref_squeeze %dma_start3A_286 : memref<1x80x128xf32, #tpu.memory_space<vmem>> -> memref<80x128xf32, #tpu.memory_space<vmem>>
      %dma_start3A_288 = arith.constant 0 : i32
      %dma_start3A_289 = tpu.memref_slice %arg7[%sub3A_282, %dma_start3A_288] : memref<64x80xi32, #tpu.memory_space<vmem>> -> memref<1x80xi32, #tpu.memory_space<vmem>>
      %dma_start3A_290 = tpu.memref_squeeze %dma_start3A_289 : memref<1x80xi32, #tpu.memory_space<vmem>> -> memref<80xi32, #tpu.memory_space<vmem>>
      %dma_start3A_291 = arith.constant 0 : i32
      %dma_start3A_292 = arith.constant 0 : i32
      %dma_start3A_293 = tpu.memref_slice %arg9[%dma_start3A_291, %dma_start3A_292] : memref<10000x128xf32, #tpu.memory_space<vmem_shared>> -> memref<10000x128xf32, #tpu.memory_space<vmem_shared>>
      %dma_start3A_294 = tpu.memref_slice %arg11[%dma_start3A_283] : memref<3x!tpu.dma_semaphore, #tpu.memory_space<semaphore_mem>> -> memref<1x!tpu.dma_semaphore, #tpu.memory_space<semaphore_mem>>
      %dma_start3A_295 = tpu.memref_squeeze %dma_start3A_294 : memref<1x!tpu.dma_semaphore, #tpu.memory_space<semaphore_mem>> -> memref<!tpu.dma_semaphore, #tpu.memory_space<semaphore_mem>>
      tpu.enqueue_indirect_dma source(%dma_start3A_287 : memref<80x128xf32, #tpu.memory_space<vmem>>) target(%dma_start3A_293 : memref<10000x128xf32, #tpu.memory_space<vmem_shared>>) offsets(%dma_start3A_290 : memref<80xi32, #tpu.memory_space<vmem>>) semaphore(%dma_start3A_295 : memref<!tpu.dma_semaphore, #tpu.memory_space<semaphore_mem>>) {add = true}
      %mul3A_296 = arith.constant 80 : i32
      %mul3A_297 = arith.muli %add3A_240, %mul3A_296 : i32
      %dma_wait3A_298 = arith.constant 0 : i32
      %dma_wait3A_299 = arith.constant 0 : i32
      %dma_wait3A_300 = arith.constant 0 : i32
      %dma_wait3A_301 = tpu.memref_slice %arg8[%scan3A_165, %dma_wait3A_299, %dma_wait3A_300] : memref<3x80x128xf32, #tpu.memory_space<vmem>> -> memref<1x80x128xf32, #tpu.memory_space<vmem>>
      %dma_wait3A_302 = tpu.memref_squeeze %dma_wait3A_301 : memref<1x80x128xf32, #tpu.memory_space<vmem>> -> memref<80x128xf32, #tpu.memory_space<vmem>>
      %dma_wait3A_303 = tpu.memref_slice %arg6[%mul3A_297] : memref<10000xi32, #tpu.memory_space<vmem>> -> memref<80xi32, #tpu.memory_space<vmem>>
      %dma_wait3A_304 = arith.constant 0 : i32
      %dma_wait3A_305 = arith.constant 0 : i32
      %dma_wait3A_306 = tpu.memref_slice %arg2[%dma_wait3A_304, %dma_wait3A_305] : memref<10000x128xf32, #tpu.memory_space<hbm>> -> memref<10000x128xf32, #tpu.memory_space<hbm>>
      %dma_wait3A_307 = tpu.memref_slice %arg10[%dma_wait3A_298] : memref<3x!tpu.dma_semaphore, #tpu.memory_space<semaphore_mem>> -> memref<1x!tpu.dma_semaphore, #tpu.memory_space<semaphore_mem>>
      %dma_wait3A_308 = tpu.memref_squeeze %dma_wait3A_307 : memref<1x!tpu.dma_semaphore, #tpu.memory_space<semaphore_mem>> -> memref<!tpu.dma_semaphore, #tpu.memory_space<semaphore_mem>>
      tpu.wait_indirect_dma semaphore(%dma_wait3A_308 : memref<!tpu.dma_semaphore, #tpu.memory_space<semaphore_mem>>) src(%dma_wait3A_306 : memref<10000x128xf32, #tpu.memory_space<hbm>>) dst(%dma_wait3A_302 : memref<80x128xf32, #tpu.memory_space<vmem>>)
      %sub3A_309 = arith.constant 64 : i32
      %sub3A_310 = arith.subi %add3A_240, %sub3A_309 : i32
      %dma_start3A_311 = arith.constant 0 : i32
      %dma_start3A_312 = arith.constant 0 : i32
      %dma_start3A_313 = arith.constant 0 : i32
      %dma_start3A_314 = tpu.memref_slice %arg8[%scan3A_165, %dma_start3A_312, %dma_start3A_313] : memref<3x80x128xf32, #tpu.memory_space<vmem>> -> memref<1x80x128xf32, #tpu.memory_space<vmem>>
      %dma_start3A_315 = tpu.memref_squeeze %dma_start3A_314 : memref<1x80x128xf32, #tpu.memory_space<vmem>> -> memref<80x128xf32, #tpu.memory_space<vmem>>
      %dma_start3A_316 = arith.constant 0 : i32
      %dma_start3A_317 = tpu.memref_slice %arg7[%sub3A_310, %dma_start3A_316] : memref<64x80xi32, #tpu.memory_space<vmem>> -> memref<1x80xi32, #tpu.memory_space<vmem>>
      %dma_start3A_318 = tpu.memref_squeeze %dma_start3A_317 : memref<1x80xi32, #tpu.memory_space<vmem>> -> memref<80xi32, #tpu.memory_space<vmem>>
      %dma_start3A_319 = arith.constant 0 : i32
      %dma_start3A_320 = arith.constant 0 : i32
      %dma_start3A_321 = tpu.memref_slice %arg9[%dma_start3A_319, %dma_start3A_320] : memref<10000x128xf32, #tpu.memory_space<vmem_shared>> -> memref<10000x128xf32, #tpu.memory_space<vmem_shared>>
      %dma_start3A_322 = tpu.memref_slice %arg11[%dma_start3A_311] : memref<3x!tpu.dma_semaphore, #tpu.memory_space<semaphore_mem>> -> memref<1x!tpu.dma_semaphore, #tpu.memory_space<semaphore_mem>>
      %dma_start3A_323 = tpu.memref_squeeze %dma_start3A_322 : memref<1x!tpu.dma_semaphore, #tpu.memory_space<semaphore_mem>> -> memref<!tpu.dma_semaphore, #tpu.memory_space<semaphore_mem>>
      tpu.enqueue_indirect_dma source(%dma_start3A_315 : memref<80x128xf32, #tpu.memory_space<vmem>>) target(%dma_start3A_321 : memref<10000x128xf32, #tpu.memory_space<vmem_shared>>) offsets(%dma_start3A_318 : memref<80xi32, #tpu.memory_space<vmem>>) semaphore(%dma_start3A_323 : memref<!tpu.dma_semaphore, #tpu.memory_space<semaphore_mem>>) {add = true}
      %sub3A_324 = arith.constant 64 : i32
      %sub3A_325 = arith.subi %add3A_228, %sub3A_324 : i32
      %dma_wait3A_326 = arith.constant 1 : i32
      %dma_wait3A_327 = arith.constant 0 : i32
      %dma_wait3A_328 = arith.constant 0 : i32
      %dma_wait3A_329 = tpu.memref_slice %arg8[%scan3A_163, %dma_wait3A_327, %dma_wait3A_328] : memref<3x80x128xf32, #tpu.memory_space<vmem>> -> memref<1x80x128xf32, #tpu.memory_space<vmem>>
      %dma_wait3A_330 = tpu.memref_squeeze %dma_wait3A_329 : memref<1x80x128xf32, #tpu.memory_space<vmem>> -> memref<80x128xf32, #tpu.memory_space<vmem>>
      %dma_wait3A_331 = arith.constant 0 : i32
      %dma_wait3A_332 = tpu.memref_slice %arg7[%sub3A_325, %dma_wait3A_331] : memref<64x80xi32, #tpu.memory_space<vmem>> -> memref<1x80xi32, #tpu.memory_space<vmem>>
      %dma_wait3A_333 = tpu.memref_squeeze %dma_wait3A_332 : memref<1x80xi32, #tpu.memory_space<vmem>> -> memref<80xi32, #tpu.memory_space<vmem>>
      %dma_wait3A_334 = arith.constant 0 : i32
      %dma_wait3A_335 = arith.constant 0 : i32
      %dma_wait3A_336 = tpu.memref_slice %arg9[%dma_wait3A_334, %dma_wait3A_335] : memref<10000x128xf32, #tpu.memory_space<vmem_shared>> -> memref<10000x128xf32, #tpu.memory_space<vmem_shared>>
      %dma_wait3A_337 = tpu.memref_slice %arg11[%dma_wait3A_326] : memref<3x!tpu.dma_semaphore, #tpu.memory_space<semaphore_mem>> -> memref<1x!tpu.dma_semaphore, #tpu.memory_space<semaphore_mem>>
      %dma_wait3A_338 = tpu.memref_squeeze %dma_wait3A_337 : memref<1x!tpu.dma_semaphore, #tpu.memory_space<semaphore_mem>> -> memref<!tpu.dma_semaphore, #tpu.memory_space<semaphore_mem>>
      tpu.wait_indirect_dma semaphore(%dma_wait3A_338 : memref<!tpu.dma_semaphore, #tpu.memory_space<semaphore_mem>>) src(%dma_wait3A_330 : memref<80x128xf32, #tpu.memory_space<vmem>>) dst(%dma_wait3A_336 : memref<10000x128xf32, #tpu.memory_space<vmem_shared>>)
      %add3A_339 = arith.constant 3 : i32
      %add3A_340 = arith.addi %add3A_228, %add3A_339 : i32
      %mul3A_341 = arith.constant 80 : i32
      %mul3A_342 = arith.muli %add3A_340, %mul3A_341 : i32
      %dma_start3A_343 = arith.constant 1 : i32
      %dma_start3A_344 = arith.constant 0 : i32
      %dma_start3A_345 = arith.constant 0 : i32
      %dma_start3A_346 = tpu.memref_slice %arg8[%scan3A_163, %dma_start3A_344, %dma_start3A_345] : memref<3x80x128xf32, #tpu.memory_space<vmem>> -> memref<1x80x128xf32, #tpu.memory_space<vmem>>
      %dma_start3A_347 = tpu.memref_squeeze %dma_start3A_346 : memref<1x80x128xf32, #tpu.memory_space<vmem>> -> memref<80x128xf32, #tpu.memory_space<vmem>>
      %dma_start3A_348 = tpu.memref_slice %arg6[%mul3A_342] : memref<10000xi32, #tpu.memory_space<vmem>> -> memref<80xi32, #tpu.memory_space<vmem>>
      %dma_start3A_349 = arith.constant 0 : i32
      %dma_start3A_350 = arith.constant 0 : i32
      %dma_start3A_351 = tpu.memref_slice %arg2[%dma_start3A_349, %dma_start3A_350] : memref<10000x128xf32, #tpu.memory_space<hbm>> -> memref<10000x128xf32, #tpu.memory_space<hbm>>
      %dma_start3A_352 = tpu.memref_slice %arg10[%dma_start3A_343] : memref<3x!tpu.dma_semaphore, #tpu.memory_space<semaphore_mem>> -> memref<1x!tpu.dma_semaphore, #tpu.memory_space<semaphore_mem>>
      %dma_start3A_353 = tpu.memref_squeeze %dma_start3A_352 : memref<1x!tpu.dma_semaphore, #tpu.memory_space<semaphore_mem>> -> memref<!tpu.dma_semaphore, #tpu.memory_space<semaphore_mem>>
      tpu.enqueue_indirect_dma source(%dma_start3A_351 : memref<10000x128xf32, #tpu.memory_space<hbm>>) target(%dma_start3A_347 : memref<80x128xf32, #tpu.memory_space<vmem>>) offsets(%dma_start3A_348 : memref<80xi32, #tpu.memory_space<vmem>>) semaphore(%dma_start3A_353 : memref<!tpu.dma_semaphore, #tpu.memory_space<semaphore_mem>>)
      %sub3A_354 = arith.constant 64 : i32
      %sub3A_355 = arith.subi %add3A_234, %sub3A_354 : i32
      %dma_wait3A_356 = arith.constant 2 : i32
      %dma_wait3A_357 = arith.constant 0 : i32
      %dma_wait3A_358 = arith.constant 0 : i32
      %dma_wait3A_359 = tpu.memref_slice %arg8[%scan3A_164, %dma_wait3A_357, %dma_wait3A_358] : memref<3x80x128xf32, #tpu.memory_space<vmem>> -> memref<1x80x128xf32, #tpu.memory_space<vmem>>
      %dma_wait3A_360 = tpu.memref_squeeze %dma_wait3A_359 : memref<1x80x128xf32, #tpu.memory_space<vmem>> -> memref<80x128xf32, #tpu.memory_space<vmem>>
      %dma_wait3A_361 = arith.constant 0 : i32
      %dma_wait3A_362 = tpu.memref_slice %arg7[%sub3A_355, %dma_wait3A_361] : memref<64x80xi32, #tpu.memory_space<vmem>> -> memref<1x80xi32, #tpu.memory_space<vmem>>
      %dma_wait3A_363 = tpu.memref_squeeze %dma_wait3A_362 : memref<1x80xi32, #tpu.memory_space<vmem>> -> memref<80xi32, #tpu.memory_space<vmem>>
      %dma_wait3A_364 = arith.constant 0 : i32
      %dma_wait3A_365 = arith.constant 0 : i32
      %dma_wait3A_366 = tpu.memref_slice %arg9[%dma_wait3A_364, %dma_wait3A_365] : memref<10000x128xf32, #tpu.memory_space<vmem_shared>> -> memref<10000x128xf32, #tpu.memory_space<vmem_shared>>
      %dma_wait3A_367 = tpu.memref_slice %arg11[%dma_wait3A_356] : memref<3x!tpu.dma_semaphore, #tpu.memory_space<semaphore_mem>> -> memref<1x!tpu.dma_semaphore, #tpu.memory_space<semaphore_mem>>
      %dma_wait3A_368 = tpu.memref_squeeze %dma_wait3A_367 : memref<1x!tpu.dma_semaphore, #tpu.memory_space<semaphore_mem>> -> memref<!tpu.dma_semaphore, #tpu.memory_space<semaphore_mem>>
      tpu.wait_indirect_dma semaphore(%dma_wait3A_368 : memref<!tpu.dma_semaphore, #tpu.memory_space<semaphore_mem>>) src(%dma_wait3A_360 : memref<80x128xf32, #tpu.memory_space<vmem>>) dst(%dma_wait3A_366 : memref<10000x128xf32, #tpu.memory_space<vmem_shared>>)
      %lt3A = arith.constant 19 : i32
      %lt3A_369 = arith.cmpi slt, %scan3A_222, %lt3A : i32
      %convert_element_type3A = arith.extui %lt3A_369 : i1 to i32
      %cond3A = arith.constant 0 : i32
      %cond3A_370 = arith.cmpi ne, %convert_element_type3A, %cond3A : i32
      scf.if %cond3A_370 {
        %add3A_391 = arith.constant 3 : i32
        %add3A_392 = arith.addi %add3A_234, %add3A_391 : i32
        %mul3A_393 = arith.constant 80 : i32
        %mul3A_394 = arith.muli %add3A_392, %mul3A_393 : i32
        %dma_start3A_395 = arith.constant 2 : i32
        %dma_start3A_396 = arith.constant 0 : i32
        %dma_start3A_397 = arith.constant 0 : i32
        %dma_start3A_398 = tpu.memref_slice %arg8[%scan3A_164, %dma_start3A_396, %dma_start3A_397] : memref<3x80x128xf32, #tpu.memory_space<vmem>> -> memref<1x80x128xf32, #tpu.memory_space<vmem>>
        %dma_start3A_399 = tpu.memref_squeeze %dma_start3A_398 : memref<1x80x128xf32, #tpu.memory_space<vmem>> -> memref<80x128xf32, #tpu.memory_space<vmem>>
        %dma_start3A_400 = tpu.memref_slice %arg6[%mul3A_394] : memref<10000xi32, #tpu.memory_space<vmem>> -> memref<80xi32, #tpu.memory_space<vmem>>
        %dma_start3A_401 = arith.constant 0 : i32
        %dma_start3A_402 = arith.constant 0 : i32
        %dma_start3A_403 = tpu.memref_slice %arg2[%dma_start3A_401, %dma_start3A_402] : memref<10000x128xf32, #tpu.memory_space<hbm>> -> memref<10000x128xf32, #tpu.memory_space<hbm>>
        %dma_start3A_404 = tpu.memref_slice %arg10[%dma_start3A_395] : memref<3x!tpu.dma_semaphore, #tpu.memory_space<semaphore_mem>> -> memref<1x!tpu.dma_semaphore, #tpu.memory_space<semaphore_mem>>
        %dma_start3A_405 = tpu.memref_squeeze %dma_start3A_404 : memref<1x!tpu.dma_semaphore, #tpu.memory_space<semaphore_mem>> -> memref<!tpu.dma_semaphore, #tpu.memory_space<semaphore_mem>>
        tpu.enqueue_indirect_dma source(%dma_start3A_403 : memref<10000x128xf32, #tpu.memory_space<hbm>>) target(%dma_start3A_399 : memref<80x128xf32, #tpu.memory_space<vmem>>) offsets(%dma_start3A_400 : memref<80xi32, #tpu.memory_space<vmem>>) semaphore(%dma_start3A_405 : memref<!tpu.dma_semaphore, #tpu.memory_space<semaphore_mem>>)
      } else {
      }
      %sub3A_371 = arith.constant 64 : i32
      %sub3A_372 = arith.subi %add3A_240, %sub3A_371 : i32
      %dma_wait3A_373 = arith.constant 0 : i32
      %dma_wait3A_374 = arith.constant 0 : i32
      %dma_wait3A_375 = arith.constant 0 : i32
      %dma_wait3A_376 = tpu.memref_slice %arg8[%scan3A_165, %dma_wait3A_374, %dma_wait3A_375] : memref<3x80x128xf32, #tpu.memory_space<vmem>> -> memref<1x80x128xf32, #tpu.memory_space<vmem>>
      %dma_wait3A_377 = tpu.memref_squeeze %dma_wait3A_376 : memref<1x80x128xf32, #tpu.memory_space<vmem>> -> memref<80x128xf32, #tpu.memory_space<vmem>>
      %dma_wait3A_378 = arith.constant 0 : i32
      %dma_wait3A_379 = tpu.memref_slice %arg7[%sub3A_372, %dma_wait3A_378] : memref<64x80xi32, #tpu.memory_space<vmem>> -> memref<1x80xi32, #tpu.memory_space<vmem>>
      %dma_wait3A_380 = tpu.memref_squeeze %dma_wait3A_379 : memref<1x80xi32, #tpu.memory_space<vmem>> -> memref<80xi32, #tpu.memory_space<vmem>>
      %dma_wait3A_381 = arith.constant 0 : i32
      %dma_wait3A_382 = arith.constant 0 : i32
      %dma_wait3A_383 = tpu.memref_slice %arg9[%dma_wait3A_381, %dma_wait3A_382] : memref<10000x128xf32, #tpu.memory_space<vmem_shared>> -> memref<10000x128xf32, #tpu.memory_space<vmem_shared>>
      %dma_wait3A_384 = tpu.memref_slice %arg11[%dma_wait3A_373] : memref<3x!tpu.dma_semaphore, #tpu.memory_space<semaphore_mem>> -> memref<1x!tpu.dma_semaphore, #tpu.memory_space<semaphore_mem>>
      %dma_wait3A_385 = tpu.memref_squeeze %dma_wait3A_384 : memref<1x!tpu.dma_semaphore, #tpu.memory_space<semaphore_mem>> -> memref<!tpu.dma_semaphore, #tpu.memory_space<semaphore_mem>>
      tpu.wait_indirect_dma semaphore(%dma_wait3A_385 : memref<!tpu.dma_semaphore, #tpu.memory_space<semaphore_mem>>) src(%dma_wait3A_377 : memref<80x128xf32, #tpu.memory_space<vmem>>) dst(%dma_wait3A_383 : memref<10000x128xf32, #tpu.memory_space<vmem_shared>>)
      %lt3A_386 = arith.constant 19 : i32
      %lt3A_387 = arith.cmpi slt, %scan3A_222, %lt3A_386 : i32
      %convert_element_type3A_388 = arith.extui %lt3A_387 : i1 to i32
      %cond3A_389 = arith.constant 0 : i32
      %cond3A_390 = arith.cmpi ne, %convert_element_type3A_388, %cond3A_389 : i32
      scf.if %cond3A_390 {
        %add3A_391 = arith.constant 3 : i32
        %add3A_392 = arith.addi %add3A_240, %add3A_391 : i32
        %mul3A_393 = arith.constant 80 : i32
        %mul3A_394 = arith.muli %add3A_392, %mul3A_393 : i32
        %dma_start3A_395 = arith.constant 0 : i32
        %dma_start3A_396 = arith.constant 0 : i32
        %dma_start3A_397 = arith.constant 0 : i32
        %dma_start3A_398 = tpu.memref_slice %arg8[%scan3A_165, %dma_start3A_396, %dma_start3A_397] : memref<3x80x128xf32, #tpu.memory_space<vmem>> -> memref<1x80x128xf32, #tpu.memory_space<vmem>>
        %dma_start3A_399 = tpu.memref_squeeze %dma_start3A_398 : memref<1x80x128xf32, #tpu.memory_space<vmem>> -> memref<80x128xf32, #tpu.memory_space<vmem>>
        %dma_start3A_400 = tpu.memref_slice %arg6[%mul3A_394] : memref<10000xi32, #tpu.memory_space<vmem>> -> memref<80xi32, #tpu.memory_space<vmem>>
        %dma_start3A_401 = arith.constant 0 : i32
        %dma_start3A_402 = arith.constant 0 : i32
        %dma_start3A_403 = tpu.memref_slice %arg2[%dma_start3A_401, %dma_start3A_402] : memref<10000x128xf32, #tpu.memory_space<hbm>> -> memref<10000x128xf32, #tpu.memory_space<hbm>>
        %dma_start3A_404 = tpu.memref_slice %arg10[%dma_start3A_395] : memref<3x!tpu.dma_semaphore, #tpu.memory_space<semaphore_mem>> -> memref<1x!tpu.dma_semaphore, #tpu.memory_space<semaphore_mem>>
        %dma_start3A_405 = tpu.memref_squeeze %dma_start3A_404 : memref<1x!tpu.dma_semaphore, #tpu.memory_space<semaphore_mem>> -> memref<!tpu.dma_semaphore, #tpu.memory_space<semaphore_mem>>
        tpu.enqueue_indirect_dma source(%dma_start3A_403 : memref<10000x128xf32, #tpu.memory_space<hbm>>) target(%dma_start3A_399 : memref<80x128xf32, #tpu.memory_space<vmem>>) offsets(%dma_start3A_400 : memref<80xi32, #tpu.memory_space<vmem>>) semaphore(%dma_start3A_405 : memref<!tpu.dma_semaphore, #tpu.memory_space<semaphore_mem>>)
      } else {
      }
    }
    %scan3A_170 = arith.constant 20 : i32
    %dma_wait3A_171 = arith.constant 1 : i32
    %dma_wait3A_172 = arith.constant 1 : i32
    %dma_wait3A_173 = arith.constant 0 : i32
    %dma_wait3A_174 = arith.constant 0 : i32
    %dma_wait3A_175 = tpu.memref_slice %arg8[%dma_wait3A_171, %dma_wait3A_173, %dma_wait3A_174] : memref<3x80x128xf32, #tpu.memory_space<vmem>> -> memref<1x80x128xf32, #tpu.memory_space<vmem>>
    %dma_wait3A_176 = tpu.memref_squeeze %dma_wait3A_175 : memref<1x80x128xf32, #tpu.memory_space<vmem>> -> memref<80x128xf32, #tpu.memory_space<vmem>>
    %dma_wait3A_177 = arith.constant 9920 : i32
    %dma_wait3A_178 = tpu.memref_slice %arg6[%dma_wait3A_177] : memref<10000xi32, #tpu.memory_space<vmem>> -> memref<80xi32, #tpu.memory_space<vmem>>
    %dma_wait3A_179 = arith.constant 0 : i32
    %dma_wait3A_180 = arith.constant 0 : i32
    %dma_wait3A_181 = tpu.memref_slice %arg2[%dma_wait3A_179, %dma_wait3A_180] : memref<10000x128xf32, #tpu.memory_space<hbm>> -> memref<10000x128xf32, #tpu.memory_space<hbm>>
    %dma_wait3A_182 = tpu.memref_slice %arg10[%dma_wait3A_172] : memref<3x!tpu.dma_semaphore, #tpu.memory_space<semaphore_mem>> -> memref<1x!tpu.dma_semaphore, #tpu.memory_space<semaphore_mem>>
    %dma_wait3A_183 = tpu.memref_squeeze %dma_wait3A_182 : memref<1x!tpu.dma_semaphore, #tpu.memory_space<semaphore_mem>> -> memref<!tpu.dma_semaphore, #tpu.memory_space<semaphore_mem>>
    tpu.wait_indirect_dma semaphore(%dma_wait3A_183 : memref<!tpu.dma_semaphore, #tpu.memory_space<semaphore_mem>>) src(%dma_wait3A_181 : memref<10000x128xf32, #tpu.memory_space<hbm>>) dst(%dma_wait3A_176 : memref<80x128xf32, #tpu.memory_space<vmem>>)
    %dma_start3A_184 = arith.constant 1 : i32
    %dma_start3A_185 = arith.constant 60 : i32
    %dma_start3A_186 = arith.constant 1 : i32
    %dma_start3A_187 = arith.constant 0 : i32
    %dma_start3A_188 = arith.constant 0 : i32
    %dma_start3A_189 = tpu.memref_slice %arg8[%dma_start3A_184, %dma_start3A_187, %dma_start3A_188] : memref<3x80x128xf32, #tpu.memory_space<vmem>> -> memref<1x80x128xf32, #tpu.memory_space<vmem>>
    %dma_start3A_190 = tpu.memref_squeeze %dma_start3A_189 : memref<1x80x128xf32, #tpu.memory_space<vmem>> -> memref<80x128xf32, #tpu.memory_space<vmem>>
    %dma_start3A_191 = arith.constant 0 : i32
    %dma_start3A_192 = tpu.memref_slice %arg7[%dma_start3A_185, %dma_start3A_191] : memref<64x80xi32, #tpu.memory_space<vmem>> -> memref<1x80xi32, #tpu.memory_space<vmem>>
    %dma_start3A_193 = tpu.memref_squeeze %dma_start3A_192 : memref<1x80xi32, #tpu.memory_space<vmem>> -> memref<80xi32, #tpu.memory_space<vmem>>
    %dma_start3A_194 = arith.constant 0 : i32
    %dma_start3A_195 = arith.constant 0 : i32
    %dma_start3A_196 = tpu.memref_slice %arg9[%dma_start3A_194, %dma_start3A_195] : memref<10000x128xf32, #tpu.memory_space<vmem_shared>> -> memref<10000x128xf32, #tpu.memory_space<vmem_shared>>
    %dma_start3A_197 = tpu.memref_slice %arg11[%dma_start3A_186] : memref<3x!tpu.dma_semaphore, #tpu.memory_space<semaphore_mem>> -> memref<1x!tpu.dma_semaphore, #tpu.memory_space<semaphore_mem>>
    %dma_start3A_198 = tpu.memref_squeeze %dma_start3A_197 : memref<1x!tpu.dma_semaphore, #tpu.memory_space<semaphore_mem>> -> memref<!tpu.dma_semaphore, #tpu.memory_space<semaphore_mem>>
    tpu.enqueue_indirect_dma source(%dma_start3A_190 : memref<80x128xf32, #tpu.memory_space<vmem>>) target(%dma_start3A_196 : memref<10000x128xf32, #tpu.memory_space<vmem_shared>>) offsets(%dma_start3A_193 : memref<80xi32, #tpu.memory_space<vmem>>) semaphore(%dma_start3A_198 : memref<!tpu.dma_semaphore, #tpu.memory_space<semaphore_mem>>) {add = true}
    %dma_wait3A_199 = arith.constant 1 : i32
    %dma_wait3A_200 = arith.constant 60 : i32
    %dma_wait3A_201 = arith.constant 1 : i32
    %dma_wait3A_202 = arith.constant 0 : i32
    %dma_wait3A_203 = arith.constant 0 : i32
    %dma_wait3A_204 = tpu.memref_slice %arg8[%dma_wait3A_199, %dma_wait3A_202, %dma_wait3A_203] : memref<3x80x128xf32, #tpu.memory_space<vmem>> -> memref<1x80x128xf32, #tpu.memory_space<vmem>>
    %dma_wait3A_205 = tpu.memref_squeeze %dma_wait3A_204 : memref<1x80x128xf32, #tpu.memory_space<vmem>> -> memref<80x128xf32, #tpu.memory_space<vmem>>
    %dma_wait3A_206 = arith.constant 0 : i32
    %dma_wait3A_207 = tpu.memref_slice %arg7[%dma_wait3A_200, %dma_wait3A_206] : memref<64x80xi32, #tpu.memory_space<vmem>> -> memref<1x80xi32, #tpu.memory_space<vmem>>
    %dma_wait3A_208 = tpu.memref_squeeze %dma_wait3A_207 : memref<1x80xi32, #tpu.memory_space<vmem>> -> memref<80xi32, #tpu.memory_space<vmem>>
    %dma_wait3A_209 = arith.constant 0 : i32
    %dma_wait3A_210 = arith.constant 0 : i32
    %dma_wait3A_211 = tpu.memref_slice %arg9[%dma_wait3A_209, %dma_wait3A_210] : memref<10000x128xf32, #tpu.memory_space<vmem_shared>> -> memref<10000x128xf32, #tpu.memory_space<vmem_shared>>
    %dma_wait3A_212 = tpu.memref_slice %arg11[%dma_wait3A_201] : memref<3x!tpu.dma_semaphore, #tpu.memory_space<semaphore_mem>> -> memref<1x!tpu.dma_semaphore, #tpu.memory_space<semaphore_mem>>
    %dma_wait3A_213 = tpu.memref_squeeze %dma_wait3A_212 : memref<1x!tpu.dma_semaphore, #tpu.memory_space<semaphore_mem>> -> memref<!tpu.dma_semaphore, #tpu.memory_space<semaphore_mem>>
    tpu.wait_indirect_dma semaphore(%dma_wait3A_213 : memref<!tpu.dma_semaphore, #tpu.memory_space<semaphore_mem>>) src(%dma_wait3A_205 : memref<80x128xf32, #tpu.memory_space<vmem>>) dst(%dma_wait3A_211 : memref<10000x128xf32, #tpu.memory_space<vmem_shared>>)
    %barrier3A_214 = arith.constant 0 : index
    tpu.barrier barrier_id(%barrier3A_214)
    %mul3A_215 = arith.constant 624 : i32
    %mul3A_216 = arith.muli %arg1, %mul3A_215 : i32
    %mul3A_217 = arith.constant 10000 : i32
    %mul3A_218 = arith.muli %arg0, %mul3A_217 : i32
    %mul3A_219 = arith.constant 624 : i32
    %mul3A_220 = arith.muli %arg1, %mul3A_219 : i32
    %add3A_221 = arith.addi %mul3A_218, %mul3A_220 : i32
    "tpu.region"() ({
      %run_scoped3A = tpu.sem_alloc : memref<!tpu.dma_semaphore, #tpu.memory_space<semaphore_mem>>
      %dma_start3A_222 = arith.constant 0 : i32
      %dma_start3A_223 = tpu.memref_slice %arg5[%add3A_221, %dma_start3A_222] : memref<20000x128xf32, #tpu.memory_space<hbm>> -> memref<640x128xf32, #tpu.memory_space<hbm>>
      %dma_start3A_224 = arith.constant 0 : i32
      %dma_start3A_225 = tpu.memref_slice %arg9[%mul3A_216, %dma_start3A_224] : memref<10000x128xf32, #tpu.memory_space<vmem_shared>> -> memref<640x128xf32, #tpu.memory_space<vmem_shared>>
      tpu.enqueue_dma source(%dma_start3A_225 : memref<640x128xf32, #tpu.memory_space<vmem_shared>>) target(%dma_start3A_223 : memref<640x128xf32, #tpu.memory_space<hbm>>) target_semaphore(%run_scoped3A : memref<!tpu.dma_semaphore, #tpu.memory_space<semaphore_mem>>)
      %dma_wait3A_226 = arith.constant 0 : i32
      %dma_wait3A_227 = tpu.memref_slice %arg5[%add3A_221, %dma_wait3A_226] : memref<20000x128xf32, #tpu.memory_space<hbm>> -> memref<640x128xf32, #tpu.memory_space<hbm>>
      %dma_wait3A_228 = arith.constant 0 : i32
      %dma_wait3A_229 = tpu.memref_slice %arg9[%mul3A_216, %dma_wait3A_228] : memref<10000x128xf32, #tpu.memory_space<vmem_shared>> -> memref<640x128xf32, #tpu.memory_space<vmem_shared>>
      tpu.wait_dma2 semaphore(%run_scoped3A : memref<!tpu.dma_semaphore, #tpu.memory_space<semaphore_mem>>) src(%dma_wait3A_229 : memref<640x128xf32, #tpu.memory_space<vmem_shared>>) dst(%dma_wait3A_227 : memref<640x128xf32, #tpu.memory_space<hbm>>)
      tpu.yield
    }) : () -> ()
    return
  }
}

module attributes {stable_mosaic.version = 14 : i64} {
  func.func @_prep_body(%arg0: memref<10000x2xf32, #tpu.memory_space<vmem>>, %arg1: memref<10000x128xf32, #tpu.memory_space<vmem>>, %arg2: memref<128x128xf32, #tpu.memory_space<vmem>>, %arg3: memref<10000x128xf32, #tpu.memory_space<vmem>>, %arg4: memref<10000x128xf32, #tpu.memory_space<vmem>>) attributes {dimension_semantics = [], scalar_prefetch = 0 : i64, scratch_operands = 0 : i64, tpu.core_type = #tpu.core_type<tc>} {
    %broadcast_in_dim3A = arith.constant 1.000000e+00 : f32
    %broadcast_in_dim3A_0 = vector.broadcast %broadcast_in_dim3A : f32 to vector<2x128xf32>
    %get3A = arith.constant 0 : index
    %get3A_1 = arith.constant 0 : index
    %get3A_2 = vector.load %arg0[%get3A, %get3A_1] : memref<10000x2xf32, #tpu.memory_space<vmem>>, vector<10000x2xf32>
    %dot_general3A = arith.constant dense<0.000000e+00> : vector<10000x128xf32>
    %dot_general3A_3 = tpu.matmul %get3A_2, %broadcast_in_dim3A_0, %dot_general3A {dimension_numbers = #tpu.dot_dimension_numbers<[1], [0], [0], [1], [0, 0, 1, 1], [], []>, transpose_lhs_hint = false} : vector<10000x2xf32>, vector<2x128xf32>, vector<10000x128xf32> -> vector<10000x128xf32>
    %add3A = arith.constant 1.000000e+00 : f32
    %add3A_4 = vector.broadcast %add3A : f32 to vector<10000x128xf32>
    %add3A_5 = arith.addf %dot_general3A_3, %add3A_4 : vector<10000x128xf32>
    %rsqrt3A = math.rsqrt %add3A_5 : vector<10000x128xf32>
    %get3A_6 = arith.constant 0 : index
    %get3A_7 = arith.constant 0 : index
    %get3A_8 = vector.load %arg1[%get3A_6, %get3A_7] : memref<10000x128xf32, #tpu.memory_space<vmem>>, vector<10000x128xf32>
    %get3A_9 = arith.constant 0 : index
    %get3A_10 = arith.constant 0 : index
    %get3A_11 = vector.load %arg2[%get3A_9, %get3A_10] : memref<128x128xf32, #tpu.memory_space<vmem>>, vector<128x128xf32>
    %dot_general3A_12 = arith.constant dense<0.000000e+00> : vector<10000x128xf32>
    %dot_general3A_13 = tpu.matmul %get3A_8, %get3A_11, %dot_general3A_12 {dimension_numbers = #tpu.dot_dimension_numbers<[1], [0], [0], [1], [0, 0, 1, 1], [], []>, transpose_lhs_hint = false} : vector<10000x128xf32>, vector<128x128xf32>, vector<10000x128xf32> -> vector<10000x128xf32>
    %swap3A = arith.constant 0 : index
    %swap3A_14 = arith.constant 0 : index
    %swap3A_15 = vector.load %arg3[%swap3A, %swap3A_14] : memref<10000x128xf32, #tpu.memory_space<vmem>>, vector<10000x128xf32>
    tpu.vector_store %arg3[%swap3A, %swap3A_14], %rsqrt3A {strides = array<i32>} : memref<10000x128xf32, #tpu.memory_space<vmem>>, vector<10000x128xf32>,
    %mul3A = arith.mulf %dot_general3A_13, %rsqrt3A : vector<10000x128xf32>
    %swap3A_16 = arith.constant 0 : index
    %swap3A_17 = arith.constant 0 : index
    %swap3A_18 = vector.load %arg4[%swap3A_16, %swap3A_17] : memref<10000x128xf32, #tpu.memory_space<vmem>>, vector<10000x128xf32>
    tpu.vector_store %arg4[%swap3A_16, %swap3A_17], %mul3A {strides = array<i32>} : memref<10000x128xf32, #tpu.memory_space<vmem>>, vector<10000x128xf32>,
    return
  }
}

module attributes {stable_mosaic.version = 14 : i64} {
  func.func @_combine_body(%arg0: memref<20000x128xf32, #tpu.memory_space<vmem>>, %arg1: memref<10000x128xf32, #tpu.memory_space<vmem>>, %arg2: memref<10000x128xf32, #tpu.memory_space<vmem>>, %arg3: memref<1x128xf32, #tpu.memory_space<vmem>>, %arg4: memref<1x128xf32, #tpu.memory_space<vmem>>, %arg5: memref<1x128xf32, #tpu.memory_space<vmem>>, %arg6: memref<128x128xf32, #tpu.memory_space<vmem>>, %arg7: memref<10000x128xf32, #tpu.memory_space<vmem>>, %arg8: memref<10000x128xf32, #tpu.memory_space<vmem>>) attributes {dimension_semantics = [], scalar_prefetch = 0 : i64, scratch_operands = 0 : i64, tpu.core_type = #tpu.core_type<tc>} {
    %get3A = arith.constant 0 : index
    %get3A_0 = arith.constant 0 : index
    %get3A_1 = vector.load %arg0[%get3A, %get3A_0] : memref<20000x128xf32, #tpu.memory_space<vmem>>, vector<10000x128xf32>
    %get3A_2 = arith.constant 10000 : index
    %get3A_3 = arith.constant 0 : index
    %get3A_4 = vector.load %arg0[%get3A_2, %get3A_3] : memref<20000x128xf32, #tpu.memory_space<vmem>>, vector<10000x128xf32>
    %add3A = arith.addf %get3A_1, %get3A_4 : vector<10000x128xf32>
    %get3A_5 = arith.constant 0 : index
    %get3A_6 = arith.constant 0 : index
    %get3A_7 = vector.load %arg2[%get3A_5, %get3A_6] : memref<10000x128xf32, #tpu.memory_space<vmem>>, vector<10000x128xf32>
    %get3A_8 = arith.constant 0 : index
    %get3A_9 = arith.constant 0 : index
    %get3A_10 = vector.load %arg1[%get3A_8, %get3A_9] : memref<10000x128xf32, #tpu.memory_space<vmem>>, vector<10000x128xf32>
    %sub3A = arith.subf %add3A, %get3A_10 : vector<10000x128xf32>
    %mul3A = arith.mulf %get3A_7, %sub3A : vector<10000x128xf32>
    %get3A_11 = arith.constant 0 : index
    %get3A_12 = arith.constant 0 : index
    %get3A_13 = vector.load %arg3[%get3A_11, %get3A_12] : memref<1x128xf32, #tpu.memory_space<vmem>>, vector<1x128xf32>
    %add3A_14 = vector.broadcast %get3A_13 : vector<1x128xf32> to vector<10000x128xf32>
    %add3A_15 = arith.addf %mul3A, %add3A_14 : vector<10000x128xf32>
    %max3A = arith.constant 0.000000e+00 : f32
    %max3A_16 = vector.broadcast %max3A : f32 to vector<10000x128xf32>
    %max3A_17 = arith.maximumf %add3A_15, %max3A_16 : vector<10000x128xf32>
    %reduce_sum3A = arith.constant dense<0.000000e+00> : vector<128xf32>
    %reduce_sum3A_18 = vector.multi_reduction <add>, %max3A_17, %reduce_sum3A [0] : vector<10000x128xf32> to vector<128xf32>
    %broadcast_in_dim3A = vector.shape_cast %reduce_sum3A_18 : vector<128xf32> to vector<1x128xf32>
    %div3A = arith.constant 1.000000e+04 : f32
    %div3A_19 = vector.broadcast %div3A : f32 to vector<1x128xf32>
    %div3A_20 = arith.divf %broadcast_in_dim3A, %div3A_19 : vector<1x128xf32>
    %sub3A_21 = vector.broadcast %div3A_20 : vector<1x128xf32> to vector<10000x128xf32>
    %sub3A_22 = arith.subf %max3A_17, %sub3A_21 : vector<10000x128xf32>
    %mul3A_23 = arith.mulf %sub3A_22, %sub3A_22 : vector<10000x128xf32>
    %reduce_sum3A_24 = arith.constant dense<0.000000e+00> : vector<128xf32>
    %reduce_sum3A_25 = vector.multi_reduction <add>, %mul3A_23, %reduce_sum3A_24 [0] : vector<10000x128xf32> to vector<128xf32>
    %broadcast_in_dim3A_26 = vector.shape_cast %reduce_sum3A_25 : vector<128xf32> to vector<1x128xf32>
    %div3A_27 = arith.constant 1.000000e+04 : f32
    %div3A_28 = vector.broadcast %div3A_27 : f32 to vector<1x128xf32>
    %div3A_29 = arith.divf %broadcast_in_dim3A_26, %div3A_28 : vector<1x128xf32>
    %get3A_30 = arith.constant 0 : index
    %get3A_31 = arith.constant 0 : index
    %get3A_32 = vector.load %arg4[%get3A_30, %get3A_31] : memref<1x128xf32, #tpu.memory_space<vmem>>, vector<1x128xf32>
    %mul3A_33 = vector.broadcast %get3A_32 : vector<1x128xf32> to vector<10000x128xf32>
    %mul3A_34 = arith.mulf %mul3A_33, %sub3A_22 : vector<10000x128xf32>
    %add3A_35 = arith.constant 9.99999974E-6 : f32
    %add3A_36 = vector.broadcast %add3A_35 : f32 to vector<1x128xf32>
    %add3A_37 = arith.addf %div3A_29, %add3A_36 : vector<1x128xf32>
    %rsqrt3A = math.rsqrt %add3A_37 : vector<1x128xf32>
    %mul3A_38 = vector.broadcast %rsqrt3A : vector<1x128xf32> to vector<10000x128xf32>
    %mul3A_39 = arith.mulf %mul3A_34, %mul3A_38 : vector<10000x128xf32>
    %get3A_40 = arith.constant 0 : index
    %get3A_41 = arith.constant 0 : index
    %get3A_42 = vector.load %arg5[%get3A_40, %get3A_41] : memref<1x128xf32, #tpu.memory_space<vmem>>, vector<1x128xf32>
    %add3A_43 = vector.broadcast %get3A_42 : vector<1x128xf32> to vector<10000x128xf32>
    %add3A_44 = arith.addf %mul3A_39, %add3A_43 : vector<10000x128xf32>
    %swap3A = arith.constant 0 : index
    %swap3A_45 = arith.constant 0 : index
    %swap3A_46 = vector.load %arg7[%swap3A, %swap3A_45] : memref<10000x128xf32, #tpu.memory_space<vmem>>, vector<10000x128xf32>
    tpu.vector_store %arg7[%swap3A, %swap3A_45], %add3A_44 {strides = array<i32>} : memref<10000x128xf32, #tpu.memory_space<vmem>>, vector<10000x128xf32>,
    %get3A_47 = arith.constant 0 : index
    %get3A_48 = arith.constant 0 : index
    %get3A_49 = vector.load %arg6[%get3A_47, %get3A_48] : memref<128x128xf32, #tpu.memory_space<vmem>>, vector<128x128xf32>
    %dot_general3A = arith.constant dense<0.000000e+00> : vector<10000x128xf32>
    %dot_general3A_50 = tpu.matmul %add3A_44, %get3A_49, %dot_general3A {dimension_numbers = #tpu.dot_dimension_numbers<[1], [0], [0], [1], [0, 0, 1, 1], [], []>, transpose_lhs_hint = false} : vector<10000x128xf32>, vector<128x128xf32>, vector<10000x128xf32> -> vector<10000x128xf32>
    %mul3A_51 = arith.mulf %dot_general3A_50, %get3A_7 : vector<10000x128xf32>
    %swap3A_52 = arith.constant 0 : index
    %swap3A_53 = arith.constant 0 : index
    %swap3A_54 = vector.load %arg8[%swap3A_52, %swap3A_53] : memref<10000x128xf32, #tpu.memory_space<vmem>>, vector<10000x128xf32>
    tpu.vector_store %arg8[%swap3A_52, %swap3A_53], %mul3A_51 {strides = array<i32>} : memref<10000x128xf32, #tpu.memory_space<vmem>>, vector<10000x128xf32>,
    return
  }
}

module attributes {stable_mosaic.version = 14 : i64} {
  func.func @_combine_final_body(%arg0: memref<20000x128xf32, #tpu.memory_space<vmem>>, %arg1: memref<10000x128xf32, #tpu.memory_space<vmem>>, %arg2: memref<10000x128xf32, #tpu.memory_space<vmem>>, %arg3: memref<1x128xf32, #tpu.memory_space<vmem>>, %arg4: memref<1x128xf32, #tpu.memory_space<vmem>>, %arg5: memref<1x128xf32, #tpu.memory_space<vmem>>, %arg6: memref<10000x128xf32, #tpu.memory_space<vmem>>) attributes {dimension_semantics = [], scalar_prefetch = 0 : i64, scratch_operands = 0 : i64, tpu.core_type = #tpu.core_type<tc>} {
    %get3A = arith.constant 0 : index
    %get3A_0 = arith.constant 0 : index
    %get3A_1 = vector.load %arg0[%get3A, %get3A_0] : memref<20000x128xf32, #tpu.memory_space<vmem>>, vector<10000x128xf32>
    %get3A_2 = arith.constant 10000 : index
    %get3A_3 = arith.constant 0 : index
    %get3A_4 = vector.load %arg0[%get3A_2, %get3A_3] : memref<20000x128xf32, #tpu.memory_space<vmem>>, vector<10000x128xf32>
    %add3A = arith.addf %get3A_1, %get3A_4 : vector<10000x128xf32>
    %get3A_5 = arith.constant 0 : index
    %get3A_6 = arith.constant 0 : index
    %get3A_7 = vector.load %arg2[%get3A_5, %get3A_6] : memref<10000x128xf32, #tpu.memory_space<vmem>>, vector<10000x128xf32>
    %get3A_8 = arith.constant 0 : index
    %get3A_9 = arith.constant 0 : index
    %get3A_10 = vector.load %arg1[%get3A_8, %get3A_9] : memref<10000x128xf32, #tpu.memory_space<vmem>>, vector<10000x128xf32>
    %sub3A = arith.subf %add3A, %get3A_10 : vector<10000x128xf32>
    %mul3A = arith.mulf %get3A_7, %sub3A : vector<10000x128xf32>
    %get3A_11 = arith.constant 0 : index
    %get3A_12 = arith.constant 0 : index
    %get3A_13 = vector.load %arg3[%get3A_11, %get3A_12] : memref<1x128xf32, #tpu.memory_space<vmem>>, vector<1x128xf32>
    %add3A_14 = vector.broadcast %get3A_13 : vector<1x128xf32> to vector<10000x128xf32>
    %add3A_15 = arith.addf %mul3A, %add3A_14 : vector<10000x128xf32>
    %max3A = arith.constant 0.000000e+00 : f32
    %max3A_16 = vector.broadcast %max3A : f32 to vector<10000x128xf32>
    %max3A_17 = arith.maximumf %add3A_15, %max3A_16 : vector<10000x128xf32>
    %reduce_sum3A = arith.constant dense<0.000000e+00> : vector<128xf32>
    %reduce_sum3A_18 = vector.multi_reduction <add>, %max3A_17, %reduce_sum3A [0] : vector<10000x128xf32> to vector<128xf32>
    %broadcast_in_dim3A = vector.shape_cast %reduce_sum3A_18 : vector<128xf32> to vector<1x128xf32>
    %div3A = arith.constant 1.000000e+04 : f32
    %div3A_19 = vector.broadcast %div3A : f32 to vector<1x128xf32>
    %div3A_20 = arith.divf %broadcast_in_dim3A, %div3A_19 : vector<1x128xf32>
    %sub3A_21 = vector.broadcast %div3A_20 : vector<1x128xf32> to vector<10000x128xf32>
    %sub3A_22 = arith.subf %max3A_17, %sub3A_21 : vector<10000x128xf32>
    %mul3A_23 = arith.mulf %sub3A_22, %sub3A_22 : vector<10000x128xf32>
    %reduce_sum3A_24 = arith.constant dense<0.000000e+00> : vector<128xf32>
    %reduce_sum3A_25 = vector.multi_reduction <add>, %mul3A_23, %reduce_sum3A_24 [0] : vector<10000x128xf32> to vector<128xf32>
    %broadcast_in_dim3A_26 = vector.shape_cast %reduce_sum3A_25 : vector<128xf32> to vector<1x128xf32>
    %div3A_27 = arith.constant 1.000000e+04 : f32
    %div3A_28 = vector.broadcast %div3A_27 : f32 to vector<1x128xf32>
    %div3A_29 = arith.divf %broadcast_in_dim3A_26, %div3A_28 : vector<1x128xf32>
    %get3A_30 = arith.constant 0 : index
    %get3A_31 = arith.constant 0 : index
    %get3A_32 = vector.load %arg4[%get3A_30, %get3A_31] : memref<1x128xf32, #tpu.memory_space<vmem>>, vector<1x128xf32>
    %mul3A_33 = vector.broadcast %get3A_32 : vector<1x128xf32> to vector<10000x128xf32>
    %mul3A_34 = arith.mulf %mul3A_33, %sub3A_22 : vector<10000x128xf32>
    %add3A_35 = arith.constant 9.99999974E-6 : f32
    %add3A_36 = vector.broadcast %add3A_35 : f32 to vector<1x128xf32>
    %add3A_37 = arith.addf %div3A_29, %add3A_36 : vector<1x128xf32>
    %rsqrt3A = math.rsqrt %add3A_37 : vector<1x128xf32>
    %mul3A_38 = vector.broadcast %rsqrt3A : vector<1x128xf32> to vector<10000x128xf32>
    %mul3A_39 = arith.mulf %mul3A_34, %mul3A_38 : vector<10000x128xf32>
    %get3A_40 = arith.constant 0 : index
    %get3A_41 = arith.constant 0 : index
    %get3A_42 = vector.load %arg5[%get3A_40, %get3A_41] : memref<1x128xf32, #tpu.memory_space<vmem>>, vector<1x128xf32>
    %add3A_43 = vector.broadcast %get3A_42 : vector<1x128xf32> to vector<10000x128xf32>
    %add3A_44 = arith.addf %mul3A_39, %add3A_43 : vector<10000x128xf32>
    %swap3A = arith.constant 0 : index
    %swap3A_45 = arith.constant 0 : index
    %swap3A_46 = vector.load %arg6[%swap3A, %swap3A_45] : memref<10000x128xf32, #tpu.memory_space<vmem>>, vector<10000x128xf32>
    tpu.vector_store %arg6[%swap3A, %swap3A_45], %add3A_44 {strides = array<i32>} : memref<10000x128xf32, #tpu.memory_space<vmem>>, vector<10000x128xf32>,
    return
  }
}

</mosaic_0001>

<sc_bundles>
// kernel: kernel.10.cloned.1.call-start
scs
__scs_entry_jumppad:
0x0: {  	(pc) =	sbr.rel $0x88, $3  }
0x1: {  	(tag) =	ssettag $0x0;
	lr =	simm.s32 $0x1  }
0x2: {  	[smem:$0x3F93] =	sst lr;
	_ =	strace $0xD0000000  }
0x3: {  	_ = 	snop  }
0x4: {  	_ = 	snop  }
0x5: {  	_ = 	snop  }
0x6: {  	_ = 	snop  }
0x7: {  	_ = 	snop  }
__scs_overlays_trampoline_lowered:
0x8: {  	[smem:$0x3FA2] =	sst s0  }
0x9: {  	[smem:$0x3FA3] =	sst s1  }
0xa: {  	[smem:$0x3FA4] =	sst s2  }
0xb: {  	[smem:$0x3FA5] =	sst s3  }
0xc: {  	[smem:$0x3FA6] =	sst s4  }
0xd: {  	[smem:$0x3FA7] =	sst s5  }
0xe: {  	[smem:$0x3FA8] =	sst s6  }
0xf: {  	[smem:$0x3FA9] =	sst s7  }
0x10: {  	[smem:$0x3FAA] =	sst s8  }
0x11: {  	[smem:$0x3FAB] =	sst s9;
	s0 =	simm.s32 @!p0 $0x0  }
0x12: {  	s1 =	sld [smem:$0x3F91];
	s0 =	simm.s32 @p0 $0x1  }
0x13: {  	[smem:$0x3FAC] =	sst s0;
	s0 =	simm.s32 @!p1 $0x0  }
0x14: {  	s2 =	sld [smem:$0x3F90];
	s0 =	simm.s32 @p1 $0x1  }
0x15: {  	[smem:$0x3FAD] =	sst s0;
	s0 =	simm.s32 @!p2 $0x0  }
0x16: {  	s3 =	sld [smem:$0x3FDB];
	s0 =	simm.s32 @p2 $0x1  }
0x17: {  	s4 =	simm.s32 $0x1BF5;
	[smem:$0x3FAF] =	sst s0  }
0x18: {  	s0 =	sld [smem:$0x3F92];
	_ =	swait.ge [sflag:s4], $0x0  }
0x19: {  	s7 =	sld [smem:$0x3F93]  }
0x1a: {  	s8 =	sadd.s32 $0xFFFFE003, lr  }
0x1b: {  	s9 =	sadd.s32 $0xFFFFFEF7, lr;
	s5 =	simm.s32 $0xFFFFFFFF;
	p2 =	slt.u32 s8, $0xFFFFF086  }
0x1c: {  	p1 =	slt.u32 s9, $0xF7A;
	s5 =	simm.s32 @!p2 $0x0  }
0x1d: {  	s5 =	simm.s32 @p1 $0x1;
	p0 =	seq.s32 s7, s2  }
0x1e: {  	s7 =	smul.u32 @!p0 $0xF7A, s2;
	p2 =	seq.s32 @!p0 s5, $0x0  }
0x1f: {  	s9 =	smul.u32 $0xF7A, s1;
	s8 =	simm.s32 @!p0 $0x1BF5;
	p2 =	por !p2, p0  }
0x20: {  	[sflag:s8] =	ssyncset.s32 @!p0 $0xFFFFF086;
	s6 =	sadd.s32 @!p0 s3, s7;
	s7 =	simm.s32 @!p0 $0x108  }
0x21: {  	s3 =	sadd.s32 s3, s9;
	s6 =	sadd.s32 @!p0 $0x88, s6;
	s7 =	simm.s32 @p2 $0x1082  }
0x22: {  	[simem:s7], [sflag:s8] =	dma.local @!p0 [hbm:s6], $0xF7A  }
0x23: {  	s9 =	sor.u32 $0xD0000000, s2;
	s6 =	simm.s32 $0x108;
	_ =	swait.ge @!p0 [sflag:s8], $0x0  }
0x24: {  	s3 =	sadd.s32 $0x88, s3;
	s6 =	simm.s32 @!p1 $0x1082;
	[sflag:s4] =	ssyncset.s32 $0xFFFFF086  }
0x25: {  	[simem:s6], [sflag:s4] =	dma.local [hbm:s3], $0xF7A  }
0x26: {  	[smem:$0x3F93] =	sst s1;
	(tag) =	ssettag s2;
	_ =	strace s9  }
0x27: {  	s1 =	sld [smem:$0x3FA3]  }
0x28: {  	s2 =	sld [smem:$0x3FA4]  }
0x29: {  	s4 =	sld [smem:$0x3FA6]  }
0x2a: {  	p0 =	seq.s32 s5, $0x0;
	s5 =	sld [smem:$0x3FA7]  }
0x2b: {  	s6 =	sld [smem:$0x3FA8]  }
0x2c: {  	s7 =	sld [smem:$0x3FA9]  }
0x2d: {  	s3 =	simm.s32 $0x108;
	s8 =	sld [smem:$0x3FAA]  }
0x2e: {  	s3 =	simm.s32 @!p0 $0x1082;
	s9 =	sld [smem:$0x3FAB]  }
0x2f: {  	lr =	sadd.s32 s0, s3;
	s0 =	sld [smem:$0x3FA2]  }
0x30: {  	s3 =	sld [smem:$0x3FA5]  }
0x31: {  	[smem:$0x3FAE] =	sst s10  }
0x32: {  	s10 =	sld [smem:$0x3FAC];
	_ =	sdelay $0x3  }
0x33: {  	p0 =	seq.s32 s10, $0x1;
	s10 =	sld [smem:$0x3FAE];
	_ =	sdelay $0x3  }
0x34: {  	[smem:$0x3FAE] =	sst s10  }
0x35: {  	s10 =	sld [smem:$0x3FAD];
	_ =	sdelay $0x3  }
0x36: {  	p1 =	seq.s32 s10, $0x1;
	s10 =	sld [smem:$0x3FAE];
	_ =	sdelay $0x3  }
0x37: {  	[smem:$0x3FAE] =	sst s10  }
0x38: {  	s10 =	sld [smem:$0x3FAF]  }
0x39: {  	_ = 	snop;
	(pc) =	sbr.ind lr, $3  }
0x3a: {  	_ = 	snop  }
0x3b: {  	_ = 	snop  }
0x3c: {  	p2 =	seq.s32 s10, $0x1;
	s10 =	sld [smem:$0x3FAE]  }
0x3d: {  	_ =	shalt  }
0x3e: {  	_ =	shalt  }
0x3f: {  	_ =	shalt  }
0x40: {  	_ =	shalt  }
0x41: {  	_ =	shalt  }
0x42: {  	_ =	shalt  }
0x43: {  	_ =	shalt  }
0x44: {  	_ =	shalt  }
0x45: {  	_ =	shalt  }
0x46: {  	_ =	shalt  }
0x47: {  	_ =	shalt  }
0x48: {  	_ =	shalt  }
0x49: {  	_ =	shalt  }
0x4a: {  	_ =	shalt  }
0x4b: {  	_ =	shalt  }
0x4c: {  	_ =	shalt  }
0x4d: {  	_ =	shalt  }
0x4e: {  	_ =	shalt  }
0x4f: {  	_ =	shalt  }
0x50: {  	_ =	shalt  }
0x51: {  	_ =	shalt  }
0x52: {  	_ =	shalt  }
0x53: {  	_ =	shalt  }
0x54: {  	_ =	shalt  }
0x55: {  	_ =	shalt  }
0x56: {  	_ =	shalt  }
0x57: {  	_ =	shalt  }
0x58: {  	_ =	shalt  }
0x59: {  	_ =	shalt  }
0x5a: {  	_ =	shalt  }
0x5b: {  	_ =	shalt  }
0x5c: {  	_ =	shalt  }
0x5d: {  	_ =	shalt  }
0x5e: {  	_ =	shalt  }
0x5f: {  	_ =	shalt  }
0x60: {  	_ =	shalt  }
0x61: {  	_ =	shalt  }
0x62: {  	_ =	shalt  }
0x63: {  	_ =	shalt  }
0x64: {  	_ =	shalt  }
0x65: {  	_ =	shalt  }
0x66: {  	_ =	shalt  }
0x67: {  	_ =	shalt  }
0x68: {  	_ =	shalt  }
0x69: {  	_ =	shalt  }
0x6a: {  	_ =	shalt  }
0x6b: {  	_ =	shalt  }
0x6c: {  	_ =	shalt  }
0x6d: {  	_ =	shalt  }
0x6e: {  	_ =	shalt  }
0x6f: {  	_ =	shalt  }
0x70: {  	_ =	shalt  }
0x71: {  	_ =	shalt  }
0x72: {  	_ =	shalt  }
0x73: {  	_ =	shalt  }
0x74: {  	_ =	shalt  }
0x75: {  	_ =	shalt  }
0x76: {  	_ =	shalt  }
0x77: {  	_ =	shalt  }
0x78: {  	_ =	shalt  }
0x79: {  	_ =	shalt  }
0x7a: {  	_ =	shalt  }
0x7b: {  	_ =	shalt  }
0x7c: {  	_ =	shalt  }
0x7d: {  	_ =	shalt  }
0x7e: {  	_ =	shalt  }
0x7f: {  	_ =	shalt  }
0x80: {  	_ =	shalt  }
0x81: {  	_ =	shalt  }
0x82: {  	_ =	shalt  }
0x83: {  	_ =	shalt  }
0x84: {  	_ =	shalt  }
0x85: {  	_ =	shalt  }
0x86: {  	_ =	shalt  }
0x87: {  	_ =	shalt  }
.Lfunc_end0:
.L_simem_size_0:
called_computation_lowered:
.L_overlay_start_0:
0x88: {  	s2 =	sld [smem:$0x3FD9]  }
0x89: {  	s3 =	sld [smem:$0x3FFE];
	_ =	sdelay $0x1  }
0x8a: {  	s1 =	srdreg.scid  }
0x8b: {  	s0 =	sand.u32 $0x1, s1  }
0x8c: {  	s17 =	sshll.u32 s0, $0xA;
	s2 =	sadd.s32 s3, s2  }
0x8d: {  	s2 =	sadd.s32 s2, s17  }
0x8e: {  	[smem:$0x3FBA] =	sst s2  }
0x8f: {  	_ = 	snop  }
0x90: {  	s2 =	sld [smem:$0x3FD0];
	(tm) =	ssettm $0x1  }
0x91: {  	s18 =	sld [smem:$0x3FFB];
	_ =	sdelay $0x3  }
0x92: {  	_ =	strace s18  }
0x93: {  	s3 =	sld [smem:$0x3FFC];
	_ =	sdelay $0x3  }
0x94: {  	_ =	strace s3  }
0x95: {  	s3 =	sld [smem:$0x3FFD];
	_ =	sdelay $0x3  }
0x96: {  	_ =	strace s3  }
0x97: {  	_ =	strace $0x8FFFFFFF  }
0x98: {  	s19 =	sld [smem:$0x3FDB];
	_ =	sdelay $0x1  }
0x99: {  	s4 =	simm.s32 $_scs_section_size  }
0x9a: {  	s5 =	simm.s32 $_size__tile_overlayer_lowered;
	s6 =	simm.s32 $_tile_overlayer_lowered  }
0x9b: {  	s22 =	simm.s32 $0x1BFF;
	s21 =	sshll.u32 s6, $0x1;
	s3 =	sadd.s32 s4, s19  }
0x9c: {  	s7 =	simm.s32 $0x0;
	s20 =	sshll.u32 s5, $0x1;
	s5 =	sadd.s32 s21, s3  }
0x9d: {  	[timem:s7], [sflag:s22] =	dma.local [hbm:s5], s20  }
0x9e: {  	_ =	swait.ge [sflag:s22], s20  }
0x9f: {  	s4 =	ssub.s32 $0x0, s20;
	[sflag:s22] =	ssyncset.done $0x0  }
0xa0: {  	[sflag:s22] =	ssyncadd.s32 s4;
	_ =	sdelay $0x1  }
0xa1: {  	s23 =	simm.s32 $0x1B8B  }
0xa2: {  	_ =	swait.ge [sflag:s23], $0x1  }
0xa3: {  	[sflag:s23] =	ssyncset.done $0x0  }
0xa4: {  	s25 =	simm.s32 $0x1B8E;
	s24 =	sld [smem:$0x3FFE];
	[sflag:s23] =	ssyncadd.s32 $0xFFFFFFFF  }
0xa5: {  	s26 =	simm.s32 $execute0_lowered;
	[smem:$0x3FD2] =	sst s25  }
0xa6: {  	s5 =	sshll.u32 s26, $0x1;
	_ =	strace $0x80000046;
	[dreg:$0x1] =	wrdreg $0xFFFFFFFF  }
0xa7: {  	s28 =	simm.s32 $_size_execute0_lowered;
	s3 =	sadd.s32 s3, s5;
	[dreg:$0x0] =	wrdreg $0x0  }
0xa8: {  	s5 =	sshll.u32 s28, $0x1;
	[dreg:$0x2] =	wrdreg s3  }
0xa9: {  	[dreg:$0x3] =	wrdreg s5  }
0xaa: {  	[dreg:$0x4] =	wrdreg $0xC0  }
0xab: {  	_ =	task [dreg:s7], $0x5FFFF  }
0xac: {  	[dreg:$0x1] =	wrdreg $0xFFFFFFFF  }
0xad: {  	[dreg:$0x0] =	wrdreg $0x60  }
0xae: {  	[dreg:$0x2] =	wrdreg s2  }
0xaf: {  	[dreg:$0x3] =	wrdreg s24  }
0xb0: {  	[dreg:$0x4] =	wrdreg $0x42800  }
0xb1: {  	[dreg:$0x5] =	wrdreg $0x9  }
0xb2: {  	_ =	task.clear_ibuf [dreg:s7], $0x6FFFF;
	_ =	strace $0x90000046  }
0xb3: {  	s29 =	simm.s32 $0x9;
	_ =	strace $0x80000048  }
0xb4: {  	_ =	swait.ge [sflag:s29], $0x1  }
0xb5: {  	[sflag:s29] =	ssyncadd.s32 $0xFFFFFFFF  }
0xb6: {  	_ =	strace $0x90000048  }
0xb7: {  	_ =	sfence  }
0xb8: {  	s30 =	sld [smem:$0x0];
	_ =	sdelay $0x2  }
0xb9: {  	s31 =	sshll.u32 s1, $0xD;
	s1 =	sshrl.u32 s1, $0x2  }
0xba: {  	s3 =	sand.u32 $0x4000, s31;
	s1 =	sadd.s32 s1, s30  }
0xbb: {  	s0 =	sor.u32 s3, s0;
	s1 =	sshll.u32 s1, $0x11  }
0xbc: {  	s0 =	sor.u32 s1, s0  }
0xbd: {  	s0 =	sadd.s32 $0x8F2B, s0  }
0xbe: {  	[sflag:s0] =	ssyncadd.remote.s32 $0x1  }
0xbf: {  	_ =	sfence.sel $0xFFFF  }
0xc0: {  	[dreg:$0x0] =	wrdreg $0xFFFFFFFF;
	(pc) =	sbr.abs _section_cstart, $3  }
0xc1: {  	[dreg:$0x1] =	wrdreg $0xFFFFFFFF  }
0xc2: {  	_ =	task.clear_ibuf [dreg:s7], $0x2FFFF;
	_ =	strace $0x9FFFFFFF  }
0xc3: {  	(tm) =	ssettm $0x7FFFFFFF  }
tec
execute0_lowered:
.L_overlay_start_1:
0x0: {  	(tag) =	ssettag $0x1  }
0x1: {  	s4 =	rddreg [dreg:$0x0]  }
0x2: {  	s1 =	srdreg.scid;
	s5 =	rddreg [dreg:$0x1]  }
0x3: {  	s0 =	stileid.u32;
	s2 =	rddreg [dreg:$0x2];
	s3 =	simm.s32 $0x0  }
0x4: {  	s10 =	simm.s32 $0x50;
	s11 =	simm.s32 $0x1;
	s14 =	simm.s32 $0x0  }
0x5: {  	s6 =	sand.u32 $0x1, s1;
	s7 =	smul.u32 $0x280, s0;
	s1 =	rddreg [dreg:$0x3]  }
0x6: {  	[smem:$0x7FF] =	sst s3;
	s31 =	sshll.u32 s0, $0xC;
	s12 =	sshll.u32 s0, $0x6  }
0x7: {  	s8 =	smul.u32 $0x2800, s6;
	_ =	strace $0x80000047;
	s9 =	ssub.s32 $0x2, s6  }
0x8: {  	s6 =	sshll.u32 s6, $0xB;
	s12 =	sor.u32 $0x1C02, s12;
	s30 =	sshrl.u32 s9, $0x1  }
0x9: {  	s6 =	sadd.s32 s4, s6;
	s4 =	sadd.s32 s7, s2;
	s8 =	sadd.s32 s7, s8  }
0xa: {  	s9 =	ssub.s32 s9, s30;
	s13 =	sshrl.u32 s4, $0x3;
	s8 =	sshrl.u32 s8, $0x3  }
0xb: {  	s7 =	smax.u32 s9, $0x1;
	s9 =	simm.s32 $0x2;
	s8 =	sadd.s32 s8, s5  }
0xc: {  	v0 =	vimm.f32 $0.0e+00;
	v1 =	vimm.f32 $1.000000000e+00;
	s5 =	sadd.s32 s31, s6;
	s6 =	sadd.s32 $0x3E00, s8;
	s8 =	simm.s32 $0x4000  }
.LBB2_1:
0xd: {  	[tilespmem:$0x4000] =	vst v0  }
0xe: {  	[tilespmem:$0x4010] =	vst v0  }
0xf: {  	[tilespmem:$0x4020] =	vst v0  }
0x10: {  	[tilespmem:$0x4030] =	vst v0  }
0x11: {  	[tilespmem:$0x4040] =	vst v0  }
0x12: {  	[tilespmem:$0x4050] =	vst v0  }
0x13: {  	[tilespmem:$0x4060] =	vst v0  }
0x14: {  	[tilespmem:$0x4070] =	vst v0  }
0x15: {  	[tilespmem:$0x4080] =	vst v0  }
0x16: {  	[tilespmem:$0x4090] =	vst v0  }
0x17: {  	[tilespmem:$0x40A0] =	vst v0  }
0x18: {  	[tilespmem:$0x40B0] =	vst v0  }
0x19: {  	[tilespmem:$0x40C0] =	vst v0  }
0x1a: {  	[tilespmem:$0x40D0] =	vst v0  }
0x1b: {  	[tilespmem:$0x40E0] =	vst v0  }
0x1c: {  	[tilespmem:$0x40F0] =	vst v0  }
0x1d: {  	[tilespmem:$0x4100] =	vst v0  }
0x1e: {  	[tilespmem:$0x4110] =	vst v0  }
0x1f: {  	[tilespmem:$0x4120] =	vst v0  }
0x20: {  	[tilespmem:$0x4130] =	vst v0  }
0x21: {  	[tilespmem:$0x4140] =	vst v0  }
0x22: {  	[tilespmem:$0x4150] =	vst v0  }
0x23: {  	[tilespmem:$0x4160] =	vst v0  }
0x24: {  	[tilespmem:$0x4170] =	vst v0  }
0x25: {  	[tilespmem:$0x4180] =	vst v0  }
0x26: {  	[tilespmem:$0x4190] =	vst v0  }
0x27: {  	[tilespmem:$0x41A0] =	vst v0  }
0x28: {  	[tilespmem:$0x41B0] =	vst v0  }
0x29: {  	[tilespmem:$0x41C0] =	vst v0  }
0x2a: {  	[tilespmem:$0x41D0] =	vst v0  }
0x2b: {  	[tilespmem:$0x41E0] =	vst v0  }
0x2c: {  	[tilespmem:$0x41F0] =	vst v0  }
0x2d: {  	[tilespmem:$0x4200] =	vst v0  }
0x2e: {  	[tilespmem:$0x4210] =	vst v0  }
0x2f: {  	[tilespmem:$0x4220] =	vst v0  }
0x30: {  	[tilespmem:$0x4230] =	vst v0  }
0x31: {  	[tilespmem:$0x4240] =	vst v0  }
0x32: {  	[tilespmem:$0x4250] =	vst v0  }
0x33: {  	[tilespmem:$0x4260] =	vst v0  }
0x34: {  	[tilespmem:$0x4270] =	vst v0  }
0x35: {  	[spmem:s4] =	stream.linear.scatter [tilespmem:s8], [sflag:$0x2], $0x280, $0x38;
	[tilespmem:$0x4500] =	vst v63  }
0x36: {  	_ =	swait.ge [sflag:s9], $0x280  }
0x37: {  	[sflag:s9] =	ssyncset.done $0x0  }
0x38: {  	[sflag:s9] =	ssyncadd.s32 $0xFFFFFD80  }
0x39: {  	[tilespmem:s3], [sflag:$0x2] =	stream.linear.gather [hbm4b:s5+s3], $0x3E80, $0x38;
	[tilespmem:$0x4500] =	vst v63  }
0x3a: {  	_ =	swait.ge [sflag:s9], $0x3E80  }
0x3b: {  	[sflag:s9] =	ssyncset.done $0x0  }
0x3c: {  	[sflag:s9] =	ssyncadd.s32 $0xFFFFC180  }
0x3d: {  	[tilespmem:$0x4000] =	vst v1  }
0x3e: {  	[tilespmem:$0x4010] =	vst v1  }
0x3f: {  	[tilespmem:$0x4020] =	vst v1  }
0x40: {  	[tilespmem:$0x4030] =	vst v1  }
0x41: {  	[tilespmem:$0x4040] =	vst v1  }
0x42: {  	s15 =	simm.s32 $0x0;
	[bflag:$0x0] =	sbarrier.arrive $0xFFFF  }
0x43: {  	[spmem:s2] =	stream.indirect.scatter.add.f32 [tilespmem:s8], [sflag:$0x1], $0x1, s15, s10, $0xb8;
	[tilespmem:$0x4500] =	vst v63  }
0x44: {  	s28 =	simm.s32 $0x80  }
0x45: {  	[spmem:s2] =	stream.indirect.scatter.add.f32 [tilespmem:s8], [sflag:$0x1], $0x1, s28, s10, $0xb8;
	[tilespmem:$0x4500] =	vst v63  }
0x46: {  	s29 =	simm.s32 $0x100  }
0x47: {  	[spmem:s2] =	stream.indirect.scatter.add.f32 [tilespmem:s8], [sflag:$0x1], $0x1, s29, s10, $0xb8;
	[tilespmem:$0x4500] =	vst v63  }
0x48: {  	s30 =	simm.s32 $0x180  }
0x49: {  	[spmem:s2] =	stream.indirect.scatter.add.f32 [tilespmem:s8], [sflag:$0x1], $0x1, s30, s10, $0xb8;
	[tilespmem:$0x4500] =	vst v63  }
0x4a: {  	s31 =	simm.s32 $0x200  }
0x4b: {  	[spmem:s2] =	stream.indirect.scatter.add.f32 [tilespmem:s8], [sflag:$0x1], $0x1, s31, s10, $0xb8;
	[tilespmem:$0x4500] =	vst v63  }
0x4c: {  	_ =	swait.ge [sflag:s11], $0x50  }
0x4d: {  	[sflag:s11] =	ssyncset.done $0x0  }
0x4e: {  	[sflag:s11] =	ssyncadd.s32 $0xFFFFFFB0  }
0x4f: {  	_ =	swait.ge [sflag:s11], $0x50  }
0x50: {  	[sflag:s11] =	ssyncset.done $0x0  }
0x51: {  	[sflag:s11] =	ssyncadd.s32 $0xFFFFFFB0  }
0x52: {  	_ =	swait.ge [sflag:s11], $0x50  }
0x53: {  	[sflag:s11] =	ssyncset.done $0x0  }
0x54: {  	[sflag:s11] =	ssyncadd.s32 $0xFFFFFFB0  }
0x55: {  	_ =	swait.ge [sflag:s11], $0x50  }
0x56: {  	[sflag:s11] =	ssyncset.done $0x0  }
0x57: {  	[sflag:s11] =	ssyncadd.s32 $0xFFFFFFB0  }
0x58: {  	_ =	swait.ge [sflag:s11], $0x50  }
0x59: {  	s16 =	simm.s32 $0x1400;
	s15 =	simm.s32 $0xA00;
	[sflag:s11] =	ssyncset.done $0x0  }
.LBB2_2:
0x5a: {  	s17 =	sshra.s32 s15, $0x2  }
0x5b: {  	[sflag:s11] =	ssyncadd.s32 $0xFFFFFFB0;
	s15 =	smov.u32 s16;
	s18 =	sadd.s32 $0xA00, s16  }
0x5c: {  	[spmem:s2] =	stream.indirect.scatter.add.f32 [tilespmem:s8], [sflag:$0x1], $0x1, s17, s10, $0xb8;
	[tilespmem:$0x4500] =	vst v63  }
0x5d: {  	p0 =	sne.s32 s16, $0xF000;
	s16 =	sadd.s32 $0x80, s17  }
0x5e: {  	[spmem:s2] =	stream.indirect.scatter.add.f32 [tilespmem:s8], [sflag:$0x1], $0x1, s16, s10, $0xb8;
	[tilespmem:$0x4500] =	vst v63  }
0x5f: {  	s16 =	sadd.s32 $0x100, s17  }
0x60: {  	[spmem:s2] =	stream.indirect.scatter.add.f32 [tilespmem:s8], [sflag:$0x1], $0x1, s16, s10, $0xb8;
	[tilespmem:$0x4500] =	vst v63  }
0x61: {  	s16 =	sadd.s32 $0x180, s17  }
0x62: {  	[spmem:s2] =	stream.indirect.scatter.add.f32 [tilespmem:s8], [sflag:$0x1], $0x1, s16, s10, $0xb8;
	[tilespmem:$0x4500] =	vst v63  }
0x63: {  	s16 =	sadd.s32 $0x200, s17  }
0x64: {  	[spmem:s2] =	stream.indirect.scatter.add.f32 [tilespmem:s8], [sflag:$0x1], $0x1, s16, s10, $0xb8;
	[tilespmem:$0x4500] =	vst v63  }
0x65: {  	_ =	swait.ge [sflag:s11], $0x50  }
0x66: {  	[sflag:s11] =	ssyncset.done $0x0  }
0x67: {  	[sflag:s11] =	ssyncadd.s32 $0xFFFFFFB0  }
0x68: {  	_ =	swait.ge [sflag:s11], $0x50  }
0x69: {  	[sflag:s11] =	ssyncset.done $0x0  }
0x6a: {  	[sflag:s11] =	ssyncadd.s32 $0xFFFFFFB0  }
0x6b: {  	_ =	swait.ge [sflag:s11], $0x50  }
0x6c: {  	[sflag:s11] =	ssyncset.done $0x0  }
0x6d: {  	[sflag:s11] =	ssyncadd.s32 $0xFFFFFFB0  }
.Ltmp0:
0x6e: {  	_ =	swait.ge [sflag:s11], $0x50;
	(pc) =	sbr.rel @p0 .LBB2_2-.Ltmp0, $4  }
0x6f: {  	[sflag:s11] =	ssyncset.done $0x0  }
0x70: {  	[sflag:s11] =	ssyncadd.s32 $0xFFFFFFB0  }
0x71: {  	_ =	swait.ge [sflag:s11], $0x50  }
0x72: {  	s16 =	smov.u32 s18;
	[sflag:s11] =	ssyncset.done $0x0  }
0x73: {  	s15 =	sshra.s32 s15, $0x2;
	[sflag:s11] =	ssyncadd.s32 $0xFFFFFFB0  }
0x74: {  	[spmem:s2] =	stream.indirect.scatter.add.f32 [tilespmem:s8], [sflag:$0x1], $0x1, s15, s10, $0xb8;
	[tilespmem:$0x4500] =	vst v63  }
0x75: {  	s16 =	sadd.s32 $0x80, s15  }
0x76: {  	[spmem:s2] =	stream.indirect.scatter.add.f32 [tilespmem:s8], [sflag:$0x1], $0x1, s16, s10, $0xb8;
	[tilespmem:$0x4500] =	vst v63  }
0x77: {  	s30 =	sadd.s32 $0x100, s15  }
0x78: {  	[spmem:s2] =	stream.indirect.scatter.add.f32 [tilespmem:s8], [sflag:$0x1], $0x1, s30, s10, $0xb8;
	[tilespmem:$0x4500] =	vst v63  }
0x79: {  	s31 =	sadd.s32 $0x180, s15  }
0x7a: {  	[spmem:s2] =	stream.indirect.scatter.add.f32 [tilespmem:s8], [sflag:$0x1], $0x1, s31, s10, $0xb8;
	[tilespmem:$0x4500] =	vst v63  }
0x7b: {  	s15 =	sadd.s32 $0x200, s15  }
0x7c: {  	[spmem:s2] =	stream.indirect.scatter.add.f32 [tilespmem:s8], [sflag:$0x1], $0x1, s15, s10, $0xb8;
	[tilespmem:$0x4500] =	vst v63  }
0x7d: {  	_ =	swait.ge [sflag:s11], $0x50  }
0x7e: {  	[sflag:s11] =	ssyncset.done $0x0  }
0x7f: {  	[sflag:s11] =	ssyncadd.s32 $0xFFFFFFB0  }
0x80: {  	_ =	swait.ge [sflag:s11], $0x50  }
0x81: {  	[sflag:s11] =	ssyncset.done $0x0  }
0x82: {  	[sflag:s11] =	ssyncadd.s32 $0xFFFFFFB0  }
0x83: {  	_ =	swait.ge [sflag:s11], $0x50  }
0x84: {  	[sflag:s11] =	ssyncset.done $0x0  }
0x85: {  	[sflag:s11] =	ssyncadd.s32 $0xFFFFFFB0  }
0x86: {  	_ =	swait.ge [sflag:s11], $0x50  }
0x87: {  	[sflag:s11] =	ssyncset.done $0x0  }
0x88: {  	[sflag:s11] =	ssyncadd.s32 $0xFFFFFFB0  }
0x89: {  	_ =	swait.ge [sflag:s11], $0x50  }
0x8a: {  	s14 =	sadd.s32 $0x1, s14;
	[sflag:s11] =	ssyncset.done $0x0  }
0x8b: {  	p0 =	sne.s32 s14, s7;
	[sflag:s11] =	ssyncadd.s32 $0xFFFFFFB0  }
.Ltmp1:
0x8c: {  	[bflag:$0x0] =	sbarrier.arrive $0xFFFF;
	(pc) =	sbr.rel @p0 .LBB2_1-.Ltmp1, $4  }
0x8d: {  	[hbm:s6], [sflag:s12] =	dma.local [spmem:s13], $0x50  }
0x8e: {  	_ =	swait.ge [sflag:s9], $0x50  }
0x8f: {  	[sflag:s9] =	ssyncset.done $0x0  }
0x90: {  	[sflag:s9] =	ssyncadd.s32 $0xFFFFFFB0  }
0x91: {  	_ =	sfence.sel $0x180000  }
0x92: {  	[bflag:$0x0] =	sbarrier.arrive $0xFFFF  }
0x93: {  	p0 =	sne.s32 s0, $0x0;
	_ =	strace $0x90000047  }
0x94: {  	s0 =	sadd.s32 @!p0 $0x100000, s1;
	[bflag:$0x2] =	sbarrier.arrive $0xFFFF  }
0x95: {  	[sflag:s0] =	ssyncadd.tile.s32 @!p0 $0x1;
	_ =	shalt  }
.Lfunc_end2:
_tile_overlayer_lowered:
.L_overlay_start_2:
0x96: {  	(tag) =	ssettag $0x2  }
0x97: {  	s0 =	rddreg [dreg:$0x0];
	s2 =	stileid.u32  }
0x98: {  	s1 =	rddreg [dreg:$0x1];
	p0 =	sne.s32 s2, $0x0  }
0x99: {  	s3 =	rddreg [dreg:$0x2];
	[bflag:$0x3] =	sbarrier.arrive $0xFFFF;
	s2 =	simm.s32 @!p0 $0x1C02  }
0x9a: {  	[timem:s3], [sflag:s2] =	dma.local @!p0 [hbm:s0], s1  }
0x9b: {  	s0 =	simm.s32 @!p0 $0x2  }
0x9c: {  	_ =	swait.ge @!p0 [sflag:s0], s1  }
0x9d: {  	s1 =	ssub.s32 @!p0 $0x0, s1;
	[sflag:s0] =	ssyncset.done @!p0 $0x0  }
0x9e: {  	[sflag:s0] =	ssyncadd.s32 @!p0 s1  }
0x9f: {  	[bflag:$0x3] =	sbarrier.arrive $0xFFFF  }
0xa0: {  	_ =	shalt  }

// kernel: kernel.13.cloned.1.call-start
scs
__scs_entry_jumppad:
0x0: {  	(pc) =	sbr.rel $0x88, $3  }
0x1: {  	(tag) =	ssettag $0x0;
	lr =	simm.s32 $0x1  }
0x2: {  	[smem:$0x3F93] =	sst lr;
	_ =	strace $0xD0000000  }
0x3: {  	_ = 	snop  }
0x4: {  	_ = 	snop  }
0x5: {  	_ = 	snop  }
0x6: {  	_ = 	snop  }
0x7: {  	_ = 	snop  }
__scs_overlays_trampoline_lowered:
0x8: {  	[smem:$0x3FA2] =	sst s0  }
0x9: {  	[smem:$0x3FA3] =	sst s1  }
0xa: {  	[smem:$0x3FA4] =	sst s2  }
0xb: {  	[smem:$0x3FA5] =	sst s3  }
0xc: {  	[smem:$0x3FA6] =	sst s4  }
0xd: {  	[smem:$0x3FA7] =	sst s5  }
0xe: {  	[smem:$0x3FA8] =	sst s6  }
0xf: {  	[smem:$0x3FA9] =	sst s7  }
0x10: {  	[smem:$0x3FAA] =	sst s8  }
0x11: {  	[smem:$0x3FAB] =	sst s9;
	s0 =	simm.s32 @!p0 $0x0  }
0x12: {  	s1 =	sld [smem:$0x3F91];
	s0 =	simm.s32 @p0 $0x1  }
0x13: {  	[smem:$0x3FAC] =	sst s0;
	s0 =	simm.s32 @!p1 $0x0  }
0x14: {  	s2 =	sld [smem:$0x3F90];
	s0 =	simm.s32 @p1 $0x1  }
0x15: {  	[smem:$0x3FAD] =	sst s0;
	s0 =	simm.s32 @!p2 $0x0  }
0x16: {  	s3 =	sld [smem:$0x3FDB];
	s0 =	simm.s32 @p2 $0x1  }
0x17: {  	s4 =	simm.s32 $0x1BF5;
	[smem:$0x3FAF] =	sst s0  }
0x18: {  	s0 =	sld [smem:$0x3F92];
	_ =	swait.ge [sflag:s4], $0x0  }
0x19: {  	s7 =	sld [smem:$0x3F93]  }
0x1a: {  	s8 =	sadd.s32 $0xFFFFE003, lr  }
0x1b: {  	s9 =	sadd.s32 $0xFFFFFEF7, lr;
	s5 =	simm.s32 $0xFFFFFFFF;
	p2 =	slt.u32 s8, $0xFFFFF086  }
0x1c: {  	p1 =	slt.u32 s9, $0xF7A;
	s5 =	simm.s32 @!p2 $0x0  }
0x1d: {  	s5 =	simm.s32 @p1 $0x1;
	p0 =	seq.s32 s7, s2  }
0x1e: {  	s7 =	smul.u32 @!p0 $0xF7A, s2;
	p2 =	seq.s32 @!p0 s5, $0x0  }
0x1f: {  	s9 =	smul.u32 $0xF7A, s1;
	s8 =	simm.s32 @!p0 $0x1BF5;
	p2 =	por !p2, p0  }
0x20: {  	[sflag:s8] =	ssyncset.s32 @!p0 $0xFFFFF086;
	s6 =	sadd.s32 @!p0 s3, s7;
	s7 =	simm.s32 @!p0 $0x108  }
0x21: {  	s3 =	sadd.s32 s3, s9;
	s6 =	sadd.s32 @!p0 $0x88, s6;
	s7 =	simm.s32 @p2 $0x1082  }
0x22: {  	[simem:s7], [sflag:s8] =	dma.local @!p0 [hbm:s6], $0xF7A  }
0x23: {  	s9 =	sor.u32 $0xD0000000, s2;
	s6 =	simm.s32 $0x108;
	_ =	swait.ge @!p0 [sflag:s8], $0x0  }
0x24: {  	s3 =	sadd.s32 $0x88, s3;
	s6 =	simm.s32 @!p1 $0x1082;
	[sflag:s4] =	ssyncset.s32 $0xFFFFF086  }
0x25: {  	[simem:s6], [sflag:s4] =	dma.local [hbm:s3], $0xF7A  }
0x26: {  	[smem:$0x3F93] =	sst s1;
	(tag) =	ssettag s2;
	_ =	strace s9  }
0x27: {  	s1 =	sld [smem:$0x3FA3]  }
0x28: {  	s2 =	sld [smem:$0x3FA4]  }
0x29: {  	s4 =	sld [smem:$0x3FA6]  }
0x2a: {  	p0 =	seq.s32 s5, $0x0;
	s5 =	sld [smem:$0x3FA7]  }
0x2b: {  	s6 =	sld [smem:$0x3FA8]  }
0x2c: {  	s7 =	sld [smem:$0x3FA9]  }
0x2d: {  	s3 =	simm.s32 $0x108;
	s8 =	sld [smem:$0x3FAA]  }
0x2e: {  	s3 =	simm.s32 @!p0 $0x1082;
	s9 =	sld [smem:$0x3FAB]  }
0x2f: {  	lr =	sadd.s32 s0, s3;
	s0 =	sld [smem:$0x3FA2]  }
0x30: {  	s3 =	sld [smem:$0x3FA5]  }
0x31: {  	[smem:$0x3FAE] =	sst s10  }
0x32: {  	s10 =	sld [smem:$0x3FAC];
	_ =	sdelay $0x3  }
0x33: {  	p0 =	seq.s32 s10, $0x1;
	s10 =	sld [smem:$0x3FAE];
	_ =	sdelay $0x3  }
0x34: {  	[smem:$0x3FAE] =	sst s10  }
0x35: {  	s10 =	sld [smem:$0x3FAD];
	_ =	sdelay $0x3  }
0x36: {  	p1 =	seq.s32 s10, $0x1;
	s10 =	sld [smem:$0x3FAE];
	_ =	sdelay $0x3  }
0x37: {  	[smem:$0x3FAE] =	sst s10  }
0x38: {  	s10 =	sld [smem:$0x3FAF]  }
0x39: {  	_ = 	snop;
	(pc) =	sbr.ind lr, $3  }
0x3a: {  	_ = 	snop  }
0x3b: {  	_ = 	snop  }
0x3c: {  	p2 =	seq.s32 s10, $0x1;
	s10 =	sld [smem:$0x3FAE]  }
0x3d: {  	_ =	shalt  }
0x3e: {  	_ =	shalt  }
0x3f: {  	_ =	shalt  }
0x40: {  	_ =	shalt  }
0x41: {  	_ =	shalt  }
0x42: {  	_ =	shalt  }
0x43: {  	_ =	shalt  }
0x44: {  	_ =	shalt  }
0x45: {  	_ =	shalt  }
0x46: {  	_ =	shalt  }
0x47: {  	_ =	shalt  }
0x48: {  	_ =	shalt  }
0x49: {  	_ =	shalt  }
0x4a: {  	_ =	shalt  }
0x4b: {  	_ =	shalt  }
0x4c: {  	_ =	shalt  }
0x4d: {  	_ =	shalt  }
0x4e: {  	_ =	shalt  }
0x4f: {  	_ =	shalt  }
0x50: {  	_ =	shalt  }
0x51: {  	_ =	shalt  }
0x52: {  	_ =	shalt  }
0x53: {  	_ =	shalt  }
0x54: {  	_ =	shalt  }
0x55: {  	_ =	shalt  }
0x56: {  	_ =	shalt  }
0x57: {  	_ =	shalt  }
0x58: {  	_ =	shalt  }
0x59: {  	_ =	shalt  }
0x5a: {  	_ =	shalt  }
0x5b: {  	_ =	shalt  }
0x5c: {  	_ =	shalt  }
0x5d: {  	_ =	shalt  }
0x5e: {  	_ =	shalt  }
0x5f: {  	_ =	shalt  }
0x60: {  	_ =	shalt  }
0x61: {  	_ =	shalt  }
0x62: {  	_ =	shalt  }
0x63: {  	_ =	shalt  }
0x64: {  	_ =	shalt  }
0x65: {  	_ =	shalt  }
0x66: {  	_ =	shalt  }
0x67: {  	_ =	shalt  }
0x68: {  	_ =	shalt  }
0x69: {  	_ =	shalt  }
0x6a: {  	_ =	shalt  }
0x6b: {  	_ =	shalt  }
0x6c: {  	_ =	shalt  }
0x6d: {  	_ =	shalt  }
0x6e: {  	_ =	shalt  }
0x6f: {  	_ =	shalt  }
0x70: {  	_ =	shalt  }
0x71: {  	_ =	shalt  }
0x72: {  	_ =	shalt  }
0x73: {  	_ =	shalt  }
0x74: {  	_ =	shalt  }
0x75: {  	_ =	shalt  }
0x76: {  	_ =	shalt  }
0x77: {  	_ =	shalt  }
0x78: {  	_ =	shalt  }
0x79: {  	_ =	shalt  }
0x7a: {  	_ =	shalt  }
0x7b: {  	_ =	shalt  }
0x7c: {  	_ =	shalt  }
0x7d: {  	_ =	shalt  }
0x7e: {  	_ =	shalt  }
0x7f: {  	_ =	shalt  }
0x80: {  	_ =	shalt  }
0x81: {  	_ =	shalt  }
0x82: {  	_ =	shalt  }
0x83: {  	_ =	shalt  }
0x84: {  	_ =	shalt  }
0x85: {  	_ =	shalt  }
0x86: {  	_ =	shalt  }
0x87: {  	_ =	shalt  }
.Lfunc_end0:
.L_simem_size_0:
called_computation.1_lowered:
.L_overlay_start_0:
0x88: {  	s2 =	sld [smem:$0x3FD9]  }
0x89: {  	s3 =	sld [smem:$0x3FFE];
	_ =	sdelay $0x1  }
0x8a: {  	s1 =	srdreg.scid  }
0x8b: {  	s0 =	sand.u32 $0x1, s1  }
0x8c: {  	s17 =	sshll.u32 s0, $0xA;
	s2 =	sadd.s32 s3, s2  }
0x8d: {  	s2 =	sadd.s32 s2, s17  }
0x8e: {  	[smem:$0x3FBA] =	sst s2  }
0x8f: {  	_ = 	snop  }
0x90: {  	s2 =	sld [smem:$0x3FD0];
	(tm) =	ssettm $0x1  }
0x91: {  	s18 =	sld [smem:$0x3FFB];
	_ =	sdelay $0x3  }
0x92: {  	_ =	strace s18  }
0x93: {  	s3 =	sld [smem:$0x3FFC];
	_ =	sdelay $0x3  }
0x94: {  	_ =	strace s3  }
0x95: {  	s3 =	sld [smem:$0x3FFD];
	_ =	sdelay $0x3  }
0x96: {  	_ =	strace s3  }
0x97: {  	_ =	strace $0x8FFFFFFF  }
0x98: {  	s19 =	sld [smem:$0x3FDB];
	_ =	sdelay $0x1  }
0x99: {  	s4 =	simm.s32 $_scs_section_size  }
0x9a: {  	s5 =	simm.s32 $_size__tile_overlayer_lowered;
	s6 =	simm.s32 $_tile_overlayer_lowered  }
0x9b: {  	s22 =	simm.s32 $0x1BFF;
	s21 =	sshll.u32 s6, $0x1;
	s3 =	sadd.s32 s4, s19  }
0x9c: {  	s7 =	simm.s32 $0x0;
	s20 =	sshll.u32 s5, $0x1;
	s5 =	sadd.s32 s21, s3  }
0x9d: {  	[timem:s7], [sflag:s22] =	dma.local [hbm:s5], s20  }
0x9e: {  	_ =	swait.ge [sflag:s22], s20  }
0x9f: {  	s4 =	ssub.s32 $0x0, s20;
	[sflag:s22] =	ssyncset.done $0x0  }
0xa0: {  	[sflag:s22] =	ssyncadd.s32 s4;
	_ =	sdelay $0x1  }
0xa1: {  	s23 =	simm.s32 $0x1B8B  }
0xa2: {  	_ =	swait.ge [sflag:s23], $0x1  }
0xa3: {  	[sflag:s23] =	ssyncset.done $0x0  }
0xa4: {  	s25 =	simm.s32 $0x1B8E;
	s24 =	sld [smem:$0x3FFE];
	[sflag:s23] =	ssyncadd.s32 $0xFFFFFFFF  }
0xa5: {  	s26 =	simm.s32 $execute0_lowered;
	[smem:$0x3FD2] =	sst s25  }
0xa6: {  	s5 =	sshll.u32 s26, $0x1;
	_ =	strace $0x80000049;
	[dreg:$0x1] =	wrdreg $0xFFFFFFFF  }
0xa7: {  	s28 =	simm.s32 $_size_execute0_lowered;
	s3 =	sadd.s32 s3, s5;
	[dreg:$0x0] =	wrdreg $0x0  }
0xa8: {  	s5 =	sshll.u32 s28, $0x1;
	[dreg:$0x2] =	wrdreg s3  }
0xa9: {  	[dreg:$0x3] =	wrdreg s5  }
0xaa: {  	[dreg:$0x4] =	wrdreg $0xC0  }
0xab: {  	_ =	task [dreg:s7], $0x5FFFF  }
0xac: {  	[dreg:$0x1] =	wrdreg $0xFFFFFFFF  }
0xad: {  	[dreg:$0x0] =	wrdreg $0x60  }
0xae: {  	[dreg:$0x2] =	wrdreg s2  }
0xaf: {  	[dreg:$0x3] =	wrdreg s24  }
0xb0: {  	[dreg:$0x4] =	wrdreg $0xBF800  }
0xb1: {  	[dreg:$0x5] =	wrdreg $0x9  }
0xb2: {  	_ =	task.clear_ibuf [dreg:s7], $0x6FFFF;
	_ =	strace $0x90000049  }
0xb3: {  	s29 =	simm.s32 $0x9;
	_ =	strace $0x8000004B  }
0xb4: {  	_ =	swait.ge [sflag:s29], $0x1  }
0xb5: {  	[sflag:s29] =	ssyncadd.s32 $0xFFFFFFFF  }
0xb6: {  	_ =	strace $0x9000004B  }
0xb7: {  	_ =	sfence  }
0xb8: {  	s30 =	sld [smem:$0x0];
	_ =	sdelay $0x2  }
0xb9: {  	s31 =	sshll.u32 s1, $0xD;
	s1 =	sshrl.u32 s1, $0x2  }
0xba: {  	s3 =	sand.u32 $0x4000, s31;
	s1 =	sadd.s32 s1, s30  }
0xbb: {  	s0 =	sor.u32 s3, s0;
	s1 =	sshll.u32 s1, $0x11  }
0xbc: {  	s0 =	sor.u32 s1, s0  }
0xbd: {  	s0 =	sadd.s32 $0x8F2B, s0  }
0xbe: {  	[sflag:s0] =	ssyncadd.remote.s32 $0x1  }
0xbf: {  	_ =	sfence.sel $0xFFFF  }
0xc0: {  	[dreg:$0x0] =	wrdreg $0xFFFFFFFF;
	(pc) =	sbr.abs _section_cstart, $3  }
0xc1: {  	[dreg:$0x1] =	wrdreg $0xFFFFFFFF  }
0xc2: {  	_ =	task.clear_ibuf [dreg:s7], $0x2FFFF;
	_ =	strace $0x9FFFFFFF  }
0xc3: {  	(tm) =	ssettm $0x7FFFFFFF  }
tec
execute0_lowered:
.L_overlay_start_1:
0x0: {  	(tag) =	ssettag $0x1  }
0x1: {  	s1 =	rddreg [dreg:$0x0]  }
0x2: {  	s0 =	srdreg.scid;
	s5 =	rddreg [dreg:$0x1]  }
0x3: {  	s10 =	stileid.u32;
	s3 =	rddreg [dreg:$0x2];
	s16 =	simm.s32 $0x2780  }
0x4: {  	s17 =	simm.s32 $0x1;
	s18 =	simm.s32 $0x50;
	s19 =	simm.s32 $0x4780  }
0x5: {  	s20 =	simm.s32 $0x6F80;
	s28 =	simm.s32 $0x5;
	s29 =	simm.s32 $0x6  }
0x6: {  	s30 =	simm.s32 $0x8;
	s0 =	sand.u32 $0x1, s0;
	s22 =	smul.u32 $0x2700, s10  }
0x7: {  	s2 =	sshll.u32 s10, $0x1;
	s4 =	sshrl.u32 s10, $0x2;
	s24 =	smul.u32 $0x4E000, s10  }
0x8: {  	s31 =	simm.s32 $0x0;
	s2 =	sor.u32 s0, s2;
	s6 =	smul.u32 $0x13C00, s4  }
0x9: {  	s4 =	simm.s32 $0x0;
	s8 =	smul.u32 $0x27100, s0;
	s0 =	ssub.s32 $0x2, s0  }
0xa: {  	s21 =	sshll.u32 s2, $0x7;
	[smem:$0x7FF] =	sst s4;
	s2 =	sshll.u32 s2, $0xB  }
0xb: {  	s25 =	sshrl.u32 s0, $0x1;
	s26 =	sshrl.u32 s24, $0x2;
	s24 =	simm.s32 $0x2  }
0xc: {  	s7 =	sand.u32 $0x380, s21;
	_ =	strace $0x8000004A;
	s23 =	sadd.s32 s22, s8  }
0xd: {  	s2 =	sadd.s32 s2, s5;
	s0 =	ssub.s32 s0, s25;
	s13 =	sadd.s32 s26, s3  }
0xe: {  	s25 =	simm.s32 $0x3;
	s26 =	simm.s32 $0x4;
	s21 =	simm.s32 $0x4580  }
0xf: {  	s6 =	sor.u32 s6, s7;
	s11 =	sadd.s32 s23, s5;
	s12 =	smax.u32 s0, $0x1  }
0x10: {  	s13 =	sshrl.u32 s13, $0x3;
	s23 =	simm.s32 $0x7;
	s6 =	sshrl.u32 s6, $0x3  }
0x11: {  	s11 =	sadd.s32 $0x1E600, s11;
	s9 =	sadd.s32 s6, s5;
	s5 =	sshll.u32 s10, $0x6  }
0x12: {  	s6 =	sadd.s32 s1, s22;
	s10 =	sadd.s32 $0xEA00, s2;
	s22 =	simm.s32 $0x9780  }
0x13: {  	s7 =	sor.u32 $0x1C07, s5;
	s8 =	sadd.s32 $0x4800, s9;
	s9 =	sadd.s32 $0xE600, s2  }
.LBB2_1:
0x14: {  	[spmem:s13], [sflag:s7] =	dma.local [hbm:s6], $0x2800  }
0x15: {  	s0 =	simm.s32 $0x80;
	s2 =	simm.s32 $0x400  }
0x16: {  	[tilespmem:s4], [sflag:$0x1] =	stream.strided.gather [hbm4b:s8+s0], $0x2780, s2, s0, $0x38;
	[tilespmem:$0x1F800] =	vst v63  }
0x17: {  	_ = 	snop  }
0x18: {  	[tilespmem:s16], [sflag:$0x7] =	stream.linear.gather [hbm4b:s9+s4], $0x2000, $0x38;
	[tilespmem:$0x1F800] =	vst v63  }
0x19: {  	_ =	swait.ge [sflag:s17], $0x2780  }
0x1a: {  	[sflag:s17] =	ssyncset.done $0x0  }
0x1b: {  	[sflag:s17] =	ssyncadd.s32 $0xFFFFD880  }
0x1c: {  	[tilespmem:s19], [sflag:$0x1] =	stream.indirect.gather [hbm4b:s1+s18], $0x80, s4, s18, $0xb8;
	[tilespmem:$0x1F800] =	vst v63  }
0x1d: {  	_ = 	snop  }
0x1e: {  	[tilespmem:s20], [sflag:$0x2] =	stream.indirect.gather [hbm4b:s1+s18], $0x80, s18, s18, $0xb8;
	[tilespmem:$0x1F800] =	vst v63  }
0x1f: {  	s2 =	simm.s32 $0xA0  }
0x20: {  	[tilespmem:s22], [sflag:$0x3] =	stream.indirect.gather [hbm4b:s1+s18], $0x80, s2, s18, $0xb8;
	[tilespmem:$0x1F800] =	vst v63  }
0x21: {  	_ =	swait.ge [sflag:s23], $0x2000  }
0x22: {  	[sflag:s23] =	ssyncset.done $0x0  }
0x23: {  	[sflag:s23] =	ssyncadd.s32 $0xFFFFE000  }
0x24: {  	_ =	swait.ge [sflag:s23], $0x2800  }
0x25: {  	[sflag:s23] =	ssyncset.done $0x0  }
0x26: {  	[sflag:s23] =	ssyncadd.s32 $0xFFFFD800  }
0x27: {  	[bflag:$0x0] =	sbarrier.arrive $0xFFFF  }
0x28: {  	_ =	swait.ge [sflag:s17], $0x2800  }
0x29: {  	[sflag:s17] =	ssyncset.done $0x0  }
0x2a: {  	s14 =	simm.s32 $0x2780;
	[sflag:s17] =	ssyncadd.s32 $0xFFFFD800  }
0x2b: {  	[spmem:s3] =	stream.indirect.scatter.add.f32 [tilespmem:s19], [sflag:$0x4], $0x80, s14, s18, $0xb8;
	[tilespmem:$0x1F800] =	vst v63  }
0x2c: {  	_ =	swait.ge [sflag:s24], $0x2800  }
0x2d: {  	[sflag:s24] =	ssyncset.done $0x0  }
0x2e: {  	s15 =	simm.s32 $0x2800;
	[sflag:s24] =	ssyncadd.s32 $0xFFFFD800  }
0x2f: {  	[spmem:s3] =	stream.indirect.scatter.add.f32 [tilespmem:s20], [sflag:$0x5], $0x80, s15, s18, $0xb8;
	[tilespmem:$0x1F800] =	vst v63  }
0x30: {  	_ =	swait.ge [sflag:s25], $0x2800  }
0x31: {  	[sflag:s25] =	ssyncset.done $0x0  }
0x32: {  	s2 =	simm.s32 $0x2880;
	[sflag:s25] =	ssyncadd.s32 $0xFFFFD800  }
0x33: {  	[spmem:s3] =	stream.indirect.scatter.add.f32 [tilespmem:s22], [sflag:$0x6], $0x80, s2, s18, $0xb8;
	[tilespmem:$0x1F800] =	vst v63  }
0x34: {  	_ =	swait.ge [sflag:s26], $0x2800  }
0x35: {  	[sflag:s26] =	ssyncset.done $0x0  }
0x36: {  	s14 =	simm.s32 $0xF0;
	[sflag:s26] =	ssyncadd.s32 $0xFFFFD800  }
0x37: {  	[tilespmem:s19], [sflag:$0x1] =	stream.indirect.gather [hbm4b:s1+s18], $0x80, s14, s18, $0xb8;
	[tilespmem:$0x1F800] =	vst v63  }
0x38: {  	_ =	swait.ge [sflag:s28], $0x2800  }
0x39: {  	[sflag:s28] =	ssyncset.done $0x0  }
0x3a: {  	s15 =	simm.s32 $0x140;
	[sflag:s28] =	ssyncadd.s32 $0xFFFFD800  }
0x3b: {  	[tilespmem:s20], [sflag:$0x2] =	stream.indirect.gather [hbm4b:s1+s18], $0x80, s15, s18, $0xb8;
	[tilespmem:$0x1F800] =	vst v63  }
0x3c: {  	_ =	swait.ge [sflag:s29], $0x2800  }
0x3d: {  	s0 =	simm.s32 $0x2A00;
	[sflag:s29] =	ssyncset.done $0x0  }
0x3e: {  	s2 =	simm.s32 $0x3C0;
	s14 =	simm.s32 $0x190;
	[sflag:s29] =	ssyncadd.s32 $0xFFFFD800  }
.LBB2_2:
0x3f: {  	[tilespmem:s22], [sflag:$0x3] =	stream.indirect.gather [hbm4b:s1+s18], $0x80, s14, s18, $0xb8;
	[tilespmem:$0x1F800] =	vst v63  }
0x40: {  	s14 =	smov.u32 s2  }
0x41: {  	p0 =	sne.s32 s2, $0x4B00;
	s2 =	sadd.s32 $0x3C0, s2;
	_ =	swait.ge [sflag:s17], $0x2800  }
0x42: {  	[sflag:s17] =	ssyncset.done $0x0  }
0x43: {  	s15 =	sadd.s32 $0xFFFFFF00, s0;
	[sflag:s17] =	ssyncadd.s32 $0xFFFFD800  }
0x44: {  	[spmem:s3] =	stream.indirect.scatter.add.f32 [tilespmem:s19], [sflag:$0x4], $0x80, s15, s18, $0xb8;
	[tilespmem:$0x1F800] =	vst v63  }
0x45: {  	_ =	swait.ge [sflag:s24], $0x2800  }
0x46: {  	[sflag:s24] =	ssyncset.done $0x0  }
0x47: {  	s15 =	sadd.s32 $0xFFFFFF80, s0;
	[sflag:s24] =	ssyncadd.s32 $0xFFFFD800  }
0x48: {  	[spmem:s3] =	stream.indirect.scatter.add.f32 [tilespmem:s20], [sflag:$0x5], $0x80, s15, s18, $0xb8;
	[tilespmem:$0x1F800] =	vst v63  }
0x49: {  	_ =	swait.ge [sflag:s25], $0x2800  }
0x4a: {  	[sflag:s25] =	ssyncset.done $0x0  }
0x4b: {  	[sflag:s25] =	ssyncadd.s32 $0xFFFFD800  }
0x4c: {  	[spmem:s3] =	stream.indirect.scatter.add.f32 [tilespmem:s22], [sflag:$0x6], $0x80, s0, s18, $0xb8;
	[tilespmem:$0x1F800] =	vst v63  }
0x4d: {  	_ =	swait.ge [sflag:s26], $0x2800  }
0x4e: {  	s14 =	sshra.s32 s14, $0x2;
	[sflag:s26] =	ssyncset.done $0x0  }
0x4f: {  	s15 =	sadd.s32 $0xF0, s14;
	[sflag:s26] =	ssyncadd.s32 $0xFFFFD800  }
0x50: {  	[tilespmem:s19], [sflag:$0x1] =	stream.indirect.gather [hbm4b:s1+s18], $0x80, s15, s18, $0xb8;
	[tilespmem:$0x1F800] =	vst v63  }
0x51: {  	_ =	swait.ge [sflag:s28], $0x2800  }
0x52: {  	[sflag:s28] =	ssyncset.done $0x0  }
.Ltmp0:
0x53: {  	s15 =	sadd.s32 $0x140, s14;
	[sflag:s28] =	ssyncadd.s32 $0xFFFFD800;
	(pc) =	sbr.rel @p0 .LBB2_2-.Ltmp0, $4  }
0x54: {  	[tilespmem:s20], [sflag:$0x2] =	stream.indirect.gather [hbm4b:s1+s18], $0x80, s15, s18, $0xb8;
	[tilespmem:$0x1F800] =	vst v63  }
0x55: {  	_ =	swait.ge [sflag:s29], $0x2800  }
0x56: {  	[sflag:s29] =	ssyncset.done $0x0  }
0x57: {  	s0 =	sadd.s32 $0x180, s0;
	s14 =	sadd.s32 $0x190, s14;
	[sflag:s29] =	ssyncadd.s32 $0xFFFFD800  }
0x58: {  	[tilespmem:s22], [sflag:$0x3] =	stream.indirect.gather [hbm4b:s1+s18], $0x80, s14, s18, $0xb8;
	[tilespmem:$0x1F800] =	vst v63  }
0x59: {  	_ =	swait.ge [sflag:s17], $0x2800  }
0x5a: {  	[sflag:s17] =	ssyncset.done $0x0  }
0x5b: {  	s0 =	simm.s32 $0x4700;
	[sflag:s17] =	ssyncadd.s32 $0xFFFFD800  }
0x5c: {  	[spmem:s3] =	stream.indirect.scatter.add.f32 [tilespmem:s19], [sflag:$0x4], $0x80, s0, s18, $0xb8;
	[tilespmem:$0x1F800] =	vst v63  }
0x5d: {  	_ =	swait.ge [sflag:s26], $0x2800  }
0x5e: {  	[sflag:s26] =	ssyncset.done $0x0  }
0x5f: {  	s15 =	simm.s32 $0x0;
	[sflag:s26] =	ssyncadd.s32 $0xFFFFD800  }
0x60: {  	[tilespmem:s16], [sflag:$0x7] =	stream.linear.gather [hbm4b:s10+s15], $0x2000, $0x38;
	[tilespmem:$0x1F800] =	vst v63  }
0x61: {  	s2 =	simm.s32 $0x14A0  }
0x62: {  	[tilespmem:s19], [sflag:$0x1] =	stream.indirect.gather [hbm4b:s1+s18], $0x80, s2, s18, $0xb8;
	[tilespmem:$0x1F800] =	vst v63  }
0x63: {  	_ =	swait.ge [sflag:s23], $0x2000  }
0x64: {  	[sflag:s23] =	ssyncset.done $0x0  }
0x65: {  	[sflag:s23] =	ssyncadd.s32 $0xFFFFE000  }
0x66: {  	_ =	swait.ge [sflag:s24], $0x2800  }
0x67: {  	[sflag:s24] =	ssyncset.done $0x0  }
0x68: {  	s14 =	simm.s32 $0x2780;
	[sflag:s24] =	ssyncadd.s32 $0xFFFFD800  }
0x69: {  	[spmem:s3] =	stream.indirect.scatter.add.f32 [tilespmem:s20], [sflag:$0x5], $0x80, s14, s18, $0xb8;
	[tilespmem:$0x1F800] =	vst v63  }
0x6a: {  	_ =	swait.ge [sflag:s25], $0x2800  }
0x6b: {  	[sflag:s25] =	ssyncset.done $0x0  }
0x6c: {  	s15 =	simm.s32 $0x2800;
	[sflag:s25] =	ssyncadd.s32 $0xFFFFD800  }
0x6d: {  	[spmem:s3] =	stream.indirect.scatter.add.f32 [tilespmem:s22], [sflag:$0x6], $0x80, s15, s18, $0xb8;
	[tilespmem:$0x1F800] =	vst v63  }
0x6e: {  	_ =	swait.ge [sflag:s17], $0x2800  }
0x6f: {  	[sflag:s17] =	ssyncset.done $0x0  }
0x70: {  	s2 =	simm.s32 $0x2880;
	[sflag:s17] =	ssyncadd.s32 $0xFFFFD800  }
0x71: {  	[spmem:s3] =	stream.indirect.scatter.add.f32 [tilespmem:s19], [sflag:$0x4], $0x80, s2, s18, $0xb8;
	[tilespmem:$0x1F800] =	vst v63  }
0x72: {  	_ =	swait.ge [sflag:s28], $0x2800  }
0x73: {  	[sflag:s28] =	ssyncset.done $0x0  }
0x74: {  	s14 =	simm.s32 $0x14F0;
	[sflag:s28] =	ssyncadd.s32 $0xFFFFD800  }
0x75: {  	[tilespmem:s20], [sflag:$0x2] =	stream.indirect.gather [hbm4b:s1+s18], $0x80, s14, s18, $0xb8;
	[tilespmem:$0x1F800] =	vst v63  }
0x76: {  	_ =	swait.ge [sflag:s29], $0x2800  }
0x77: {  	[sflag:s29] =	ssyncset.done $0x0  }
0x78: {  	s15 =	simm.s32 $0x1540;
	[sflag:s29] =	ssyncadd.s32 $0xFFFFD800  }
0x79: {  	[tilespmem:s22], [sflag:$0x3] =	stream.indirect.gather [hbm4b:s1+s18], $0x80, s15, s18, $0xb8;
	[tilespmem:$0x1F800] =	vst v63  }
0x7a: {  	_ =	swait.ge [sflag:s26], $0x2800  }
0x7b: {  	s0 =	simm.s32 $0x2A00;
	[sflag:s26] =	ssyncset.done $0x0  }
0x7c: {  	s2 =	simm.s32 $0x3C0;
	s14 =	simm.s32 $0x1590;
	[sflag:s26] =	ssyncadd.s32 $0xFFFFD800  }
.LBB2_4:
0x7d: {  	[tilespmem:s19], [sflag:$0x1] =	stream.indirect.gather [hbm4b:s1+s18], $0x80, s14, s18, $0xb8;
	[tilespmem:$0x1F800] =	vst v63  }
0x7e: {  	s14 =	smov.u32 s2  }
0x7f: {  	p0 =	sne.s32 s2, $0x4380;
	s2 =	sadd.s32 $0x3C0, s2;
	_ =	swait.ge [sflag:s24], $0x2800  }
0x80: {  	[sflag:s24] =	ssyncset.done $0x0  }
0x81: {  	s15 =	sadd.s32 $0xFFFFFF00, s0;
	[sflag:s24] =	ssyncadd.s32 $0xFFFFD800  }
0x82: {  	[spmem:s3] =	stream.indirect.scatter.add.f32 [tilespmem:s20], [sflag:$0x5], $0x80, s15, s18, $0xb8;
	[tilespmem:$0x1F800] =	vst v63  }
0x83: {  	_ =	swait.ge [sflag:s25], $0x2800  }
0x84: {  	[sflag:s25] =	ssyncset.done $0x0  }
0x85: {  	s15 =	sadd.s32 $0xFFFFFF80, s0;
	[sflag:s25] =	ssyncadd.s32 $0xFFFFD800  }
0x86: {  	[spmem:s3] =	stream.indirect.scatter.add.f32 [tilespmem:s22], [sflag:$0x6], $0x80, s15, s18, $0xb8;
	[tilespmem:$0x1F800] =	vst v63  }
0x87: {  	_ =	swait.ge [sflag:s17], $0x2800  }
0x88: {  	[sflag:s17] =	ssyncset.done $0x0  }
0x89: {  	[sflag:s17] =	ssyncadd.s32 $0xFFFFD800  }
0x8a: {  	[spmem:s3] =	stream.indirect.scatter.add.f32 [tilespmem:s19], [sflag:$0x4], $0x80, s0, s18, $0xb8;
	[tilespmem:$0x1F800] =	vst v63  }
0x8b: {  	_ =	swait.ge [sflag:s28], $0x2800  }
0x8c: {  	s14 =	sshra.s32 s14, $0x2;
	[sflag:s28] =	ssyncset.done $0x0  }
0x8d: {  	s15 =	sadd.s32 $0x14F0, s14;
	[sflag:s28] =	ssyncadd.s32 $0xFFFFD800  }
0x8e: {  	[tilespmem:s20], [sflag:$0x2] =	stream.indirect.gather [hbm4b:s1+s18], $0x80, s15, s18, $0xb8;
	[tilespmem:$0x1F800] =	vst v63  }
0x8f: {  	_ =	swait.ge [sflag:s29], $0x2800  }
0x90: {  	[sflag:s29] =	ssyncset.done $0x0  }
.Ltmp1:
0x91: {  	s15 =	sadd.s32 $0x1540, s14;
	[sflag:s29] =	ssyncadd.s32 $0xFFFFD800;
	(pc) =	sbr.rel @p0 .LBB2_4-.Ltmp1, $4  }
0x92: {  	[tilespmem:s22], [sflag:$0x3] =	stream.indirect.gather [hbm4b:s1+s18], $0x80, s15, s18, $0xb8;
	[tilespmem:$0x1F800] =	vst v63  }
0x93: {  	_ =	swait.ge [sflag:s26], $0x2800  }
0x94: {  	[sflag:s26] =	ssyncset.done $0x0  }
0x95: {  	s0 =	sadd.s32 $0x180, s0;
	s14 =	sadd.s32 $0x1590, s14;
	[sflag:s26] =	ssyncadd.s32 $0xFFFFD800  }
0x96: {  	[tilespmem:s19], [sflag:$0x1] =	stream.indirect.gather [hbm4b:s1+s18], $0x80, s14, s18, $0xb8;
	[tilespmem:$0x1F800] =	vst v63  }
0x97: {  	_ =	swait.ge [sflag:s24], $0x2800  }
0x98: {  	[sflag:s24] =	ssyncset.done $0x0  }
0x99: {  	s0 =	simm.s32 $0x4400;
	[sflag:s24] =	ssyncadd.s32 $0xFFFFD800  }
0x9a: {  	[spmem:s3] =	stream.indirect.scatter.add.f32 [tilespmem:s20], [sflag:$0x5], $0x80, s0, s18, $0xb8;
	[tilespmem:$0x1F800] =	vst v63  }
0x9b: {  	_ =	swait.ge [sflag:s25], $0x2800  }
0x9c: {  	[sflag:s25] =	ssyncset.done $0x0  }
0x9d: {  	s15 =	simm.s32 $0x4480;
	[sflag:s25] =	ssyncadd.s32 $0xFFFFD800  }
0x9e: {  	[spmem:s3] =	stream.indirect.scatter.add.f32 [tilespmem:s22], [sflag:$0x6], $0x80, s15, s18, $0xb8;
	[tilespmem:$0x1F800] =	vst v63  }
0x9f: {  	_ =	swait.ge [sflag:s17], $0x2800  }
0xa0: {  	[sflag:s17] =	ssyncset.done $0x0  }
0xa1: {  	s2 =	simm.s32 $0x4500;
	[sflag:s17] =	ssyncadd.s32 $0xFFFFD800  }
0xa2: {  	[spmem:s3] =	stream.indirect.scatter.add.f32 [tilespmem:s19], [sflag:$0x4], $0x80, s2, s18, $0xb8;
	[tilespmem:$0x1F800] =	vst v63  }
0xa3: {  	_ =	swait.ge [sflag:s28], $0x2800  }
0xa4: {  	[sflag:s28] =	ssyncset.done $0x0  }
0xa5: {  	s14 =	simm.s32 $0x26C0;
	[sflag:s28] =	ssyncadd.s32 $0xFFFFD800  }
0xa6: {  	[tilespmem:s20], [sflag:$0x2] =	stream.indirect.gather [hbm4b:s1+s18], $0x80, s14, s18, $0xb8;
	[tilespmem:$0x1F800] =	vst v63  }
0xa7: {  	_ =	swait.ge [sflag:s29], $0x2800  }
0xa8: {  	[sflag:s29] =	ssyncset.done $0x0  }
0xa9: {  	[sflag:s29] =	ssyncadd.s32 $0xFFFFD800  }
0xaa: {  	_ =	swait.ge [sflag:s26], $0x2800  }
0xab: {  	[sflag:s26] =	ssyncset.done $0x0  }
0xac: {  	[sflag:s26] =	ssyncadd.s32 $0xFFFFD800  }
0xad: {  	_ =	swait.ge [sflag:s24], $0x2800  }
0xae: {  	[sflag:s24] =	ssyncset.done $0x0  }
0xaf: {  	[sflag:s24] =	ssyncadd.s32 $0xFFFFD800  }
0xb0: {  	[spmem:s3] =	stream.indirect.scatter.add.f32 [tilespmem:s20], [sflag:$0x5], $0x80, s21, s18, $0xb8;
	[tilespmem:$0x1F800] =	vst v63  }
0xb1: {  	_ =	swait.ge [sflag:s28], $0x2800  }
0xb2: {  	s31 =	sadd.s32 $0x1, s31;
	[sflag:s28] =	ssyncset.done $0x0  }
0xb3: {  	p0 =	sne.s32 s31, s12;
	[sflag:s28] =	ssyncadd.s32 $0xFFFFD800  }
.Ltmp2:
0xb4: {  	s15 =	sor.u32 $0x1C08, s5;
	[bflag:$0x0] =	sbarrier.arrive $0xFFFF;
	(pc) =	sbr.rel @p0 .LBB2_1-.Ltmp2, $4  }
0xb5: {  	[hbm:s11], [sflag:s15] =	dma.local [spmem:s13], $0x2800  }
0xb6: {  	_ =	swait.ge [sflag:s30], $0x2800  }
0xb7: {  	[sflag:s30] =	ssyncset.done $0x0  }
0xb8: {  	[sflag:s30] =	ssyncadd.s32 $0xFFFFD800  }
0xb9: {  	_ =	sfence.sel $0x180000  }
0xba: {  	[bflag:$0x0] =	sbarrier.arrive $0xFFFF  }
0xbb: {  	_ =	strace $0x9000004A  }
0xbc: {  	s0 =	stileid.u32;
	[bflag:$0x2] =	sbarrier.arrive $0xFFFF  }
0xbd: {  	p0 =	sne.s32 s0, $0x0;
	s0 =	rddreg [dreg:$0x3]  }
0xbe: {  	s0 =	sadd.s32 @!p0 $0x100000, s0  }
0xbf: {  	[sflag:s0] =	ssyncadd.tile.s32 @!p0 $0x1;
	_ =	shalt  }
.Lfunc_end2:
_tile_overlayer_lowered:
.L_overlay_start_2:
0xc0: {  	(tag) =	ssettag $0x2  }
0xc1: {  	s0 =	rddreg [dreg:$0x0];
	s2 =	stileid.u32  }
0xc2: {  	s1 =	rddreg [dreg:$0x1];
	p0 =	sne.s32 s2, $0x0  }
0xc3: {  	s3 =	rddreg [dreg:$0x2];
	[bflag:$0x3] =	sbarrier.arrive $0xFFFF;
	s2 =	simm.s32 @!p0 $0x1C08  }
0xc4: {  	[timem:s3], [sflag:s2] =	dma.local @!p0 [hbm:s0], s1  }
0xc5: {  	s0 =	simm.s32 @!p0 $0x8  }
0xc6: {  	_ =	swait.ge @!p0 [sflag:s0], s1  }
0xc7: {  	s1 =	ssub.s32 @!p0 $0x0, s1;
	[sflag:s0] =	ssyncset.done @!p0 $0x0  }
0xc8: {  	[sflag:s0] =	ssyncadd.s32 @!p0 s1  }
0xc9: {  	[bflag:$0x3] =	sbarrier.arrive $0xFFFF  }
0xca: {  	_ =	shalt  }

// kernel: kernel.16.cloned.1.call-start
scs
__scs_entry_jumppad:
0x0: {  	(pc) =	sbr.rel $0x88, $3  }
0x1: {  	(tag) =	ssettag $0x0;
	lr =	simm.s32 $0x1  }
0x2: {  	[smem:$0x3F93] =	sst lr;
	_ =	strace $0xD0000000  }
0x3: {  	_ = 	snop  }
0x4: {  	_ = 	snop  }
0x5: {  	_ = 	snop  }
0x6: {  	_ = 	snop  }
0x7: {  	_ = 	snop  }
__scs_overlays_trampoline_lowered:
0x8: {  	[smem:$0x3FA2] =	sst s0  }
0x9: {  	[smem:$0x3FA3] =	sst s1  }
0xa: {  	[smem:$0x3FA4] =	sst s2  }
0xb: {  	[smem:$0x3FA5] =	sst s3  }
0xc: {  	[smem:$0x3FA6] =	sst s4  }
0xd: {  	[smem:$0x3FA7] =	sst s5  }
0xe: {  	[smem:$0x3FA8] =	sst s6  }
0xf: {  	[smem:$0x3FA9] =	sst s7  }
0x10: {  	[smem:$0x3FAA] =	sst s8  }
0x11: {  	[smem:$0x3FAB] =	sst s9;
	s0 =	simm.s32 @!p0 $0x0  }
0x12: {  	s1 =	sld [smem:$0x3F91];
	s0 =	simm.s32 @p0 $0x1  }
0x13: {  	[smem:$0x3FAC] =	sst s0;
	s0 =	simm.s32 @!p1 $0x0  }
0x14: {  	s2 =	sld [smem:$0x3F90];
	s0 =	simm.s32 @p1 $0x1  }
0x15: {  	[smem:$0x3FAD] =	sst s0;
	s0 =	simm.s32 @!p2 $0x0  }
0x16: {  	s3 =	sld [smem:$0x3FDB];
	s0 =	simm.s32 @p2 $0x1  }
0x17: {  	s4 =	simm.s32 $0x1BF5;
	[smem:$0x3FAF] =	sst s0  }
0x18: {  	s0 =	sld [smem:$0x3F92];
	_ =	swait.ge [sflag:s4], $0x0  }
0x19: {  	s7 =	sld [smem:$0x3F93]  }
0x1a: {  	s8 =	sadd.s32 $0xFFFFE003, lr  }
0x1b: {  	s9 =	sadd.s32 $0xFFFFFEF7, lr;
	s5 =	simm.s32 $0xFFFFFFFF;
	p2 =	slt.u32 s8, $0xFFFFF086  }
0x1c: {  	p1 =	slt.u32 s9, $0xF7A;
	s5 =	simm.s32 @!p2 $0x0  }
0x1d: {  	s5 =	simm.s32 @p1 $0x1;
	p0 =	seq.s32 s7, s2  }
0x1e: {  	s7 =	smul.u32 @!p0 $0xF7A, s2;
	p2 =	seq.s32 @!p0 s5, $0x0  }
0x1f: {  	s9 =	smul.u32 $0xF7A, s1;
	s8 =	simm.s32 @!p0 $0x1BF5;
	p2 =	por !p2, p0  }
0x20: {  	[sflag:s8] =	ssyncset.s32 @!p0 $0xFFFFF086;
	s6 =	sadd.s32 @!p0 s3, s7;
	s7 =	simm.s32 @!p0 $0x108  }
0x21: {  	s3 =	sadd.s32 s3, s9;
	s6 =	sadd.s32 @!p0 $0x88, s6;
	s7 =	simm.s32 @p2 $0x1082  }
0x22: {  	[simem:s7], [sflag:s8] =	dma.local @!p0 [hbm:s6], $0xF7A  }
0x23: {  	s9 =	sor.u32 $0xD0000000, s2;
	s6 =	simm.s32 $0x108;
	_ =	swait.ge @!p0 [sflag:s8], $0x0  }
0x24: {  	s3 =	sadd.s32 $0x88, s3;
	s6 =	simm.s32 @!p1 $0x1082;
	[sflag:s4] =	ssyncset.s32 $0xFFFFF086  }
0x25: {  	[simem:s6], [sflag:s4] =	dma.local [hbm:s3], $0xF7A  }
0x26: {  	[smem:$0x3F93] =	sst s1;
	(tag) =	ssettag s2;
	_ =	strace s9  }
0x27: {  	s1 =	sld [smem:$0x3FA3]  }
0x28: {  	s2 =	sld [smem:$0x3FA4]  }
0x29: {  	s4 =	sld [smem:$0x3FA6]  }
0x2a: {  	p0 =	seq.s32 s5, $0x0;
	s5 =	sld [smem:$0x3FA7]  }
0x2b: {  	s6 =	sld [smem:$0x3FA8]  }
0x2c: {  	s7 =	sld [smem:$0x3FA9]  }
0x2d: {  	s3 =	simm.s32 $0x108;
	s8 =	sld [smem:$0x3FAA]  }
0x2e: {  	s3 =	simm.s32 @!p0 $0x1082;
	s9 =	sld [smem:$0x3FAB]  }
0x2f: {  	lr =	sadd.s32 s0, s3;
	s0 =	sld [smem:$0x3FA2]  }
0x30: {  	s3 =	sld [smem:$0x3FA5]  }
0x31: {  	[smem:$0x3FAE] =	sst s10  }
0x32: {  	s10 =	sld [smem:$0x3FAC];
	_ =	sdelay $0x3  }
0x33: {  	p0 =	seq.s32 s10, $0x1;
	s10 =	sld [smem:$0x3FAE];
	_ =	sdelay $0x3  }
0x34: {  	[smem:$0x3FAE] =	sst s10  }
0x35: {  	s10 =	sld [smem:$0x3FAD];
	_ =	sdelay $0x3  }
0x36: {  	p1 =	seq.s32 s10, $0x1;
	s10 =	sld [smem:$0x3FAE];
	_ =	sdelay $0x3  }
0x37: {  	[smem:$0x3FAE] =	sst s10  }
0x38: {  	s10 =	sld [smem:$0x3FAF]  }
0x39: {  	_ = 	snop;
	(pc) =	sbr.ind lr, $3  }
0x3a: {  	_ = 	snop  }
0x3b: {  	_ = 	snop  }
0x3c: {  	p2 =	seq.s32 s10, $0x1;
	s10 =	sld [smem:$0x3FAE]  }
0x3d: {  	_ =	shalt  }
0x3e: {  	_ =	shalt  }
0x3f: {  	_ =	shalt  }
0x40: {  	_ =	shalt  }
0x41: {  	_ =	shalt  }
0x42: {  	_ =	shalt  }
0x43: {  	_ =	shalt  }
0x44: {  	_ =	shalt  }
0x45: {  	_ =	shalt  }
0x46: {  	_ =	shalt  }
0x47: {  	_ =	shalt  }
0x48: {  	_ =	shalt  }
0x49: {  	_ =	shalt  }
0x4a: {  	_ =	shalt  }
0x4b: {  	_ =	shalt  }
0x4c: {  	_ =	shalt  }
0x4d: {  	_ =	shalt  }
0x4e: {  	_ =	shalt  }
0x4f: {  	_ =	shalt  }
0x50: {  	_ =	shalt  }
0x51: {  	_ =	shalt  }
0x52: {  	_ =	shalt  }
0x53: {  	_ =	shalt  }
0x54: {  	_ =	shalt  }
0x55: {  	_ =	shalt  }
0x56: {  	_ =	shalt  }
0x57: {  	_ =	shalt  }
0x58: {  	_ =	shalt  }
0x59: {  	_ =	shalt  }
0x5a: {  	_ =	shalt  }
0x5b: {  	_ =	shalt  }
0x5c: {  	_ =	shalt  }
0x5d: {  	_ =	shalt  }
0x5e: {  	_ =	shalt  }
0x5f: {  	_ =	shalt  }
0x60: {  	_ =	shalt  }
0x61: {  	_ =	shalt  }
0x62: {  	_ =	shalt  }
0x63: {  	_ =	shalt  }
0x64: {  	_ =	shalt  }
0x65: {  	_ =	shalt  }
0x66: {  	_ =	shalt  }
0x67: {  	_ =	shalt  }
0x68: {  	_ =	shalt  }
0x69: {  	_ =	shalt  }
0x6a: {  	_ =	shalt  }
0x6b: {  	_ =	shalt  }
0x6c: {  	_ =	shalt  }
0x6d: {  	_ =	shalt  }
0x6e: {  	_ =	shalt  }
0x6f: {  	_ =	shalt  }
0x70: {  	_ =	shalt  }
0x71: {  	_ =	shalt  }
0x72: {  	_ =	shalt  }
0x73: {  	_ =	shalt  }
0x74: {  	_ =	shalt  }
0x75: {  	_ =	shalt  }
0x76: {  	_ =	shalt  }
0x77: {  	_ =	shalt  }
0x78: {  	_ =	shalt  }
0x79: {  	_ =	shalt  }
0x7a: {  	_ =	shalt  }
0x7b: {  	_ =	shalt  }
0x7c: {  	_ =	shalt  }
0x7d: {  	_ =	shalt  }
0x7e: {  	_ =	shalt  }
0x7f: {  	_ =	shalt  }
0x80: {  	_ =	shalt  }
0x81: {  	_ =	shalt  }
0x82: {  	_ =	shalt  }
0x83: {  	_ =	shalt  }
0x84: {  	_ =	shalt  }
0x85: {  	_ =	shalt  }
0x86: {  	_ =	shalt  }
0x87: {  	_ =	shalt  }
.Lfunc_end0:
.L_simem_size_0:
called_computation.2_lowered:
.L_overlay_start_0:
0x88: {  	s2 =	sld [smem:$0x3FD9]  }
0x89: {  	s3 =	sld [smem:$0x3FFE];
	_ =	sdelay $0x1  }
0x8a: {  	s1 =	srdreg.scid  }
0x8b: {  	s0 =	sand.u32 $0x1, s1  }
0x8c: {  	s17 =	sshll.u32 s0, $0xA;
	s2 =	sadd.s32 s3, s2  }
0x8d: {  	s2 =	sadd.s32 s2, s17  }
0x8e: {  	[smem:$0x3FBA] =	sst s2  }
0x8f: {  	_ = 	snop  }
0x90: {  	s2 =	sld [smem:$0x3FD0];
	(tm) =	ssettm $0x1  }
0x91: {  	s18 =	sld [smem:$0x3FFB];
	_ =	sdelay $0x3  }
0x92: {  	_ =	strace s18  }
0x93: {  	s3 =	sld [smem:$0x3FFC];
	_ =	sdelay $0x3  }
0x94: {  	_ =	strace s3  }
0x95: {  	s3 =	sld [smem:$0x3FFD];
	_ =	sdelay $0x3  }
0x96: {  	_ =	strace s3  }
0x97: {  	_ =	strace $0x8FFFFFFF  }
0x98: {  	s19 =	sld [smem:$0x3FDB];
	_ =	sdelay $0x1  }
0x99: {  	s4 =	simm.s32 $_scs_section_size  }
0x9a: {  	s5 =	simm.s32 $_size__tile_overlayer_lowered;
	s6 =	simm.s32 $_tile_overlayer_lowered  }
0x9b: {  	s22 =	simm.s32 $0x1BFF;
	s21 =	sshll.u32 s6, $0x1;
	s3 =	sadd.s32 s4, s19  }
0x9c: {  	s7 =	simm.s32 $0x0;
	s20 =	sshll.u32 s5, $0x1;
	s5 =	sadd.s32 s21, s3  }
0x9d: {  	[timem:s7], [sflag:s22] =	dma.local [hbm:s5], s20  }
0x9e: {  	_ =	swait.ge [sflag:s22], s20  }
0x9f: {  	s4 =	ssub.s32 $0x0, s20;
	[sflag:s22] =	ssyncset.done $0x0  }
0xa0: {  	[sflag:s22] =	ssyncadd.s32 s4;
	_ =	sdelay $0x1  }
0xa1: {  	s23 =	simm.s32 $0x1B8B  }
0xa2: {  	_ =	swait.ge [sflag:s23], $0x1  }
0xa3: {  	[sflag:s23] =	ssyncset.done $0x0  }
0xa4: {  	s25 =	simm.s32 $0x1B8E;
	s24 =	sld [smem:$0x3FFE];
	[sflag:s23] =	ssyncadd.s32 $0xFFFFFFFF  }
0xa5: {  	s26 =	simm.s32 $execute0_lowered;
	[smem:$0x3FD2] =	sst s25  }
0xa6: {  	s5 =	sshll.u32 s26, $0x1;
	_ =	strace $0x8000004C;
	[dreg:$0x1] =	wrdreg $0xFFFFFFFF  }
0xa7: {  	s28 =	simm.s32 $_size_execute0_lowered;
	s3 =	sadd.s32 s3, s5;
	[dreg:$0x0] =	wrdreg $0x0  }
0xa8: {  	s5 =	sshll.u32 s28, $0x1;
	[dreg:$0x2] =	wrdreg s3  }
0xa9: {  	[dreg:$0x3] =	wrdreg s5  }
0xaa: {  	[dreg:$0x4] =	wrdreg $0xC0  }
0xab: {  	_ =	task [dreg:s7], $0x5FFFF  }
0xac: {  	[dreg:$0x1] =	wrdreg $0xFFFFFFFF  }
0xad: {  	[dreg:$0x0] =	wrdreg $0x60  }
0xae: {  	[dreg:$0x2] =	wrdreg s2  }
0xaf: {  	[dreg:$0x3] =	wrdreg s24  }
0xb0: {  	[dreg:$0x4] =	wrdreg $0xBF800  }
0xb1: {  	[dreg:$0x5] =	wrdreg $0x9  }
0xb2: {  	_ =	task.clear_ibuf [dreg:s7], $0x6FFFF;
	_ =	strace $0x9000004C  }
0xb3: {  	s29 =	simm.s32 $0x9;
	_ =	strace $0x8000004E  }
0xb4: {  	_ =	swait.ge [sflag:s29], $0x1  }
0xb5: {  	[sflag:s29] =	ssyncadd.s32 $0xFFFFFFFF  }
0xb6: {  	_ =	strace $0x9000004E  }
0xb7: {  	_ =	sfence  }
0xb8: {  	s30 =	sld [smem:$0x0];
	_ =	sdelay $0x2  }
0xb9: {  	s31 =	sshll.u32 s1, $0xD;
	s1 =	sshrl.u32 s1, $0x2  }
0xba: {  	s3 =	sand.u32 $0x4000, s31;
	s1 =	sadd.s32 s1, s30  }
0xbb: {  	s0 =	sor.u32 s3, s0;
	s1 =	sshll.u32 s1, $0x11  }
0xbc: {  	s0 =	sor.u32 s1, s0  }
0xbd: {  	s0 =	sadd.s32 $0x8F2B, s0  }
0xbe: {  	[sflag:s0] =	ssyncadd.remote.s32 $0x1  }
0xbf: {  	_ =	sfence.sel $0xFFFF  }
0xc0: {  	[dreg:$0x0] =	wrdreg $0xFFFFFFFF;
	(pc) =	sbr.abs _section_cstart, $3  }
0xc1: {  	[dreg:$0x1] =	wrdreg $0xFFFFFFFF  }
0xc2: {  	_ =	task.clear_ibuf [dreg:s7], $0x2FFFF;
	_ =	strace $0x9FFFFFFF  }
0xc3: {  	(tm) =	ssettm $0x7FFFFFFF  }
tec
execute0_lowered:
.L_overlay_start_1:
0x0: {  	(tag) =	ssettag $0x1  }
0x1: {  	s1 =	rddreg [dreg:$0x0]  }
0x2: {  	s0 =	srdreg.scid;
	s5 =	rddreg [dreg:$0x1]  }
0x3: {  	s10 =	stileid.u32;
	s3 =	rddreg [dreg:$0x2];
	s16 =	simm.s32 $0x2780  }
0x4: {  	s17 =	simm.s32 $0x1;
	s18 =	simm.s32 $0x50;
	s19 =	simm.s32 $0x4780  }
0x5: {  	s20 =	simm.s32 $0x6F80;
	s28 =	simm.s32 $0x5;
	s29 =	simm.s32 $0x6  }
0x6: {  	s30 =	simm.s32 $0x8;
	s0 =	sand.u32 $0x1, s0;
	s22 =	smul.u32 $0x2700, s10  }
0x7: {  	s2 =	sshll.u32 s10, $0x1;
	s4 =	sshrl.u32 s10, $0x2;
	s24 =	smul.u32 $0x4E000, s10  }
0x8: {  	s31 =	simm.s32 $0x0;
	s2 =	sor.u32 s0, s2;
	s6 =	smul.u32 $0x13C00, s4  }
0x9: {  	s4 =	simm.s32 $0x0;
	s8 =	smul.u32 $0x27100, s0;
	s0 =	ssub.s32 $0x2, s0  }
0xa: {  	s21 =	sshll.u32 s2, $0x7;
	[smem:$0x7FF] =	sst s4;
	s2 =	sshll.u32 s2, $0xB  }
0xb: {  	s25 =	sshrl.u32 s0, $0x1;
	s26 =	sshrl.u32 s24, $0x2;
	s24 =	simm.s32 $0x2  }
0xc: {  	s7 =	sand.u32 $0x380, s21;
	_ =	strace $0x8000004D;
	s23 =	sadd.s32 s22, s8  }
0xd: {  	s2 =	sadd.s32 s2, s5;
	s0 =	ssub.s32 s0, s25;
	s13 =	sadd.s32 s26, s3  }
0xe: {  	s25 =	simm.s32 $0x3;
	s26 =	simm.s32 $0x4;
	s21 =	simm.s32 $0x4580  }
0xf: {  	s6 =	sor.u32 s6, s7;
	s11 =	sadd.s32 s23, s5;
	s12 =	smax.u32 s0, $0x1  }
0x10: {  	s13 =	sshrl.u32 s13, $0x3;
	s23 =	simm.s32 $0x7;
	s6 =	sshrl.u32 s6, $0x3  }
0x11: {  	s11 =	sadd.s32 $0x1E600, s11;
	s9 =	sadd.s32 s6, s5;
	s5 =	sshll.u32 s10, $0x6  }
0x12: {  	s6 =	sadd.s32 s1, s22;
	s10 =	sadd.s32 $0xEA00, s2;
	s22 =	simm.s32 $0x9780  }
0x13: {  	s7 =	sor.u32 $0x1C07, s5;
	s8 =	sadd.s32 $0x4800, s9;
	s9 =	sadd.s32 $0xE600, s2  }
.LBB2_1:
0x14: {  	[spmem:s13], [sflag:s7] =	dma.local [hbm:s6], $0x2800  }
0x15: {  	s0 =	simm.s32 $0x80;
	s2 =	simm.s32 $0x400  }
0x16: {  	[tilespmem:s4], [sflag:$0x1] =	stream.strided.gather [hbm4b:s8+s0], $0x2780, s2, s0, $0x38;
	[tilespmem:$0x1F800] =	vst v63  }
0x17: {  	_ = 	snop  }
0x18: {  	[tilespmem:s16], [sflag:$0x7] =	stream.linear.gather [hbm4b:s9+s4], $0x2000, $0x38;
	[tilespmem:$0x1F800] =	vst v63  }
0x19: {  	_ =	swait.ge [sflag:s17], $0x2780  }
0x1a: {  	[sflag:s17] =	ssyncset.done $0x0  }
0x1b: {  	[sflag:s17] =	ssyncadd.s32 $0xFFFFD880  }
0x1c: {  	[tilespmem:s19], [sflag:$0x1] =	stream.indirect.gather [hbm4b:s1+s18], $0x80, s4, s18, $0xb8;
	[tilespmem:$0x1F800] =	vst v63  }
0x1d: {  	_ = 	snop  }
0x1e: {  	[tilespmem:s20], [sflag:$0x2] =	stream.indirect.gather [hbm4b:s1+s18], $0x80, s18, s18, $0xb8;
	[tilespmem:$0x1F800] =	vst v63  }
0x1f: {  	s2 =	simm.s32 $0xA0  }
0x20: {  	[tilespmem:s22], [sflag:$0x3] =	stream.indirect.gather [hbm4b:s1+s18], $0x80, s2, s18, $0xb8;
	[tilespmem:$0x1F800] =	vst v63  }
0x21: {  	_ =	swait.ge [sflag:s23], $0x2000  }
0x22: {  	[sflag:s23] =	ssyncset.done $0x0  }
0x23: {  	[sflag:s23] =	ssyncadd.s32 $0xFFFFE000  }
0x24: {  	_ =	swait.ge [sflag:s23], $0x2800  }
0x25: {  	[sflag:s23] =	ssyncset.done $0x0  }
0x26: {  	[sflag:s23] =	ssyncadd.s32 $0xFFFFD800  }
0x27: {  	[bflag:$0x0] =	sbarrier.arrive $0xFFFF  }
0x28: {  	_ =	swait.ge [sflag:s17], $0x2800  }
0x29: {  	[sflag:s17] =	ssyncset.done $0x0  }
0x2a: {  	s14 =	simm.s32 $0x2780;
	[sflag:s17] =	ssyncadd.s32 $0xFFFFD800  }
0x2b: {  	[spmem:s3] =	stream.indirect.scatter.add.f32 [tilespmem:s19], [sflag:$0x4], $0x80, s14, s18, $0xb8;
	[tilespmem:$0x1F800] =	vst v63  }
0x2c: {  	_ =	swait.ge [sflag:s24], $0x2800  }
0x2d: {  	[sflag:s24] =	ssyncset.done $0x0  }
0x2e: {  	s15 =	simm.s32 $0x2800;
	[sflag:s24] =	ssyncadd.s32 $0xFFFFD800  }
0x2f: {  	[spmem:s3] =	stream.indirect.scatter.add.f32 [tilespmem:s20], [sflag:$0x5], $0x80, s15, s18, $0xb8;
	[tilespmem:$0x1F800] =	vst v63  }
0x30: {  	_ =	swait.ge [sflag:s25], $0x2800  }
0x31: {  	[sflag:s25] =	ssyncset.done $0x0  }
0x32: {  	s2 =	simm.s32 $0x2880;
	[sflag:s25] =	ssyncadd.s32 $0xFFFFD800  }
0x33: {  	[spmem:s3] =	stream.indirect.scatter.add.f32 [tilespmem:s22], [sflag:$0x6], $0x80, s2, s18, $0xb8;
	[tilespmem:$0x1F800] =	vst v63  }
0x34: {  	_ =	swait.ge [sflag:s26], $0x2800  }
0x35: {  	[sflag:s26] =	ssyncset.done $0x0  }
0x36: {  	s14 =	simm.s32 $0xF0;
	[sflag:s26] =	ssyncadd.s32 $0xFFFFD800  }
0x37: {  	[tilespmem:s19], [sflag:$0x1] =	stream.indirect.gather [hbm4b:s1+s18], $0x80, s14, s18, $0xb8;
	[tilespmem:$0x1F800] =	vst v63  }
0x38: {  	_ =	swait.ge [sflag:s28], $0x2800  }
0x39: {  	[sflag:s28] =	ssyncset.done $0x0  }
0x3a: {  	s15 =	simm.s32 $0x140;
	[sflag:s28] =	ssyncadd.s32 $0xFFFFD800  }
0x3b: {  	[tilespmem:s20], [sflag:$0x2] =	stream.indirect.gather [hbm4b:s1+s18], $0x80, s15, s18, $0xb8;
	[tilespmem:$0x1F800] =	vst v63  }
0x3c: {  	_ =	swait.ge [sflag:s29], $0x2800  }
0x3d: {  	s0 =	simm.s32 $0x2A00;
	[sflag:s29] =	ssyncset.done $0x0  }
0x3e: {  	s2 =	simm.s32 $0x3C0;
	s14 =	simm.s32 $0x190;
	[sflag:s29] =	ssyncadd.s32 $0xFFFFD800  }
.LBB2_2:
0x3f: {  	[tilespmem:s22], [sflag:$0x3] =	stream.indirect.gather [hbm4b:s1+s18], $0x80, s14, s18, $0xb8;
	[tilespmem:$0x1F800] =	vst v63  }
0x40: {  	s14 =	smov.u32 s2  }
0x41: {  	p0 =	sne.s32 s2, $0x4B00;
	s2 =	sadd.s32 $0x3C0, s2;
	_ =	swait.ge [sflag:s17], $0x2800  }
0x42: {  	[sflag:s17] =	ssyncset.done $0x0  }
0x43: {  	s15 =	sadd.s32 $0xFFFFFF00, s0;
	[sflag:s17] =	ssyncadd.s32 $0xFFFFD800  }
0x44: {  	[spmem:s3] =	stream.indirect.scatter.add.f32 [tilespmem:s19], [sflag:$0x4], $0x80, s15, s18, $0xb8;
	[tilespmem:$0x1F800] =	vst v63  }
0x45: {  	_ =	swait.ge [sflag:s24], $0x2800  }
0x46: {  	[sflag:s24] =	ssyncset.done $0x0  }
0x47: {  	s15 =	sadd.s32 $0xFFFFFF80, s0;
	[sflag:s24] =	ssyncadd.s32 $0xFFFFD800  }
0x48: {  	[spmem:s3] =	stream.indirect.scatter.add.f32 [tilespmem:s20], [sflag:$0x5], $0x80, s15, s18, $0xb8;
	[tilespmem:$0x1F800] =	vst v63  }
0x49: {  	_ =	swait.ge [sflag:s25], $0x2800  }
0x4a: {  	[sflag:s25] =	ssyncset.done $0x0  }
0x4b: {  	[sflag:s25] =	ssyncadd.s32 $0xFFFFD800  }
0x4c: {  	[spmem:s3] =	stream.indirect.scatter.add.f32 [tilespmem:s22], [sflag:$0x6], $0x80, s0, s18, $0xb8;
	[tilespmem:$0x1F800] =	vst v63  }
0x4d: {  	_ =	swait.ge [sflag:s26], $0x2800  }
0x4e: {  	s14 =	sshra.s32 s14, $0x2;
	[sflag:s26] =	ssyncset.done $0x0  }
0x4f: {  	s15 =	sadd.s32 $0xF0, s14;
	[sflag:s26] =	ssyncadd.s32 $0xFFFFD800  }
0x50: {  	[tilespmem:s19], [sflag:$0x1] =	stream.indirect.gather [hbm4b:s1+s18], $0x80, s15, s18, $0xb8;
	[tilespmem:$0x1F800] =	vst v63  }
0x51: {  	_ =	swait.ge [sflag:s28], $0x2800  }
0x52: {  	[sflag:s28] =	ssyncset.done $0x0  }
.Ltmp0:
0x53: {  	s15 =	sadd.s32 $0x140, s14;
	[sflag:s28] =	ssyncadd.s32 $0xFFFFD800;
	(pc) =	sbr.rel @p0 .LBB2_2-.Ltmp0, $4  }
0x54: {  	[tilespmem:s20], [sflag:$0x2] =	stream.indirect.gather [hbm4b:s1+s18], $0x80, s15, s18, $0xb8;
	[tilespmem:$0x1F800] =	vst v63  }
0x55: {  	_ =	swait.ge [sflag:s29], $0x2800  }
0x56: {  	[sflag:s29] =	ssyncset.done $0x0  }
0x57: {  	s0 =	sadd.s32 $0x180, s0;
	s14 =	sadd.s32 $0x190, s14;
	[sflag:s29] =	ssyncadd.s32 $0xFFFFD800  }
0x58: {  	[tilespmem:s22], [sflag:$0x3] =	stream.indirect.gather [hbm4b:s1+s18], $0x80, s14, s18, $0xb8;
	[tilespmem:$0x1F800] =	vst v63  }
0x59: {  	_ =	swait.ge [sflag:s17], $0x2800  }
0x5a: {  	[sflag:s17] =	ssyncset.done $0x0  }
0x5b: {  	s0 =	simm.s32 $0x4700;
	[sflag:s17] =	ssyncadd.s32 $0xFFFFD800  }
0x5c: {  	[spmem:s3] =	stream.indirect.scatter.add.f32 [tilespmem:s19], [sflag:$0x4], $0x80, s0, s18, $0xb8;
	[tilespmem:$0x1F800] =	vst v63  }
0x5d: {  	_ =	swait.ge [sflag:s26], $0x2800  }
0x5e: {  	[sflag:s26] =	ssyncset.done $0x0  }
0x5f: {  	s15 =	simm.s32 $0x0;
	[sflag:s26] =	ssyncadd.s32 $0xFFFFD800  }
0x60: {  	[tilespmem:s16], [sflag:$0x7] =	stream.linear.gather [hbm4b:s10+s15], $0x2000, $0x38;
	[tilespmem:$0x1F800] =	vst v63  }
0x61: {  	s2 =	simm.s32 $0x14A0  }
0x62: {  	[tilespmem:s19], [sflag:$0x1] =	stream.indirect.gather [hbm4b:s1+s18], $0x80, s2, s18, $0xb8;
	[tilespmem:$0x1F800] =	vst v63  }
0x63: {  	_ =	swait.ge [sflag:s23], $0x2000  }
0x64: {  	[sflag:s23] =	ssyncset.done $0x0  }
0x65: {  	[sflag:s23] =	ssyncadd.s32 $0xFFFFE000  }
0x66: {  	_ =	swait.ge [sflag:s24], $0x2800  }
0x67: {  	[sflag:s24] =	ssyncset.done $0x0  }
0x68: {  	s14 =	simm.s32 $0x2780;
	[sflag:s24] =	ssyncadd.s32 $0xFFFFD800  }
0x69: {  	[spmem:s3] =	stream.indirect.scatter.add.f32 [tilespmem:s20], [sflag:$0x5], $0x80, s14, s18, $0xb8;
	[tilespmem:$0x1F800] =	vst v63  }
0x6a: {  	_ =	swait.ge [sflag:s25], $0x2800  }
0x6b: {  	[sflag:s25] =	ssyncset.done $0x0  }
0x6c: {  	s15 =	simm.s32 $0x2800;
	[sflag:s25] =	ssyncadd.s32 $0xFFFFD800  }
0x6d: {  	[spmem:s3] =	stream.indirect.scatter.add.f32 [tilespmem:s22], [sflag:$0x6], $0x80, s15, s18, $0xb8;
	[tilespmem:$0x1F800] =	vst v63  }
0x6e: {  	_ =	swait.ge [sflag:s17], $0x2800  }
0x6f: {  	[sflag:s17] =	ssyncset.done $0x0  }
0x70: {  	s2 =	simm.s32 $0x2880;
	[sflag:s17] =	ssyncadd.s32 $0xFFFFD800  }
0x71: {  	[spmem:s3] =	stream.indirect.scatter.add.f32 [tilespmem:s19], [sflag:$0x4], $0x80, s2, s18, $0xb8;
	[tilespmem:$0x1F800] =	vst v63  }
0x72: {  	_ =	swait.ge [sflag:s28], $0x2800  }
0x73: {  	[sflag:s28] =	ssyncset.done $0x0  }
0x74: {  	s14 =	simm.s32 $0x14F0;
	[sflag:s28] =	ssyncadd.s32 $0xFFFFD800  }
0x75: {  	[tilespmem:s20], [sflag:$0x2] =	stream.indirect.gather [hbm4b:s1+s18], $0x80, s14, s18, $0xb8;
	[tilespmem:$0x1F800] =	vst v63  }
0x76: {  	_ =	swait.ge [sflag:s29], $0x2800  }
0x77: {  	[sflag:s29] =	ssyncset.done $0x0  }
0x78: {  	s15 =	simm.s32 $0x1540;
	[sflag:s29] =	ssyncadd.s32 $0xFFFFD800  }
0x79: {  	[tilespmem:s22], [sflag:$0x3] =	stream.indirect.gather [hbm4b:s1+s18], $0x80, s15, s18, $0xb8;
	[tilespmem:$0x1F800] =	vst v63  }
0x7a: {  	_ =	swait.ge [sflag:s26], $0x2800  }
0x7b: {  	s0 =	simm.s32 $0x2A00;
	[sflag:s26] =	ssyncset.done $0x0  }
0x7c: {  	s2 =	simm.s32 $0x3C0;
	s14 =	simm.s32 $0x1590;
	[sflag:s26] =	ssyncadd.s32 $0xFFFFD800  }
.LBB2_4:
0x7d: {  	[tilespmem:s19], [sflag:$0x1] =	stream.indirect.gather [hbm4b:s1+s18], $0x80, s14, s18, $0xb8;
	[tilespmem:$0x1F800] =	vst v63  }
0x7e: {  	s14 =	smov.u32 s2  }
0x7f: {  	p0 =	sne.s32 s2, $0x4380;
	s2 =	sadd.s32 $0x3C0, s2;
	_ =	swait.ge [sflag:s24], $0x2800  }
0x80: {  	[sflag:s24] =	ssyncset.done $0x0  }
0x81: {  	s15 =	sadd.s32 $0xFFFFFF00, s0;
	[sflag:s24] =	ssyncadd.s32 $0xFFFFD800  }
0x82: {  	[spmem:s3] =	stream.indirect.scatter.add.f32 [tilespmem:s20], [sflag:$0x5], $0x80, s15, s18, $0xb8;
	[tilespmem:$0x1F800] =	vst v63  }
0x83: {  	_ =	swait.ge [sflag:s25], $0x2800  }
0x84: {  	[sflag:s25] =	ssyncset.done $0x0  }
0x85: {  	s15 =	sadd.s32 $0xFFFFFF80, s0;
	[sflag:s25] =	ssyncadd.s32 $0xFFFFD800  }
0x86: {  	[spmem:s3] =	stream.indirect.scatter.add.f32 [tilespmem:s22], [sflag:$0x6], $0x80, s15, s18, $0xb8;
	[tilespmem:$0x1F800] =	vst v63  }
0x87: {  	_ =	swait.ge [sflag:s17], $0x2800  }
0x88: {  	[sflag:s17] =	ssyncset.done $0x0  }
0x89: {  	[sflag:s17] =	ssyncadd.s32 $0xFFFFD800  }
0x8a: {  	[spmem:s3] =	stream.indirect.scatter.add.f32 [tilespmem:s19], [sflag:$0x4], $0x80, s0, s18, $0xb8;
	[tilespmem:$0x1F800] =	vst v63  }
0x8b: {  	_ =	swait.ge [sflag:s28], $0x2800  }
0x8c: {  	s14 =	sshra.s32 s14, $0x2;
	[sflag:s28] =	ssyncset.done $0x0  }
0x8d: {  	s15 =	sadd.s32 $0x14F0, s14;
	[sflag:s28] =	ssyncadd.s32 $0xFFFFD800  }
0x8e: {  	[tilespmem:s20], [sflag:$0x2] =	stream.indirect.gather [hbm4b:s1+s18], $0x80, s15, s18, $0xb8;
	[tilespmem:$0x1F800] =	vst v63  }
0x8f: {  	_ =	swait.ge [sflag:s29], $0x2800  }
0x90: {  	[sflag:s29] =	ssyncset.done $0x0  }
.Ltmp1:
0x91: {  	s15 =	sadd.s32 $0x1540, s14;
	[sflag:s29] =	ssyncadd.s32 $0xFFFFD800;
	(pc) =	sbr.rel @p0 .LBB2_4-.Ltmp1, $4  }
0x92: {  	[tilespmem:s22], [sflag:$0x3] =	stream.indirect.gather [hbm4b:s1+s18], $0x80, s15, s18, $0xb8;
	[tilespmem:$0x1F800] =	vst v63  }
0x93: {  	_ =	swait.ge [sflag:s26], $0x2800  }
0x94: {  	[sflag:s26] =	ssyncset.done $0x0  }
0x95: {  	s0 =	sadd.s32 $0x180, s0;
	s14 =	sadd.s32 $0x1590, s14;
	[sflag:s26] =	ssyncadd.s32 $0xFFFFD800  }
0x96: {  	[tilespmem:s19], [sflag:$0x1] =	stream.indirect.gather [hbm4b:s1+s18], $0x80, s14, s18, $0xb8;
	[tilespmem:$0x1F800] =	vst v63  }
0x97: {  	_ =	swait.ge [sflag:s24], $0x2800  }
0x98: {  	[sflag:s24] =	ssyncset.done $0x0  }
0x99: {  	s0 =	simm.s32 $0x4400;
	[sflag:s24] =	ssyncadd.s32 $0xFFFFD800  }
0x9a: {  	[spmem:s3] =	stream.indirect.scatter.add.f32 [tilespmem:s20], [sflag:$0x5], $0x80, s0, s18, $0xb8;
	[tilespmem:$0x1F800] =	vst v63  }
0x9b: {  	_ =	swait.ge [sflag:s25], $0x2800  }
0x9c: {  	[sflag:s25] =	ssyncset.done $0x0  }
0x9d: {  	s15 =	simm.s32 $0x4480;
	[sflag:s25] =	ssyncadd.s32 $0xFFFFD800  }
0x9e: {  	[spmem:s3] =	stream.indirect.scatter.add.f32 [tilespmem:s22], [sflag:$0x6], $0x80, s15, s18, $0xb8;
	[tilespmem:$0x1F800] =	vst v63  }
0x9f: {  	_ =	swait.ge [sflag:s17], $0x2800  }
0xa0: {  	[sflag:s17] =	ssyncset.done $0x0  }
0xa1: {  	s2 =	simm.s32 $0x4500;
	[sflag:s17] =	ssyncadd.s32 $0xFFFFD800  }
0xa2: {  	[spmem:s3] =	stream.indirect.scatter.add.f32 [tilespmem:s19], [sflag:$0x4], $0x80, s2, s18, $0xb8;
	[tilespmem:$0x1F800] =	vst v63  }
0xa3: {  	_ =	swait.ge [sflag:s28], $0x2800  }
0xa4: {  	[sflag:s28] =	ssyncset.done $0x0  }
0xa5: {  	s14 =	simm.s32 $0x26C0;
	[sflag:s28] =	ssyncadd.s32 $0xFFFFD800  }
0xa6: {  	[tilespmem:s20], [sflag:$0x2] =	stream.indirect.gather [hbm4b:s1+s18], $0x80, s14, s18, $0xb8;
	[tilespmem:$0x1F800] =	vst v63  }
0xa7: {  	_ =	swait.ge [sflag:s29], $0x2800  }
0xa8: {  	[sflag:s29] =	ssyncset.done $0x0  }
0xa9: {  	[sflag:s29] =	ssyncadd.s32 $0xFFFFD800  }
0xaa: {  	_ =	swait.ge [sflag:s26], $0x2800  }
0xab: {  	[sflag:s26] =	ssyncset.done $0x0  }
0xac: {  	[sflag:s26] =	ssyncadd.s32 $0xFFFFD800  }
0xad: {  	_ =	swait.ge [sflag:s24], $0x2800  }
0xae: {  	[sflag:s24] =	ssyncset.done $0x0  }
0xaf: {  	[sflag:s24] =	ssyncadd.s32 $0xFFFFD800  }
0xb0: {  	[spmem:s3] =	stream.indirect.scatter.add.f32 [tilespmem:s20], [sflag:$0x5], $0x80, s21, s18, $0xb8;
	[tilespmem:$0x1F800] =	vst v63  }
0xb1: {  	_ =	swait.ge [sflag:s28], $0x2800  }
0xb2: {  	s31 =	sadd.s32 $0x1, s31;
	[sflag:s28] =	ssyncset.done $0x0  }
0xb3: {  	p0 =	sne.s32 s31, s12;
	[sflag:s28] =	ssyncadd.s32 $0xFFFFD800  }
.Ltmp2:
0xb4: {  	s15 =	sor.u32 $0x1C08, s5;
	[bflag:$0x0] =	sbarrier.arrive $0xFFFF;
	(pc) =	sbr.rel @p0 .LBB2_1-.Ltmp2, $4  }
0xb5: {  	[hbm:s11], [sflag:s15] =	dma.local [spmem:s13], $0x2800  }
0xb6: {  	_ =	swait.ge [sflag:s30], $0x2800  }
0xb7: {  	[sflag:s30] =	ssyncset.done $0x0  }
0xb8: {  	[sflag:s30] =	ssyncadd.s32 $0xFFFFD800  }
0xb9: {  	_ =	sfence.sel $0x180000  }
0xba: {  	[bflag:$0x0] =	sbarrier.arrive $0xFFFF  }
0xbb: {  	_ =	strace $0x9000004D  }
0xbc: {  	s0 =	stileid.u32;
	[bflag:$0x2] =	sbarrier.arrive $0xFFFF  }
0xbd: {  	p0 =	sne.s32 s0, $0x0;
	s0 =	rddreg [dreg:$0x3]  }
0xbe: {  	s0 =	sadd.s32 @!p0 $0x100000, s0  }
0xbf: {  	[sflag:s0] =	ssyncadd.tile.s32 @!p0 $0x1;
	_ =	shalt  }
.Lfunc_end2:
_tile_overlayer_lowered:
.L_overlay_start_2:
0xc0: {  	(tag) =	ssettag $0x2  }
0xc1: {  	s0 =	rddreg [dreg:$0x0];
	s2 =	stileid.u32  }
0xc2: {  	s1 =	rddreg [dreg:$0x1];
	p0 =	sne.s32 s2, $0x0  }
0xc3: {  	s3 =	rddreg [dreg:$0x2];
	[bflag:$0x3] =	sbarrier.arrive $0xFFFF;
	s2 =	simm.s32 @!p0 $0x1C08  }
0xc4: {  	[timem:s3], [sflag:s2] =	dma.local @!p0 [hbm:s0], s1  }
0xc5: {  	s0 =	simm.s32 @!p0 $0x8  }
0xc6: {  	_ =	swait.ge @!p0 [sflag:s0], s1  }
0xc7: {  	s1 =	ssub.s32 @!p0 $0x0, s1;
	[sflag:s0] =	ssyncset.done @!p0 $0x0  }
0xc8: {  	[sflag:s0] =	ssyncadd.s32 @!p0 s1  }
0xc9: {  	[bflag:$0x3] =	sbarrier.arrive $0xFFFF  }
0xca: {  	_ =	shalt  }

// kernel: kernel.19.cloned.1.call-start
scs
__scs_entry_jumppad:
0x0: {  	(pc) =	sbr.rel $0x88, $3  }
0x1: {  	(tag) =	ssettag $0x0;
	lr =	simm.s32 $0x1  }
0x2: {  	[smem:$0x3F93] =	sst lr;
	_ =	strace $0xD0000000  }
0x3: {  	_ = 	snop  }
0x4: {  	_ = 	snop  }
0x5: {  	_ = 	snop  }
0x6: {  	_ = 	snop  }
0x7: {  	_ = 	snop  }
__scs_overlays_trampoline_lowered:
0x8: {  	[smem:$0x3FA2] =	sst s0  }
0x9: {  	[smem:$0x3FA3] =	sst s1  }
0xa: {  	[smem:$0x3FA4] =	sst s2  }
0xb: {  	[smem:$0x3FA5] =	sst s3  }
0xc: {  	[smem:$0x3FA6] =	sst s4  }
0xd: {  	[smem:$0x3FA7] =	sst s5  }
0xe: {  	[smem:$0x3FA8] =	sst s6  }
0xf: {  	[smem:$0x3FA9] =	sst s7  }
0x10: {  	[smem:$0x3FAA] =	sst s8  }
0x11: {  	[smem:$0x3FAB] =	sst s9;
	s0 =	simm.s32 @!p0 $0x0  }
0x12: {  	s1 =	sld [smem:$0x3F91];
	s0 =	simm.s32 @p0 $0x1  }
0x13: {  	[smem:$0x3FAC] =	sst s0;
	s0 =	simm.s32 @!p1 $0x0  }
0x14: {  	s2 =	sld [smem:$0x3F90];
	s0 =	simm.s32 @p1 $0x1  }
0x15: {  	[smem:$0x3FAD] =	sst s0;
	s0 =	simm.s32 @!p2 $0x0  }
0x16: {  	s3 =	sld [smem:$0x3FDB];
	s0 =	simm.s32 @p2 $0x1  }
0x17: {  	s4 =	simm.s32 $0x1BF5;
	[smem:$0x3FAF] =	sst s0  }
0x18: {  	s0 =	sld [smem:$0x3F92];
	_ =	swait.ge [sflag:s4], $0x0  }
0x19: {  	s7 =	sld [smem:$0x3F93]  }
0x1a: {  	s8 =	sadd.s32 $0xFFFFE003, lr  }
0x1b: {  	s9 =	sadd.s32 $0xFFFFFEF7, lr;
	s5 =	simm.s32 $0xFFFFFFFF;
	p2 =	slt.u32 s8, $0xFFFFF086  }
0x1c: {  	p1 =	slt.u32 s9, $0xF7A;
	s5 =	simm.s32 @!p2 $0x0  }
0x1d: {  	s5 =	simm.s32 @p1 $0x1;
	p0 =	seq.s32 s7, s2  }
0x1e: {  	s7 =	smul.u32 @!p0 $0xF7A, s2;
	p2 =	seq.s32 @!p0 s5, $0x0  }
0x1f: {  	s9 =	smul.u32 $0xF7A, s1;
	s8 =	simm.s32 @!p0 $0x1BF5;
	p2 =	por !p2, p0  }
0x20: {  	[sflag:s8] =	ssyncset.s32 @!p0 $0xFFFFF086;
	s6 =	sadd.s32 @!p0 s3, s7;
	s7 =	simm.s32 @!p0 $0x108  }
0x21: {  	s3 =	sadd.s32 s3, s9;
	s6 =	sadd.s32 @!p0 $0x88, s6;
	s7 =	simm.s32 @p2 $0x1082  }
0x22: {  	[simem:s7], [sflag:s8] =	dma.local @!p0 [hbm:s6], $0xF7A  }
0x23: {  	s9 =	sor.u32 $0xD0000000, s2;
	s6 =	simm.s32 $0x108;
	_ =	swait.ge @!p0 [sflag:s8], $0x0  }
0x24: {  	s3 =	sadd.s32 $0x88, s3;
	s6 =	simm.s32 @!p1 $0x1082;
	[sflag:s4] =	ssyncset.s32 $0xFFFFF086  }
0x25: {  	[simem:s6], [sflag:s4] =	dma.local [hbm:s3], $0xF7A  }
0x26: {  	[smem:$0x3F93] =	sst s1;
	(tag) =	ssettag s2;
	_ =	strace s9  }
0x27: {  	s1 =	sld [smem:$0x3FA3]  }
0x28: {  	s2 =	sld [smem:$0x3FA4]  }
0x29: {  	s4 =	sld [smem:$0x3FA6]  }
0x2a: {  	p0 =	seq.s32 s5, $0x0;
	s5 =	sld [smem:$0x3FA7]  }
0x2b: {  	s6 =	sld [smem:$0x3FA8]  }
0x2c: {  	s7 =	sld [smem:$0x3FA9]  }
0x2d: {  	s3 =	simm.s32 $0x108;
	s8 =	sld [smem:$0x3FAA]  }
0x2e: {  	s3 =	simm.s32 @!p0 $0x1082;
	s9 =	sld [smem:$0x3FAB]  }
0x2f: {  	lr =	sadd.s32 s0, s3;
	s0 =	sld [smem:$0x3FA2]  }
0x30: {  	s3 =	sld [smem:$0x3FA5]  }
0x31: {  	[smem:$0x3FAE] =	sst s10  }
0x32: {  	s10 =	sld [smem:$0x3FAC];
	_ =	sdelay $0x3  }
0x33: {  	p0 =	seq.s32 s10, $0x1;
	s10 =	sld [smem:$0x3FAE];
	_ =	sdelay $0x3  }
0x34: {  	[smem:$0x3FAE] =	sst s10  }
0x35: {  	s10 =	sld [smem:$0x3FAD];
	_ =	sdelay $0x3  }
0x36: {  	p1 =	seq.s32 s10, $0x1;
	s10 =	sld [smem:$0x3FAE];
	_ =	sdelay $0x3  }
0x37: {  	[smem:$0x3FAE] =	sst s10  }
0x38: {  	s10 =	sld [smem:$0x3FAF]  }
0x39: {  	_ = 	snop;
	(pc) =	sbr.ind lr, $3  }
0x3a: {  	_ = 	snop  }
0x3b: {  	_ = 	snop  }
0x3c: {  	p2 =	seq.s32 s10, $0x1;
	s10 =	sld [smem:$0x3FAE]  }
0x3d: {  	_ =	shalt  }
0x3e: {  	_ =	shalt  }
0x3f: {  	_ =	shalt  }
0x40: {  	_ =	shalt  }
0x41: {  	_ =	shalt  }
0x42: {  	_ =	shalt  }
0x43: {  	_ =	shalt  }
0x44: {  	_ =	shalt  }
0x45: {  	_ =	shalt  }
0x46: {  	_ =	shalt  }
0x47: {  	_ =	shalt  }
0x48: {  	_ =	shalt  }
0x49: {  	_ =	shalt  }
0x4a: {  	_ =	shalt  }
0x4b: {  	_ =	shalt  }
0x4c: {  	_ =	shalt  }
0x4d: {  	_ =	shalt  }
0x4e: {  	_ =	shalt  }
0x4f: {  	_ =	shalt  }
0x50: {  	_ =	shalt  }
0x51: {  	_ =	shalt  }
0x52: {  	_ =	shalt  }
0x53: {  	_ =	shalt  }
0x54: {  	_ =	shalt  }
0x55: {  	_ =	shalt  }
0x56: {  	_ =	shalt  }
0x57: {  	_ =	shalt  }
0x58: {  	_ =	shalt  }
0x59: {  	_ =	shalt  }
0x5a: {  	_ =	shalt  }
0x5b: {  	_ =	shalt  }
0x5c: {  	_ =	shalt  }
0x5d: {  	_ =	shalt  }
0x5e: {  	_ =	shalt  }
0x5f: {  	_ =	shalt  }
0x60: {  	_ =	shalt  }
0x61: {  	_ =	shalt  }
0x62: {  	_ =	shalt  }
0x63: {  	_ =	shalt  }
0x64: {  	_ =	shalt  }
0x65: {  	_ =	shalt  }
0x66: {  	_ =	shalt  }
0x67: {  	_ =	shalt  }
0x68: {  	_ =	shalt  }
0x69: {  	_ =	shalt  }
0x6a: {  	_ =	shalt  }
0x6b: {  	_ =	shalt  }
0x6c: {  	_ =	shalt  }
0x6d: {  	_ =	shalt  }
0x6e: {  	_ =	shalt  }
0x6f: {  	_ =	shalt  }
0x70: {  	_ =	shalt  }
0x71: {  	_ =	shalt  }
0x72: {  	_ =	shalt  }
0x73: {  	_ =	shalt  }
0x74: {  	_ =	shalt  }
0x75: {  	_ =	shalt  }
0x76: {  	_ =	shalt  }
0x77: {  	_ =	shalt  }
0x78: {  	_ =	shalt  }
0x79: {  	_ =	shalt  }
0x7a: {  	_ =	shalt  }
0x7b: {  	_ =	shalt  }
0x7c: {  	_ =	shalt  }
0x7d: {  	_ =	shalt  }
0x7e: {  	_ =	shalt  }
0x7f: {  	_ =	shalt  }
0x80: {  	_ =	shalt  }
0x81: {  	_ =	shalt  }
0x82: {  	_ =	shalt  }
0x83: {  	_ =	shalt  }
0x84: {  	_ =	shalt  }
0x85: {  	_ =	shalt  }
0x86: {  	_ =	shalt  }
0x87: {  	_ =	shalt  }
.Lfunc_end0:
.L_simem_size_0:
called_computation.3_lowered:
.L_overlay_start_0:
0x88: {  	s2 =	sld [smem:$0x3FD9]  }
0x89: {  	s3 =	sld [smem:$0x3FFE];
	_ =	sdelay $0x1  }
0x8a: {  	s1 =	srdreg.scid  }
0x8b: {  	s0 =	sand.u32 $0x1, s1  }
0x8c: {  	s17 =	sshll.u32 s0, $0xA;
	s2 =	sadd.s32 s3, s2  }
0x8d: {  	s2 =	sadd.s32 s2, s17  }
0x8e: {  	[smem:$0x3FBA] =	sst s2  }
0x8f: {  	_ = 	snop  }
0x90: {  	s2 =	sld [smem:$0x3FD0];
	(tm) =	ssettm $0x1  }
0x91: {  	s18 =	sld [smem:$0x3FFB];
	_ =	sdelay $0x3  }
0x92: {  	_ =	strace s18  }
0x93: {  	s3 =	sld [smem:$0x3FFC];
	_ =	sdelay $0x3  }
0x94: {  	_ =	strace s3  }
0x95: {  	s3 =	sld [smem:$0x3FFD];
	_ =	sdelay $0x3  }
0x96: {  	_ =	strace s3  }
0x97: {  	_ =	strace $0x8FFFFFFF  }
0x98: {  	s19 =	sld [smem:$0x3FDB];
	_ =	sdelay $0x1  }
0x99: {  	s4 =	simm.s32 $_scs_section_size  }
0x9a: {  	s5 =	simm.s32 $_size__tile_overlayer_lowered;
	s6 =	simm.s32 $_tile_overlayer_lowered  }
0x9b: {  	s22 =	simm.s32 $0x1BFF;
	s21 =	sshll.u32 s6, $0x1;
	s3 =	sadd.s32 s4, s19  }
0x9c: {  	s7 =	simm.s32 $0x0;
	s20 =	sshll.u32 s5, $0x1;
	s5 =	sadd.s32 s21, s3  }
0x9d: {  	[timem:s7], [sflag:s22] =	dma.local [hbm:s5], s20  }
0x9e: {  	_ =	swait.ge [sflag:s22], s20  }
0x9f: {  	s4 =	ssub.s32 $0x0, s20;
	[sflag:s22] =	ssyncset.done $0x0  }
0xa0: {  	[sflag:s22] =	ssyncadd.s32 s4;
	_ =	sdelay $0x1  }
0xa1: {  	s23 =	simm.s32 $0x1B8B  }
0xa2: {  	_ =	swait.ge [sflag:s23], $0x1  }
0xa3: {  	[sflag:s23] =	ssyncset.done $0x0  }
0xa4: {  	s25 =	simm.s32 $0x1B8E;
	s24 =	sld [smem:$0x3FFE];
	[sflag:s23] =	ssyncadd.s32 $0xFFFFFFFF  }
0xa5: {  	s26 =	simm.s32 $execute0_lowered;
	[smem:$0x3FD2] =	sst s25  }
0xa6: {  	s5 =	sshll.u32 s26, $0x1;
	_ =	strace $0x8000004F;
	[dreg:$0x1] =	wrdreg $0xFFFFFFFF  }
0xa7: {  	s28 =	simm.s32 $_size_execute0_lowered;
	s3 =	sadd.s32 s3, s5;
	[dreg:$0x0] =	wrdreg $0x0  }
0xa8: {  	s5 =	sshll.u32 s28, $0x1;
	[dreg:$0x2] =	wrdreg s3  }
0xa9: {  	[dreg:$0x3] =	wrdreg s5  }
0xaa: {  	[dreg:$0x4] =	wrdreg $0xC0  }
0xab: {  	_ =	task [dreg:s7], $0x5FFFF  }
0xac: {  	[dreg:$0x1] =	wrdreg $0xFFFFFFFF  }
0xad: {  	[dreg:$0x0] =	wrdreg $0x60  }
0xae: {  	[dreg:$0x2] =	wrdreg s2  }
0xaf: {  	[dreg:$0x3] =	wrdreg s24  }
0xb0: {  	[dreg:$0x4] =	wrdreg $0xBF800  }
0xb1: {  	[dreg:$0x5] =	wrdreg $0x9  }
0xb2: {  	_ =	task.clear_ibuf [dreg:s7], $0x6FFFF;
	_ =	strace $0x9000004F  }
0xb3: {  	s29 =	simm.s32 $0x9;
	_ =	strace $0x80000051  }
0xb4: {  	_ =	swait.ge [sflag:s29], $0x1  }
0xb5: {  	[sflag:s29] =	ssyncadd.s32 $0xFFFFFFFF  }
0xb6: {  	_ =	strace $0x90000051  }
0xb7: {  	_ =	sfence  }
0xb8: {  	s30 =	sld [smem:$0x0];
	_ =	sdelay $0x2  }
0xb9: {  	s31 =	sshll.u32 s1, $0xD;
	s1 =	sshrl.u32 s1, $0x2  }
0xba: {  	s3 =	sand.u32 $0x4000, s31;
	s1 =	sadd.s32 s1, s30  }
0xbb: {  	s0 =	sor.u32 s3, s0;
	s1 =	sshll.u32 s1, $0x11  }
0xbc: {  	s0 =	sor.u32 s1, s0  }
0xbd: {  	s0 =	sadd.s32 $0x8F2B, s0  }
0xbe: {  	[sflag:s0] =	ssyncadd.remote.s32 $0x1  }
0xbf: {  	_ =	sfence.sel $0xFFFF  }
0xc0: {  	[dreg:$0x0] =	wrdreg $0xFFFFFFFF;
	(pc) =	sbr.abs _section_cstart, $3  }
0xc1: {  	[dreg:$0x1] =	wrdreg $0xFFFFFFFF  }
0xc2: {  	_ =	task.clear_ibuf [dreg:s7], $0x2FFFF;
	_ =	strace $0x9FFFFFFF  }
0xc3: {  	(tm) =	ssettm $0x7FFFFFFF  }
tec
execute0_lowered:
.L_overlay_start_1:
0x0: {  	(tag) =	ssettag $0x1  }
0x1: {  	s1 =	rddreg [dreg:$0x0]  }
0x2: {  	s0 =	srdreg.scid;
	s5 =	rddreg [dreg:$0x1]  }
0x3: {  	s10 =	stileid.u32;
	s3 =	rddreg [dreg:$0x2];
	s16 =	simm.s32 $0x2780  }
0x4: {  	s17 =	simm.s32 $0x1;
	s18 =	simm.s32 $0x50;
	s19 =	simm.s32 $0x4780  }
0x5: {  	s20 =	simm.s32 $0x6F80;
	s28 =	simm.s32 $0x5;
	s29 =	simm.s32 $0x6  }
0x6: {  	s30 =	simm.s32 $0x8;
	s0 =	sand.u32 $0x1, s0;
	s22 =	smul.u32 $0x2700, s10  }
0x7: {  	s2 =	sshll.u32 s10, $0x1;
	s4 =	sshrl.u32 s10, $0x2;
	s24 =	smul.u32 $0x4E000, s10  }
0x8: {  	s31 =	simm.s32 $0x0;
	s2 =	sor.u32 s0, s2;
	s6 =	smul.u32 $0x13C00, s4  }
0x9: {  	s4 =	simm.s32 $0x0;
	s8 =	smul.u32 $0x27100, s0;
	s0 =	ssub.s32 $0x2, s0  }
0xa: {  	s21 =	sshll.u32 s2, $0x7;
	[smem:$0x7FF] =	sst s4;
	s2 =	sshll.u32 s2, $0xB  }
0xb: {  	s25 =	sshrl.u32 s0, $0x1;
	s26 =	sshrl.u32 s24, $0x2;
	s24 =	simm.s32 $0x2  }
0xc: {  	s7 =	sand.u32 $0x380, s21;
	_ =	strace $0x80000050;
	s23 =	sadd.s32 s22, s8  }
0xd: {  	s2 =	sadd.s32 s2, s5;
	s0 =	ssub.s32 s0, s25;
	s13 =	sadd.s32 s26, s3  }
0xe: {  	s25 =	simm.s32 $0x3;
	s26 =	simm.s32 $0x4;
	s21 =	simm.s32 $0x4580  }
0xf: {  	s6 =	sor.u32 s6, s7;
	s11 =	sadd.s32 s23, s5;
	s12 =	smax.u32 s0, $0x1  }
0x10: {  	s13 =	sshrl.u32 s13, $0x3;
	s23 =	simm.s32 $0x7;
	s6 =	sshrl.u32 s6, $0x3  }
0x11: {  	s11 =	sadd.s32 $0x1E600, s11;
	s9 =	sadd.s32 s6, s5;
	s5 =	sshll.u32 s10, $0x6  }
0x12: {  	s6 =	sadd.s32 s1, s22;
	s10 =	sadd.s32 $0xEA00, s2;
	s22 =	simm.s32 $0x9780  }
0x13: {  	s7 =	sor.u32 $0x1C07, s5;
	s8 =	sadd.s32 $0x4800, s9;
	s9 =	sadd.s32 $0xE600, s2  }
.LBB2_1:
0x14: {  	[spmem:s13], [sflag:s7] =	dma.local [hbm:s6], $0x2800  }
0x15: {  	s0 =	simm.s32 $0x80;
	s2 =	simm.s32 $0x400  }
0x16: {  	[tilespmem:s4], [sflag:$0x1] =	stream.strided.gather [hbm4b:s8+s0], $0x2780, s2, s0, $0x38;
	[tilespmem:$0x1F800] =	vst v63  }
0x17: {  	_ = 	snop  }
0x18: {  	[tilespmem:s16], [sflag:$0x7] =	stream.linear.gather [hbm4b:s9+s4], $0x2000, $0x38;
	[tilespmem:$0x1F800] =	vst v63  }
0x19: {  	_ =	swait.ge [sflag:s17], $0x2780  }
0x1a: {  	[sflag:s17] =	ssyncset.done $0x0  }
0x1b: {  	[sflag:s17] =	ssyncadd.s32 $0xFFFFD880  }
0x1c: {  	[tilespmem:s19], [sflag:$0x1] =	stream.indirect.gather [hbm4b:s1+s18], $0x80, s4, s18, $0xb8;
	[tilespmem:$0x1F800] =	vst v63  }
0x1d: {  	_ = 	snop  }
0x1e: {  	[tilespmem:s20], [sflag:$0x2] =	stream.indirect.gather [hbm4b:s1+s18], $0x80, s18, s18, $0xb8;
	[tilespmem:$0x1F800] =	vst v63  }
0x1f: {  	s2 =	simm.s32 $0xA0  }
0x20: {  	[tilespmem:s22], [sflag:$0x3] =	stream.indirect.gather [hbm4b:s1+s18], $0x80, s2, s18, $0xb8;
	[tilespmem:$0x1F800] =	vst v63  }
0x21: {  	_ =	swait.ge [sflag:s23], $0x2000  }
0x22: {  	[sflag:s23] =	ssyncset.done $0x0  }
0x23: {  	[sflag:s23] =	ssyncadd.s32 $0xFFFFE000  }
0x24: {  	_ =	swait.ge [sflag:s23], $0x2800  }
0x25: {  	[sflag:s23] =	ssyncset.done $0x0  }
0x26: {  	[sflag:s23] =	ssyncadd.s32 $0xFFFFD800  }
0x27: {  	[bflag:$0x0] =	sbarrier.arrive $0xFFFF  }
0x28: {  	_ =	swait.ge [sflag:s17], $0x2800  }
0x29: {  	[sflag:s17] =	ssyncset.done $0x0  }
0x2a: {  	s14 =	simm.s32 $0x2780;
	[sflag:s17] =	ssyncadd.s32 $0xFFFFD800  }
0x2b: {  	[spmem:s3] =	stream.indirect.scatter.add.f32 [tilespmem:s19], [sflag:$0x4], $0x80, s14, s18, $0xb8;
	[tilespmem:$0x1F800] =	vst v63  }
0x2c: {  	_ =	swait.ge [sflag:s24], $0x2800  }
0x2d: {  	[sflag:s24] =	ssyncset.done $0x0  }
0x2e: {  	s15 =	simm.s32 $0x2800;
	[sflag:s24] =	ssyncadd.s32 $0xFFFFD800  }
0x2f: {  	[spmem:s3] =	stream.indirect.scatter.add.f32 [tilespmem:s20], [sflag:$0x5], $0x80, s15, s18, $0xb8;
	[tilespmem:$0x1F800] =	vst v63  }
0x30: {  	_ =	swait.ge [sflag:s25], $0x2800  }
0x31: {  	[sflag:s25] =	ssyncset.done $0x0  }
0x32: {  	s2 =	simm.s32 $0x2880;
	[sflag:s25] =	ssyncadd.s32 $0xFFFFD800  }
0x33: {  	[spmem:s3] =	stream.indirect.scatter.add.f32 [tilespmem:s22], [sflag:$0x6], $0x80, s2, s18, $0xb8;
	[tilespmem:$0x1F800] =	vst v63  }
0x34: {  	_ =	swait.ge [sflag:s26], $0x2800  }
0x35: {  	[sflag:s26] =	ssyncset.done $0x0  }
0x36: {  	s14 =	simm.s32 $0xF0;
	[sflag:s26] =	ssyncadd.s32 $0xFFFFD800  }
0x37: {  	[tilespmem:s19], [sflag:$0x1] =	stream.indirect.gather [hbm4b:s1+s18], $0x80, s14, s18, $0xb8;
	[tilespmem:$0x1F800] =	vst v63  }
0x38: {  	_ =	swait.ge [sflag:s28], $0x2800  }
0x39: {  	[sflag:s28] =	ssyncset.done $0x0  }
0x3a: {  	s15 =	simm.s32 $0x140;
	[sflag:s28] =	ssyncadd.s32 $0xFFFFD800  }
0x3b: {  	[tilespmem:s20], [sflag:$0x2] =	stream.indirect.gather [hbm4b:s1+s18], $0x80, s15, s18, $0xb8;
	[tilespmem:$0x1F800] =	vst v63  }
0x3c: {  	_ =	swait.ge [sflag:s29], $0x2800  }
0x3d: {  	s0 =	simm.s32 $0x2A00;
	[sflag:s29] =	ssyncset.done $0x0  }
0x3e: {  	s2 =	simm.s32 $0x3C0;
	s14 =	simm.s32 $0x190;
	[sflag:s29] =	ssyncadd.s32 $0xFFFFD800  }
.LBB2_2:
0x3f: {  	[tilespmem:s22], [sflag:$0x3] =	stream.indirect.gather [hbm4b:s1+s18], $0x80, s14, s18, $0xb8;
	[tilespmem:$0x1F800] =	vst v63  }
0x40: {  	s14 =	smov.u32 s2  }
0x41: {  	p0 =	sne.s32 s2, $0x4B00;
	s2 =	sadd.s32 $0x3C0, s2;
	_ =	swait.ge [sflag:s17], $0x2800  }
0x42: {  	[sflag:s17] =	ssyncset.done $0x0  }
0x43: {  	s15 =	sadd.s32 $0xFFFFFF00, s0;
	[sflag:s17] =	ssyncadd.s32 $0xFFFFD800  }
0x44: {  	[spmem:s3] =	stream.indirect.scatter.add.f32 [tilespmem:s19], [sflag:$0x4], $0x80, s15, s18, $0xb8;
	[tilespmem:$0x1F800] =	vst v63  }
0x45: {  	_ =	swait.ge [sflag:s24], $0x2800  }
0x46: {  	[sflag:s24] =	ssyncset.done $0x0  }
0x47: {  	s15 =	sadd.s32 $0xFFFFFF80, s0;
	[sflag:s24] =	ssyncadd.s32 $0xFFFFD800  }
0x48: {  	[spmem:s3] =	stream.indirect.scatter.add.f32 [tilespmem:s20], [sflag:$0x5], $0x80, s15, s18, $0xb8;
	[tilespmem:$0x1F800] =	vst v63  }
0x49: {  	_ =	swait.ge [sflag:s25], $0x2800  }
0x4a: {  	[sflag:s25] =	ssyncset.done $0x0  }
0x4b: {  	[sflag:s25] =	ssyncadd.s32 $0xFFFFD800  }
0x4c: {  	[spmem:s3] =	stream.indirect.scatter.add.f32 [tilespmem:s22], [sflag:$0x6], $0x80, s0, s18, $0xb8;
	[tilespmem:$0x1F800] =	vst v63  }
0x4d: {  	_ =	swait.ge [sflag:s26], $0x2800  }
0x4e: {  	s14 =	sshra.s32 s14, $0x2;
	[sflag:s26] =	ssyncset.done $0x0  }
0x4f: {  	s15 =	sadd.s32 $0xF0, s14;
	[sflag:s26] =	ssyncadd.s32 $0xFFFFD800  }
0x50: {  	[tilespmem:s19], [sflag:$0x1] =	stream.indirect.gather [hbm4b:s1+s18], $0x80, s15, s18, $0xb8;
	[tilespmem:$0x1F800] =	vst v63  }
0x51: {  	_ =	swait.ge [sflag:s28], $0x2800  }
0x52: {  	[sflag:s28] =	ssyncset.done $0x0  }
.Ltmp0:
0x53: {  	s15 =	sadd.s32 $0x140, s14;
	[sflag:s28] =	ssyncadd.s32 $0xFFFFD800;
	(pc) =	sbr.rel @p0 .LBB2_2-.Ltmp0, $4  }
0x54: {  	[tilespmem:s20], [sflag:$0x2] =	stream.indirect.gather [hbm4b:s1+s18], $0x80, s15, s18, $0xb8;
	[tilespmem:$0x1F800] =	vst v63  }
0x55: {  	_ =	swait.ge [sflag:s29], $0x2800  }
0x56: {  	[sflag:s29] =	ssyncset.done $0x0  }
0x57: {  	s0 =	sadd.s32 $0x180, s0;
	s14 =	sadd.s32 $0x190, s14;
	[sflag:s29] =	ssyncadd.s32 $0xFFFFD800  }
0x58: {  	[tilespmem:s22], [sflag:$0x3] =	stream.indirect.gather [hbm4b:s1+s18], $0x80, s14, s18, $0xb8;
	[tilespmem:$0x1F800] =	vst v63  }
0x59: {  	_ =	swait.ge [sflag:s17], $0x2800  }
0x5a: {  	[sflag:s17] =	ssyncset.done $0x0  }
0x5b: {  	s0 =	simm.s32 $0x4700;
	[sflag:s17] =	ssyncadd.s32 $0xFFFFD800  }
0x5c: {  	[spmem:s3] =	stream.indirect.scatter.add.f32 [tilespmem:s19], [sflag:$0x4], $0x80, s0, s18, $0xb8;
	[tilespmem:$0x1F800] =	vst v63  }
0x5d: {  	_ =	swait.ge [sflag:s26], $0x2800  }
0x5e: {  	[sflag:s26] =	ssyncset.done $0x0  }
0x5f: {  	s15 =	simm.s32 $0x0;
	[sflag:s26] =	ssyncadd.s32 $0xFFFFD800  }
0x60: {  	[tilespmem:s16], [sflag:$0x7] =	stream.linear.gather [hbm4b:s10+s15], $0x2000, $0x38;
	[tilespmem:$0x1F800] =	vst v63  }
0x61: {  	s2 =	simm.s32 $0x14A0  }
0x62: {  	[tilespmem:s19], [sflag:$0x1] =	stream.indirect.gather [hbm4b:s1+s18], $0x80, s2, s18, $0xb8;
	[tilespmem:$0x1F800] =	vst v63  }
0x63: {  	_ =	swait.ge [sflag:s23], $0x2000  }
0x64: {  	[sflag:s23] =	ssyncset.done $0x0  }
0x65: {  	[sflag:s23] =	ssyncadd.s32 $0xFFFFE000  }
0x66: {  	_ =	swait.ge [sflag:s24], $0x2800  }
0x67: {  	[sflag:s24] =	ssyncset.done $0x0  }
0x68: {  	s14 =	simm.s32 $0x2780;
	[sflag:s24] =	ssyncadd.s32 $0xFFFFD800  }
0x69: {  	[spmem:s3] =	stream.indirect.scatter.add.f32 [tilespmem:s20], [sflag:$0x5], $0x80, s14, s18, $0xb8;
	[tilespmem:$0x1F800] =	vst v63  }
0x6a: {  	_ =	swait.ge [sflag:s25], $0x2800  }
0x6b: {  	[sflag:s25] =	ssyncset.done $0x0  }
0x6c: {  	s15 =	simm.s32 $0x2800;
	[sflag:s25] =	ssyncadd.s32 $0xFFFFD800  }
0x6d: {  	[spmem:s3] =	stream.indirect.scatter.add.f32 [tilespmem:s22], [sflag:$0x6], $0x80, s15, s18, $0xb8;
	[tilespmem:$0x1F800] =	vst v63  }
0x6e: {  	_ =	swait.ge [sflag:s17], $0x2800  }
0x6f: {  	[sflag:s17] =	ssyncset.done $0x0  }
0x70: {  	s2 =	simm.s32 $0x2880;
	[sflag:s17] =	ssyncadd.s32 $0xFFFFD800  }
0x71: {  	[spmem:s3] =	stream.indirect.scatter.add.f32 [tilespmem:s19], [sflag:$0x4], $0x80, s2, s18, $0xb8;
	[tilespmem:$0x1F800] =	vst v63  }
0x72: {  	_ =	swait.ge [sflag:s28], $0x2800  }
0x73: {  	[sflag:s28] =	ssyncset.done $0x0  }
0x74: {  	s14 =	simm.s32 $0x14F0;
	[sflag:s28] =	ssyncadd.s32 $0xFFFFD800  }
0x75: {  	[tilespmem:s20], [sflag:$0x2] =	stream.indirect.gather [hbm4b:s1+s18], $0x80, s14, s18, $0xb8;
	[tilespmem:$0x1F800] =	vst v63  }
0x76: {  	_ =	swait.ge [sflag:s29], $0x2800  }
0x77: {  	[sflag:s29] =	ssyncset.done $0x0  }
0x78: {  	s15 =	simm.s32 $0x1540;
	[sflag:s29] =	ssyncadd.s32 $0xFFFFD800  }
0x79: {  	[tilespmem:s22], [sflag:$0x3] =	stream.indirect.gather [hbm4b:s1+s18], $0x80, s15, s18, $0xb8;
	[tilespmem:$0x1F800] =	vst v63  }
0x7a: {  	_ =	swait.ge [sflag:s26], $0x2800  }
0x7b: {  	s0 =	simm.s32 $0x2A00;
	[sflag:s26] =	ssyncset.done $0x0  }
0x7c: {  	s2 =	simm.s32 $0x3C0;
	s14 =	simm.s32 $0x1590;
	[sflag:s26] =	ssyncadd.s32 $0xFFFFD800  }
.LBB2_4:
0x7d: {  	[tilespmem:s19], [sflag:$0x1] =	stream.indirect.gather [hbm4b:s1+s18], $0x80, s14, s18, $0xb8;
	[tilespmem:$0x1F800] =	vst v63  }
0x7e: {  	s14 =	smov.u32 s2  }
0x7f: {  	p0 =	sne.s32 s2, $0x4380;
	s2 =	sadd.s32 $0x3C0, s2;
	_ =	swait.ge [sflag:s24], $0x2800  }
0x80: {  	[sflag:s24] =	ssyncset.done $0x0  }
0x81: {  	s15 =	sadd.s32 $0xFFFFFF00, s0;
	[sflag:s24] =	ssyncadd.s32 $0xFFFFD800  }
0x82: {  	[spmem:s3] =	stream.indirect.scatter.add.f32 [tilespmem:s20], [sflag:$0x5], $0x80, s15, s18, $0xb8;
	[tilespmem:$0x1F800] =	vst v63  }
0x83: {  	_ =	swait.ge [sflag:s25], $0x2800  }
0x84: {  	[sflag:s25] =	ssyncset.done $0x0  }
0x85: {  	s15 =	sadd.s32 $0xFFFFFF80, s0;
	[sflag:s25] =	ssyncadd.s32 $0xFFFFD800  }
0x86: {  	[spmem:s3] =	stream.indirect.scatter.add.f32 [tilespmem:s22], [sflag:$0x6], $0x80, s15, s18, $0xb8;
	[tilespmem:$0x1F800] =	vst v63  }
0x87: {  	_ =	swait.ge [sflag:s17], $0x2800  }
0x88: {  	[sflag:s17] =	ssyncset.done $0x0  }
0x89: {  	[sflag:s17] =	ssyncadd.s32 $0xFFFFD800  }
0x8a: {  	[spmem:s3] =	stream.indirect.scatter.add.f32 [tilespmem:s19], [sflag:$0x4], $0x80, s0, s18, $0xb8;
	[tilespmem:$0x1F800] =	vst v63  }
0x8b: {  	_ =	swait.ge [sflag:s28], $0x2800  }
0x8c: {  	s14 =	sshra.s32 s14, $0x2;
	[sflag:s28] =	ssyncset.done $0x0  }
0x8d: {  	s15 =	sadd.s32 $0x14F0, s14;
	[sflag:s28] =	ssyncadd.s32 $0xFFFFD800  }
0x8e: {  	[tilespmem:s20], [sflag:$0x2] =	stream.indirect.gather [hbm4b:s1+s18], $0x80, s15, s18, $0xb8;
	[tilespmem:$0x1F800] =	vst v63  }
0x8f: {  	_ =	swait.ge [sflag:s29], $0x2800  }
0x90: {  	[sflag:s29] =	ssyncset.done $0x0  }
.Ltmp1:
0x91: {  	s15 =	sadd.s32 $0x1540, s14;
	[sflag:s29] =	ssyncadd.s32 $0xFFFFD800;
	(pc) =	sbr.rel @p0 .LBB2_4-.Ltmp1, $4  }
0x92: {  	[tilespmem:s22], [sflag:$0x3] =	stream.indirect.gather [hbm4b:s1+s18], $0x80, s15, s18, $0xb8;
	[tilespmem:$0x1F800] =	vst v63  }
0x93: {  	_ =	swait.ge [sflag:s26], $0x2800  }
0x94: {  	[sflag:s26] =	ssyncset.done $0x0  }
0x95: {  	s0 =	sadd.s32 $0x180, s0;
	s14 =	sadd.s32 $0x1590, s14;
	[sflag:s26] =	ssyncadd.s32 $0xFFFFD800  }
0x96: {  	[tilespmem:s19], [sflag:$0x1] =	stream.indirect.gather [hbm4b:s1+s18], $0x80, s14, s18, $0xb8;
	[tilespmem:$0x1F800] =	vst v63  }
0x97: {  	_ =	swait.ge [sflag:s24], $0x2800  }
0x98: {  	[sflag:s24] =	ssyncset.done $0x0  }
0x99: {  	s0 =	simm.s32 $0x4400;
	[sflag:s24] =	ssyncadd.s32 $0xFFFFD800  }
0x9a: {  	[spmem:s3] =	stream.indirect.scatter.add.f32 [tilespmem:s20], [sflag:$0x5], $0x80, s0, s18, $0xb8;
	[tilespmem:$0x1F800] =	vst v63  }
0x9b: {  	_ =	swait.ge [sflag:s25], $0x2800  }
0x9c: {  	[sflag:s25] =	ssyncset.done $0x0  }
0x9d: {  	s15 =	simm.s32 $0x4480;
	[sflag:s25] =	ssyncadd.s32 $0xFFFFD800  }
0x9e: {  	[spmem:s3] =	stream.indirect.scatter.add.f32 [tilespmem:s22], [sflag:$0x6], $0x80, s15, s18, $0xb8;
	[tilespmem:$0x1F800] =	vst v63  }
0x9f: {  	_ =	swait.ge [sflag:s17], $0x2800  }
0xa0: {  	[sflag:s17] =	ssyncset.done $0x0  }
0xa1: {  	s2 =	simm.s32 $0x4500;
	[sflag:s17] =	ssyncadd.s32 $0xFFFFD800  }
0xa2: {  	[spmem:s3] =	stream.indirect.scatter.add.f32 [tilespmem:s19], [sflag:$0x4], $0x80, s2, s18, $0xb8;
	[tilespmem:$0x1F800] =	vst v63  }
0xa3: {  	_ =	swait.ge [sflag:s28], $0x2800  }
0xa4: {  	[sflag:s28] =	ssyncset.done $0x0  }
0xa5: {  	s14 =	simm.s32 $0x26C0;
	[sflag:s28] =	ssyncadd.s32 $0xFFFFD800  }
0xa6: {  	[tilespmem:s20], [sflag:$0x2] =	stream.indirect.gather [hbm4b:s1+s18], $0x80, s14, s18, $0xb8;
	[tilespmem:$0x1F800] =	vst v63  }
0xa7: {  	_ =	swait.ge [sflag:s29], $0x2800  }
0xa8: {  	[sflag:s29] =	ssyncset.done $0x0  }
0xa9: {  	[sflag:s29] =	ssyncadd.s32 $0xFFFFD800  }
0xaa: {  	_ =	swait.ge [sflag:s26], $0x2800  }
0xab: {  	[sflag:s26] =	ssyncset.done $0x0  }
0xac: {  	[sflag:s26] =	ssyncadd.s32 $0xFFFFD800  }
0xad: {  	_ =	swait.ge [sflag:s24], $0x2800  }
0xae: {  	[sflag:s24] =	ssyncset.done $0x0  }
0xaf: {  	[sflag:s24] =	ssyncadd.s32 $0xFFFFD800  }
0xb0: {  	[spmem:s3] =	stream.indirect.scatter.add.f32 [tilespmem:s20], [sflag:$0x5], $0x80, s21, s18, $0xb8;
	[tilespmem:$0x1F800] =	vst v63  }
0xb1: {  	_ =	swait.ge [sflag:s28], $0x2800  }
0xb2: {  	s31 =	sadd.s32 $0x1, s31;
	[sflag:s28] =	ssyncset.done $0x0  }
0xb3: {  	p0 =	sne.s32 s31, s12;
	[sflag:s28] =	ssyncadd.s32 $0xFFFFD800  }
.Ltmp2:
0xb4: {  	s15 =	sor.u32 $0x1C08, s5;
	[bflag:$0x0] =	sbarrier.arrive $0xFFFF;
	(pc) =	sbr.rel @p0 .LBB2_1-.Ltmp2, $4  }
0xb5: {  	[hbm:s11], [sflag:s15] =	dma.local [spmem:s13], $0x2800  }
0xb6: {  	_ =	swait.ge [sflag:s30], $0x2800  }
0xb7: {  	[sflag:s30] =	ssyncset.done $0x0  }
0xb8: {  	[sflag:s30] =	ssyncadd.s32 $0xFFFFD800  }
0xb9: {  	_ =	sfence.sel $0x180000  }
0xba: {  	[bflag:$0x0] =	sbarrier.arrive $0xFFFF  }
0xbb: {  	_ =	strace $0x90000050  }
0xbc: {  	s0 =	stileid.u32;
	[bflag:$0x2] =	sbarrier.arrive $0xFFFF  }
0xbd: {  	p0 =	sne.s32 s0, $0x0;
	s0 =	rddreg [dreg:$0x3]  }
0xbe: {  	s0 =	sadd.s32 @!p0 $0x100000, s0  }
0xbf: {  	[sflag:s0] =	ssyncadd.tile.s32 @!p0 $0x1;
	_ =	shalt  }
.Lfunc_end2:
_tile_overlayer_lowered:
.L_overlay_start_2:
0xc0: {  	(tag) =	ssettag $0x2  }
0xc1: {  	s0 =	rddreg [dreg:$0x0];
	s2 =	stileid.u32  }
0xc2: {  	s1 =	rddreg [dreg:$0x1];
	p0 =	sne.s32 s2, $0x0  }
0xc3: {  	s3 =	rddreg [dreg:$0x2];
	[bflag:$0x3] =	sbarrier.arrive $0xFFFF;
	s2 =	simm.s32 @!p0 $0x1C08  }
0xc4: {  	[timem:s3], [sflag:s2] =	dma.local @!p0 [hbm:s0], s1  }
0xc5: {  	s0 =	simm.s32 @!p0 $0x8  }
0xc6: {  	_ =	swait.ge @!p0 [sflag:s0], s1  }
0xc7: {  	s1 =	ssub.s32 @!p0 $0x0, s1;
	[sflag:s0] =	ssyncset.done @!p0 $0x0  }
0xc8: {  	[sflag:s0] =	ssyncadd.s32 @!p0 s1  }
0xc9: {  	[bflag:$0x3] =	sbarrier.arrive $0xFFFF  }
0xca: {  	_ =	shalt  }

</sc_bundles>
